<compile_context>
chip_gen: v7x
topology: tpu7x:2x2x1
jax: 0.10.2.dev20260603
libtpu: 0.0.44.dev20260713+nightly
codegen_flags: <defaults>
</compile_context>

<pallas_src>
import jax
import jax.numpy as jnp
from jax import lax
from jax.experimental import pallas as pl
from jax.experimental.pallas import tpu as pltpu
from jax.experimental.pallas import tpu_sc as plsc

_N = 10000
_NPAD = 10240
_E = 320000
_P = 320000
_HID = 64
_TW = 128
_NC = 2
_NS = 16
_NW = _NC * _NS
_WIN = 128
_EPAD = 327680
_NROWS = _EPAD // _WIN
_ROWS_PW = _NROWS // _NW
_NSTAGE = 16


def _mesh():
    return plsc.VectorSubcoreMesh(core_axis_name="c", subcore_axis_name="s")


def _seg_body(table, src2d, dst2d, zfeat, agg_out,
              srcstage, dststage, rows, accum, sem):
    c = lax.axis_index("c")
    s = lax.axis_index("s")
    wid = s * _NC + c

    rpt = _NPAD // _NS
    pltpu.sync_copy(zfeat.at[pl.ds(s * rpt, rpt)], accum.at[pl.ds(s * rpt, rpt)])
    plsc.subcore_barrier()

    row0 = wid * _ROWS_PW

    def _window(w, _):
        r = row0 + w * _NSTAGE
        pltpu.sync_copy(src2d.at[pl.ds(r, _NSTAGE)], srcstage)
        pltpu.sync_copy(dst2d.at[pl.ds(r, _NSTAGE)], dststage)

        def _sub(k, _):
            pltpu.async_copy(table.at[srcstage.at[k]], rows, sem).wait()
            pltpu.sync_copy(rows, accum.at[dststage.at[k]], add=True)
            return 0
        lax.fori_loop(0, _NSTAGE, _sub, 0)
        return 0
    lax.fori_loop(0, _ROWS_PW // _NSTAGE, _window, 0)

    plsc.subcore_barrier()
    pltpu.sync_copy(accum.at[pl.ds(s * rpt, rpt)],
                    agg_out.at[c, pl.ds(s * rpt, rpt)])


def _make_seg_kernel():
    out_type = jax.ShapeDtypeStruct((_NC, _NPAD, _TW), jnp.float32)
    scratch = [
        pltpu.VMEM((_NSTAGE, _WIN), jnp.int32),
        pltpu.VMEM((_NSTAGE, _WIN), jnp.int32),
        pltpu.VMEM((_WIN, _TW), jnp.float32),
        pltpu.VMEM_SHARED((_NPAD, _TW), jnp.float32),
        pltpu.SemaphoreType.DMA,
    ]
    return pl.kernel(_seg_body, out_type=out_type, mesh=_mesh(),
                     scratch_types=scratch)


def _pair_body(tuv, u2d, v2d, t2d, w3t_h, w4_h, b4_h, y2d,
               ustage, vstage, tstage, bufu, bufv, ywin,
               w3c, w4c, b4c, sem):
    c = lax.axis_index("c")
    s = lax.axis_index("s")
    wid = s * _NC + c

    pltpu.sync_copy(w3t_h, w3c)
    pltpu.sync_copy(w4_h, w4c)
    pltpu.sync_copy(b4_h, b4c)

    w3tk = [w3c[pl.ds(16 * k, 16)] for k in range(4)]
    w4k = [w4c[pl.ds(16 * k, 16)] for k in range(4)]
    b4v = b4c[...]
    iota = lax.iota(jnp.int32, 16)

    row0 = wid * _ROWS_PW

    def _window(w, _):
        r = row0 + w * _NSTAGE
        pltpu.sync_copy(u2d.at[pl.ds(r, _NSTAGE)], ustage)
        pltpu.sync_copy(v2d.at[pl.ds(r, _NSTAGE)], vstage)
        pltpu.sync_copy(t2d.at[pl.ds(r, _NSTAGE)], tstage)

        def _sub(k, _):
            pltpu.async_copy(tuv.at[ustage.at[k]], bufu, sem).wait()
            pltpu.async_copy(tuv.at[vstage.at[k]], bufv, sem).wait()

            def _group(g, _):
                ysel = jnp.zeros((16,), jnp.float32)
                tg = tstage[k, pl.ds(g * 16, 16)]
                for j in range(16):
                    p = g * 16 + j
                    tsp = jnp.take(tg, jnp.full((16,), j, jnp.int32))
                    acc = None
                    for q in range(4):
                        zq = (bufu[p, pl.ds(16 * q, 16)]
                              + bufv[p, pl.ds(_HID + 16 * q, 16)]
                              + tsp * w3tk[q])
                        rq = jnp.maximum(zq, 0.0) * w4k[q]
                        acc = rq if acc is None else acc + rq
                    for sh in (8, 4, 2, 1):
                        acc = acc + jnp.take(acc, (iota + sh) % 16)
                    ysel = jnp.where(iota == j, acc, ysel)
                ywin[k, pl.ds(g * 16, 16)] = ysel + b4v
                return 0
            lax.fori_loop(0, _WIN // 16, _group, 0)
            return 0
        lax.fori_loop(0, _NSTAGE, _sub, 0)
        pltpu.sync_copy(ywin, y2d.at[pl.ds(r, _NSTAGE)])
        return 0
    lax.fori_loop(0, _ROWS_PW // _NSTAGE, _window, 0)


def _make_pair_kernel():
    scratch = [
        pltpu.VMEM((_NSTAGE, _WIN), jnp.int32),
        pltpu.VMEM((_NSTAGE, _WIN), jnp.int32),
        pltpu.VMEM((_NSTAGE, _WIN), jnp.float32),
        pltpu.VMEM((_WIN, _TW), jnp.float32),
        pltpu.VMEM((_WIN, _TW), jnp.float32),
        pltpu.VMEM((_NSTAGE, _WIN), jnp.float32),
        pltpu.VMEM((_HID,), jnp.float32),
        pltpu.VMEM((_HID,), jnp.float32),
        pltpu.VMEM((16,), jnp.float32),
        pltpu.SemaphoreType.DMA,
    ]
    out_type = jax.ShapeDtypeStruct((_NROWS, _WIN), jnp.float32)
    return pl.kernel(_pair_body, out_type=out_type, mesh=_mesh(),
                     scratch_types=scratch)


def _tc1_body(x_ref, w_ref, t1_ref, xr_ref):
    out = jnp.dot(x_ref[...], w_ref[...], preferred_element_type=jnp.float32)
    n = x_ref.shape[0]
    t1_ref[...] = jnp.concatenate(
        [out[:, :_HID],
         jnp.ones((n, 1), jnp.float32),
         jnp.zeros((n, _HID - 1), jnp.float32)], axis=1)
    xr_ref[...] = out[:, _HID:]


def _tc2_body(aggp_ref, xr_ref, b_ref, w_ref, t2_ref, rdeg_ref):
    deg = aggp_ref[0][:_N, _HID:_HID + 1] + aggp_ref[1][:_N, _HID:_HID + 1]
    rdeg = 1.0 / jnp.maximum(deg, 1.0)
    agg = aggp_ref[0][:_N, :_HID] + aggp_ref[1][:_N, :_HID]
    h = jnp.maximum(agg * rdeg + b_ref[...] + xr_ref[...], 0.0)
    t2_ref[...] = jnp.dot(h, w_ref[...], preferred_element_type=jnp.float32)
    rdeg_ref[...] = rdeg


def _tc3_body(aggp_ref, rdeg_ref, t2_ref, b_ref, w_ref, bias3_ref, tuv_ref):
    agg = aggp_ref[0][:_N, :_HID] + aggp_ref[1][:_N, :_HID]
    h = jnp.maximum(agg * rdeg_ref[...] + b_ref[...] + t2_ref[...][:, _HID:],
                    0.0)
    tuv_ref[...] = (jnp.dot(h, w_ref[...], preferred_element_type=jnp.float32)
                    + bias3_ref[...])


def kernel(x, edge_index, uv_pairs, t_feat, W1_l, b1_l, W1_r, W2_l, b2_l,
           W2_r, W3, b3, W4, b4):
    f32 = jnp.float32
    npad = _EPAD - _E
    padi = jnp.arange(npad, dtype=jnp.int32)
    src2d = jnp.concatenate([edge_index[0], padi % _N]).reshape(_NROWS, _WIN)
    dst2d = jnp.concatenate(
        [edge_index[1], _N + padi % (_NPAD - _N)]).reshape(_NROWS, _WIN)
    u2d = jnp.concatenate([uv_pairs[:, 0], padi % _N]).reshape(_NROWS, _WIN)
    v2d = jnp.concatenate([uv_pairs[:, 1], padi % _N]).reshape(_NROWS, _WIN)
    t2d = jnp.concatenate([t_feat[:, 0], jnp.zeros((npad,), f32)]
                          ).reshape(_NROWS, _WIN)

    wcat1 = jnp.concatenate([W1_l.T, W1_r.T], axis=1)
    wcat2 = jnp.concatenate([W2_l.T, W2_r.T], axis=1)
    wcat3 = jnp.concatenate([W3[:, :_HID].T, W3[:, _HID:2 * _HID].T], axis=1)
    bias3 = jnp.concatenate([jnp.zeros((_HID,), f32), b3]).reshape(1, 2 * _HID)
    w3t = W3[:, 2 * _HID]
    w4 = W4[0]
    b4s = jnp.broadcast_to(b4, (16,))
    zfeat = jnp.zeros((_NPAD, _TW), f32)

    table1, xr = pl.pallas_call(
        _tc1_body,
        out_shape=[jax.ShapeDtypeStruct((_N, _TW), f32),
                   jax.ShapeDtypeStruct((_N, _HID), f32)],
    )(x, wcat1)

    seg = _make_seg_kernel()
    agg1p = seg(table1, src2d, dst2d, zfeat)

    table2, rdeg = pl.pallas_call(
        _tc2_body,
        out_shape=[jax.ShapeDtypeStruct((_N, _TW), f32),
                   jax.ShapeDtypeStruct((_N, 1), f32)],
    )(agg1p, xr, b1_l.reshape(1, _HID), wcat2)

    agg2p = seg(table2, src2d, dst2d, zfeat)

    tuv = pl.pallas_call(
        _tc3_body,
        out_shape=jax.ShapeDtypeStruct((_N, _TW), f32),
    )(agg2p, rdeg, table2, b2_l.reshape(1, _HID), wcat3, bias3)

    y2d = _make_pair_kernel()(tuv, u2d, v2d, t2d, w3t, w4, b4s)
    return y2d.reshape(_EPAD)[:_P]

# --- scband reference (transcript-rebuilt; emitter-appended) ---
"""Pipeline reference for scband-eta-gnn-64235530879430 (READ-ONLY COPY).

The authoritative reference and input builder live on the scoring server;
editing this copy changes nothing except your own understanding.
"""

import jax, jax.numpy as jnp
import numpy as np

N = 10000
E = 320000
P = 320000
IN_DIM = 128
HID = 64


def setup_inputs(seed: int = 0) -> dict:
    key = jax.random.key(seed)
    ks = jax.random.split(key, 16)
    inp = {}
    inp["x"] = jax.random.normal(ks[0], (N, IN_DIM), dtype=jnp.float32)
    inp["edge_index"] = jax.random.randint(ks[1], (2, E), 0, N, dtype=jnp.int32)
    inp["uv_pairs"] = jax.random.randint(ks[2], (P, 2), 0, N, dtype=jnp.int32)
    inp["t_feat"] = jax.random.normal(ks[3], (P, 1), dtype=jnp.float32)
    # SAGEConv 1: lin_l (applied to mean-aggregated neighbors, with bias), lin_r (root, no bias)
    inp["W1_l"] = jax.random.normal(ks[4], (HID, IN_DIM), dtype=jnp.float32) / np.sqrt(IN_DIM)
    inp["b1_l"] = jnp.zeros((HID,), dtype=jnp.float32)
    inp["W1_r"] = jax.random.normal(ks[5], (HID, IN_DIM), dtype=jnp.float32) / np.sqrt(IN_DIM)
    # SAGEConv 2
    inp["W2_l"] = jax.random.normal(ks[6], (HID, HID), dtype=jnp.float32) / np.sqrt(HID)
    inp["b2_l"] = jnp.zeros((HID,), dtype=jnp.float32)
    inp["W2_r"] = jax.random.normal(ks[7], (HID, HID), dtype=jnp.float32) / np.sqrt(HID)
    # edge MLP: Linear(2*HID+1 -> HID), ReLU, Linear(HID -> 1)
    inp["W3"] = jax.random.normal(ks[8], (HID, 2 * HID + 1), dtype=jnp.float32) / np.sqrt(2 * HID + 1)
    inp["b3"] = jnp.zeros((HID,), dtype=jnp.float32)
    inp["W4"] = jax.random.normal(ks[9], (1, HID), dtype=jnp.float32) / np.sqrt(HID)
    inp["b4"] = jnp.zeros((1,), dtype=jnp.float32)
    return inp


def _sage_conv(x, edge_index, W_l, b_l, W_r, n_nodes):
    src = edge_index[0]
    dst = edge_index[1]
    msgs = jnp.take(x, src, axis=0)
    agg = jax.ops.segment_sum(msgs, dst, num_segments=n_nodes)
    deg = jax.ops.segment_sum(jnp.ones((src.shape[0],), dtype=x.dtype), dst, num_segments=n_nodes)
    mean = agg / jnp.clip(deg, 1.0)[:, None]
    return mean @ W_l.T + b_l + x @ W_r.T


def reference(x, edge_index, uv_pairs, t_feat, W1_l, b1_l, W1_r, W2_l, b2_l, W2_r, W3, b3, W4, b4):
    h = jax.nn.relu(_sage_conv(x, edge_index, W1_l, b1_l, W1_r, N))
    h = jax.nn.relu(_sage_conv(h, edge_index, W2_l, b2_l, W2_r, N))
    u = uv_pairs[:, 0]
    v = uv_pairs[:, 1]
    z = jnp.concatenate([jnp.take(h, u, axis=0), jnp.take(h, v, axis=0), t_feat], axis=-1)
    hz = jax.nn.relu(z @ W3.T + b3)
    y_hat = (hz @ W4.T + b4).squeeze(-1)
    return y_hat

if __name__ == "__main__":
    import jax
    _d = setup_inputs()
    print(jax.jit(kernel)(*tuple(_d.values())))

</pallas_src>

<mosaic_0001>
#map = affine_map<(d0, d1) -> (0, 0)>
#map1 = affine_map<(d0, d1) -> (0)>
module attributes {stable_mosaic.version = 14 : i64} {
  func.func @_pair_body(%arg0: i32, %arg1: i32, %arg2: memref<10000x128xf32, #tpu.memory_space<hbm>>, %arg3: memref<2560x128xi32, #tpu.memory_space<hbm>>, %arg4: memref<2560x128xi32, #tpu.memory_space<hbm>>, %arg5: memref<2560x128xf32, #tpu.memory_space<hbm>>, %arg6: memref<64xf32, #tpu.memory_space<hbm>>, %arg7: memref<64xf32, #tpu.memory_space<hbm>>, %arg8: memref<16xf32, #tpu.memory_space<hbm>>, %arg9: memref<2560x128xf32, #tpu.memory_space<hbm>>, %arg10: memref<16x128xi32, #tpu.memory_space<vmem>>, %arg11: memref<16x128xi32, #tpu.memory_space<vmem>>, %arg12: memref<16x128xf32, #tpu.memory_space<vmem>>, %arg13: memref<128x128xf32, #tpu.memory_space<vmem>>, %arg14: memref<128x128xf32, #tpu.memory_space<vmem>>, %arg15: memref<16x128xf32, #tpu.memory_space<vmem>>, %arg16: memref<64xf32, #tpu.memory_space<vmem>>, %arg17: memref<64xf32, #tpu.memory_space<vmem>>, %arg18: memref<16xf32, #tpu.memory_space<vmem>>, %arg19: memref<!tpu.dma_semaphore, #tpu.memory_space<semaphore_mem>>) attributes {dimension_semantics = [#tpu.dimension_semantics<core_parallel>, #tpu.dimension_semantics<subcore_parallel>], iteration_bounds = array<i64: 2, 16>, scalar_prefetch = 0 : i64, scratch_operands = 10 : i64, tpu.core_type = #tpu.core_type<sc_vector_subcore>, window_params = [{transform_indices = #map}, {transform_indices = #map}, {transform_indices = #map}, {transform_indices = #map}, {transform_indices = #map1}, {transform_indices = #map1}, {transform_indices = #map1}, {transform_indices = #map}]} {
    %mul3A = arith.constant 2 : i32
    %mul3A_0 = arith.muli %arg1, %mul3A : i32
    %add3A = arith.addi %mul3A_0, %arg0 : i32
    "tpu.region"() ({
      %run_scoped3A = tpu.sem_alloc : memref<!tpu.dma_semaphore, #tpu.memory_space<semaphore_mem>>
      tpu.enqueue_dma source(%arg6 : memref<64xf32, #tpu.memory_space<hbm>>) target(%arg16 : memref<64xf32, #tpu.memory_space<vmem>>) target_semaphore(%run_scoped3A : memref<!tpu.dma_semaphore, #tpu.memory_space<semaphore_mem>>)
      tpu.wait_dma2 semaphore(%run_scoped3A : memref<!tpu.dma_semaphore, #tpu.memory_space<semaphore_mem>>) src(%arg6 : memref<64xf32, #tpu.memory_space<hbm>>) dst(%arg16 : memref<64xf32, #tpu.memory_space<vmem>>)
      tpu.yield
    }) : () -> ()
    "tpu.region"() ({
      %run_scoped3A = tpu.sem_alloc : memref<!tpu.dma_semaphore, #tpu.memory_space<semaphore_mem>>
      tpu.enqueue_dma source(%arg7 : memref<64xf32, #tpu.memory_space<hbm>>) target(%arg17 : memref<64xf32, #tpu.memory_space<vmem>>) target_semaphore(%run_scoped3A : memref<!tpu.dma_semaphore, #tpu.memory_space<semaphore_mem>>)
      tpu.wait_dma2 semaphore(%run_scoped3A : memref<!tpu.dma_semaphore, #tpu.memory_space<semaphore_mem>>) src(%arg7 : memref<64xf32, #tpu.memory_space<hbm>>) dst(%arg17 : memref<64xf32, #tpu.memory_space<vmem>>)
      tpu.yield
    }) : () -> ()
    "tpu.region"() ({
      %run_scoped3A = tpu.sem_alloc : memref<!tpu.dma_semaphore, #tpu.memory_space<semaphore_mem>>
      tpu.enqueue_dma source(%arg8 : memref<16xf32, #tpu.memory_space<hbm>>) target(%arg18 : memref<16xf32, #tpu.memory_space<vmem>>) target_semaphore(%run_scoped3A : memref<!tpu.dma_semaphore, #tpu.memory_space<semaphore_mem>>)
      tpu.wait_dma2 semaphore(%run_scoped3A : memref<!tpu.dma_semaphore, #tpu.memory_space<semaphore_mem>>) src(%arg8 : memref<16xf32, #tpu.memory_space<hbm>>) dst(%arg18 : memref<16xf32, #tpu.memory_space<vmem>>)
      tpu.yield
    }) : () -> ()
    %get3A = arith.constant 0 : index
    %get3A_1 = tpu.vector_load %arg16[%get3A] {strides = array<i32>} : memref<64xf32, #tpu.memory_space<vmem>>, vector<16xf32>,
    %get3A_2 = vector.shape_cast %get3A_1 : vector<16xf32> to vector<16xf32>
    %get3A_3 = arith.constant 16 : index
    %get3A_4 = tpu.vector_load %arg16[%get3A_3] {strides = array<i32>} : memref<64xf32, #tpu.memory_space<vmem>>, vector<16xf32>,
    %get3A_5 = vector.shape_cast %get3A_4 : vector<16xf32> to vector<16xf32>
    %get3A_6 = arith.constant 32 : index
    %get3A_7 = tpu.vector_load %arg16[%get3A_6] {strides = array<i32>} : memref<64xf32, #tpu.memory_space<vmem>>, vector<16xf32>,
    %get3A_8 = vector.shape_cast %get3A_7 : vector<16xf32> to vector<16xf32>
    %get3A_9 = arith.constant 48 : index
    %get3A_10 = tpu.vector_load %arg16[%get3A_9] {strides = array<i32>} : memref<64xf32, #tpu.memory_space<vmem>>, vector<16xf32>,
    %get3A_11 = vector.shape_cast %get3A_10 : vector<16xf32> to vector<16xf32>
    %get3A_12 = arith.constant 0 : index
    %get3A_13 = tpu.vector_load %arg17[%get3A_12] {strides = array<i32>} : memref<64xf32, #tpu.memory_space<vmem>>, vector<16xf32>,
    %get3A_14 = vector.shape_cast %get3A_13 : vector<16xf32> to vector<16xf32>
    %get3A_15 = arith.constant 16 : index
    %get3A_16 = tpu.vector_load %arg17[%get3A_15] {strides = array<i32>} : memref<64xf32, #tpu.memory_space<vmem>>, vector<16xf32>,
    %get3A_17 = vector.shape_cast %get3A_16 : vector<16xf32> to vector<16xf32>
    %get3A_18 = arith.constant 32 : index
    %get3A_19 = tpu.vector_load %arg17[%get3A_18] {strides = array<i32>} : memref<64xf32, #tpu.memory_space<vmem>>, vector<16xf32>,
    %get3A_20 = vector.shape_cast %get3A_19 : vector<16xf32> to vector<16xf32>
    %get3A_21 = arith.constant 48 : index
    %get3A_22 = tpu.vector_load %arg17[%get3A_21] {strides = array<i32>} : memref<64xf32, #tpu.memory_space<vmem>>, vector<16xf32>,
    %get3A_23 = vector.shape_cast %get3A_22 : vector<16xf32> to vector<16xf32>
    %get3A_24 = arith.constant 0 : index
    %get3A_25 = tpu.vector_load %arg18[%get3A_24] {strides = array<i32>} : memref<16xf32, #tpu.memory_space<vmem>>, vector<16xf32>,
    %get3A_26 = vector.shape_cast %get3A_25 : vector<16xf32> to vector<16xf32>
    %iota3A = tpu.iota {dimensions = array<i32: 0>} : vector<16xi32>
    %mul3A_27 = arith.constant 80 : i32
    %mul3A_28 = arith.muli %add3A, %mul3A_27 : i32
    %scan3A = arith.constant 0 : i32
    %scan3A_29 = arith.constant 0 : i32
    %scan3A_30 = arith.constant 5 : i32
    %scan3A_31 = arith.addi %scan3A_29, %scan3A_30 : i32
    %scan3A_32 = arith.constant 1 : i32
    %scan3A_33 = scf.for %scan3A_35 = %scan3A_29 to %scan3A_31 step %scan3A_32 iter_args(%scan3A_36 = %scan3A) -> (i32)  : i32 {
      %mul3A_37 = arith.constant 16 : i32
      %mul3A_38 = arith.muli %scan3A_35, %mul3A_37 : i32
      %add3A_39 = arith.addi %mul3A_28, %mul3A_38 : i32
      "tpu.region"() ({
        %run_scoped3A = tpu.sem_alloc : memref<!tpu.dma_semaphore, #tpu.memory_space<semaphore_mem>>
        %dma_start3A = arith.constant 0 : i32
        %dma_start3A_48 = tpu.memref_slice %arg3[%add3A_39, %dma_start3A] : memref<2560x128xi32, #tpu.memory_space<hbm>> -> memref<16x128xi32, #tpu.memory_space<hbm>>
        %dma_start3A_49 = arith.constant 0 : i32
        %dma_start3A_50 = tpu.memref_slice %arg3[%add3A_39, %dma_start3A_49] : memref<2560x128xi32, #tpu.memory_space<hbm>> -> memref<16x128xi32, #tpu.memory_space<hbm>>
        tpu.enqueue_dma source(%dma_start3A_50 : memref<16x128xi32, #tpu.memory_space<hbm>>) target(%arg10 : memref<16x128xi32, #tpu.memory_space<vmem>>) target_semaphore(%run_scoped3A : memref<!tpu.dma_semaphore, #tpu.memory_space<semaphore_mem>>)
        %dma_wait3A = arith.constant 0 : i32
        %dma_wait3A_51 = tpu.memref_slice %arg3[%add3A_39, %dma_wait3A] : memref<2560x128xi32, #tpu.memory_space<hbm>> -> memref<16x128xi32, #tpu.memory_space<hbm>>
        %dma_wait3A_52 = arith.constant 0 : i32
        %dma_wait3A_53 = tpu.memref_slice %arg3[%add3A_39, %dma_wait3A_52] : memref<2560x128xi32, #tpu.memory_space<hbm>> -> memref<16x128xi32, #tpu.memory_space<hbm>>
        tpu.wait_dma2 semaphore(%run_scoped3A : memref<!tpu.dma_semaphore, #tpu.memory_space<semaphore_mem>>) src(%dma_wait3A_53 : memref<16x128xi32, #tpu.memory_space<hbm>>) dst(%arg10 : memref<16x128xi32, #tpu.memory_space<vmem>>)
        tpu.yield
      }) : () -> ()
      "tpu.region"() ({
        %run_scoped3A = tpu.sem_alloc : memref<!tpu.dma_semaphore, #tpu.memory_space<semaphore_mem>>
        %dma_start3A = arith.constant 0 : i32
        %dma_start3A_48 = tpu.memref_slice %arg4[%add3A_39, %dma_start3A] : memref<2560x128xi32, #tpu.memory_space<hbm>> -> memref<16x128xi32, #tpu.memory_space<hbm>>
        %dma_start3A_49 = arith.constant 0 : i32
        %dma_start3A_50 = tpu.memref_slice %arg4[%add3A_39, %dma_start3A_49] : memref<2560x128xi32, #tpu.memory_space<hbm>> -> memref<16x128xi32, #tpu.memory_space<hbm>>
        tpu.enqueue_dma source(%dma_start3A_50 : memref<16x128xi32, #tpu.memory_space<hbm>>) target(%arg11 : memref<16x128xi32, #tpu.memory_space<vmem>>) target_semaphore(%run_scoped3A : memref<!tpu.dma_semaphore, #tpu.memory_space<semaphore_mem>>)
        %dma_wait3A = arith.constant 0 : i32
        %dma_wait3A_51 = tpu.memref_slice %arg4[%add3A_39, %dma_wait3A] : memref<2560x128xi32, #tpu.memory_space<hbm>> -> memref<16x128xi32, #tpu.memory_space<hbm>>
        %dma_wait3A_52 = arith.constant 0 : i32
        %dma_wait3A_53 = tpu.memref_slice %arg4[%add3A_39, %dma_wait3A_52] : memref<2560x128xi32, #tpu.memory_space<hbm>> -> memref<16x128xi32, #tpu.memory_space<hbm>>
        tpu.wait_dma2 semaphore(%run_scoped3A : memref<!tpu.dma_semaphore, #tpu.memory_space<semaphore_mem>>) src(%dma_wait3A_53 : memref<16x128xi32, #tpu.memory_space<hbm>>) dst(%arg11 : memref<16x128xi32, #tpu.memory_space<vmem>>)
        tpu.yield
      }) : () -> ()
      "tpu.region"() ({
        %run_scoped3A = tpu.sem_alloc : memref<!tpu.dma_semaphore, #tpu.memory_space<semaphore_mem>>
        %dma_start3A = arith.constant 0 : i32
        %dma_start3A_48 = tpu.memref_slice %arg5[%add3A_39, %dma_start3A] : memref<2560x128xf32, #tpu.memory_space<hbm>> -> memref<16x128xf32, #tpu.memory_space<hbm>>
        %dma_start3A_49 = arith.constant 0 : i32
        %dma_start3A_50 = tpu.memref_slice %arg5[%add3A_39, %dma_start3A_49] : memref<2560x128xf32, #tpu.memory_space<hbm>> -> memref<16x128xf32, #tpu.memory_space<hbm>>
        tpu.enqueue_dma source(%dma_start3A_50 : memref<16x128xf32, #tpu.memory_space<hbm>>) target(%arg12 : memref<16x128xf32, #tpu.memory_space<vmem>>) target_semaphore(%run_scoped3A : memref<!tpu.dma_semaphore, #tpu.memory_space<semaphore_mem>>)
        %dma_wait3A = arith.constant 0 : i32
        %dma_wait3A_51 = tpu.memref_slice %arg5[%add3A_39, %dma_wait3A] : memref<2560x128xf32, #tpu.memory_space<hbm>> -> memref<16x128xf32, #tpu.memory_space<hbm>>
        %dma_wait3A_52 = arith.constant 0 : i32
        %dma_wait3A_53 = tpu.memref_slice %arg5[%add3A_39, %dma_wait3A_52] : memref<2560x128xf32, #tpu.memory_space<hbm>> -> memref<16x128xf32, #tpu.memory_space<hbm>>
        tpu.wait_dma2 semaphore(%run_scoped3A : memref<!tpu.dma_semaphore, #tpu.memory_space<semaphore_mem>>) src(%dma_wait3A_53 : memref<16x128xf32, #tpu.memory_space<hbm>>) dst(%arg12 : memref<16x128xf32, #tpu.memory_space<vmem>>)
        tpu.yield
      }) : () -> ()
      %scan3A_40 = arith.constant 0 : i32
      %scan3A_41 = arith.constant 0 : i32
      %scan3A_42 = arith.constant 16 : i32
      %scan3A_43 = arith.addi %scan3A_41, %scan3A_42 : i32
      %scan3A_44 = arith.constant 1 : i32
      %scan3A_45 = scf.for %scan3A_48 = %scan3A_41 to %scan3A_43 step %scan3A_44 iter_args(%scan3A_49 = %scan3A_40) -> (i32)  : i32 {
        %dma_start3A = arith.constant 0 : i32
        %dma_start3A_50 = tpu.memref_slice %arg10[%scan3A_48, %dma_start3A] : memref<16x128xi32, #tpu.memory_space<vmem>> -> memref<1x128xi32, #tpu.memory_space<vmem>>
        %dma_start3A_51 = tpu.memref_squeeze %dma_start3A_50 : memref<1x128xi32, #tpu.memory_space<vmem>> -> memref<128xi32, #tpu.memory_space<vmem>>
        %dma_start3A_52 = arith.constant 0 : i32
        %dma_start3A_53 = arith.constant 0 : i32
        %dma_start3A_54 = tpu.memref_slice %arg2[%dma_start3A_52, %dma_start3A_53] : memref<10000x128xf32, #tpu.memory_space<hbm>> -> memref<10000x128xf32, #tpu.memory_space<hbm>>
        tpu.enqueue_indirect_dma source(%dma_start3A_54 : memref<10000x128xf32, #tpu.memory_space<hbm>>) target(%arg13 : memref<128x128xf32, #tpu.memory_space<vmem>>) offsets(%dma_start3A_51 : memref<128xi32, #tpu.memory_space<vmem>>) semaphore(%arg19 : memref<!tpu.dma_semaphore, #tpu.memory_space<semaphore_mem>>)
        %dma_wait3A = arith.constant 0 : i32
        %dma_wait3A_55 = tpu.memref_slice %arg10[%scan3A_48, %dma_wait3A] : memref<16x128xi32, #tpu.memory_space<vmem>> -> memref<1x128xi32, #tpu.memory_space<vmem>>
        %dma_wait3A_56 = tpu.memref_squeeze %dma_wait3A_55 : memref<1x128xi32, #tpu.memory_space<vmem>> -> memref<128xi32, #tpu.memory_space<vmem>>
        %dma_wait3A_57 = arith.constant 0 : i32
        %dma_wait3A_58 = arith.constant 0 : i32
        %dma_wait3A_59 = tpu.memref_slice %arg2[%dma_wait3A_57, %dma_wait3A_58] : memref<10000x128xf32, #tpu.memory_space<hbm>> -> memref<10000x128xf32, #tpu.memory_space<hbm>>
        tpu.wait_indirect_dma semaphore(%arg19 : memref<!tpu.dma_semaphore, #tpu.memory_space<semaphore_mem>>) src(%dma_wait3A_59 : memref<10000x128xf32, #tpu.memory_space<hbm>>) dst(%arg13 : memref<128x128xf32, #tpu.memory_space<vmem>>)
        %dma_start3A_60 = arith.constant 0 : i32
        %dma_start3A_61 = tpu.memref_slice %arg11[%scan3A_48, %dma_start3A_60] : memref<16x128xi32, #tpu.memory_space<vmem>> -> memref<1x128xi32, #tpu.memory_space<vmem>>
        %dma_start3A_62 = tpu.memref_squeeze %dma_start3A_61 : memref<1x128xi32, #tpu.memory_space<vmem>> -> memref<128xi32, #tpu.memory_space<vmem>>
        %dma_start3A_63 = arith.constant 0 : i32
        %dma_start3A_64 = arith.constant 0 : i32
        %dma_start3A_65 = tpu.memref_slice %arg2[%dma_start3A_63, %dma_start3A_64] : memref<10000x128xf32, #tpu.memory_space<hbm>> -> memref<10000x128xf32, #tpu.memory_space<hbm>>
        tpu.enqueue_indirect_dma source(%dma_start3A_65 : memref<10000x128xf32, #tpu.memory_space<hbm>>) target(%arg14 : memref<128x128xf32, #tpu.memory_space<vmem>>) offsets(%dma_start3A_62 : memref<128xi32, #tpu.memory_space<vmem>>) semaphore(%arg19 : memref<!tpu.dma_semaphore, #tpu.memory_space<semaphore_mem>>)
        %dma_wait3A_66 = arith.constant 0 : i32
        %dma_wait3A_67 = tpu.memref_slice %arg11[%scan3A_48, %dma_wait3A_66] : memref<16x128xi32, #tpu.memory_space<vmem>> -> memref<1x128xi32, #tpu.memory_space<vmem>>
        %dma_wait3A_68 = tpu.memref_squeeze %dma_wait3A_67 : memref<1x128xi32, #tpu.memory_space<vmem>> -> memref<128xi32, #tpu.memory_space<vmem>>
        %dma_wait3A_69 = arith.constant 0 : i32
        %dma_wait3A_70 = arith.constant 0 : i32
        %dma_wait3A_71 = tpu.memref_slice %arg2[%dma_wait3A_69, %dma_wait3A_70] : memref<10000x128xf32, #tpu.memory_space<hbm>> -> memref<10000x128xf32, #tpu.memory_space<hbm>>
        tpu.wait_indirect_dma semaphore(%arg19 : memref<!tpu.dma_semaphore, #tpu.memory_space<semaphore_mem>>) src(%dma_wait3A_71 : memref<10000x128xf32, #tpu.memory_space<hbm>>) dst(%arg14 : memref<128x128xf32, #tpu.memory_space<vmem>>)
        %scan3A_72 = arith.constant 0 : i32
        %scan3A_73 = arith.constant 0 : i32
        %scan3A_74 = arith.constant 8 : i32
        %scan3A_75 = arith.addi %scan3A_73, %scan3A_74 : i32
        %scan3A_76 = arith.constant 1 : i32
        %scan3A_77 = scf.for %scan3A_80 = %scan3A_73 to %scan3A_75 step %scan3A_76 iter_args(%scan3A_81 = %scan3A_72) -> (i32)  : i32 {
          %broadcast_in_dim3A = arith.constant 0.000000e+00 : f32
          %broadcast_in_dim3A_82 = vector.broadcast %broadcast_in_dim3A : f32 to vector<16xf32>
          %mul3A_83 = arith.constant 16 : i32
          %mul3A_84 = arith.muli %scan3A_80, %mul3A_83 : i32
          %get3A_85 = arith.index_cast %scan3A_48 : i32 to index
          %get3A_86 = arith.index_cast %mul3A_84 : i32 to index
          %get3A_87 = tpu.vector_load %arg12[%get3A_85, %get3A_86] {strides = array<i32>} : memref<16x128xf32, #tpu.memory_space<vmem>>, vector<1x16xf32>,
          %get3A_88 = vector.shape_cast %get3A_87 : vector<1x16xf32> to vector<16xf32>
          %mul3A_89 = arith.constant 16 : i32
          %mul3A_90 = arith.muli %scan3A_80, %mul3A_89 : i32
          %add3A_91 = arith.constant 0 : i32
          %add3A_92 = arith.addi %mul3A_90, %add3A_91 : i32
          %broadcast_in_dim3A_93 = arith.constant 0 : i32
          %broadcast_in_dim3A_94 = vector.broadcast %broadcast_in_dim3A_93 : i32 to vector<16xi32>
          %lt3A = arith.constant 0 : i32
          %lt3A_95 = vector.broadcast %lt3A : i32 to vector<16xi32>
          %lt3A_96 = arith.cmpi slt, %broadcast_in_dim3A_94, %lt3A_95 : vector<16xi32>
          %add3A_97 = arith.constant 16 : i32
          %add3A_98 = vector.broadcast %add3A_97 : i32 to vector<16xi32>
          %add3A_99 = arith.addi %broadcast_in_dim3A_94, %add3A_98 : vector<16xi32>
          %select_n3A = arith.select %lt3A_96, %add3A_99, %broadcast_in_dim3A_94 : vector<16xi1>, vector<16xi32>
          %broadcast_in_dim3A_100 = vector.shape_cast %select_n3A : vector<16xi32> to vector<16x1xi32>
          %gather3A = vector.shape_cast %broadcast_in_dim3A_100 : vector<16x1xi32> to vector<16xi32>
          %gather3A_101 = tpu.dynamic_gather %get3A_88[%gather3A] in [0] : vector<16xf32>, vector<16xi32> -> vector<16xf32>
          %get3A_102 = arith.index_cast %add3A_92 : i32 to index
          %get3A_103 = arith.constant 0 : index
          %get3A_104 = tpu.vector_load %arg13[%get3A_102, %get3A_103] {strides = array<i32>} : memref<128x128xf32, #tpu.memory_space<vmem>>, vector<1x16xf32>,
          %get3A_105 = vector.shape_cast %get3A_104 : vector<1x16xf32> to vector<16xf32>
          %get3A_106 = arith.index_cast %add3A_92 : i32 to index
          %get3A_107 = arith.constant 64 : index
          %get3A_108 = tpu.vector_load %arg14[%get3A_106, %get3A_107] {strides = array<i32>} : memref<128x128xf32, #tpu.memory_space<vmem>>, vector<1x16xf32>,
          %get3A_109 = vector.shape_cast %get3A_108 : vector<1x16xf32> to vector<16xf32>
          %add3A_110 = arith.addf %get3A_105, %get3A_109 : vector<16xf32>
          %mul3A_111 = arith.mulf %gather3A_101, %get3A_2 : vector<16xf32>
          %add3A_112 = arith.addf %add3A_110, %mul3A_111 : vector<16xf32>
          %max3A = arith.constant 0.000000e+00 : f32
          %max3A_113 = vector.broadcast %max3A : f32 to vector<16xf32>
          %max3A_114 = arith.maximumf %add3A_112, %max3A_113 : vector<16xf32>
          %mul3A_115 = arith.mulf %max3A_114, %get3A_14 : vector<16xf32>
          %get3A_116 = arith.index_cast %add3A_92 : i32 to index
          %get3A_117 = arith.constant 16 : index
          %get3A_118 = tpu.vector_load %arg13[%get3A_116, %get3A_117] {strides = array<i32>} : memref<128x128xf32, #tpu.memory_space<vmem>>, vector<1x16xf32>,
          %get3A_119 = vector.shape_cast %get3A_118 : vector<1x16xf32> to vector<16xf32>
          %get3A_120 = arith.index_cast %add3A_92 : i32 to index
          %get3A_121 = arith.constant 80 : index
          %get3A_122 = tpu.vector_load %arg14[%get3A_120, %get3A_121] {strides = array<i32>} : memref<128x128xf32, #tpu.memory_space<vmem>>, vector<1x16xf32>,
          %get3A_123 = vector.shape_cast %get3A_122 : vector<1x16xf32> to vector<16xf32>
          %add3A_124 = arith.addf %get3A_119, %get3A_123 : vector<16xf32>
          %mul3A_125 = arith.mulf %gather3A_101, %get3A_5 : vector<16xf32>
          %add3A_126 = arith.addf %add3A_124, %mul3A_125 : vector<16xf32>
          %max3A_127 = arith.constant 0.000000e+00 : f32
          %max3A_128 = vector.broadcast %max3A_127 : f32 to vector<16xf32>
          %max3A_129 = arith.maximumf %add3A_126, %max3A_128 : vector<16xf32>
          %mul3A_130 = arith.mulf %max3A_129, %get3A_17 : vector<16xf32>
          %add3A_131 = arith.addf %mul3A_115, %mul3A_130 : vector<16xf32>
          %get3A_132 = arith.index_cast %add3A_92 : i32 to index
          %get3A_133 = arith.constant 32 : index
          %get3A_134 = tpu.vector_load %arg13[%get3A_132, %get3A_133] {strides = array<i32>} : memref<128x128xf32, #tpu.memory_space<vmem>>, vector<1x16xf32>,
          %get3A_135 = vector.shape_cast %get3A_134 : vector<1x16xf32> to vector<16xf32>
          %get3A_136 = arith.index_cast %add3A_92 : i32 to index
          %get3A_137 = arith.constant 96 : index
          %get3A_138 = tpu.vector_load %arg14[%get3A_136, %get3A_137] {strides = array<i32>} : memref<128x128xf32, #tpu.memory_space<vmem>>, vector<1x16xf32>,
          %get3A_139 = vector.shape_cast %get3A_138 : vector<1x16xf32> to vector<16xf32>
          %add3A_140 = arith.addf %get3A_135, %get3A_139 : vector<16xf32>
          %mul3A_141 = arith.mulf %gather3A_101, %get3A_8 : vector<16xf32>
          %add3A_142 = arith.addf %add3A_140, %mul3A_141 : vector<16xf32>
          %max3A_143 = arith.constant 0.000000e+00 : f32
          %max3A_144 = vector.broadcast %max3A_143 : f32 to vector<16xf32>
          %max3A_145 = arith.maximumf %add3A_142, %max3A_144 : vector<16xf32>
          %mul3A_146 = arith.mulf %max3A_145, %get3A_20 : vector<16xf32>
          %add3A_147 = arith.addf %add3A_131, %mul3A_146 : vector<16xf32>
          %get3A_148 = arith.index_cast %add3A_92 : i32 to index
          %get3A_149 = arith.constant 48 : index
          %get3A_150 = tpu.vector_load %arg13[%get3A_148, %get3A_149] {strides = array<i32>} : memref<128x128xf32, #tpu.memory_space<vmem>>, vector<1x16xf32>,
          %get3A_151 = vector.shape_cast %get3A_150 : vector<1x16xf32> to vector<16xf32>
          %get3A_152 = arith.index_cast %add3A_92 : i32 to index
          %get3A_153 = arith.constant 112 : index
          %get3A_154 = tpu.vector_load %arg14[%get3A_152, %get3A_153] {strides = array<i32>} : memref<128x128xf32, #tpu.memory_space<vmem>>, vector<1x16xf32>,
          %get3A_155 = vector.shape_cast %get3A_154 : vector<1x16xf32> to vector<16xf32>
          %add3A_156 = arith.addf %get3A_151, %get3A_155 : vector<16xf32>
          %mul3A_157 = arith.mulf %gather3A_101, %get3A_11 : vector<16xf32>
          %add3A_158 = arith.addf %add3A_156, %mul3A_157 : vector<16xf32>
          %max3A_159 = arith.constant 0.000000e+00 : f32
          %max3A_160 = vector.broadcast %max3A_159 : f32 to vector<16xf32>
          %max3A_161 = arith.maximumf %add3A_158, %max3A_160 : vector<16xf32>
          %mul3A_162 = arith.mulf %max3A_161, %get3A_23 : vector<16xf32>
          %add3A_163 = arith.addf %add3A_147, %mul3A_162 : vector<16xf32>
          %add3A_164 = arith.constant 8 : i32
          %add3A_165 = vector.broadcast %add3A_164 : i32 to vector<16xi32>
          %add3A_166 = arith.addi %iota3A, %add3A_165 : vector<16xi32>
          %jit3A = arith.constant 16 : i32
          %eq3A = arith.constant 0 : i32
          %eq3A_167 = arith.cmpi eq, %jit3A, %eq3A : i32
          %jit3A_168 = arith.constant 1 : i32
          %select_n3A_169 = arith.select %eq3A_167, %jit3A_168, %jit3A : i32
          %rem3A = vector.broadcast %select_n3A_169 : i32 to vector<16xi32>
          %rem3A_170 = arith.remsi %add3A_166, %rem3A : vector<16xi32>
          %ne3A = arith.constant 0 : i32
          %ne3A_171 = vector.broadcast %ne3A : i32 to vector<16xi32>
          %ne3A_172 = arith.cmpi ne, %rem3A_170, %ne3A_171 : vector<16xi32>
          %lt3A_173 = arith.constant 0 : i32
          %lt3A_174 = vector.broadcast %lt3A_173 : i32 to vector<16xi32>
          %lt3A_175 = arith.cmpi slt, %rem3A_170, %lt3A_174 : vector<16xi32>
          %lt3A_176 = arith.constant 0 : i32
          %lt3A_177 = arith.cmpi slt, %select_n3A_169, %lt3A_176 : i32
          %ne3A_178 = vector.broadcast %lt3A_177 : i1 to vector<16xi1>
          %ne3A_179 = vector.broadcast %ne3A_178 : vector<16xi1> to vector<16xi1>
          %ne3A_180 = arith.xori %lt3A_175, %ne3A_179 : vector<16xi1>
          %and3A = arith.andi %ne3A_180, %ne3A_172 : vector<16xi1>
          %add3A_181 = vector.broadcast %select_n3A_169 : i32 to vector<16xi32>
          %add3A_182 = arith.addi %rem3A_170, %add3A_181 : vector<16xi32>
          %select_n3A_183 = arith.select %and3A, %add3A_182, %rem3A_170 : vector<16xi1>, vector<16xi32>
          %lt3A_184 = arith.constant 0 : i32
          %lt3A_185 = vector.broadcast %lt3A_184 : i32 to vector<16xi32>
          %lt3A_186 = arith.cmpi slt, %select_n3A_183, %lt3A_185 : vector<16xi32>
          %add3A_187 = arith.constant 16 : i32
          %add3A_188 = vector.broadcast %add3A_187 : i32 to vector<16xi32>
          %add3A_189 = arith.addi %select_n3A_183, %add3A_188 : vector<16xi32>
          %select_n3A_190 = arith.select %lt3A_186, %add3A_189, %select_n3A_183 : vector<16xi1>, vector<16xi32>
          %broadcast_in_dim3A_191 = vector.shape_cast %select_n3A_190 : vector<16xi32> to vector<16x1xi32>
          %gather3A_192 = vector.shape_cast %broadcast_in_dim3A_191 : vector<16x1xi32> to vector<16xi32>
          %gather3A_193 = tpu.dynamic_gather %add3A_163[%gather3A_192] in [0] : vector<16xf32>, vector<16xi32> -> vector<16xf32>
          %add3A_194 = arith.addf %add3A_163, %gather3A_193 : vector<16xf32>
          %add3A_195 = arith.constant 4 : i32
          %add3A_196 = vector.broadcast %add3A_195 : i32 to vector<16xi32>
          %add3A_197 = arith.addi %iota3A, %add3A_196 : vector<16xi32>
          %jit3A_198 = arith.constant 16 : i32
          %eq3A_199 = arith.constant 0 : i32
          %eq3A_200 = arith.cmpi eq, %jit3A_198, %eq3A_199 : i32
          %jit3A_201 = arith.constant 1 : i32
          %select_n3A_202 = arith.select %eq3A_200, %jit3A_201, %jit3A_198 : i32
          %rem3A_203 = vector.broadcast %select_n3A_202 : i32 to vector<16xi32>
          %rem3A_204 = arith.remsi %add3A_197, %rem3A_203 : vector<16xi32>
          %ne3A_205 = arith.constant 0 : i32
          %ne3A_206 = vector.broadcast %ne3A_205 : i32 to vector<16xi32>
          %ne3A_207 = arith.cmpi ne, %rem3A_204, %ne3A_206 : vector<16xi32>
          %lt3A_208 = arith.constant 0 : i32
          %lt3A_209 = vector.broadcast %lt3A_208 : i32 to vector<16xi32>
          %lt3A_210 = arith.cmpi slt, %rem3A_204, %lt3A_209 : vector<16xi32>
          %lt3A_211 = arith.constant 0 : i32
          %lt3A_212 = arith.cmpi slt, %select_n3A_202, %lt3A_211 : i32
          %ne3A_213 = vector.broadcast %lt3A_212 : i1 to vector<16xi1>
          %ne3A_214 = vector.broadcast %ne3A_213 : vector<16xi1> to vector<16xi1>
          %ne3A_215 = arith.xori %lt3A_210, %ne3A_214 : vector<16xi1>
          %and3A_216 = arith.andi %ne3A_215, %ne3A_207 : vector<16xi1>
          %add3A_217 = vector.broadcast %select_n3A_202 : i32 to vector<16xi32>
          %add3A_218 = arith.addi %rem3A_204, %add3A_217 : vector<16xi32>
          %select_n3A_219 = arith.select %and3A_216, %add3A_218, %rem3A_204 : vector<16xi1>, vector<16xi32>
          %lt3A_220 = arith.constant 0 : i32
          %lt3A_221 = vector.broadcast %lt3A_220 : i32 to vector<16xi32>
          %lt3A_222 = arith.cmpi slt, %select_n3A_219, %lt3A_221 : vector<16xi32>
          %add3A_223 = arith.constant 16 : i32
          %add3A_224 = vector.broadcast %add3A_223 : i32 to vector<16xi32>
          %add3A_225 = arith.addi %select_n3A_219, %add3A_224 : vector<16xi32>
          %select_n3A_226 = arith.select %lt3A_222, %add3A_225, %select_n3A_219 : vector<16xi1>, vector<16xi32>
          %broadcast_in_dim3A_227 = vector.shape_cast %select_n3A_226 : vector<16xi32> to vector<16x1xi32>
          %gather3A_228 = vector.shape_cast %broadcast_in_dim3A_227 : vector<16x1xi32> to vector<16xi32>
          %gather3A_229 = tpu.dynamic_gather %add3A_194[%gather3A_228] in [0] : vector<16xf32>, vector<16xi32> -> vector<16xf32>
          %add3A_230 = arith.addf %add3A_194, %gather3A_229 : vector<16xf32>
          %add3A_231 = arith.constant 2 : i32
          %add3A_232 = vector.broadcast %add3A_231 : i32 to vector<16xi32>
          %add3A_233 = arith.addi %iota3A, %add3A_232 : vector<16xi32>
          %jit3A_234 = arith.constant 16 : i32
          %eq3A_235 = arith.constant 0 : i32
          %eq3A_236 = arith.cmpi eq, %jit3A_234, %eq3A_235 : i32
          %jit3A_237 = arith.constant 1 : i32
          %select_n3A_238 = arith.select %eq3A_236, %jit3A_237, %jit3A_234 : i32
          %rem3A_239 = vector.broadcast %select_n3A_238 : i32 to vector<16xi32>
          %rem3A_240 = arith.remsi %add3A_233, %rem3A_239 : vector<16xi32>
          %ne3A_241 = arith.constant 0 : i32
          %ne3A_242 = vector.broadcast %ne3A_241 : i32 to vector<16xi32>
          %ne3A_243 = arith.cmpi ne, %rem3A_240, %ne3A_242 : vector<16xi32>
          %lt3A_244 = arith.constant 0 : i32
          %lt3A_245 = vector.broadcast %lt3A_244 : i32 to vector<16xi32>
          %lt3A_246 = arith.cmpi slt, %rem3A_240, %lt3A_245 : vector<16xi32>
          %lt3A_247 = arith.constant 0 : i32
          %lt3A_248 = arith.cmpi slt, %select_n3A_238, %lt3A_247 : i32
          %ne3A_249 = vector.broadcast %lt3A_248 : i1 to vector<16xi1>
          %ne3A_250 = vector.broadcast %ne3A_249 : vector<16xi1> to vector<16xi1>
          %ne3A_251 = arith.xori %lt3A_246, %ne3A_250 : vector<16xi1>
          %and3A_252 = arith.andi %ne3A_251, %ne3A_243 : vector<16xi1>
          %add3A_253 = vector.broadcast %select_n3A_238 : i32 to vector<16xi32>
          %add3A_254 = arith.addi %rem3A_240, %add3A_253 : vector<16xi32>
          %select_n3A_255 = arith.select %and3A_252, %add3A_254, %rem3A_240 : vector<16xi1>, vector<16xi32>
          %lt3A_256 = arith.constant 0 : i32
          %lt3A_257 = vector.broadcast %lt3A_256 : i32 to vector<16xi32>
          %lt3A_258 = arith.cmpi slt, %select_n3A_255, %lt3A_257 : vector<16xi32>
          %add3A_259 = arith.constant 16 : i32
          %add3A_260 = vector.broadcast %add3A_259 : i32 to vector<16xi32>
          %add3A_261 = arith.addi %select_n3A_255, %add3A_260 : vector<16xi32>
          %select_n3A_262 = arith.select %lt3A_258, %add3A_261, %select_n3A_255 : vector<16xi1>, vector<16xi32>
          %broadcast_in_dim3A_263 = vector.shape_cast %select_n3A_262 : vector<16xi32> to vector<16x1xi32>
          %gather3A_264 = vector.shape_cast %broadcast_in_dim3A_263 : vector<16x1xi32> to vector<16xi32>
          %gather3A_265 = tpu.dynamic_gather %add3A_230[%gather3A_264] in [0] : vector<16xf32>, vector<16xi32> -> vector<16xf32>
          %add3A_266 = arith.addf %add3A_230, %gather3A_265 : vector<16xf32>
          %add3A_267 = arith.constant 1 : i32
          %add3A_268 = vector.broadcast %add3A_267 : i32 to vector<16xi32>
          %add3A_269 = arith.addi %iota3A, %add3A_268 : vector<16xi32>
          %jit3A_270 = arith.constant 16 : i32
          %eq3A_271 = arith.constant 0 : i32
          %eq3A_272 = arith.cmpi eq, %jit3A_270, %eq3A_271 : i32
          %jit3A_273 = arith.constant 1 : i32
          %select_n3A_274 = arith.select %eq3A_272, %jit3A_273, %jit3A_270 : i32
          %rem3A_275 = vector.broadcast %select_n3A_274 : i32 to vector<16xi32>
          %rem3A_276 = arith.remsi %add3A_269, %rem3A_275 : vector<16xi32>
          %ne3A_277 = arith.constant 0 : i32
          %ne3A_278 = vector.broadcast %ne3A_277 : i32 to vector<16xi32>
          %ne3A_279 = arith.cmpi ne, %rem3A_276, %ne3A_278 : vector<16xi32>
          %lt3A_280 = arith.constant 0 : i32
          %lt3A_281 = vector.broadcast %lt3A_280 : i32 to vector<16xi32>
          %lt3A_282 = arith.cmpi slt, %rem3A_276, %lt3A_281 : vector<16xi32>
          %lt3A_283 = arith.constant 0 : i32
          %lt3A_284 = arith.cmpi slt, %select_n3A_274, %lt3A_283 : i32
          %ne3A_285 = vector.broadcast %lt3A_284 : i1 to vector<16xi1>
          %ne3A_286 = vector.broadcast %ne3A_285 : vector<16xi1> to vector<16xi1>
          %ne3A_287 = arith.xori %lt3A_282, %ne3A_286 : vector<16xi1>
          %and3A_288 = arith.andi %ne3A_287, %ne3A_279 : vector<16xi1>
          %add3A_289 = vector.broadcast %select_n3A_274 : i32 to vector<16xi32>
          %add3A_290 = arith.addi %rem3A_276, %add3A_289 : vector<16xi32>
          %select_n3A_291 = arith.select %and3A_288, %add3A_290, %rem3A_276 : vector<16xi1>, vector<16xi32>
          %lt3A_292 = arith.constant 0 : i32
          %lt3A_293 = vector.broadcast %lt3A_292 : i32 to vector<16xi32>
          %lt3A_294 = arith.cmpi slt, %select_n3A_291, %lt3A_293 : vector<16xi32>
          %add3A_295 = arith.constant 16 : i32
          %add3A_296 = vector.broadcast %add3A_295 : i32 to vector<16xi32>
          %add3A_297 = arith.addi %select_n3A_291, %add3A_296 : vector<16xi32>
          %select_n3A_298 = arith.select %lt3A_294, %add3A_297, %select_n3A_291 : vector<16xi1>, vector<16xi32>
          %broadcast_in_dim3A_299 = vector.shape_cast %select_n3A_298 : vector<16xi32> to vector<16x1xi32>
          %gather3A_300 = vector.shape_cast %broadcast_in_dim3A_299 : vector<16x1xi32> to vector<16xi32>
          %gather3A_301 = tpu.dynamic_gather %add3A_266[%gather3A_300] in [0] : vector<16xf32>, vector<16xi32> -> vector<16xf32>
          %add3A_302 = arith.addf %add3A_266, %gather3A_301 : vector<16xf32>
          %eq3A_303 = arith.constant 0 : i32
          %eq3A_304 = vector.broadcast %eq3A_303 : i32 to vector<16xi32>
          %eq3A_305 = arith.cmpi eq, %iota3A, %eq3A_304 : vector<16xi32>
          %select_n3A_306 = arith.select %eq3A_305, %add3A_302, %broadcast_in_dim3A_82 : vector<16xi1>, vector<16xf32>
          %mul3A_307 = arith.constant 16 : i32
          %mul3A_308 = arith.muli %scan3A_80, %mul3A_307 : i32
          %add3A_309 = arith.constant 1 : i32
          %add3A_310 = arith.addi %mul3A_308, %add3A_309 : i32
          %broadcast_in_dim3A_311 = arith.constant 1 : i32
          %broadcast_in_dim3A_312 = vector.broadcast %broadcast_in_dim3A_311 : i32 to vector<16xi32>
          %lt3A_313 = arith.constant 0 : i32
          %lt3A_314 = vector.broadcast %lt3A_313 : i32 to vector<16xi32>
          %lt3A_315 = arith.cmpi slt, %broadcast_in_dim3A_312, %lt3A_314 : vector<16xi32>
          %add3A_316 = arith.constant 16 : i32
          %add3A_317 = vector.broadcast %add3A_316 : i32 to vector<16xi32>
          %add3A_318 = arith.addi %broadcast_in_dim3A_312, %add3A_317 : vector<16xi32>
          %select_n3A_319 = arith.select %lt3A_315, %add3A_318, %broadcast_in_dim3A_312 : vector<16xi1>, vector<16xi32>
          %broadcast_in_dim3A_320 = vector.shape_cast %select_n3A_319 : vector<16xi32> to vector<16x1xi32>
          %gather3A_321 = vector.shape_cast %broadcast_in_dim3A_320 : vector<16x1xi32> to vector<16xi32>
          %gather3A_322 = tpu.dynamic_gather %get3A_88[%gather3A_321] in [0] : vector<16xf32>, vector<16xi32> -> vector<16xf32>
          %get3A_323 = arith.index_cast %add3A_310 : i32 to index
          %get3A_324 = arith.constant 0 : index
          %get3A_325 = tpu.vector_load %arg13[%get3A_323, %get3A_324] {strides = array<i32>} : memref<128x128xf32, #tpu.memory_space<vmem>>, vector<1x16xf32>,
          %get3A_326 = vector.shape_cast %get3A_325 : vector<1x16xf32> to vector<16xf32>
          %get3A_327 = arith.index_cast %add3A_310 : i32 to index
          %get3A_328 = arith.constant 64 : index
          %get3A_329 = tpu.vector_load %arg14[%get3A_327, %get3A_328] {strides = array<i32>} : memref<128x128xf32, #tpu.memory_space<vmem>>, vector<1x16xf32>,
          %get3A_330 = vector.shape_cast %get3A_329 : vector<1x16xf32> to vector<16xf32>
          %add3A_331 = arith.addf %get3A_326, %get3A_330 : vector<16xf32>
          %mul3A_332 = arith.mulf %gather3A_322, %get3A_2 : vector<16xf32>
          %add3A_333 = arith.addf %add3A_331, %mul3A_332 : vector<16xf32>
          %max3A_334 = arith.constant 0.000000e+00 : f32
          %max3A_335 = vector.broadcast %max3A_334 : f32 to vector<16xf32>
          %max3A_336 = arith.maximumf %add3A_333, %max3A_335 : vector<16xf32>
          %mul3A_337 = arith.mulf %max3A_336, %get3A_14 : vector<16xf32>
          %get3A_338 = arith.index_cast %add3A_310 : i32 to index
          %get3A_339 = arith.constant 16 : index
          %get3A_340 = tpu.vector_load %arg13[%get3A_338, %get3A_339] {strides = array<i32>} : memref<128x128xf32, #tpu.memory_space<vmem>>, vector<1x16xf32>,
          %get3A_341 = vector.shape_cast %get3A_340 : vector<1x16xf32> to vector<16xf32>
          %get3A_342 = arith.index_cast %add3A_310 : i32 to index
          %get3A_343 = arith.constant 80 : index
          %get3A_344 = tpu.vector_load %arg14[%get3A_342, %get3A_343] {strides = array<i32>} : memref<128x128xf32, #tpu.memory_space<vmem>>, vector<1x16xf32>,
          %get3A_345 = vector.shape_cast %get3A_344 : vector<1x16xf32> to vector<16xf32>
          %add3A_346 = arith.addf %get3A_341, %get3A_345 : vector<16xf32>
          %mul3A_347 = arith.mulf %gather3A_322, %get3A_5 : vector<16xf32>
          %add3A_348 = arith.addf %add3A_346, %mul3A_347 : vector<16xf32>
          %max3A_349 = arith.constant 0.000000e+00 : f32
          %max3A_350 = vector.broadcast %max3A_349 : f32 to vector<16xf32>
          %max3A_351 = arith.maximumf %add3A_348, %max3A_350 : vector<16xf32>
          %mul3A_352 = arith.mulf %max3A_351, %get3A_17 : vector<16xf32>
          %add3A_353 = arith.addf %mul3A_337, %mul3A_352 : vector<16xf32>
          %get3A_354 = arith.index_cast %add3A_310 : i32 to index
          %get3A_355 = arith.constant 32 : index
          %get3A_356 = tpu.vector_load %arg13[%get3A_354, %get3A_355] {strides = array<i32>} : memref<128x128xf32, #tpu.memory_space<vmem>>, vector<1x16xf32>,
          %get3A_357 = vector.shape_cast %get3A_356 : vector<1x16xf32> to vector<16xf32>
          %get3A_358 = arith.index_cast %add3A_310 : i32 to index
          %get3A_359 = arith.constant 96 : index
          %get3A_360 = tpu.vector_load %arg14[%get3A_358, %get3A_359] {strides = array<i32>} : memref<128x128xf32, #tpu.memory_space<vmem>>, vector<1x16xf32>,
          %get3A_361 = vector.shape_cast %get3A_360 : vector<1x16xf32> to vector<16xf32>
          %add3A_362 = arith.addf %get3A_357, %get3A_361 : vector<16xf32>
          %mul3A_363 = arith.mulf %gather3A_322, %get3A_8 : vector<16xf32>
          %add3A_364 = arith.addf %add3A_362, %mul3A_363 : vector<16xf32>
          %max3A_365 = arith.constant 0.000000e+00 : f32
          %max3A_366 = vector.broadcast %max3A_365 : f32 to vector<16xf32>
          %max3A_367 = arith.maximumf %add3A_364, %max3A_366 : vector<16xf32>
          %mul3A_368 = arith.mulf %max3A_367, %get3A_20 : vector<16xf32>
          %add3A_369 = arith.addf %add3A_353, %mul3A_368 : vector<16xf32>
          %get3A_370 = arith.index_cast %add3A_310 : i32 to index
          %get3A_371 = arith.constant 48 : index
          %get3A_372 = tpu.vector_load %arg13[%get3A_370, %get3A_371] {strides = array<i32>} : memref<128x128xf32, #tpu.memory_space<vmem>>, vector<1x16xf32>,
          %get3A_373 = vector.shape_cast %get3A_372 : vector<1x16xf32> to vector<16xf32>
          %get3A_374 = arith.index_cast %add3A_310 : i32 to index
          %get3A_375 = arith.constant 112 : index
          %get3A_376 = tpu.vector_load %arg14[%get3A_374, %get3A_375] {strides = array<i32>} : memref<128x128xf32, #tpu.memory_space<vmem>>, vector<1x16xf32>,
          %get3A_377 = vector.shape_cast %get3A_376 : vector<1x16xf32> to vector<16xf32>
          %add3A_378 = arith.addf %get3A_373, %get3A_377 : vector<16xf32>
          %mul3A_379 = arith.mulf %gather3A_322, %get3A_11 : vector<16xf32>
          %add3A_380 = arith.addf %add3A_378, %mul3A_379 : vector<16xf32>
          %max3A_381 = arith.constant 0.000000e+00 : f32
          %max3A_382 = vector.broadcast %max3A_381 : f32 to vector<16xf32>
          %max3A_383 = arith.maximumf %add3A_380, %max3A_382 : vector<16xf32>
          %mul3A_384 = arith.mulf %max3A_383, %get3A_23 : vector<16xf32>
          %add3A_385 = arith.addf %add3A_369, %mul3A_384 : vector<16xf32>
          %add3A_386 = arith.constant 8 : i32
          %add3A_387 = vector.broadcast %add3A_386 : i32 to vector<16xi32>
          %add3A_388 = arith.addi %iota3A, %add3A_387 : vector<16xi32>
          %jit3A_389 = arith.constant 16 : i32
          %eq3A_390 = arith.constant 0 : i32
          %eq3A_391 = arith.cmpi eq, %jit3A_389, %eq3A_390 : i32
          %jit3A_392 = arith.constant 1 : i32
          %select_n3A_393 = arith.select %eq3A_391, %jit3A_392, %jit3A_389 : i32
          %rem3A_394 = vector.broadcast %select_n3A_393 : i32 to vector<16xi32>
          %rem3A_395 = arith.remsi %add3A_388, %rem3A_394 : vector<16xi32>
          %ne3A_396 = arith.constant 0 : i32
          %ne3A_397 = vector.broadcast %ne3A_396 : i32 to vector<16xi32>
          %ne3A_398 = arith.cmpi ne, %rem3A_395, %ne3A_397 : vector<16xi32>
          %lt3A_399 = arith.constant 0 : i32
          %lt3A_400 = vector.broadcast %lt3A_399 : i32 to vector<16xi32>
          %lt3A_401 = arith.cmpi slt, %rem3A_395, %lt3A_400 : vector<16xi32>
          %lt3A_402 = arith.constant 0 : i32
          %lt3A_403 = arith.cmpi slt, %select_n3A_393, %lt3A_402 : i32
          %ne3A_404 = vector.broadcast %lt3A_403 : i1 to vector<16xi1>
          %ne3A_405 = vector.broadcast %ne3A_404 : vector<16xi1> to vector<16xi1>
          %ne3A_406 = arith.xori %lt3A_401, %ne3A_405 : vector<16xi1>
          %and3A_407 = arith.andi %ne3A_406, %ne3A_398 : vector<16xi1>
          %add3A_408 = vector.broadcast %select_n3A_393 : i32 to vector<16xi32>
          %add3A_409 = arith.addi %rem3A_395, %add3A_408 : vector<16xi32>
          %select_n3A_410 = arith.select %and3A_407, %add3A_409, %rem3A_395 : vector<16xi1>, vector<16xi32>
          %lt3A_411 = arith.constant 0 : i32
          %lt3A_412 = vector.broadcast %lt3A_411 : i32 to vector<16xi32>
          %lt3A_413 = arith.cmpi slt, %select_n3A_410, %lt3A_412 : vector<16xi32>
          %add3A_414 = arith.constant 16 : i32
          %add3A_415 = vector.broadcast %add3A_414 : i32 to vector<16xi32>
          %add3A_416 = arith.addi %select_n3A_410, %add3A_415 : vector<16xi32>
          %select_n3A_417 = arith.select %lt3A_413, %add3A_416, %select_n3A_410 : vector<16xi1>, vector<16xi32>
          %broadcast_in_dim3A_418 = vector.shape_cast %select_n3A_417 : vector<16xi32> to vector<16x1xi32>
          %gather3A_419 = vector.shape_cast %broadcast_in_dim3A_418 : vector<16x1xi32> to vector<16xi32>
          %gather3A_420 = tpu.dynamic_gather %add3A_385[%gather3A_419] in [0] : vector<16xf32>, vector<16xi32> -> vector<16xf32>
          %add3A_421 = arith.addf %add3A_385, %gather3A_420 : vector<16xf32>
          %add3A_422 = arith.constant 4 : i32
          %add3A_423 = vector.broadcast %add3A_422 : i32 to vector<16xi32>
          %add3A_424 = arith.addi %iota3A, %add3A_423 : vector<16xi32>
          %jit3A_425 = arith.constant 16 : i32
          %eq3A_426 = arith.constant 0 : i32
          %eq3A_427 = arith.cmpi eq, %jit3A_425, %eq3A_426 : i32
          %jit3A_428 = arith.constant 1 : i32
          %select_n3A_429 = arith.select %eq3A_427, %jit3A_428, %jit3A_425 : i32
          %rem3A_430 = vector.broadcast %select_n3A_429 : i32 to vector<16xi32>
          %rem3A_431 = arith.remsi %add3A_424, %rem3A_430 : vector<16xi32>
          %ne3A_432 = arith.constant 0 : i32
          %ne3A_433 = vector.broadcast %ne3A_432 : i32 to vector<16xi32>
          %ne3A_434 = arith.cmpi ne, %rem3A_431, %ne3A_433 : vector<16xi32>
          %lt3A_435 = arith.constant 0 : i32
          %lt3A_436 = vector.broadcast %lt3A_435 : i32 to vector<16xi32>
          %lt3A_437 = arith.cmpi slt, %rem3A_431, %lt3A_436 : vector<16xi32>
          %lt3A_438 = arith.constant 0 : i32
          %lt3A_439 = arith.cmpi slt, %select_n3A_429, %lt3A_438 : i32
          %ne3A_440 = vector.broadcast %lt3A_439 : i1 to vector<16xi1>
          %ne3A_441 = vector.broadcast %ne3A_440 : vector<16xi1> to vector<16xi1>
          %ne3A_442 = arith.xori %lt3A_437, %ne3A_441 : vector<16xi1>
          %and3A_443 = arith.andi %ne3A_442, %ne3A_434 : vector<16xi1>
          %add3A_444 = vector.broadcast %select_n3A_429 : i32 to vector<16xi32>
          %add3A_445 = arith.addi %rem3A_431, %add3A_444 : vector<16xi32>
          %select_n3A_446 = arith.select %and3A_443, %add3A_445, %rem3A_431 : vector<16xi1>, vector<16xi32>
          %lt3A_447 = arith.constant 0 : i32
          %lt3A_448 = vector.broadcast %lt3A_447 : i32 to vector<16xi32>
          %lt3A_449 = arith.cmpi slt, %select_n3A_446, %lt3A_448 : vector<16xi32>
          %add3A_450 = arith.constant 16 : i32
          %add3A_451 = vector.broadcast %add3A_450 : i32 to vector<16xi32>
          %add3A_452 = arith.addi %select_n3A_446, %add3A_451 : vector<16xi32>
          %select_n3A_453 = arith.select %lt3A_449, %add3A_452, %select_n3A_446 : vector<16xi1>, vector<16xi32>
          %broadcast_in_dim3A_454 = vector.shape_cast %select_n3A_453 : vector<16xi32> to vector<16x1xi32>
          %gather3A_455 = vector.shape_cast %broadcast_in_dim3A_454 : vector<16x1xi32> to vector<16xi32>
          %gather3A_456 = tpu.dynamic_gather %add3A_421[%gather3A_455] in [0] : vector<16xf32>, vector<16xi32> -> vector<16xf32>
          %add3A_457 = arith.addf %add3A_421, %gather3A_456 : vector<16xf32>
          %add3A_458 = arith.constant 2 : i32
          %add3A_459 = vector.broadcast %add3A_458 : i32 to vector<16xi32>
          %add3A_460 = arith.addi %iota3A, %add3A_459 : vector<16xi32>
          %jit3A_461 = arith.constant 16 : i32
          %eq3A_462 = arith.constant 0 : i32
          %eq3A_463 = arith.cmpi eq, %jit3A_461, %eq3A_462 : i32
          %jit3A_464 = arith.constant 1 : i32
          %select_n3A_465 = arith.select %eq3A_463, %jit3A_464, %jit3A_461 : i32
          %rem3A_466 = vector.broadcast %select_n3A_465 : i32 to vector<16xi32>
          %rem3A_467 = arith.remsi %add3A_460, %rem3A_466 : vector<16xi32>
          %ne3A_468 = arith.constant 0 : i32
          %ne3A_469 = vector.broadcast %ne3A_468 : i32 to vector<16xi32>
          %ne3A_470 = arith.cmpi ne, %rem3A_467, %ne3A_469 : vector<16xi32>
          %lt3A_471 = arith.constant 0 : i32
          %lt3A_472 = vector.broadcast %lt3A_471 : i32 to vector<16xi32>
          %lt3A_473 = arith.cmpi slt, %rem3A_467, %lt3A_472 : vector<16xi32>
          %lt3A_474 = arith.constant 0 : i32
          %lt3A_475 = arith.cmpi slt, %select_n3A_465, %lt3A_474 : i32
          %ne3A_476 = vector.broadcast %lt3A_475 : i1 to vector<16xi1>
          %ne3A_477 = vector.broadcast %ne3A_476 : vector<16xi1> to vector<16xi1>
          %ne3A_478 = arith.xori %lt3A_473, %ne3A_477 : vector<16xi1>
          %and3A_479 = arith.andi %ne3A_478, %ne3A_470 : vector<16xi1>
          %add3A_480 = vector.broadcast %select_n3A_465 : i32 to vector<16xi32>
          %add3A_481 = arith.addi %rem3A_467, %add3A_480 : vector<16xi32>
          %select_n3A_482 = arith.select %and3A_479, %add3A_481, %rem3A_467 : vector<16xi1>, vector<16xi32>
          %lt3A_483 = arith.constant 0 : i32
          %lt3A_484 = vector.broadcast %lt3A_483 : i32 to vector<16xi32>
          %lt3A_485 = arith.cmpi slt, %select_n3A_482, %lt3A_484 : vector<16xi32>
          %add3A_486 = arith.constant 16 : i32
          %add3A_487 = vector.broadcast %add3A_486 : i32 to vector<16xi32>
          %add3A_488 = arith.addi %select_n3A_482, %add3A_487 : vector<16xi32>
          %select_n3A_489 = arith.select %lt3A_485, %add3A_488, %select_n3A_482 : vector<16xi1>, vector<16xi32>
          %broadcast_in_dim3A_490 = vector.shape_cast %select_n3A_489 : vector<16xi32> to vector<16x1xi32>
          %gather3A_491 = vector.shape_cast %broadcast_in_dim3A_490 : vector<16x1xi32> to vector<16xi32>
          %gather3A_492 = tpu.dynamic_gather %add3A_457[%gather3A_491] in [0] : vector<16xf32>, vector<16xi32> -> vector<16xf32>
          %add3A_493 = arith.addf %add3A_457, %gather3A_492 : vector<16xf32>
          %add3A_494 = arith.constant 1 : i32
          %add3A_495 = vector.broadcast %add3A_494 : i32 to vector<16xi32>
          %add3A_496 = arith.addi %iota3A, %add3A_495 : vector<16xi32>
          %jit3A_497 = arith.constant 16 : i32
          %eq3A_498 = arith.constant 0 : i32
          %eq3A_499 = arith.cmpi eq, %jit3A_497, %eq3A_498 : i32
          %jit3A_500 = arith.constant 1 : i32
          %select_n3A_501 = arith.select %eq3A_499, %jit3A_500, %jit3A_497 : i32
          %rem3A_502 = vector.broadcast %select_n3A_501 : i32 to vector<16xi32>
          %rem3A_503 = arith.remsi %add3A_496, %rem3A_502 : vector<16xi32>
          %ne3A_504 = arith.constant 0 : i32
          %ne3A_505 = vector.broadcast %ne3A_504 : i32 to vector<16xi32>
          %ne3A_506 = arith.cmpi ne, %rem3A_503, %ne3A_505 : vector<16xi32>
          %lt3A_507 = arith.constant 0 : i32
          %lt3A_508 = vector.broadcast %lt3A_507 : i32 to vector<16xi32>
          %lt3A_509 = arith.cmpi slt, %rem3A_503, %lt3A_508 : vector<16xi32>
          %lt3A_510 = arith.constant 0 : i32
          %lt3A_511 = arith.cmpi slt, %select_n3A_501, %lt3A_510 : i32
          %ne3A_512 = vector.broadcast %lt3A_511 : i1 to vector<16xi1>
          %ne3A_513 = vector.broadcast %ne3A_512 : vector<16xi1> to vector<16xi1>
          %ne3A_514 = arith.xori %lt3A_509, %ne3A_513 : vector<16xi1>
          %and3A_515 = arith.andi %ne3A_514, %ne3A_506 : vector<16xi1>
          %add3A_516 = vector.broadcast %select_n3A_501 : i32 to vector<16xi32>
          %add3A_517 = arith.addi %rem3A_503, %add3A_516 : vector<16xi32>
          %select_n3A_518 = arith.select %and3A_515, %add3A_517, %rem3A_503 : vector<16xi1>, vector<16xi32>
          %lt3A_519 = arith.constant 0 : i32
          %lt3A_520 = vector.broadcast %lt3A_519 : i32 to vector<16xi32>
          %lt3A_521 = arith.cmpi slt, %select_n3A_518, %lt3A_520 : vector<16xi32>
          %add3A_522 = arith.constant 16 : i32
          %add3A_523 = vector.broadcast %add3A_522 : i32 to vector<16xi32>
          %add3A_524 = arith.addi %select_n3A_518, %add3A_523 : vector<16xi32>
          %select_n3A_525 = arith.select %lt3A_521, %add3A_524, %select_n3A_518 : vector<16xi1>, vector<16xi32>
          %broadcast_in_dim3A_526 = vector.shape_cast %select_n3A_525 : vector<16xi32> to vector<16x1xi32>
          %gather3A_527 = vector.shape_cast %broadcast_in_dim3A_526 : vector<16x1xi32> to vector<16xi32>
          %gather3A_528 = tpu.dynamic_gather %add3A_493[%gather3A_527] in [0] : vector<16xf32>, vector<16xi32> -> vector<16xf32>
          %add3A_529 = arith.addf %add3A_493, %gather3A_528 : vector<16xf32>
          %eq3A_530 = arith.constant 1 : i32
          %eq3A_531 = vector.broadcast %eq3A_530 : i32 to vector<16xi32>
          %eq3A_532 = arith.cmpi eq, %iota3A, %eq3A_531 : vector<16xi32>
          %select_n3A_533 = arith.select %eq3A_532, %add3A_529, %select_n3A_306 : vector<16xi1>, vector<16xf32>
          %mul3A_534 = arith.constant 16 : i32
          %mul3A_535 = arith.muli %scan3A_80, %mul3A_534 : i32
          %add3A_536 = arith.constant 2 : i32
          %add3A_537 = arith.addi %mul3A_535, %add3A_536 : i32
          %broadcast_in_dim3A_538 = arith.constant 2 : i32
          %broadcast_in_dim3A_539 = vector.broadcast %broadcast_in_dim3A_538 : i32 to vector<16xi32>
          %lt3A_540 = arith.constant 0 : i32
          %lt3A_541 = vector.broadcast %lt3A_540 : i32 to vector<16xi32>
          %lt3A_542 = arith.cmpi slt, %broadcast_in_dim3A_539, %lt3A_541 : vector<16xi32>
          %add3A_543 = arith.constant 16 : i32
          %add3A_544 = vector.broadcast %add3A_543 : i32 to vector<16xi32>
          %add3A_545 = arith.addi %broadcast_in_dim3A_539, %add3A_544 : vector<16xi32>
          %select_n3A_546 = arith.select %lt3A_542, %add3A_545, %broadcast_in_dim3A_539 : vector<16xi1>, vector<16xi32>
          %broadcast_in_dim3A_547 = vector.shape_cast %select_n3A_546 : vector<16xi32> to vector<16x1xi32>
          %gather3A_548 = vector.shape_cast %broadcast_in_dim3A_547 : vector<16x1xi32> to vector<16xi32>
          %gather3A_549 = tpu.dynamic_gather %get3A_88[%gather3A_548] in [0] : vector<16xf32>, vector<16xi32> -> vector<16xf32>
          %get3A_550 = arith.index_cast %add3A_537 : i32 to index
          %get3A_551 = arith.constant 0 : index
          %get3A_552 = tpu.vector_load %arg13[%get3A_550, %get3A_551] {strides = array<i32>} : memref<128x128xf32, #tpu.memory_space<vmem>>, vector<1x16xf32>,
          %get3A_553 = vector.shape_cast %get3A_552 : vector<1x16xf32> to vector<16xf32>
          %get3A_554 = arith.index_cast %add3A_537 : i32 to index
          %get3A_555 = arith.constant 64 : index
          %get3A_556 = tpu.vector_load %arg14[%get3A_554, %get3A_555] {strides = array<i32>} : memref<128x128xf32, #tpu.memory_space<vmem>>, vector<1x16xf32>,
          %get3A_557 = vector.shape_cast %get3A_556 : vector<1x16xf32> to vector<16xf32>
          %add3A_558 = arith.addf %get3A_553, %get3A_557 : vector<16xf32>
          %mul3A_559 = arith.mulf %gather3A_549, %get3A_2 : vector<16xf32>
          %add3A_560 = arith.addf %add3A_558, %mul3A_559 : vector<16xf32>
          %max3A_561 = arith.constant 0.000000e+00 : f32
          %max3A_562 = vector.broadcast %max3A_561 : f32 to vector<16xf32>
          %max3A_563 = arith.maximumf %add3A_560, %max3A_562 : vector<16xf32>
          %mul3A_564 = arith.mulf %max3A_563, %get3A_14 : vector<16xf32>
          %get3A_565 = arith.index_cast %add3A_537 : i32 to index
          %get3A_566 = arith.constant 16 : index
          %get3A_567 = tpu.vector_load %arg13[%get3A_565, %get3A_566] {strides = array<i32>} : memref<128x128xf32, #tpu.memory_space<vmem>>, vector<1x16xf32>,
          %get3A_568 = vector.shape_cast %get3A_567 : vector<1x16xf32> to vector<16xf32>
          %get3A_569 = arith.index_cast %add3A_537 : i32 to index
          %get3A_570 = arith.constant 80 : index
          %get3A_571 = tpu.vector_load %arg14[%get3A_569, %get3A_570] {strides = array<i32>} : memref<128x128xf32, #tpu.memory_space<vmem>>, vector<1x16xf32>,
          %get3A_572 = vector.shape_cast %get3A_571 : vector<1x16xf32> to vector<16xf32>
          %add3A_573 = arith.addf %get3A_568, %get3A_572 : vector<16xf32>
          %mul3A_574 = arith.mulf %gather3A_549, %get3A_5 : vector<16xf32>
          %add3A_575 = arith.addf %add3A_573, %mul3A_574 : vector<16xf32>
          %max3A_576 = arith.constant 0.000000e+00 : f32
          %max3A_577 = vector.broadcast %max3A_576 : f32 to vector<16xf32>
          %max3A_578 = arith.maximumf %add3A_575, %max3A_577 : vector<16xf32>
          %mul3A_579 = arith.mulf %max3A_578, %get3A_17 : vector<16xf32>
          %add3A_580 = arith.addf %mul3A_564, %mul3A_579 : vector<16xf32>
          %get3A_581 = arith.index_cast %add3A_537 : i32 to index
          %get3A_582 = arith.constant 32 : index
          %get3A_583 = tpu.vector_load %arg13[%get3A_581, %get3A_582] {strides = array<i32>} : memref<128x128xf32, #tpu.memory_space<vmem>>, vector<1x16xf32>,
          %get3A_584 = vector.shape_cast %get3A_583 : vector<1x16xf32> to vector<16xf32>
          %get3A_585 = arith.index_cast %add3A_537 : i32 to index
          %get3A_586 = arith.constant 96 : index
          %get3A_587 = tpu.vector_load %arg14[%get3A_585, %get3A_586] {strides = array<i32>} : memref<128x128xf32, #tpu.memory_space<vmem>>, vector<1x16xf32>,
          %get3A_588 = vector.shape_cast %get3A_587 : vector<1x16xf32> to vector<16xf32>
          %add3A_589 = arith.addf %get3A_584, %get3A_588 : vector<16xf32>
          %mul3A_590 = arith.mulf %gather3A_549, %get3A_8 : vector<16xf32>
          %add3A_591 = arith.addf %add3A_589, %mul3A_590 : vector<16xf32>
          %max3A_592 = arith.constant 0.000000e+00 : f32
          %max3A_593 = vector.broadcast %max3A_592 : f32 to vector<16xf32>
          %max3A_594 = arith.maximumf %add3A_591, %max3A_593 : vector<16xf32>
          %mul3A_595 = arith.mulf %max3A_594, %get3A_20 : vector<16xf32>
          %add3A_596 = arith.addf %add3A_580, %mul3A_595 : vector<16xf32>
          %get3A_597 = arith.index_cast %add3A_537 : i32 to index
          %get3A_598 = arith.constant 48 : index
          %get3A_599 = tpu.vector_load %arg13[%get3A_597, %get3A_598] {strides = array<i32>} : memref<128x128xf32, #tpu.memory_space<vmem>>, vector<1x16xf32>,
          %get3A_600 = vector.shape_cast %get3A_599 : vector<1x16xf32> to vector<16xf32>
          %get3A_601 = arith.index_cast %add3A_537 : i32 to index
          %get3A_602 = arith.constant 112 : index
          %get3A_603 = tpu.vector_load %arg14[%get3A_601, %get3A_602] {strides = array<i32>} : memref<128x128xf32, #tpu.memory_space<vmem>>, vector<1x16xf32>,
          %get3A_604 = vector.shape_cast %get3A_603 : vector<1x16xf32> to vector<16xf32>
          %add3A_605 = arith.addf %get3A_600, %get3A_604 : vector<16xf32>
          %mul3A_606 = arith.mulf %gather3A_549, %get3A_11 : vector<16xf32>
          %add3A_607 = arith.addf %add3A_605, %mul3A_606 : vector<16xf32>
          %max3A_608 = arith.constant 0.000000e+00 : f32
          %max3A_609 = vector.broadcast %max3A_608 : f32 to vector<16xf32>
          %max3A_610 = arith.maximumf %add3A_607, %max3A_609 : vector<16xf32>
          %mul3A_611 = arith.mulf %max3A_610, %get3A_23 : vector<16xf32>
          %add3A_612 = arith.addf %add3A_596, %mul3A_611 : vector<16xf32>
          %add3A_613 = arith.constant 8 : i32
          %add3A_614 = vector.broadcast %add3A_613 : i32 to vector<16xi32>
          %add3A_615 = arith.addi %iota3A, %add3A_614 : vector<16xi32>
          %jit3A_616 = arith.constant 16 : i32
          %eq3A_617 = arith.constant 0 : i32
          %eq3A_618 = arith.cmpi eq, %jit3A_616, %eq3A_617 : i32
          %jit3A_619 = arith.constant 1 : i32
          %select_n3A_620 = arith.select %eq3A_618, %jit3A_619, %jit3A_616 : i32
          %rem3A_621 = vector.broadcast %select_n3A_620 : i32 to vector<16xi32>
          %rem3A_622 = arith.remsi %add3A_615, %rem3A_621 : vector<16xi32>
          %ne3A_623 = arith.constant 0 : i32
          %ne3A_624 = vector.broadcast %ne3A_623 : i32 to vector<16xi32>
          %ne3A_625 = arith.cmpi ne, %rem3A_622, %ne3A_624 : vector<16xi32>
          %lt3A_626 = arith.constant 0 : i32
          %lt3A_627 = vector.broadcast %lt3A_626 : i32 to vector<16xi32>
          %lt3A_628 = arith.cmpi slt, %rem3A_622, %lt3A_627 : vector<16xi32>
          %lt3A_629 = arith.constant 0 : i32
          %lt3A_630 = arith.cmpi slt, %select_n3A_620, %lt3A_629 : i32
          %ne3A_631 = vector.broadcast %lt3A_630 : i1 to vector<16xi1>
          %ne3A_632 = vector.broadcast %ne3A_631 : vector<16xi1> to vector<16xi1>
          %ne3A_633 = arith.xori %lt3A_628, %ne3A_632 : vector<16xi1>
          %and3A_634 = arith.andi %ne3A_633, %ne3A_625 : vector<16xi1>
          %add3A_635 = vector.broadcast %select_n3A_620 : i32 to vector<16xi32>
          %add3A_636 = arith.addi %rem3A_622, %add3A_635 : vector<16xi32>
          %select_n3A_637 = arith.select %and3A_634, %add3A_636, %rem3A_622 : vector<16xi1>, vector<16xi32>
          %lt3A_638 = arith.constant 0 : i32
          %lt3A_639 = vector.broadcast %lt3A_638 : i32 to vector<16xi32>
          %lt3A_640 = arith.cmpi slt, %select_n3A_637, %lt3A_639 : vector<16xi32>
          %add3A_641 = arith.constant 16 : i32
          %add3A_642 = vector.broadcast %add3A_641 : i32 to vector<16xi32>
          %add3A_643 = arith.addi %select_n3A_637, %add3A_642 : vector<16xi32>
          %select_n3A_644 = arith.select %lt3A_640, %add3A_643, %select_n3A_637 : vector<16xi1>, vector<16xi32>
          %broadcast_in_dim3A_645 = vector.shape_cast %select_n3A_644 : vector<16xi32> to vector<16x1xi32>
          %gather3A_646 = vector.shape_cast %broadcast_in_dim3A_645 : vector<16x1xi32> to vector<16xi32>
          %gather3A_647 = tpu.dynamic_gather %add3A_612[%gather3A_646] in [0] : vector<16xf32>, vector<16xi32> -> vector<16xf32>
          %add3A_648 = arith.addf %add3A_612, %gather3A_647 : vector<16xf32>
          %add3A_649 = arith.constant 4 : i32
          %add3A_650 = vector.broadcast %add3A_649 : i32 to vector<16xi32>
          %add3A_651 = arith.addi %iota3A, %add3A_650 : vector<16xi32>
          %jit3A_652 = arith.constant 16 : i32
          %eq3A_653 = arith.constant 0 : i32
          %eq3A_654 = arith.cmpi eq, %jit3A_652, %eq3A_653 : i32
          %jit3A_655 = arith.constant 1 : i32
          %select_n3A_656 = arith.select %eq3A_654, %jit3A_655, %jit3A_652 : i32
          %rem3A_657 = vector.broadcast %select_n3A_656 : i32 to vector<16xi32>
          %rem3A_658 = arith.remsi %add3A_651, %rem3A_657 : vector<16xi32>
          %ne3A_659 = arith.constant 0 : i32
          %ne3A_660 = vector.broadcast %ne3A_659 : i32 to vector<16xi32>
          %ne3A_661 = arith.cmpi ne, %rem3A_658, %ne3A_660 : vector<16xi32>
          %lt3A_662 = arith.constant 0 : i32
          %lt3A_663 = vector.broadcast %lt3A_662 : i32 to vector<16xi32>
          %lt3A_664 = arith.cmpi slt, %rem3A_658, %lt3A_663 : vector<16xi32>
          %lt3A_665 = arith.constant 0 : i32
          %lt3A_666 = arith.cmpi slt, %select_n3A_656, %lt3A_665 : i32
          %ne3A_667 = vector.broadcast %lt3A_666 : i1 to vector<16xi1>
          %ne3A_668 = vector.broadcast %ne3A_667 : vector<16xi1> to vector<16xi1>
          %ne3A_669 = arith.xori %lt3A_664, %ne3A_668 : vector<16xi1>
          %and3A_670 = arith.andi %ne3A_669, %ne3A_661 : vector<16xi1>
          %add3A_671 = vector.broadcast %select_n3A_656 : i32 to vector<16xi32>
          %add3A_672 = arith.addi %rem3A_658, %add3A_671 : vector<16xi32>
          %select_n3A_673 = arith.select %and3A_670, %add3A_672, %rem3A_658 : vector<16xi1>, vector<16xi32>
          %lt3A_674 = arith.constant 0 : i32
          %lt3A_675 = vector.broadcast %lt3A_674 : i32 to vector<16xi32>
          %lt3A_676 = arith.cmpi slt, %select_n3A_673, %lt3A_675 : vector<16xi32>
          %add3A_677 = arith.constant 16 : i32
          %add3A_678 = vector.broadcast %add3A_677 : i32 to vector<16xi32>
          %add3A_679 = arith.addi %select_n3A_673, %add3A_678 : vector<16xi32>
          %select_n3A_680 = arith.select %lt3A_676, %add3A_679, %select_n3A_673 : vector<16xi1>, vector<16xi32>
          %broadcast_in_dim3A_681 = vector.shape_cast %select_n3A_680 : vector<16xi32> to vector<16x1xi32>
          %gather3A_682 = vector.shape_cast %broadcast_in_dim3A_681 : vector<16x1xi32> to vector<16xi32>
          %gather3A_683 = tpu.dynamic_gather %add3A_648[%gather3A_682] in [0] : vector<16xf32>, vector<16xi32> -> vector<16xf32>
          %add3A_684 = arith.addf %add3A_648, %gather3A_683 : vector<16xf32>
          %add3A_685 = arith.constant 2 : i32
          %add3A_686 = vector.broadcast %add3A_685 : i32 to vector<16xi32>
          %add3A_687 = arith.addi %iota3A, %add3A_686 : vector<16xi32>
          %jit3A_688 = arith.constant 16 : i32
          %eq3A_689 = arith.constant 0 : i32
          %eq3A_690 = arith.cmpi eq, %jit3A_688, %eq3A_689 : i32
          %jit3A_691 = arith.constant 1 : i32
          %select_n3A_692 = arith.select %eq3A_690, %jit3A_691, %jit3A_688 : i32
          %rem3A_693 = vector.broadcast %select_n3A_692 : i32 to vector<16xi32>
          %rem3A_694 = arith.remsi %add3A_687, %rem3A_693 : vector<16xi32>
          %ne3A_695 = arith.constant 0 : i32
          %ne3A_696 = vector.broadcast %ne3A_695 : i32 to vector<16xi32>
          %ne3A_697 = arith.cmpi ne, %rem3A_694, %ne3A_696 : vector<16xi32>
          %lt3A_698 = arith.constant 0 : i32
          %lt3A_699 = vector.broadcast %lt3A_698 : i32 to vector<16xi32>
          %lt3A_700 = arith.cmpi slt, %rem3A_694, %lt3A_699 : vector<16xi32>
          %lt3A_701 = arith.constant 0 : i32
          %lt3A_702 = arith.cmpi slt, %select_n3A_692, %lt3A_701 : i32
          %ne3A_703 = vector.broadcast %lt3A_702 : i1 to vector<16xi1>
          %ne3A_704 = vector.broadcast %ne3A_703 : vector<16xi1> to vector<16xi1>
          %ne3A_705 = arith.xori %lt3A_700, %ne3A_704 : vector<16xi1>
          %and3A_706 = arith.andi %ne3A_705, %ne3A_697 : vector<16xi1>
          %add3A_707 = vector.broadcast %select_n3A_692 : i32 to vector<16xi32>
          %add3A_708 = arith.addi %rem3A_694, %add3A_707 : vector<16xi32>
          %select_n3A_709 = arith.select %and3A_706, %add3A_708, %rem3A_694 : vector<16xi1>, vector<16xi32>
          %lt3A_710 = arith.constant 0 : i32
          %lt3A_711 = vector.broadcast %lt3A_710 : i32 to vector<16xi32>
          %lt3A_712 = arith.cmpi slt, %select_n3A_709, %lt3A_711 : vector<16xi32>
          %add3A_713 = arith.constant 16 : i32
          %add3A_714 = vector.broadcast %add3A_713 : i32 to vector<16xi32>
          %add3A_715 = arith.addi %select_n3A_709, %add3A_714 : vector<16xi32>
          %select_n3A_716 = arith.select %lt3A_712, %add3A_715, %select_n3A_709 : vector<16xi1>, vector<16xi32>
          %broadcast_in_dim3A_717 = vector.shape_cast %select_n3A_716 : vector<16xi32> to vector<16x1xi32>
          %gather3A_718 = vector.shape_cast %broadcast_in_dim3A_717 : vector<16x1xi32> to vector<16xi32>
          %gather3A_719 = tpu.dynamic_gather %add3A_684[%gather3A_718] in [0] : vector<16xf32>, vector<16xi32> -> vector<16xf32>
          %add3A_720 = arith.addf %add3A_684, %gather3A_719 : vector<16xf32>
          %add3A_721 = arith.constant 1 : i32
          %add3A_722 = vector.broadcast %add3A_721 : i32 to vector<16xi32>
          %add3A_723 = arith.addi %iota3A, %add3A_722 : vector<16xi32>
          %jit3A_724 = arith.constant 16 : i32
          %eq3A_725 = arith.constant 0 : i32
          %eq3A_726 = arith.cmpi eq, %jit3A_724, %eq3A_725 : i32
          %jit3A_727 = arith.constant 1 : i32
          %select_n3A_728 = arith.select %eq3A_726, %jit3A_727, %jit3A_724 : i32
          %rem3A_729 = vector.broadcast %select_n3A_728 : i32 to vector<16xi32>
          %rem3A_730 = arith.remsi %add3A_723, %rem3A_729 : vector<16xi32>
          %ne3A_731 = arith.constant 0 : i32
          %ne3A_732 = vector.broadcast %ne3A_731 : i32 to vector<16xi32>
          %ne3A_733 = arith.cmpi ne, %rem3A_730, %ne3A_732 : vector<16xi32>
          %lt3A_734 = arith.constant 0 : i32
          %lt3A_735 = vector.broadcast %lt3A_734 : i32 to vector<16xi32>
          %lt3A_736 = arith.cmpi slt, %rem3A_730, %lt3A_735 : vector<16xi32>
          %lt3A_737 = arith.constant 0 : i32
          %lt3A_738 = arith.cmpi slt, %select_n3A_728, %lt3A_737 : i32
          %ne3A_739 = vector.broadcast %lt3A_738 : i1 to vector<16xi1>
          %ne3A_740 = vector.broadcast %ne3A_739 : vector<16xi1> to vector<16xi1>
          %ne3A_741 = arith.xori %lt3A_736, %ne3A_740 : vector<16xi1>
          %and3A_742 = arith.andi %ne3A_741, %ne3A_733 : vector<16xi1>
          %add3A_743 = vector.broadcast %select_n3A_728 : i32 to vector<16xi32>
          %add3A_744 = arith.addi %rem3A_730, %add3A_743 : vector<16xi32>
          %select_n3A_745 = arith.select %and3A_742, %add3A_744, %rem3A_730 : vector<16xi1>, vector<16xi32>
          %lt3A_746 = arith.constant 0 : i32
          %lt3A_747 = vector.broadcast %lt3A_746 : i32 to vector<16xi32>
          %lt3A_748 = arith.cmpi slt, %select_n3A_745, %lt3A_747 : vector<16xi32>
          %add3A_749 = arith.constant 16 : i32
          %add3A_750 = vector.broadcast %add3A_749 : i32 to vector<16xi32>
          %add3A_751 = arith.addi %select_n3A_745, %add3A_750 : vector<16xi32>
          %select_n3A_752 = arith.select %lt3A_748, %add3A_751, %select_n3A_745 : vector<16xi1>, vector<16xi32>
          %broadcast_in_dim3A_753 = vector.shape_cast %select_n3A_752 : vector<16xi32> to vector<16x1xi32>
          %gather3A_754 = vector.shape_cast %broadcast_in_dim3A_753 : vector<16x1xi32> to vector<16xi32>
          %gather3A_755 = tpu.dynamic_gather %add3A_720[%gather3A_754] in [0] : vector<16xf32>, vector<16xi32> -> vector<16xf32>
          %add3A_756 = arith.addf %add3A_720, %gather3A_755 : vector<16xf32>
          %eq3A_757 = arith.constant 2 : i32
          %eq3A_758 = vector.broadcast %eq3A_757 : i32 to vector<16xi32>
          %eq3A_759 = arith.cmpi eq, %iota3A, %eq3A_758 : vector<16xi32>
          %select_n3A_760 = arith.select %eq3A_759, %add3A_756, %select_n3A_533 : vector<16xi1>, vector<16xf32>
          %mul3A_761 = arith.constant 16 : i32
          %mul3A_762 = arith.muli %scan3A_80, %mul3A_761 : i32
          %add3A_763 = arith.constant 3 : i32
          %add3A_764 = arith.addi %mul3A_762, %add3A_763 : i32
          %broadcast_in_dim3A_765 = arith.constant 3 : i32
          %broadcast_in_dim3A_766 = vector.broadcast %broadcast_in_dim3A_765 : i32 to vector<16xi32>
          %lt3A_767 = arith.constant 0 : i32
          %lt3A_768 = vector.broadcast %lt3A_767 : i32 to vector<16xi32>
          %lt3A_769 = arith.cmpi slt, %broadcast_in_dim3A_766, %lt3A_768 : vector<16xi32>
          %add3A_770 = arith.constant 16 : i32
          %add3A_771 = vector.broadcast %add3A_770 : i32 to vector<16xi32>
          %add3A_772 = arith.addi %broadcast_in_dim3A_766, %add3A_771 : vector<16xi32>
          %select_n3A_773 = arith.select %lt3A_769, %add3A_772, %broadcast_in_dim3A_766 : vector<16xi1>, vector<16xi32>
          %broadcast_in_dim3A_774 = vector.shape_cast %select_n3A_773 : vector<16xi32> to vector<16x1xi32>
          %gather3A_775 = vector.shape_cast %broadcast_in_dim3A_774 : vector<16x1xi32> to vector<16xi32>
          %gather3A_776 = tpu.dynamic_gather %get3A_88[%gather3A_775] in [0] : vector<16xf32>, vector<16xi32> -> vector<16xf32>
          %get3A_777 = arith.index_cast %add3A_764 : i32 to index
          %get3A_778 = arith.constant 0 : index
          %get3A_779 = tpu.vector_load %arg13[%get3A_777, %get3A_778] {strides = array<i32>} : memref<128x128xf32, #tpu.memory_space<vmem>>, vector<1x16xf32>,
          %get3A_780 = vector.shape_cast %get3A_779 : vector<1x16xf32> to vector<16xf32>
          %get3A_781 = arith.index_cast %add3A_764 : i32 to index
          %get3A_782 = arith.constant 64 : index
          %get3A_783 = tpu.vector_load %arg14[%get3A_781, %get3A_782] {strides = array<i32>} : memref<128x128xf32, #tpu.memory_space<vmem>>, vector<1x16xf32>,
          %get3A_784 = vector.shape_cast %get3A_783 : vector<1x16xf32> to vector<16xf32>
          %add3A_785 = arith.addf %get3A_780, %get3A_784 : vector<16xf32>
          %mul3A_786 = arith.mulf %gather3A_776, %get3A_2 : vector<16xf32>
          %add3A_787 = arith.addf %add3A_785, %mul3A_786 : vector<16xf32>
          %max3A_788 = arith.constant 0.000000e+00 : f32
          %max3A_789 = vector.broadcast %max3A_788 : f32 to vector<16xf32>
          %max3A_790 = arith.maximumf %add3A_787, %max3A_789 : vector<16xf32>
          %mul3A_791 = arith.mulf %max3A_790, %get3A_14 : vector<16xf32>
          %get3A_792 = arith.index_cast %add3A_764 : i32 to index
          %get3A_793 = arith.constant 16 : index
          %get3A_794 = tpu.vector_load %arg13[%get3A_792, %get3A_793] {strides = array<i32>} : memref<128x128xf32, #tpu.memory_space<vmem>>, vector<1x16xf32>,
          %get3A_795 = vector.shape_cast %get3A_794 : vector<1x16xf32> to vector<16xf32>
          %get3A_796 = arith.index_cast %add3A_764 : i32 to index
          %get3A_797 = arith.constant 80 : index
          %get3A_798 = tpu.vector_load %arg14[%get3A_796, %get3A_797] {strides = array<i32>} : memref<128x128xf32, #tpu.memory_space<vmem>>, vector<1x16xf32>,
          %get3A_799 = vector.shape_cast %get3A_798 : vector<1x16xf32> to vector<16xf32>
          %add3A_800 = arith.addf %get3A_795, %get3A_799 : vector<16xf32>
          %mul3A_801 = arith.mulf %gather3A_776, %get3A_5 : vector<16xf32>
          %add3A_802 = arith.addf %add3A_800, %mul3A_801 : vector<16xf32>
          %max3A_803 = arith.constant 0.000000e+00 : f32
          %max3A_804 = vector.broadcast %max3A_803 : f32 to vector<16xf32>
          %max3A_805 = arith.maximumf %add3A_802, %max3A_804 : vector<16xf32>
          %mul3A_806 = arith.mulf %max3A_805, %get3A_17 : vector<16xf32>
          %add3A_807 = arith.addf %mul3A_791, %mul3A_806 : vector<16xf32>
          %get3A_808 = arith.index_cast %add3A_764 : i32 to index
          %get3A_809 = arith.constant 32 : index
          %get3A_810 = tpu.vector_load %arg13[%get3A_808, %get3A_809] {strides = array<i32>} : memref<128x128xf32, #tpu.memory_space<vmem>>, vector<1x16xf32>,
          %get3A_811 = vector.shape_cast %get3A_810 : vector<1x16xf32> to vector<16xf32>
          %get3A_812 = arith.index_cast %add3A_764 : i32 to index
          %get3A_813 = arith.constant 96 : index
          %get3A_814 = tpu.vector_load %arg14[%get3A_812, %get3A_813] {strides = array<i32>} : memref<128x128xf32, #tpu.memory_space<vmem>>, vector<1x16xf32>,
          %get3A_815 = vector.shape_cast %get3A_814 : vector<1x16xf32> to vector<16xf32>
          %add3A_816 = arith.addf %get3A_811, %get3A_815 : vector<16xf32>
          %mul3A_817 = arith.mulf %gather3A_776, %get3A_8 : vector<16xf32>
          %add3A_818 = arith.addf %add3A_816, %mul3A_817 : vector<16xf32>
          %max3A_819 = arith.constant 0.000000e+00 : f32
          %max3A_820 = vector.broadcast %max3A_819 : f32 to vector<16xf32>
          %max3A_821 = arith.maximumf %add3A_818, %max3A_820 : vector<16xf32>
          %mul3A_822 = arith.mulf %max3A_821, %get3A_20 : vector<16xf32>
          %add3A_823 = arith.addf %add3A_807, %mul3A_822 : vector<16xf32>
          %get3A_824 = arith.index_cast %add3A_764 : i32 to index
          %get3A_825 = arith.constant 48 : index
          %get3A_826 = tpu.vector_load %arg13[%get3A_824, %get3A_825] {strides = array<i32>} : memref<128x128xf32, #tpu.memory_space<vmem>>, vector<1x16xf32>,
          %get3A_827 = vector.shape_cast %get3A_826 : vector<1x16xf32> to vector<16xf32>
          %get3A_828 = arith.index_cast %add3A_764 : i32 to index
          %get3A_829 = arith.constant 112 : index
          %get3A_830 = tpu.vector_load %arg14[%get3A_828, %get3A_829] {strides = array<i32>} : memref<128x128xf32, #tpu.memory_space<vmem>>, vector<1x16xf32>,
          %get3A_831 = vector.shape_cast %get3A_830 : vector<1x16xf32> to vector<16xf32>
          %add3A_832 = arith.addf %get3A_827, %get3A_831 : vector<16xf32>
          %mul3A_833 = arith.mulf %gather3A_776, %get3A_11 : vector<16xf32>
          %add3A_834 = arith.addf %add3A_832, %mul3A_833 : vector<16xf32>
          %max3A_835 = arith.constant 0.000000e+00 : f32
          %max3A_836 = vector.broadcast %max3A_835 : f32 to vector<16xf32>
          %max3A_837 = arith.maximumf %add3A_834, %max3A_836 : vector<16xf32>
          %mul3A_838 = arith.mulf %max3A_837, %get3A_23 : vector<16xf32>
          %add3A_839 = arith.addf %add3A_823, %mul3A_838 : vector<16xf32>
          %add3A_840 = arith.constant 8 : i32
          %add3A_841 = vector.broadcast %add3A_840 : i32 to vector<16xi32>
          %add3A_842 = arith.addi %iota3A, %add3A_841 : vector<16xi32>
          %jit3A_843 = arith.constant 16 : i32
          %eq3A_844 = arith.constant 0 : i32
          %eq3A_845 = arith.cmpi eq, %jit3A_843, %eq3A_844 : i32
          %jit3A_846 = arith.constant 1 : i32
          %select_n3A_847 = arith.select %eq3A_845, %jit3A_846, %jit3A_843 : i32
          %rem3A_848 = vector.broadcast %select_n3A_847 : i32 to vector<16xi32>
          %rem3A_849 = arith.remsi %add3A_842, %rem3A_848 : vector<16xi32>
          %ne3A_850 = arith.constant 0 : i32
          %ne3A_851 = vector.broadcast %ne3A_850 : i32 to vector<16xi32>
          %ne3A_852 = arith.cmpi ne, %rem3A_849, %ne3A_851 : vector<16xi32>
          %lt3A_853 = arith.constant 0 : i32
          %lt3A_854 = vector.broadcast %lt3A_853 : i32 to vector<16xi32>
          %lt3A_855 = arith.cmpi slt, %rem3A_849, %lt3A_854 : vector<16xi32>
          %lt3A_856 = arith.constant 0 : i32
          %lt3A_857 = arith.cmpi slt, %select_n3A_847, %lt3A_856 : i32
          %ne3A_858 = vector.broadcast %lt3A_857 : i1 to vector<16xi1>
          %ne3A_859 = vector.broadcast %ne3A_858 : vector<16xi1> to vector<16xi1>
          %ne3A_860 = arith.xori %lt3A_855, %ne3A_859 : vector<16xi1>
          %and3A_861 = arith.andi %ne3A_860, %ne3A_852 : vector<16xi1>
          %add3A_862 = vector.broadcast %select_n3A_847 : i32 to vector<16xi32>
          %add3A_863 = arith.addi %rem3A_849, %add3A_862 : vector<16xi32>
          %select_n3A_864 = arith.select %and3A_861, %add3A_863, %rem3A_849 : vector<16xi1>, vector<16xi32>
          %lt3A_865 = arith.constant 0 : i32
          %lt3A_866 = vector.broadcast %lt3A_865 : i32 to vector<16xi32>
          %lt3A_867 = arith.cmpi slt, %select_n3A_864, %lt3A_866 : vector<16xi32>
          %add3A_868 = arith.constant 16 : i32
          %add3A_869 = vector.broadcast %add3A_868 : i32 to vector<16xi32>
          %add3A_870 = arith.addi %select_n3A_864, %add3A_869 : vector<16xi32>
          %select_n3A_871 = arith.select %lt3A_867, %add3A_870, %select_n3A_864 : vector<16xi1>, vector<16xi32>
          %broadcast_in_dim3A_872 = vector.shape_cast %select_n3A_871 : vector<16xi32> to vector<16x1xi32>
          %gather3A_873 = vector.shape_cast %broadcast_in_dim3A_872 : vector<16x1xi32> to vector<16xi32>
          %gather3A_874 = tpu.dynamic_gather %add3A_839[%gather3A_873] in [0] : vector<16xf32>, vector<16xi32> -> vector<16xf32>
          %add3A_875 = arith.addf %add3A_839, %gather3A_874 : vector<16xf32>
          %add3A_876 = arith.constant 4 : i32
          %add3A_877 = vector.broadcast %add3A_876 : i32 to vector<16xi32>
          %add3A_878 = arith.addi %iota3A, %add3A_877 : vector<16xi32>
          %jit3A_879 = arith.constant 16 : i32
          %eq3A_880 = arith.constant 0 : i32
          %eq3A_881 = arith.cmpi eq, %jit3A_879, %eq3A_880 : i32
          %jit3A_882 = arith.constant 1 : i32
          %select_n3A_883 = arith.select %eq3A_881, %jit3A_882, %jit3A_879 : i32
          %rem3A_884 = vector.broadcast %select_n3A_883 : i32 to vector<16xi32>
          %rem3A_885 = arith.remsi %add3A_878, %rem3A_884 : vector<16xi32>
          %ne3A_886 = arith.constant 0 : i32
          %ne3A_887 = vector.broadcast %ne3A_886 : i32 to vector<16xi32>
          %ne3A_888 = arith.cmpi ne, %rem3A_885, %ne3A_887 : vector<16xi32>
          %lt3A_889 = arith.constant 0 : i32
          %lt3A_890 = vector.broadcast %lt3A_889 : i32 to vector<16xi32>
          %lt3A_891 = arith.cmpi slt, %rem3A_885, %lt3A_890 : vector<16xi32>
          %lt3A_892 = arith.constant 0 : i32
          %lt3A_893 = arith.cmpi slt, %select_n3A_883, %lt3A_892 : i32
          %ne3A_894 = vector.broadcast %lt3A_893 : i1 to vector<16xi1>
          %ne3A_895 = vector.broadcast %ne3A_894 : vector<16xi1> to vector<16xi1>
          %ne3A_896 = arith.xori %lt3A_891, %ne3A_895 : vector<16xi1>
          %and3A_897 = arith.andi %ne3A_896, %ne3A_888 : vector<16xi1>
          %add3A_898 = vector.broadcast %select_n3A_883 : i32 to vector<16xi32>
          %add3A_899 = arith.addi %rem3A_885, %add3A_898 : vector<16xi32>
          %select_n3A_900 = arith.select %and3A_897, %add3A_899, %rem3A_885 : vector<16xi1>, vector<16xi32>
          %lt3A_901 = arith.constant 0 : i32
          %lt3A_902 = vector.broadcast %lt3A_901 : i32 to vector<16xi32>
          %lt3A_903 = arith.cmpi slt, %select_n3A_900, %lt3A_902 : vector<16xi32>
          %add3A_904 = arith.constant 16 : i32
          %add3A_905 = vector.broadcast %add3A_904 : i32 to vector<16xi32>
          %add3A_906 = arith.addi %select_n3A_900, %add3A_905 : vector<16xi32>
          %select_n3A_907 = arith.select %lt3A_903, %add3A_906, %select_n3A_900 : vector<16xi1>, vector<16xi32>
          %broadcast_in_dim3A_908 = vector.shape_cast %select_n3A_907 : vector<16xi32> to vector<16x1xi32>
          %gather3A_909 = vector.shape_cast %broadcast_in_dim3A_908 : vector<16x1xi32> to vector<16xi32>
          %gather3A_910 = tpu.dynamic_gather %add3A_875[%gather3A_909] in [0] : vector<16xf32>, vector<16xi32> -> vector<16xf32>
          %add3A_911 = arith.addf %add3A_875, %gather3A_910 : vector<16xf32>
          %add3A_912 = arith.constant 2 : i32
          %add3A_913 = vector.broadcast %add3A_912 : i32 to vector<16xi32>
          %add3A_914 = arith.addi %iota3A, %add3A_913 : vector<16xi32>
          %jit3A_915 = arith.constant 16 : i32
          %eq3A_916 = arith.constant 0 : i32
          %eq3A_917 = arith.cmpi eq, %jit3A_915, %eq3A_916 : i32
          %jit3A_918 = arith.constant 1 : i32
          %select_n3A_919 = arith.select %eq3A_917, %jit3A_918, %jit3A_915 : i32
          %rem3A_920 = vector.broadcast %select_n3A_919 : i32 to vector<16xi32>
          %rem3A_921 = arith.remsi %add3A_914, %rem3A_920 : vector<16xi32>
          %ne3A_922 = arith.constant 0 : i32
          %ne3A_923 = vector.broadcast %ne3A_922 : i32 to vector<16xi32>
          %ne3A_924 = arith.cmpi ne, %rem3A_921, %ne3A_923 : vector<16xi32>
          %lt3A_925 = arith.constant 0 : i32
          %lt3A_926 = vector.broadcast %lt3A_925 : i32 to vector<16xi32>
          %lt3A_927 = arith.cmpi slt, %rem3A_921, %lt3A_926 : vector<16xi32>
          %lt3A_928 = arith.constant 0 : i32
          %lt3A_929 = arith.cmpi slt, %select_n3A_919, %lt3A_928 : i32
          %ne3A_930 = vector.broadcast %lt3A_929 : i1 to vector<16xi1>
          %ne3A_931 = vector.broadcast %ne3A_930 : vector<16xi1> to vector<16xi1>
          %ne3A_932 = arith.xori %lt3A_927, %ne3A_931 : vector<16xi1>
          %and3A_933 = arith.andi %ne3A_932, %ne3A_924 : vector<16xi1>
          %add3A_934 = vector.broadcast %select_n3A_919 : i32 to vector<16xi32>
          %add3A_935 = arith.addi %rem3A_921, %add3A_934 : vector<16xi32>
          %select_n3A_936 = arith.select %and3A_933, %add3A_935, %rem3A_921 : vector<16xi1>, vector<16xi32>
          %lt3A_937 = arith.constant 0 : i32
          %lt3A_938 = vector.broadcast %lt3A_937 : i32 to vector<16xi32>
          %lt3A_939 = arith.cmpi slt, %select_n3A_936, %lt3A_938 : vector<16xi32>
          %add3A_940 = arith.constant 16 : i32
          %add3A_941 = vector.broadcast %add3A_940 : i32 to vector<16xi32>
          %add3A_942 = arith.addi %select_n3A_936, %add3A_941 : vector<16xi32>
          %select_n3A_943 = arith.select %lt3A_939, %add3A_942, %select_n3A_936 : vector<16xi1>, vector<16xi32>
          %broadcast_in_dim3A_944 = vector.shape_cast %select_n3A_943 : vector<16xi32> to vector<16x1xi32>
          %gather3A_945 = vector.shape_cast %broadcast_in_dim3A_944 : vector<16x1xi32> to vector<16xi32>
          %gather3A_946 = tpu.dynamic_gather %add3A_911[%gather3A_945] in [0] : vector<16xf32>, vector<16xi32> -> vector<16xf32>
          %add3A_947 = arith.addf %add3A_911, %gather3A_946 : vector<16xf32>
          %add3A_948 = arith.constant 1 : i32
          %add3A_949 = vector.broadcast %add3A_948 : i32 to vector<16xi32>
          %add3A_950 = arith.addi %iota3A, %add3A_949 : vector<16xi32>
          %jit3A_951 = arith.constant 16 : i32
          %eq3A_952 = arith.constant 0 : i32
          %eq3A_953 = arith.cmpi eq, %jit3A_951, %eq3A_952 : i32
          %jit3A_954 = arith.constant 1 : i32
          %select_n3A_955 = arith.select %eq3A_953, %jit3A_954, %jit3A_951 : i32
          %rem3A_956 = vector.broadcast %select_n3A_955 : i32 to vector<16xi32>
          %rem3A_957 = arith.remsi %add3A_950, %rem3A_956 : vector<16xi32>
          %ne3A_958 = arith.constant 0 : i32
          %ne3A_959 = vector.broadcast %ne3A_958 : i32 to vector<16xi32>
          %ne3A_960 = arith.cmpi ne, %rem3A_957, %ne3A_959 : vector<16xi32>
          %lt3A_961 = arith.constant 0 : i32
          %lt3A_962 = vector.broadcast %lt3A_961 : i32 to vector<16xi32>
          %lt3A_963 = arith.cmpi slt, %rem3A_957, %lt3A_962 : vector<16xi32>
          %lt3A_964 = arith.constant 0 : i32
          %lt3A_965 = arith.cmpi slt, %select_n3A_955, %lt3A_964 : i32
          %ne3A_966 = vector.broadcast %lt3A_965 : i1 to vector<16xi1>
          %ne3A_967 = vector.broadcast %ne3A_966 : vector<16xi1> to vector<16xi1>
          %ne3A_968 = arith.xori %lt3A_963, %ne3A_967 : vector<16xi1>
          %and3A_969 = arith.andi %ne3A_968, %ne3A_960 : vector<16xi1>
          %add3A_970 = vector.broadcast %select_n3A_955 : i32 to vector<16xi32>
          %add3A_971 = arith.addi %rem3A_957, %add3A_970 : vector<16xi32>
          %select_n3A_972 = arith.select %and3A_969, %add3A_971, %rem3A_957 : vector<16xi1>, vector<16xi32>
          %lt3A_973 = arith.constant 0 : i32
          %lt3A_974 = vector.broadcast %lt3A_973 : i32 to vector<16xi32>
          %lt3A_975 = arith.cmpi slt, %select_n3A_972, %lt3A_974 : vector<16xi32>
          %add3A_976 = arith.constant 16 : i32
          %add3A_977 = vector.broadcast %add3A_976 : i32 to vector<16xi32>
          %add3A_978 = arith.addi %select_n3A_972, %add3A_977 : vector<16xi32>
          %select_n3A_979 = arith.select %lt3A_975, %add3A_978, %select_n3A_972 : vector<16xi1>, vector<16xi32>
          %broadcast_in_dim3A_980 = vector.shape_cast %select_n3A_979 : vector<16xi32> to vector<16x1xi32>
          %gather3A_981 = vector.shape_cast %broadcast_in_dim3A_980 : vector<16x1xi32> to vector<16xi32>
          %gather3A_982 = tpu.dynamic_gather %add3A_947[%gather3A_981] in [0] : vector<16xf32>, vector<16xi32> -> vector<16xf32>
          %add3A_983 = arith.addf %add3A_947, %gather3A_982 : vector<16xf32>
          %eq3A_984 = arith.constant 3 : i32
          %eq3A_985 = vector.broadcast %eq3A_984 : i32 to vector<16xi32>
          %eq3A_986 = arith.cmpi eq, %iota3A, %eq3A_985 : vector<16xi32>
          %select_n3A_987 = arith.select %eq3A_986, %add3A_983, %select_n3A_760 : vector<16xi1>, vector<16xf32>
          %mul3A_988 = arith.constant 16 : i32
          %mul3A_989 = arith.muli %scan3A_80, %mul3A_988 : i32
          %add3A_990 = arith.constant 4 : i32
          %add3A_991 = arith.addi %mul3A_989, %add3A_990 : i32
          %broadcast_in_dim3A_992 = arith.constant 4 : i32
          %broadcast_in_dim3A_993 = vector.broadcast %broadcast_in_dim3A_992 : i32 to vector<16xi32>
          %lt3A_994 = arith.constant 0 : i32
          %lt3A_995 = vector.broadcast %lt3A_994 : i32 to vector<16xi32>
          %lt3A_996 = arith.cmpi slt, %broadcast_in_dim3A_993, %lt3A_995 : vector<16xi32>
          %add3A_997 = arith.constant 16 : i32
          %add3A_998 = vector.broadcast %add3A_997 : i32 to vector<16xi32>
          %add3A_999 = arith.addi %broadcast_in_dim3A_993, %add3A_998 : vector<16xi32>
          %select_n3A_1000 = arith.select %lt3A_996, %add3A_999, %broadcast_in_dim3A_993 : vector<16xi1>, vector<16xi32>
          %broadcast_in_dim3A_1001 = vector.shape_cast %select_n3A_1000 : vector<16xi32> to vector<16x1xi32>
          %gather3A_1002 = vector.shape_cast %broadcast_in_dim3A_1001 : vector<16x1xi32> to vector<16xi32>
          %gather3A_1003 = tpu.dynamic_gather %get3A_88[%gather3A_1002] in [0] : vector<16xf32>, vector<16xi32> -> vector<16xf32>
          %get3A_1004 = arith.index_cast %add3A_991 : i32 to index
          %get3A_1005 = arith.constant 0 : index
          %get3A_1006 = tpu.vector_load %arg13[%get3A_1004, %get3A_1005] {strides = array<i32>} : memref<128x128xf32, #tpu.memory_space<vmem>>, vector<1x16xf32>,
          %get3A_1007 = vector.shape_cast %get3A_1006 : vector<1x16xf32> to vector<16xf32>
          %get3A_1008 = arith.index_cast %add3A_991 : i32 to index
          %get3A_1009 = arith.constant 64 : index
          %get3A_1010 = tpu.vector_load %arg14[%get3A_1008, %get3A_1009] {strides = array<i32>} : memref<128x128xf32, #tpu.memory_space<vmem>>, vector<1x16xf32>,
          %get3A_1011 = vector.shape_cast %get3A_1010 : vector<1x16xf32> to vector<16xf32>
          %add3A_1012 = arith.addf %get3A_1007, %get3A_1011 : vector<16xf32>
          %mul3A_1013 = arith.mulf %gather3A_1003, %get3A_2 : vector<16xf32>
          %add3A_1014 = arith.addf %add3A_1012, %mul3A_1013 : vector<16xf32>
          %max3A_1015 = arith.constant 0.000000e+00 : f32
          %max3A_1016 = vector.broadcast %max3A_1015 : f32 to vector<16xf32>
          %max3A_1017 = arith.maximumf %add3A_1014, %max3A_1016 : vector<16xf32>
          %mul3A_1018 = arith.mulf %max3A_1017, %get3A_14 : vector<16xf32>
          %get3A_1019 = arith.index_cast %add3A_991 : i32 to index
          %get3A_1020 = arith.constant 16 : index
          %get3A_1021 = tpu.vector_load %arg13[%get3A_1019, %get3A_1020] {strides = array<i32>} : memref<128x128xf32, #tpu.memory_space<vmem>>, vector<1x16xf32>,
          %get3A_1022 = vector.shape_cast %get3A_1021 : vector<1x16xf32> to vector<16xf32>
          %get3A_1023 = arith.index_cast %add3A_991 : i32 to index
          %get3A_1024 = arith.constant 80 : index
          %get3A_1025 = tpu.vector_load %arg14[%get3A_1023, %get3A_1024] {strides = array<i32>} : memref<128x128xf32, #tpu.memory_space<vmem>>, vector<1x16xf32>,
          %get3A_1026 = vector.shape_cast %get3A_1025 : vector<1x16xf32> to vector<16xf32>
          %add3A_1027 = arith.addf %get3A_1022, %get3A_1026 : vector<16xf32>
          %mul3A_1028 = arith.mulf %gather3A_1003, %get3A_5 : vector<16xf32>
          %add3A_1029 = arith.addf %add3A_1027, %mul3A_1028 : vector<16xf32>
          %max3A_1030 = arith.constant 0.000000e+00 : f32
          %max3A_1031 = vector.broadcast %max3A_1030 : f32 to vector<16xf32>
          %max3A_1032 = arith.maximumf %add3A_1029, %max3A_1031 : vector<16xf32>
          %mul3A_1033 = arith.mulf %max3A_1032, %get3A_17 : vector<16xf32>
          %add3A_1034 = arith.addf %mul3A_1018, %mul3A_1033 : vector<16xf32>
          %get3A_1035 = arith.index_cast %add3A_991 : i32 to index
          %get3A_1036 = arith.constant 32 : index
          %get3A_1037 = tpu.vector_load %arg13[%get3A_1035, %get3A_1036] {strides = array<i32>} : memref<128x128xf32, #tpu.memory_space<vmem>>, vector<1x16xf32>,
          %get3A_1038 = vector.shape_cast %get3A_1037 : vector<1x16xf32> to vector<16xf32>
          %get3A_1039 = arith.index_cast %add3A_991 : i32 to index
          %get3A_1040 = arith.constant 96 : index
          %get3A_1041 = tpu.vector_load %arg14[%get3A_1039, %get3A_1040] {strides = array<i32>} : memref<128x128xf32, #tpu.memory_space<vmem>>, vector<1x16xf32>,
          %get3A_1042 = vector.shape_cast %get3A_1041 : vector<1x16xf32> to vector<16xf32>
          %add3A_1043 = arith.addf %get3A_1038, %get3A_1042 : vector<16xf32>
          %mul3A_1044 = arith.mulf %gather3A_1003, %get3A_8 : vector<16xf32>
          %add3A_1045 = arith.addf %add3A_1043, %mul3A_1044 : vector<16xf32>
          %max3A_1046 = arith.constant 0.000000e+00 : f32
          %max3A_1047 = vector.broadcast %max3A_1046 : f32 to vector<16xf32>
          %max3A_1048 = arith.maximumf %add3A_1045, %max3A_1047 : vector<16xf32>
          %mul3A_1049 = arith.mulf %max3A_1048, %get3A_20 : vector<16xf32>
          %add3A_1050 = arith.addf %add3A_1034, %mul3A_1049 : vector<16xf32>
          %get3A_1051 = arith.index_cast %add3A_991 : i32 to index
          %get3A_1052 = arith.constant 48 : index
          %get3A_1053 = tpu.vector_load %arg13[%get3A_1051, %get3A_1052] {strides = array<i32>} : memref<128x128xf32, #tpu.memory_space<vmem>>, vector<1x16xf32>,
          %get3A_1054 = vector.shape_cast %get3A_1053 : vector<1x16xf32> to vector<16xf32>
          %get3A_1055 = arith.index_cast %add3A_991 : i32 to index
          %get3A_1056 = arith.constant 112 : index
          %get3A_1057 = tpu.vector_load %arg14[%get3A_1055, %get3A_1056] {strides = array<i32>} : memref<128x128xf32, #tpu.memory_space<vmem>>, vector<1x16xf32>,
          %get3A_1058 = vector.shape_cast %get3A_1057 : vector<1x16xf32> to vector<16xf32>
          %add3A_1059 = arith.addf %get3A_1054, %get3A_1058 : vector<16xf32>
          %mul3A_1060 = arith.mulf %gather3A_1003, %get3A_11 : vector<16xf32>
          %add3A_1061 = arith.addf %add3A_1059, %mul3A_1060 : vector<16xf32>
          %max3A_1062 = arith.constant 0.000000e+00 : f32
          %max3A_1063 = vector.broadcast %max3A_1062 : f32 to vector<16xf32>
          %max3A_1064 = arith.maximumf %add3A_1061, %max3A_1063 : vector<16xf32>
          %mul3A_1065 = arith.mulf %max3A_1064, %get3A_23 : vector<16xf32>
          %add3A_1066 = arith.addf %add3A_1050, %mul3A_1065 : vector<16xf32>
          %add3A_1067 = arith.constant 8 : i32
          %add3A_1068 = vector.broadcast %add3A_1067 : i32 to vector<16xi32>
          %add3A_1069 = arith.addi %iota3A, %add3A_1068 : vector<16xi32>
          %jit3A_1070 = arith.constant 16 : i32
          %eq3A_1071 = arith.constant 0 : i32
          %eq3A_1072 = arith.cmpi eq, %jit3A_1070, %eq3A_1071 : i32
          %jit3A_1073 = arith.constant 1 : i32
          %select_n3A_1074 = arith.select %eq3A_1072, %jit3A_1073, %jit3A_1070 : i32
          %rem3A_1075 = vector.broadcast %select_n3A_1074 : i32 to vector<16xi32>
          %rem3A_1076 = arith.remsi %add3A_1069, %rem3A_1075 : vector<16xi32>
          %ne3A_1077 = arith.constant 0 : i32
          %ne3A_1078 = vector.broadcast %ne3A_1077 : i32 to vector<16xi32>
          %ne3A_1079 = arith.cmpi ne, %rem3A_1076, %ne3A_1078 : vector<16xi32>
          %lt3A_1080 = arith.constant 0 : i32
          %lt3A_1081 = vector.broadcast %lt3A_1080 : i32 to vector<16xi32>
          %lt3A_1082 = arith.cmpi slt, %rem3A_1076, %lt3A_1081 : vector<16xi32>
          %lt3A_1083 = arith.constant 0 : i32
          %lt3A_1084 = arith.cmpi slt, %select_n3A_1074, %lt3A_1083 : i32
          %ne3A_1085 = vector.broadcast %lt3A_1084 : i1 to vector<16xi1>
          %ne3A_1086 = vector.broadcast %ne3A_1085 : vector<16xi1> to vector<16xi1>
          %ne3A_1087 = arith.xori %lt3A_1082, %ne3A_1086 : vector<16xi1>
          %and3A_1088 = arith.andi %ne3A_1087, %ne3A_1079 : vector<16xi1>
          %add3A_1089 = vector.broadcast %select_n3A_1074 : i32 to vector<16xi32>
          %add3A_1090 = arith.addi %rem3A_1076, %add3A_1089 : vector<16xi32>
          %select_n3A_1091 = arith.select %and3A_1088, %add3A_1090, %rem3A_1076 : vector<16xi1>, vector<16xi32>
          %lt3A_1092 = arith.constant 0 : i32
          %lt3A_1093 = vector.broadcast %lt3A_1092 : i32 to vector<16xi32>
          %lt3A_1094 = arith.cmpi slt, %select_n3A_1091, %lt3A_1093 : vector<16xi32>
          %add3A_1095 = arith.constant 16 : i32
          %add3A_1096 = vector.broadcast %add3A_1095 : i32 to vector<16xi32>
          %add3A_1097 = arith.addi %select_n3A_1091, %add3A_1096 : vector<16xi32>
          %select_n3A_1098 = arith.select %lt3A_1094, %add3A_1097, %select_n3A_1091 : vector<16xi1>, vector<16xi32>
          %broadcast_in_dim3A_1099 = vector.shape_cast %select_n3A_1098 : vector<16xi32> to vector<16x1xi32>
          %gather3A_1100 = vector.shape_cast %broadcast_in_dim3A_1099 : vector<16x1xi32> to vector<16xi32>
          %gather3A_1101 = tpu.dynamic_gather %add3A_1066[%gather3A_1100] in [0] : vector<16xf32>, vector<16xi32> -> vector<16xf32>
          %add3A_1102 = arith.addf %add3A_1066, %gather3A_1101 : vector<16xf32>
          %add3A_1103 = arith.constant 4 : i32
          %add3A_1104 = vector.broadcast %add3A_1103 : i32 to vector<16xi32>
          %add3A_1105 = arith.addi %iota3A, %add3A_1104 : vector<16xi32>
          %jit3A_1106 = arith.constant 16 : i32
          %eq3A_1107 = arith.constant 0 : i32
          %eq3A_1108 = arith.cmpi eq, %jit3A_1106, %eq3A_1107 : i32
          %jit3A_1109 = arith.constant 1 : i32
          %select_n3A_1110 = arith.select %eq3A_1108, %jit3A_1109, %jit3A_1106 : i32
          %rem3A_1111 = vector.broadcast %select_n3A_1110 : i32 to vector<16xi32>
          %rem3A_1112 = arith.remsi %add3A_1105, %rem3A_1111 : vector<16xi32>
          %ne3A_1113 = arith.constant 0 : i32
          %ne3A_1114 = vector.broadcast %ne3A_1113 : i32 to vector<16xi32>
          %ne3A_1115 = arith.cmpi ne, %rem3A_1112, %ne3A_1114 : vector<16xi32>
          %lt3A_1116 = arith.constant 0 : i32
          %lt3A_1117 = vector.broadcast %lt3A_1116 : i32 to vector<16xi32>
          %lt3A_1118 = arith.cmpi slt, %rem3A_1112, %lt3A_1117 : vector<16xi32>
          %lt3A_1119 = arith.constant 0 : i32
          %lt3A_1120 = arith.cmpi slt, %select_n3A_1110, %lt3A_1119 : i32
          %ne3A_1121 = vector.broadcast %lt3A_1120 : i1 to vector<16xi1>
          %ne3A_1122 = vector.broadcast %ne3A_1121 : vector<16xi1> to vector<16xi1>
          %ne3A_1123 = arith.xori %lt3A_1118, %ne3A_1122 : vector<16xi1>
          %and3A_1124 = arith.andi %ne3A_1123, %ne3A_1115 : vector<16xi1>
          %add3A_1125 = vector.broadcast %select_n3A_1110 : i32 to vector<16xi32>
          %add3A_1126 = arith.addi %rem3A_1112, %add3A_1125 : vector<16xi32>
          %select_n3A_1127 = arith.select %and3A_1124, %add3A_1126, %rem3A_1112 : vector<16xi1>, vector<16xi32>
          %lt3A_1128 = arith.constant 0 : i32
          %lt3A_1129 = vector.broadcast %lt3A_1128 : i32 to vector<16xi32>
          %lt3A_1130 = arith.cmpi slt, %select_n3A_1127, %lt3A_1129 : vector<16xi32>
          %add3A_1131 = arith.constant 16 : i32
          %add3A_1132 = vector.broadcast %add3A_1131 : i32 to vector<16xi32>
          %add3A_1133 = arith.addi %select_n3A_1127, %add3A_1132 : vector<16xi32>
          %select_n3A_1134 = arith.select %lt3A_1130, %add3A_1133, %select_n3A_1127 : vector<16xi1>, vector<16xi32>
          %broadcast_in_dim3A_1135 = vector.shape_cast %select_n3A_1134 : vector<16xi32> to vector<16x1xi32>
          %gather3A_1136 = vector.shape_cast %broadcast_in_dim3A_1135 : vector<16x1xi32> to vector<16xi32>
          %gather3A_1137 = tpu.dynamic_gather %add3A_1102[%gather3A_1136] in [0] : vector<16xf32>, vector<16xi32> -> vector<16xf32>
          %add3A_1138 = arith.addf %add3A_1102, %gather3A_1137 : vector<16xf32>
          %add3A_1139 = arith.constant 2 : i32
          %add3A_1140 = vector.broadcast %add3A_1139 : i32 to vector<16xi32>
          %add3A_1141 = arith.addi %iota3A, %add3A_1140 : vector<16xi32>
          %jit3A_1142 = arith.constant 16 : i32
          %eq3A_1143 = arith.constant 0 : i32
          %eq3A_1144 = arith.cmpi eq, %jit3A_1142, %eq3A_1143 : i32
          %jit3A_1145 = arith.constant 1 : i32
          %select_n3A_1146 = arith.select %eq3A_1144, %jit3A_1145, %jit3A_1142 : i32
          %rem3A_1147 = vector.broadcast %select_n3A_1146 : i32 to vector<16xi32>
          %rem3A_1148 = arith.remsi %add3A_1141, %rem3A_1147 : vector<16xi32>
          %ne3A_1149 = arith.constant 0 : i32
          %ne3A_1150 = vector.broadcast %ne3A_1149 : i32 to vector<16xi32>
          %ne3A_1151 = arith.cmpi ne, %rem3A_1148, %ne3A_1150 : vector<16xi32>
          %lt3A_1152 = arith.constant 0 : i32
          %lt3A_1153 = vector.broadcast %lt3A_1152 : i32 to vector<16xi32>
          %lt3A_1154 = arith.cmpi slt, %rem3A_1148, %lt3A_1153 : vector<16xi32>
          %lt3A_1155 = arith.constant 0 : i32
          %lt3A_1156 = arith.cmpi slt, %select_n3A_1146, %lt3A_1155 : i32
          %ne3A_1157 = vector.broadcast %lt3A_1156 : i1 to vector<16xi1>
          %ne3A_1158 = vector.broadcast %ne3A_1157 : vector<16xi1> to vector<16xi1>
          %ne3A_1159 = arith.xori %lt3A_1154, %ne3A_1158 : vector<16xi1>
          %and3A_1160 = arith.andi %ne3A_1159, %ne3A_1151 : vector<16xi1>
          %add3A_1161 = vector.broadcast %select_n3A_1146 : i32 to vector<16xi32>
          %add3A_1162 = arith.addi %rem3A_1148, %add3A_1161 : vector<16xi32>
          %select_n3A_1163 = arith.select %and3A_1160, %add3A_1162, %rem3A_1148 : vector<16xi1>, vector<16xi32>
          %lt3A_1164 = arith.constant 0 : i32
          %lt3A_1165 = vector.broadcast %lt3A_1164 : i32 to vector<16xi32>
          %lt3A_1166 = arith.cmpi slt, %select_n3A_1163, %lt3A_1165 : vector<16xi32>
          %add3A_1167 = arith.constant 16 : i32
          %add3A_1168 = vector.broadcast %add3A_1167 : i32 to vector<16xi32>
          %add3A_1169 = arith.addi %select_n3A_1163, %add3A_1168 : vector<16xi32>
          %select_n3A_1170 = arith.select %lt3A_1166, %add3A_1169, %select_n3A_1163 : vector<16xi1>, vector<16xi32>
          %broadcast_in_dim3A_1171 = vector.shape_cast %select_n3A_1170 : vector<16xi32> to vector<16x1xi32>
          %gather3A_1172 = vector.shape_cast %broadcast_in_dim3A_1171 : vector<16x1xi32> to vector<16xi32>
          %gather3A_1173 = tpu.dynamic_gather %add3A_1138[%gather3A_1172] in [0] : vector<16xf32>, vector<16xi32> -> vector<16xf32>
          %add3A_1174 = arith.addf %add3A_1138, %gather3A_1173 : vector<16xf32>
          %add3A_1175 = arith.constant 1 : i32
          %add3A_1176 = vector.broadcast %add3A_1175 : i32 to vector<16xi32>
          %add3A_1177 = arith.addi %iota3A, %add3A_1176 : vector<16xi32>
          %jit3A_1178 = arith.constant 16 : i32
          %eq3A_1179 = arith.constant 0 : i32
          %eq3A_1180 = arith.cmpi eq, %jit3A_1178, %eq3A_1179 : i32
          %jit3A_1181 = arith.constant 1 : i32
          %select_n3A_1182 = arith.select %eq3A_1180, %jit3A_1181, %jit3A_1178 : i32
          %rem3A_1183 = vector.broadcast %select_n3A_1182 : i32 to vector<16xi32>
          %rem3A_1184 = arith.remsi %add3A_1177, %rem3A_1183 : vector<16xi32>
          %ne3A_1185 = arith.constant 0 : i32
          %ne3A_1186 = vector.broadcast %ne3A_1185 : i32 to vector<16xi32>
          %ne3A_1187 = arith.cmpi ne, %rem3A_1184, %ne3A_1186 : vector<16xi32>
          %lt3A_1188 = arith.constant 0 : i32
          %lt3A_1189 = vector.broadcast %lt3A_1188 : i32 to vector<16xi32>
          %lt3A_1190 = arith.cmpi slt, %rem3A_1184, %lt3A_1189 : vector<16xi32>
          %lt3A_1191 = arith.constant 0 : i32
          %lt3A_1192 = arith.cmpi slt, %select_n3A_1182, %lt3A_1191 : i32
          %ne3A_1193 = vector.broadcast %lt3A_1192 : i1 to vector<16xi1>
          %ne3A_1194 = vector.broadcast %ne3A_1193 : vector<16xi1> to vector<16xi1>
          %ne3A_1195 = arith.xori %lt3A_1190, %ne3A_1194 : vector<16xi1>
          %and3A_1196 = arith.andi %ne3A_1195, %ne3A_1187 : vector<16xi1>
          %add3A_1197 = vector.broadcast %select_n3A_1182 : i32 to vector<16xi32>
          %add3A_1198 = arith.addi %rem3A_1184, %add3A_1197 : vector<16xi32>
          %select_n3A_1199 = arith.select %and3A_1196, %add3A_1198, %rem3A_1184 : vector<16xi1>, vector<16xi32>
          %lt3A_1200 = arith.constant 0 : i32
          %lt3A_1201 = vector.broadcast %lt3A_1200 : i32 to vector<16xi32>
          %lt3A_1202 = arith.cmpi slt, %select_n3A_1199, %lt3A_1201 : vector<16xi32>
          %add3A_1203 = arith.constant 16 : i32
          %add3A_1204 = vector.broadcast %add3A_1203 : i32 to vector<16xi32>
          %add3A_1205 = arith.addi %select_n3A_1199, %add3A_1204 : vector<16xi32>
          %select_n3A_1206 = arith.select %lt3A_1202, %add3A_1205, %select_n3A_1199 : vector<16xi1>, vector<16xi32>
          %broadcast_in_dim3A_1207 = vector.shape_cast %select_n3A_1206 : vector<16xi32> to vector<16x1xi32>
          %gather3A_1208 = vector.shape_cast %broadcast_in_dim3A_1207 : vector<16x1xi32> to vector<16xi32>
          %gather3A_1209 = tpu.dynamic_gather %add3A_1174[%gather3A_1208] in [0] : vector<16xf32>, vector<16xi32> -> vector<16xf32>
          %add3A_1210 = arith.addf %add3A_1174, %gather3A_1209 : vector<16xf32>
          %eq3A_1211 = arith.constant 4 : i32
          %eq3A_1212 = vector.broadcast %eq3A_1211 : i32 to vector<16xi32>
          %eq3A_1213 = arith.cmpi eq, %iota3A, %eq3A_1212 : vector<16xi32>
          %select_n3A_1214 = arith.select %eq3A_1213, %add3A_1210, %select_n3A_987 : vector<16xi1>, vector<16xf32>
          %mul3A_1215 = arith.constant 16 : i32
          %mul3A_1216 = arith.muli %scan3A_80, %mul3A_1215 : i32
          %add3A_1217 = arith.constant 5 : i32
          %add3A_1218 = arith.addi %mul3A_1216, %add3A_1217 : i32
          %broadcast_in_dim3A_1219 = arith.constant 5 : i32
          %broadcast_in_dim3A_1220 = vector.broadcast %broadcast_in_dim3A_1219 : i32 to vector<16xi32>
          %lt3A_1221 = arith.constant 0 : i32
          %lt3A_1222 = vector.broadcast %lt3A_1221 : i32 to vector<16xi32>
          %lt3A_1223 = arith.cmpi slt, %broadcast_in_dim3A_1220, %lt3A_1222 : vector<16xi32>
          %add3A_1224 = arith.constant 16 : i32
          %add3A_1225 = vector.broadcast %add3A_1224 : i32 to vector<16xi32>
          %add3A_1226 = arith.addi %broadcast_in_dim3A_1220, %add3A_1225 : vector<16xi32>
          %select_n3A_1227 = arith.select %lt3A_1223, %add3A_1226, %broadcast_in_dim3A_1220 : vector<16xi1>, vector<16xi32>
          %broadcast_in_dim3A_1228 = vector.shape_cast %select_n3A_1227 : vector<16xi32> to vector<16x1xi32>
          %gather3A_1229 = vector.shape_cast %broadcast_in_dim3A_1228 : vector<16x1xi32> to vector<16xi32>
          %gather3A_1230 = tpu.dynamic_gather %get3A_88[%gather3A_1229] in [0] : vector<16xf32>, vector<16xi32> -> vector<16xf32>
          %get3A_1231 = arith.index_cast %add3A_1218 : i32 to index
          %get3A_1232 = arith.constant 0 : index
          %get3A_1233 = tpu.vector_load %arg13[%get3A_1231, %get3A_1232] {strides = array<i32>} : memref<128x128xf32, #tpu.memory_space<vmem>>, vector<1x16xf32>,
          %get3A_1234 = vector.shape_cast %get3A_1233 : vector<1x16xf32> to vector<16xf32>
          %get3A_1235 = arith.index_cast %add3A_1218 : i32 to index
          %get3A_1236 = arith.constant 64 : index
          %get3A_1237 = tpu.vector_load %arg14[%get3A_1235, %get3A_1236] {strides = array<i32>} : memref<128x128xf32, #tpu.memory_space<vmem>>, vector<1x16xf32>,
          %get3A_1238 = vector.shape_cast %get3A_1237 : vector<1x16xf32> to vector<16xf32>
          %add3A_1239 = arith.addf %get3A_1234, %get3A_1238 : vector<16xf32>
          %mul3A_1240 = arith.mulf %gather3A_1230, %get3A_2 : vector<16xf32>
          %add3A_1241 = arith.addf %add3A_1239, %mul3A_1240 : vector<16xf32>
          %max3A_1242 = arith.constant 0.000000e+00 : f32
          %max3A_1243 = vector.broadcast %max3A_1242 : f32 to vector<16xf32>
          %max3A_1244 = arith.maximumf %add3A_1241, %max3A_1243 : vector<16xf32>
          %mul3A_1245 = arith.mulf %max3A_1244, %get3A_14 : vector<16xf32>
          %get3A_1246 = arith.index_cast %add3A_1218 : i32 to index
          %get3A_1247 = arith.constant 16 : index
          %get3A_1248 = tpu.vector_load %arg13[%get3A_1246, %get3A_1247] {strides = array<i32>} : memref<128x128xf32, #tpu.memory_space<vmem>>, vector<1x16xf32>,
          %get3A_1249 = vector.shape_cast %get3A_1248 : vector<1x16xf32> to vector<16xf32>
          %get3A_1250 = arith.index_cast %add3A_1218 : i32 to index
          %get3A_1251 = arith.constant 80 : index
          %get3A_1252 = tpu.vector_load %arg14[%get3A_1250, %get3A_1251] {strides = array<i32>} : memref<128x128xf32, #tpu.memory_space<vmem>>, vector<1x16xf32>,
          %get3A_1253 = vector.shape_cast %get3A_1252 : vector<1x16xf32> to vector<16xf32>
          %add3A_1254 = arith.addf %get3A_1249, %get3A_1253 : vector<16xf32>
          %mul3A_1255 = arith.mulf %gather3A_1230, %get3A_5 : vector<16xf32>
          %add3A_1256 = arith.addf %add3A_1254, %mul3A_1255 : vector<16xf32>
          %max3A_1257 = arith.constant 0.000000e+00 : f32
          %max3A_1258 = vector.broadcast %max3A_1257 : f32 to vector<16xf32>
          %max3A_1259 = arith.maximumf %add3A_1256, %max3A_1258 : vector<16xf32>
          %mul3A_1260 = arith.mulf %max3A_1259, %get3A_17 : vector<16xf32>
          %add3A_1261 = arith.addf %mul3A_1245, %mul3A_1260 : vector<16xf32>
          %get3A_1262 = arith.index_cast %add3A_1218 : i32 to index
          %get3A_1263 = arith.constant 32 : index
          %get3A_1264 = tpu.vector_load %arg13[%get3A_1262, %get3A_1263] {strides = array<i32>} : memref<128x128xf32, #tpu.memory_space<vmem>>, vector<1x16xf32>,
          %get3A_1265 = vector.shape_cast %get3A_1264 : vector<1x16xf32> to vector<16xf32>
          %get3A_1266 = arith.index_cast %add3A_1218 : i32 to index
          %get3A_1267 = arith.constant 96 : index
          %get3A_1268 = tpu.vector_load %arg14[%get3A_1266, %get3A_1267] {strides = array<i32>} : memref<128x128xf32, #tpu.memory_space<vmem>>, vector<1x16xf32>,
          %get3A_1269 = vector.shape_cast %get3A_1268 : vector<1x16xf32> to vector<16xf32>
          %add3A_1270 = arith.addf %get3A_1265, %get3A_1269 : vector<16xf32>
          %mul3A_1271 = arith.mulf %gather3A_1230, %get3A_8 : vector<16xf32>
          %add3A_1272 = arith.addf %add3A_1270, %mul3A_1271 : vector<16xf32>
          %max3A_1273 = arith.constant 0.000000e+00 : f32
          %max3A_1274 = vector.broadcast %max3A_1273 : f32 to vector<16xf32>
          %max3A_1275 = arith.maximumf %add3A_1272, %max3A_1274 : vector<16xf32>
          %mul3A_1276 = arith.mulf %max3A_1275, %get3A_20 : vector<16xf32>
          %add3A_1277 = arith.addf %add3A_1261, %mul3A_1276 : vector<16xf32>
          %get3A_1278 = arith.index_cast %add3A_1218 : i32 to index
          %get3A_1279 = arith.constant 48 : index
          %get3A_1280 = tpu.vector_load %arg13[%get3A_1278, %get3A_1279] {strides = array<i32>} : memref<128x128xf32, #tpu.memory_space<vmem>>, vector<1x16xf32>,
          %get3A_1281 = vector.shape_cast %get3A_1280 : vector<1x16xf32> to vector<16xf32>
          %get3A_1282 = arith.index_cast %add3A_1218 : i32 to index
          %get3A_1283 = arith.constant 112 : index
          %get3A_1284 = tpu.vector_load %arg14[%get3A_1282, %get3A_1283] {strides = array<i32>} : memref<128x128xf32, #tpu.memory_space<vmem>>, vector<1x16xf32>,
          %get3A_1285 = vector.shape_cast %get3A_1284 : vector<1x16xf32> to vector<16xf32>
          %add3A_1286 = arith.addf %get3A_1281, %get3A_1285 : vector<16xf32>
          %mul3A_1287 = arith.mulf %gather3A_1230, %get3A_11 : vector<16xf32>
          %add3A_1288 = arith.addf %add3A_1286, %mul3A_1287 : vector<16xf32>
          %max3A_1289 = arith.constant 0.000000e+00 : f32
          %max3A_1290 = vector.broadcast %max3A_1289 : f32 to vector<16xf32>
          %max3A_1291 = arith.maximumf %add3A_1288, %max3A_1290 : vector<16xf32>
          %mul3A_1292 = arith.mulf %max3A_1291, %get3A_23 : vector<16xf32>
          %add3A_1293 = arith.addf %add3A_1277, %mul3A_1292 : vector<16xf32>
          %add3A_1294 = arith.constant 8 : i32
          %add3A_1295 = vector.broadcast %add3A_1294 : i32 to vector<16xi32>
          %add3A_1296 = arith.addi %iota3A, %add3A_1295 : vector<16xi32>
          %jit3A_1297 = arith.constant 16 : i32
          %eq3A_1298 = arith.constant 0 : i32
          %eq3A_1299 = arith.cmpi eq, %jit3A_1297, %eq3A_1298 : i32
          %jit3A_1300 = arith.constant 1 : i32
          %select_n3A_1301 = arith.select %eq3A_1299, %jit3A_1300, %jit3A_1297 : i32
          %rem3A_1302 = vector.broadcast %select_n3A_1301 : i32 to vector<16xi32>
          %rem3A_1303 = arith.remsi %add3A_1296, %rem3A_1302 : vector<16xi32>
          %ne3A_1304 = arith.constant 0 : i32
          %ne3A_1305 = vector.broadcast %ne3A_1304 : i32 to vector<16xi32>
          %ne3A_1306 = arith.cmpi ne, %rem3A_1303, %ne3A_1305 : vector<16xi32>
          %lt3A_1307 = arith.constant 0 : i32
          %lt3A_1308 = vector.broadcast %lt3A_1307 : i32 to vector<16xi32>
          %lt3A_1309 = arith.cmpi slt, %rem3A_1303, %lt3A_1308 : vector<16xi32>
          %lt3A_1310 = arith.constant 0 : i32
          %lt3A_1311 = arith.cmpi slt, %select_n3A_1301, %lt3A_1310 : i32
          %ne3A_1312 = vector.broadcast %lt3A_1311 : i1 to vector<16xi1>
          %ne3A_1313 = vector.broadcast %ne3A_1312 : vector<16xi1> to vector<16xi1>
          %ne3A_1314 = arith.xori %lt3A_1309, %ne3A_1313 : vector<16xi1>
          %and3A_1315 = arith.andi %ne3A_1314, %ne3A_1306 : vector<16xi1>
          %add3A_1316 = vector.broadcast %select_n3A_1301 : i32 to vector<16xi32>
          %add3A_1317 = arith.addi %rem3A_1303, %add3A_1316 : vector<16xi32>
          %select_n3A_1318 = arith.select %and3A_1315, %add3A_1317, %rem3A_1303 : vector<16xi1>, vector<16xi32>
          %lt3A_1319 = arith.constant 0 : i32
          %lt3A_1320 = vector.broadcast %lt3A_1319 : i32 to vector<16xi32>
          %lt3A_1321 = arith.cmpi slt, %select_n3A_1318, %lt3A_1320 : vector<16xi32>
          %add3A_1322 = arith.constant 16 : i32
          %add3A_1323 = vector.broadcast %add3A_1322 : i32 to vector<16xi32>
          %add3A_1324 = arith.addi %select_n3A_1318, %add3A_1323 : vector<16xi32>
          %select_n3A_1325 = arith.select %lt3A_1321, %add3A_1324, %select_n3A_1318 : vector<16xi1>, vector<16xi32>
          %broadcast_in_dim3A_1326 = vector.shape_cast %select_n3A_1325 : vector<16xi32> to vector<16x1xi32>
          %gather3A_1327 = vector.shape_cast %broadcast_in_dim3A_1326 : vector<16x1xi32> to vector<16xi32>
          %gather3A_1328 = tpu.dynamic_gather %add3A_1293[%gather3A_1327] in [0] : vector<16xf32>, vector<16xi32> -> vector<16xf32>
          %add3A_1329 = arith.addf %add3A_1293, %gather3A_1328 : vector<16xf32>
          %add3A_1330 = arith.constant 4 : i32
          %add3A_1331 = vector.broadcast %add3A_1330 : i32 to vector<16xi32>
          %add3A_1332 = arith.addi %iota3A, %add3A_1331 : vector<16xi32>
          %jit3A_1333 = arith.constant 16 : i32
          %eq3A_1334 = arith.constant 0 : i32
          %eq3A_1335 = arith.cmpi eq, %jit3A_1333, %eq3A_1334 : i32
          %jit3A_1336 = arith.constant 1 : i32
          %select_n3A_1337 = arith.select %eq3A_1335, %jit3A_1336, %jit3A_1333 : i32
          %rem3A_1338 = vector.broadcast %select_n3A_1337 : i32 to vector<16xi32>
          %rem3A_1339 = arith.remsi %add3A_1332, %rem3A_1338 : vector<16xi32>
          %ne3A_1340 = arith.constant 0 : i32
          %ne3A_1341 = vector.broadcast %ne3A_1340 : i32 to vector<16xi32>
          %ne3A_1342 = arith.cmpi ne, %rem3A_1339, %ne3A_1341 : vector<16xi32>
          %lt3A_1343 = arith.constant 0 : i32
          %lt3A_1344 = vector.broadcast %lt3A_1343 : i32 to vector<16xi32>
          %lt3A_1345 = arith.cmpi slt, %rem3A_1339, %lt3A_1344 : vector<16xi32>
          %lt3A_1346 = arith.constant 0 : i32
          %lt3A_1347 = arith.cmpi slt, %select_n3A_1337, %lt3A_1346 : i32
          %ne3A_1348 = vector.broadcast %lt3A_1347 : i1 to vector<16xi1>
          %ne3A_1349 = vector.broadcast %ne3A_1348 : vector<16xi1> to vector<16xi1>
          %ne3A_1350 = arith.xori %lt3A_1345, %ne3A_1349 : vector<16xi1>
          %and3A_1351 = arith.andi %ne3A_1350, %ne3A_1342 : vector<16xi1>
          %add3A_1352 = vector.broadcast %select_n3A_1337 : i32 to vector<16xi32>
          %add3A_1353 = arith.addi %rem3A_1339, %add3A_1352 : vector<16xi32>
          %select_n3A_1354 = arith.select %and3A_1351, %add3A_1353, %rem3A_1339 : vector<16xi1>, vector<16xi32>
          %lt3A_1355 = arith.constant 0 : i32
          %lt3A_1356 = vector.broadcast %lt3A_1355 : i32 to vector<16xi32>
          %lt3A_1357 = arith.cmpi slt, %select_n3A_1354, %lt3A_1356 : vector<16xi32>
          %add3A_1358 = arith.constant 16 : i32
          %add3A_1359 = vector.broadcast %add3A_1358 : i32 to vector<16xi32>
          %add3A_1360 = arith.addi %select_n3A_1354, %add3A_1359 : vector<16xi32>
          %select_n3A_1361 = arith.select %lt3A_1357, %add3A_1360, %select_n3A_1354 : vector<16xi1>, vector<16xi32>
          %broadcast_in_dim3A_1362 = vector.shape_cast %select_n3A_1361 : vector<16xi32> to vector<16x1xi32>
          %gather3A_1363 = vector.shape_cast %broadcast_in_dim3A_1362 : vector<16x1xi32> to vector<16xi32>
          %gather3A_1364 = tpu.dynamic_gather %add3A_1329[%gather3A_1363] in [0] : vector<16xf32>, vector<16xi32> -> vector<16xf32>
          %add3A_1365 = arith.addf %add3A_1329, %gather3A_1364 : vector<16xf32>
          %add3A_1366 = arith.constant 2 : i32
          %add3A_1367 = vector.broadcast %add3A_1366 : i32 to vector<16xi32>
          %add3A_1368 = arith.addi %iota3A, %add3A_1367 : vector<16xi32>
          %jit3A_1369 = arith.constant 16 : i32
          %eq3A_1370 = arith.constant 0 : i32
          %eq3A_1371 = arith.cmpi eq, %jit3A_1369, %eq3A_1370 : i32
          %jit3A_1372 = arith.constant 1 : i32
          %select_n3A_1373 = arith.select %eq3A_1371, %jit3A_1372, %jit3A_1369 : i32
          %rem3A_1374 = vector.broadcast %select_n3A_1373 : i32 to vector<16xi32>
          %rem3A_1375 = arith.remsi %add3A_1368, %rem3A_1374 : vector<16xi32>
          %ne3A_1376 = arith.constant 0 : i32
          %ne3A_1377 = vector.broadcast %ne3A_1376 : i32 to vector<16xi32>
          %ne3A_1378 = arith.cmpi ne, %rem3A_1375, %ne3A_1377 : vector<16xi32>
          %lt3A_1379 = arith.constant 0 : i32
          %lt3A_1380 = vector.broadcast %lt3A_1379 : i32 to vector<16xi32>
          %lt3A_1381 = arith.cmpi slt, %rem3A_1375, %lt3A_1380 : vector<16xi32>
          %lt3A_1382 = arith.constant 0 : i32
          %lt3A_1383 = arith.cmpi slt, %select_n3A_1373, %lt3A_1382 : i32
          %ne3A_1384 = vector.broadcast %lt3A_1383 : i1 to vector<16xi1>
          %ne3A_1385 = vector.broadcast %ne3A_1384 : vector<16xi1> to vector<16xi1>
          %ne3A_1386 = arith.xori %lt3A_1381, %ne3A_1385 : vector<16xi1>
          %and3A_1387 = arith.andi %ne3A_1386, %ne3A_1378 : vector<16xi1>
          %add3A_1388 = vector.broadcast %select_n3A_1373 : i32 to vector<16xi32>
          %add3A_1389 = arith.addi %rem3A_1375, %add3A_1388 : vector<16xi32>
          %select_n3A_1390 = arith.select %and3A_1387, %add3A_1389, %rem3A_1375 : vector<16xi1>, vector<16xi32>
          %lt3A_1391 = arith.constant 0 : i32
          %lt3A_1392 = vector.broadcast %lt3A_1391 : i32 to vector<16xi32>
          %lt3A_1393 = arith.cmpi slt, %select_n3A_1390, %lt3A_1392 : vector<16xi32>
          %add3A_1394 = arith.constant 16 : i32
          %add3A_1395 = vector.broadcast %add3A_1394 : i32 to vector<16xi32>
          %add3A_1396 = arith.addi %select_n3A_1390, %add3A_1395 : vector<16xi32>
          %select_n3A_1397 = arith.select %lt3A_1393, %add3A_1396, %select_n3A_1390 : vector<16xi1>, vector<16xi32>
          %broadcast_in_dim3A_1398 = vector.shape_cast %select_n3A_1397 : vector<16xi32> to vector<16x1xi32>
          %gather3A_1399 = vector.shape_cast %broadcast_in_dim3A_1398 : vector<16x1xi32> to vector<16xi32>
          %gather3A_1400 = tpu.dynamic_gather %add3A_1365[%gather3A_1399] in [0] : vector<16xf32>, vector<16xi32> -> vector<16xf32>
          %add3A_1401 = arith.addf %add3A_1365, %gather3A_1400 : vector<16xf32>
          %add3A_1402 = arith.constant 1 : i32
          %add3A_1403 = vector.broadcast %add3A_1402 : i32 to vector<16xi32>
          %add3A_1404 = arith.addi %iota3A, %add3A_1403 : vector<16xi32>
          %jit3A_1405 = arith.constant 16 : i32
          %eq3A_1406 = arith.constant 0 : i32
          %eq3A_1407 = arith.cmpi eq, %jit3A_1405, %eq3A_1406 : i32
          %jit3A_1408 = arith.constant 1 : i32
          %select_n3A_1409 = arith.select %eq3A_1407, %jit3A_1408, %jit3A_1405 : i32
          %rem3A_1410 = vector.broadcast %select_n3A_1409 : i32 to vector<16xi32>
          %rem3A_1411 = arith.remsi %add3A_1404, %rem3A_1410 : vector<16xi32>
          %ne3A_1412 = arith.constant 0 : i32
          %ne3A_1413 = vector.broadcast %ne3A_1412 : i32 to vector<16xi32>
          %ne3A_1414 = arith.cmpi ne, %rem3A_1411, %ne3A_1413 : vector<16xi32>
          %lt3A_1415 = arith.constant 0 : i32
          %lt3A_1416 = vector.broadcast %lt3A_1415 : i32 to vector<16xi32>
          %lt3A_1417 = arith.cmpi slt, %rem3A_1411, %lt3A_1416 : vector<16xi32>
          %lt3A_1418 = arith.constant 0 : i32
          %lt3A_1419 = arith.cmpi slt, %select_n3A_1409, %lt3A_1418 : i32
          %ne3A_1420 = vector.broadcast %lt3A_1419 : i1 to vector<16xi1>
          %ne3A_1421 = vector.broadcast %ne3A_1420 : vector<16xi1> to vector<16xi1>
          %ne3A_1422 = arith.xori %lt3A_1417, %ne3A_1421 : vector<16xi1>
          %and3A_1423 = arith.andi %ne3A_1422, %ne3A_1414 : vector<16xi1>
          %add3A_1424 = vector.broadcast %select_n3A_1409 : i32 to vector<16xi32>
          %add3A_1425 = arith.addi %rem3A_1411, %add3A_1424 : vector<16xi32>
          %select_n3A_1426 = arith.select %and3A_1423, %add3A_1425, %rem3A_1411 : vector<16xi1>, vector<16xi32>
          %lt3A_1427 = arith.constant 0 : i32
          %lt3A_1428 = vector.broadcast %lt3A_1427 : i32 to vector<16xi32>
          %lt3A_1429 = arith.cmpi slt, %select_n3A_1426, %lt3A_1428 : vector<16xi32>
          %add3A_1430 = arith.constant 16 : i32
          %add3A_1431 = vector.broadcast %add3A_1430 : i32 to vector<16xi32>
          %add3A_1432 = arith.addi %select_n3A_1426, %add3A_1431 : vector<16xi32>
          %select_n3A_1433 = arith.select %lt3A_1429, %add3A_1432, %select_n3A_1426 : vector<16xi1>, vector<16xi32>
          %broadcast_in_dim3A_1434 = vector.shape_cast %select_n3A_1433 : vector<16xi32> to vector<16x1xi32>
          %gather3A_1435 = vector.shape_cast %broadcast_in_dim3A_1434 : vector<16x1xi32> to vector<16xi32>
          %gather3A_1436 = tpu.dynamic_gather %add3A_1401[%gather3A_1435] in [0] : vector<16xf32>, vector<16xi32> -> vector<16xf32>
          %add3A_1437 = arith.addf %add3A_1401, %gather3A_1436 : vector<16xf32>
          %eq3A_1438 = arith.constant 5 : i32
          %eq3A_1439 = vector.broadcast %eq3A_1438 : i32 to vector<16xi32>
          %eq3A_1440 = arith.cmpi eq, %iota3A, %eq3A_1439 : vector<16xi32>
          %select_n3A_1441 = arith.select %eq3A_1440, %add3A_1437, %select_n3A_1214 : vector<16xi1>, vector<16xf32>
          %mul3A_1442 = arith.constant 16 : i32
          %mul3A_1443 = arith.muli %scan3A_80, %mul3A_1442 : i32
          %add3A_1444 = arith.constant 6 : i32
          %add3A_1445 = arith.addi %mul3A_1443, %add3A_1444 : i32
          %broadcast_in_dim3A_1446 = arith.constant 6 : i32
          %broadcast_in_dim3A_1447 = vector.broadcast %broadcast_in_dim3A_1446 : i32 to vector<16xi32>
          %lt3A_1448 = arith.constant 0 : i32
          %lt3A_1449 = vector.broadcast %lt3A_1448 : i32 to vector<16xi32>
          %lt3A_1450 = arith.cmpi slt, %broadcast_in_dim3A_1447, %lt3A_1449 : vector<16xi32>
          %add3A_1451 = arith.constant 16 : i32
          %add3A_1452 = vector.broadcast %add3A_1451 : i32 to vector<16xi32>
          %add3A_1453 = arith.addi %broadcast_in_dim3A_1447, %add3A_1452 : vector<16xi32>
          %select_n3A_1454 = arith.select %lt3A_1450, %add3A_1453, %broadcast_in_dim3A_1447 : vector<16xi1>, vector<16xi32>
          %broadcast_in_dim3A_1455 = vector.shape_cast %select_n3A_1454 : vector<16xi32> to vector<16x1xi32>
          %gather3A_1456 = vector.shape_cast %broadcast_in_dim3A_1455 : vector<16x1xi32> to vector<16xi32>
          %gather3A_1457 = tpu.dynamic_gather %get3A_88[%gather3A_1456] in [0] : vector<16xf32>, vector<16xi32> -> vector<16xf32>
          %get3A_1458 = arith.index_cast %add3A_1445 : i32 to index
          %get3A_1459 = arith.constant 0 : index
          %get3A_1460 = tpu.vector_load %arg13[%get3A_1458, %get3A_1459] {strides = array<i32>} : memref<128x128xf32, #tpu.memory_space<vmem>>, vector<1x16xf32>,
          %get3A_1461 = vector.shape_cast %get3A_1460 : vector<1x16xf32> to vector<16xf32>
          %get3A_1462 = arith.index_cast %add3A_1445 : i32 to index
          %get3A_1463 = arith.constant 64 : index
          %get3A_1464 = tpu.vector_load %arg14[%get3A_1462, %get3A_1463] {strides = array<i32>} : memref<128x128xf32, #tpu.memory_space<vmem>>, vector<1x16xf32>,
          %get3A_1465 = vector.shape_cast %get3A_1464 : vector<1x16xf32> to vector<16xf32>
          %add3A_1466 = arith.addf %get3A_1461, %get3A_1465 : vector<16xf32>
          %mul3A_1467 = arith.mulf %gather3A_1457, %get3A_2 : vector<16xf32>
          %add3A_1468 = arith.addf %add3A_1466, %mul3A_1467 : vector<16xf32>
          %max3A_1469 = arith.constant 0.000000e+00 : f32
          %max3A_1470 = vector.broadcast %max3A_1469 : f32 to vector<16xf32>
          %max3A_1471 = arith.maximumf %add3A_1468, %max3A_1470 : vector<16xf32>
          %mul3A_1472 = arith.mulf %max3A_1471, %get3A_14 : vector<16xf32>
          %get3A_1473 = arith.index_cast %add3A_1445 : i32 to index
          %get3A_1474 = arith.constant 16 : index
          %get3A_1475 = tpu.vector_load %arg13[%get3A_1473, %get3A_1474] {strides = array<i32>} : memref<128x128xf32, #tpu.memory_space<vmem>>, vector<1x16xf32>,
          %get3A_1476 = vector.shape_cast %get3A_1475 : vector<1x16xf32> to vector<16xf32>
          %get3A_1477 = arith.index_cast %add3A_1445 : i32 to index
          %get3A_1478 = arith.constant 80 : index
          %get3A_1479 = tpu.vector_load %arg14[%get3A_1477, %get3A_1478] {strides = array<i32>} : memref<128x128xf32, #tpu.memory_space<vmem>>, vector<1x16xf32>,
          %get3A_1480 = vector.shape_cast %get3A_1479 : vector<1x16xf32> to vector<16xf32>
          %add3A_1481 = arith.addf %get3A_1476, %get3A_1480 : vector<16xf32>
          %mul3A_1482 = arith.mulf %gather3A_1457, %get3A_5 : vector<16xf32>
          %add3A_1483 = arith.addf %add3A_1481, %mul3A_1482 : vector<16xf32>
          %max3A_1484 = arith.constant 0.000000e+00 : f32
          %max3A_1485 = vector.broadcast %max3A_1484 : f32 to vector<16xf32>
          %max3A_1486 = arith.maximumf %add3A_1483, %max3A_1485 : vector<16xf32>
          %mul3A_1487 = arith.mulf %max3A_1486, %get3A_17 : vector<16xf32>
          %add3A_1488 = arith.addf %mul3A_1472, %mul3A_1487 : vector<16xf32>
          %get3A_1489 = arith.index_cast %add3A_1445 : i32 to index
          %get3A_1490 = arith.constant 32 : index
          %get3A_1491 = tpu.vector_load %arg13[%get3A_1489, %get3A_1490] {strides = array<i32>} : memref<128x128xf32, #tpu.memory_space<vmem>>, vector<1x16xf32>,
          %get3A_1492 = vector.shape_cast %get3A_1491 : vector<1x16xf32> to vector<16xf32>
          %get3A_1493 = arith.index_cast %add3A_1445 : i32 to index
          %get3A_1494 = arith.constant 96 : index
          %get3A_1495 = tpu.vector_load %arg14[%get3A_1493, %get3A_1494] {strides = array<i32>} : memref<128x128xf32, #tpu.memory_space<vmem>>, vector<1x16xf32>,
          %get3A_1496 = vector.shape_cast %get3A_1495 : vector<1x16xf32> to vector<16xf32>
          %add3A_1497 = arith.addf %get3A_1492, %get3A_1496 : vector<16xf32>
          %mul3A_1498 = arith.mulf %gather3A_1457, %get3A_8 : vector<16xf32>
          %add3A_1499 = arith.addf %add3A_1497, %mul3A_1498 : vector<16xf32>
          %max3A_1500 = arith.constant 0.000000e+00 : f32
          %max3A_1501 = vector.broadcast %max3A_1500 : f32 to vector<16xf32>
          %max3A_1502 = arith.maximumf %add3A_1499, %max3A_1501 : vector<16xf32>
          %mul3A_1503 = arith.mulf %max3A_1502, %get3A_20 : vector<16xf32>
          %add3A_1504 = arith.addf %add3A_1488, %mul3A_1503 : vector<16xf32>
          %get3A_1505 = arith.index_cast %add3A_1445 : i32 to index
          %get3A_1506 = arith.constant 48 : index
          %get3A_1507 = tpu.vector_load %arg13[%get3A_1505, %get3A_1506] {strides = array<i32>} : memref<128x128xf32, #tpu.memory_space<vmem>>, vector<1x16xf32>,
          %get3A_1508 = vector.shape_cast %get3A_1507 : vector<1x16xf32> to vector<16xf32>
          %get3A_1509 = arith.index_cast %add3A_1445 : i32 to index
          %get3A_1510 = arith.constant 112 : index
          %get3A_1511 = tpu.vector_load %arg14[%get3A_1509, %get3A_1510] {strides = array<i32>} : memref<128x128xf32, #tpu.memory_space<vmem>>, vector<1x16xf32>,
          %get3A_1512 = vector.shape_cast %get3A_1511 : vector<1x16xf32> to vector<16xf32>
          %add3A_1513 = arith.addf %get3A_1508, %get3A_1512 : vector<16xf32>
          %mul3A_1514 = arith.mulf %gather3A_1457, %get3A_11 : vector<16xf32>
          %add3A_1515 = arith.addf %add3A_1513, %mul3A_1514 : vector<16xf32>
          %max3A_1516 = arith.constant 0.000000e+00 : f32
          %max3A_1517 = vector.broadcast %max3A_1516 : f32 to vector<16xf32>
          %max3A_1518 = arith.maximumf %add3A_1515, %max3A_1517 : vector<16xf32>
          %mul3A_1519 = arith.mulf %max3A_1518, %get3A_23 : vector<16xf32>
          %add3A_1520 = arith.addf %add3A_1504, %mul3A_1519 : vector<16xf32>
          %add3A_1521 = arith.constant 8 : i32
          %add3A_1522 = vector.broadcast %add3A_1521 : i32 to vector<16xi32>
          %add3A_1523 = arith.addi %iota3A, %add3A_1522 : vector<16xi32>
          %jit3A_1524 = arith.constant 16 : i32
          %eq3A_1525 = arith.constant 0 : i32
          %eq3A_1526 = arith.cmpi eq, %jit3A_1524, %eq3A_1525 : i32
          %jit3A_1527 = arith.constant 1 : i32
          %select_n3A_1528 = arith.select %eq3A_1526, %jit3A_1527, %jit3A_1524 : i32
          %rem3A_1529 = vector.broadcast %select_n3A_1528 : i32 to vector<16xi32>
          %rem3A_1530 = arith.remsi %add3A_1523, %rem3A_1529 : vector<16xi32>
          %ne3A_1531 = arith.constant 0 : i32
          %ne3A_1532 = vector.broadcast %ne3A_1531 : i32 to vector<16xi32>
          %ne3A_1533 = arith.cmpi ne, %rem3A_1530, %ne3A_1532 : vector<16xi32>
          %lt3A_1534 = arith.constant 0 : i32
          %lt3A_1535 = vector.broadcast %lt3A_1534 : i32 to vector<16xi32>
          %lt3A_1536 = arith.cmpi slt, %rem3A_1530, %lt3A_1535 : vector<16xi32>
          %lt3A_1537 = arith.constant 0 : i32
          %lt3A_1538 = arith.cmpi slt, %select_n3A_1528, %lt3A_1537 : i32
          %ne3A_1539 = vector.broadcast %lt3A_1538 : i1 to vector<16xi1>
          %ne3A_1540 = vector.broadcast %ne3A_1539 : vector<16xi1> to vector<16xi1>
          %ne3A_1541 = arith.xori %lt3A_1536, %ne3A_1540 : vector<16xi1>
          %and3A_1542 = arith.andi %ne3A_1541, %ne3A_1533 : vector<16xi1>
          %add3A_1543 = vector.broadcast %select_n3A_1528 : i32 to vector<16xi32>
          %add3A_1544 = arith.addi %rem3A_1530, %add3A_1543 : vector<16xi32>
          %select_n3A_1545 = arith.select %and3A_1542, %add3A_1544, %rem3A_1530 : vector<16xi1>, vector<16xi32>
          %lt3A_1546 = arith.constant 0 : i32
          %lt3A_1547 = vector.broadcast %lt3A_1546 : i32 to vector<16xi32>
          %lt3A_1548 = arith.cmpi slt, %select_n3A_1545, %lt3A_1547 : vector<16xi32>
          %add3A_1549 = arith.constant 16 : i32
          %add3A_1550 = vector.broadcast %add3A_1549 : i32 to vector<16xi32>
          %add3A_1551 = arith.addi %select_n3A_1545, %add3A_1550 : vector<16xi32>
          %select_n3A_1552 = arith.select %lt3A_1548, %add3A_1551, %select_n3A_1545 : vector<16xi1>, vector<16xi32>
          %broadcast_in_dim3A_1553 = vector.shape_cast %select_n3A_1552 : vector<16xi32> to vector<16x1xi32>
          %gather3A_1554 = vector.shape_cast %broadcast_in_dim3A_1553 : vector<16x1xi32> to vector<16xi32>
          %gather3A_1555 = tpu.dynamic_gather %add3A_1520[%gather3A_1554] in [0] : vector<16xf32>, vector<16xi32> -> vector<16xf32>
          %add3A_1556 = arith.addf %add3A_1520, %gather3A_1555 : vector<16xf32>
          %add3A_1557 = arith.constant 4 : i32
          %add3A_1558 = vector.broadcast %add3A_1557 : i32 to vector<16xi32>
          %add3A_1559 = arith.addi %iota3A, %add3A_1558 : vector<16xi32>
          %jit3A_1560 = arith.constant 16 : i32
          %eq3A_1561 = arith.constant 0 : i32
          %eq3A_1562 = arith.cmpi eq, %jit3A_1560, %eq3A_1561 : i32
          %jit3A_1563 = arith.constant 1 : i32
          %select_n3A_1564 = arith.select %eq3A_1562, %jit3A_1563, %jit3A_1560 : i32
          %rem3A_1565 = vector.broadcast %select_n3A_1564 : i32 to vector<16xi32>
          %rem3A_1566 = arith.remsi %add3A_1559, %rem3A_1565 : vector<16xi32>
          %ne3A_1567 = arith.constant 0 : i32
          %ne3A_1568 = vector.broadcast %ne3A_1567 : i32 to vector<16xi32>
          %ne3A_1569 = arith.cmpi ne, %rem3A_1566, %ne3A_1568 : vector<16xi32>
          %lt3A_1570 = arith.constant 0 : i32
          %lt3A_1571 = vector.broadcast %lt3A_1570 : i32 to vector<16xi32>
          %lt3A_1572 = arith.cmpi slt, %rem3A_1566, %lt3A_1571 : vector<16xi32>
          %lt3A_1573 = arith.constant 0 : i32
          %lt3A_1574 = arith.cmpi slt, %select_n3A_1564, %lt3A_1573 : i32
          %ne3A_1575 = vector.broadcast %lt3A_1574 : i1 to vector<16xi1>
          %ne3A_1576 = vector.broadcast %ne3A_1575 : vector<16xi1> to vector<16xi1>
          %ne3A_1577 = arith.xori %lt3A_1572, %ne3A_1576 : vector<16xi1>
          %and3A_1578 = arith.andi %ne3A_1577, %ne3A_1569 : vector<16xi1>
          %add3A_1579 = vector.broadcast %select_n3A_1564 : i32 to vector<16xi32>
          %add3A_1580 = arith.addi %rem3A_1566, %add3A_1579 : vector<16xi32>
          %select_n3A_1581 = arith.select %and3A_1578, %add3A_1580, %rem3A_1566 : vector<16xi1>, vector<16xi32>
          %lt3A_1582 = arith.constant 0 : i32
          %lt3A_1583 = vector.broadcast %lt3A_1582 : i32 to vector<16xi32>
          %lt3A_1584 = arith.cmpi slt, %select_n3A_1581, %lt3A_1583 : vector<16xi32>
          %add3A_1585 = arith.constant 16 : i32
          %add3A_1586 = vector.broadcast %add3A_1585 : i32 to vector<16xi32>
          %add3A_1587 = arith.addi %select_n3A_1581, %add3A_1586 : vector<16xi32>
          %select_n3A_1588 = arith.select %lt3A_1584, %add3A_1587, %select_n3A_1581 : vector<16xi1>, vector<16xi32>
          %broadcast_in_dim3A_1589 = vector.shape_cast %select_n3A_1588 : vector<16xi32> to vector<16x1xi32>
          %gather3A_1590 = vector.shape_cast %broadcast_in_dim3A_1589 : vector<16x1xi32> to vector<16xi32>
          %gather3A_1591 = tpu.dynamic_gather %add3A_1556[%gather3A_1590] in [0] : vector<16xf32>, vector<16xi32> -> vector<16xf32>
          %add3A_1592 = arith.addf %add3A_1556, %gather3A_1591 : vector<16xf32>
          %add3A_1593 = arith.constant 2 : i32
          %add3A_1594 = vector.broadcast %add3A_1593 : i32 to vector<16xi32>
          %add3A_1595 = arith.addi %iota3A, %add3A_1594 : vector<16xi32>
          %jit3A_1596 = arith.constant 16 : i32
          %eq3A_1597 = arith.constant 0 : i32
          %eq3A_1598 = arith.cmpi eq, %jit3A_1596, %eq3A_1597 : i32
          %jit3A_1599 = arith.constant 1 : i32
          %select_n3A_1600 = arith.select %eq3A_1598, %jit3A_1599, %jit3A_1596 : i32
          %rem3A_1601 = vector.broadcast %select_n3A_1600 : i32 to vector<16xi32>
          %rem3A_1602 = arith.remsi %add3A_1595, %rem3A_1601 : vector<16xi32>
          %ne3A_1603 = arith.constant 0 : i32
          %ne3A_1604 = vector.broadcast %ne3A_1603 : i32 to vector<16xi32>
          %ne3A_1605 = arith.cmpi ne, %rem3A_1602, %ne3A_1604 : vector<16xi32>
          %lt3A_1606 = arith.constant 0 : i32
          %lt3A_1607 = vector.broadcast %lt3A_1606 : i32 to vector<16xi32>
          %lt3A_1608 = arith.cmpi slt, %rem3A_1602, %lt3A_1607 : vector<16xi32>
          %lt3A_1609 = arith.constant 0 : i32
          %lt3A_1610 = arith.cmpi slt, %select_n3A_1600, %lt3A_1609 : i32
          %ne3A_1611 = vector.broadcast %lt3A_1610 : i1 to vector<16xi1>
          %ne3A_1612 = vector.broadcast %ne3A_1611 : vector<16xi1> to vector<16xi1>
          %ne3A_1613 = arith.xori %lt3A_1608, %ne3A_1612 : vector<16xi1>
          %and3A_1614 = arith.andi %ne3A_1613, %ne3A_1605 : vector<16xi1>
          %add3A_1615 = vector.broadcast %select_n3A_1600 : i32 to vector<16xi32>
          %add3A_1616 = arith.addi %rem3A_1602, %add3A_1615 : vector<16xi32>
          %select_n3A_1617 = arith.select %and3A_1614, %add3A_1616, %rem3A_1602 : vector<16xi1>, vector<16xi32>
          %lt3A_1618 = arith.constant 0 : i32
          %lt3A_1619 = vector.broadcast %lt3A_1618 : i32 to vector<16xi32>
          %lt3A_1620 = arith.cmpi slt, %select_n3A_1617, %lt3A_1619 : vector<16xi32>
          %add3A_1621 = arith.constant 16 : i32
          %add3A_1622 = vector.broadcast %add3A_1621 : i32 to vector<16xi32>
          %add3A_1623 = arith.addi %select_n3A_1617, %add3A_1622 : vector<16xi32>
          %select_n3A_1624 = arith.select %lt3A_1620, %add3A_1623, %select_n3A_1617 : vector<16xi1>, vector<16xi32>
          %broadcast_in_dim3A_1625 = vector.shape_cast %select_n3A_1624 : vector<16xi32> to vector<16x1xi32>
          %gather3A_1626 = vector.shape_cast %broadcast_in_dim3A_1625 : vector<16x1xi32> to vector<16xi32>
          %gather3A_1627 = tpu.dynamic_gather %add3A_1592[%gather3A_1626] in [0] : vector<16xf32>, vector<16xi32> -> vector<16xf32>
          %add3A_1628 = arith.addf %add3A_1592, %gather3A_1627 : vector<16xf32>
          %add3A_1629 = arith.constant 1 : i32
          %add3A_1630 = vector.broadcast %add3A_1629 : i32 to vector<16xi32>
          %add3A_1631 = arith.addi %iota3A, %add3A_1630 : vector<16xi32>
          %jit3A_1632 = arith.constant 16 : i32
          %eq3A_1633 = arith.constant 0 : i32
          %eq3A_1634 = arith.cmpi eq, %jit3A_1632, %eq3A_1633 : i32
          %jit3A_1635 = arith.constant 1 : i32
          %select_n3A_1636 = arith.select %eq3A_1634, %jit3A_1635, %jit3A_1632 : i32
          %rem3A_1637 = vector.broadcast %select_n3A_1636 : i32 to vector<16xi32>
          %rem3A_1638 = arith.remsi %add3A_1631, %rem3A_1637 : vector<16xi32>
          %ne3A_1639 = arith.constant 0 : i32
          %ne3A_1640 = vector.broadcast %ne3A_1639 : i32 to vector<16xi32>
          %ne3A_1641 = arith.cmpi ne, %rem3A_1638, %ne3A_1640 : vector<16xi32>
          %lt3A_1642 = arith.constant 0 : i32
          %lt3A_1643 = vector.broadcast %lt3A_1642 : i32 to vector<16xi32>
          %lt3A_1644 = arith.cmpi slt, %rem3A_1638, %lt3A_1643 : vector<16xi32>
          %lt3A_1645 = arith.constant 0 : i32
          %lt3A_1646 = arith.cmpi slt, %select_n3A_1636, %lt3A_1645 : i32
          %ne3A_1647 = vector.broadcast %lt3A_1646 : i1 to vector<16xi1>
          %ne3A_1648 = vector.broadcast %ne3A_1647 : vector<16xi1> to vector<16xi1>
          %ne3A_1649 = arith.xori %lt3A_1644, %ne3A_1648 : vector<16xi1>
          %and3A_1650 = arith.andi %ne3A_1649, %ne3A_1641 : vector<16xi1>
          %add3A_1651 = vector.broadcast %select_n3A_1636 : i32 to vector<16xi32>
          %add3A_1652 = arith.addi %rem3A_1638, %add3A_1651 : vector<16xi32>
          %select_n3A_1653 = arith.select %and3A_1650, %add3A_1652, %rem3A_1638 : vector<16xi1>, vector<16xi32>
          %lt3A_1654 = arith.constant 0 : i32
          %lt3A_1655 = vector.broadcast %lt3A_1654 : i32 to vector<16xi32>
          %lt3A_1656 = arith.cmpi slt, %select_n3A_1653, %lt3A_1655 : vector<16xi32>
          %add3A_1657 = arith.constant 16 : i32
          %add3A_1658 = vector.broadcast %add3A_1657 : i32 to vector<16xi32>
          %add3A_1659 = arith.addi %select_n3A_1653, %add3A_1658 : vector<16xi32>
          %select_n3A_1660 = arith.select %lt3A_1656, %add3A_1659, %select_n3A_1653 : vector<16xi1>, vector<16xi32>
          %broadcast_in_dim3A_1661 = vector.shape_cast %select_n3A_1660 : vector<16xi32> to vector<16x1xi32>
          %gather3A_1662 = vector.shape_cast %broadcast_in_dim3A_1661 : vector<16x1xi32> to vector<16xi32>
          %gather3A_1663 = tpu.dynamic_gather %add3A_1628[%gather3A_1662] in [0] : vector<16xf32>, vector<16xi32> -> vector<16xf32>
          %add3A_1664 = arith.addf %add3A_1628, %gather3A_1663 : vector<16xf32>
          %eq3A_1665 = arith.constant 6 : i32
          %eq3A_1666 = vector.broadcast %eq3A_1665 : i32 to vector<16xi32>
          %eq3A_1667 = arith.cmpi eq, %iota3A, %eq3A_1666 : vector<16xi32>
          %select_n3A_1668 = arith.select %eq3A_1667, %add3A_1664, %select_n3A_1441 : vector<16xi1>, vector<16xf32>
          %mul3A_1669 = arith.constant 16 : i32
          %mul3A_1670 = arith.muli %scan3A_80, %mul3A_1669 : i32
          %add3A_1671 = arith.constant 7 : i32
          %add3A_1672 = arith.addi %mul3A_1670, %add3A_1671 : i32
          %broadcast_in_dim3A_1673 = arith.constant 7 : i32
          %broadcast_in_dim3A_1674 = vector.broadcast %broadcast_in_dim3A_1673 : i32 to vector<16xi32>
          %lt3A_1675 = arith.constant 0 : i32
          %lt3A_1676 = vector.broadcast %lt3A_1675 : i32 to vector<16xi32>
          %lt3A_1677 = arith.cmpi slt, %broadcast_in_dim3A_1674, %lt3A_1676 : vector<16xi32>
          %add3A_1678 = arith.constant 16 : i32
          %add3A_1679 = vector.broadcast %add3A_1678 : i32 to vector<16xi32>
          %add3A_1680 = arith.addi %broadcast_in_dim3A_1674, %add3A_1679 : vector<16xi32>
          %select_n3A_1681 = arith.select %lt3A_1677, %add3A_1680, %broadcast_in_dim3A_1674 : vector<16xi1>, vector<16xi32>
          %broadcast_in_dim3A_1682 = vector.shape_cast %select_n3A_1681 : vector<16xi32> to vector<16x1xi32>
          %gather3A_1683 = vector.shape_cast %broadcast_in_dim3A_1682 : vector<16x1xi32> to vector<16xi32>
          %gather3A_1684 = tpu.dynamic_gather %get3A_88[%gather3A_1683] in [0] : vector<16xf32>, vector<16xi32> -> vector<16xf32>
          %get3A_1685 = arith.index_cast %add3A_1672 : i32 to index
          %get3A_1686 = arith.constant 0 : index
          %get3A_1687 = tpu.vector_load %arg13[%get3A_1685, %get3A_1686] {strides = array<i32>} : memref<128x128xf32, #tpu.memory_space<vmem>>, vector<1x16xf32>,
          %get3A_1688 = vector.shape_cast %get3A_1687 : vector<1x16xf32> to vector<16xf32>
          %get3A_1689 = arith.index_cast %add3A_1672 : i32 to index
          %get3A_1690 = arith.constant 64 : index
          %get3A_1691 = tpu.vector_load %arg14[%get3A_1689, %get3A_1690] {strides = array<i32>} : memref<128x128xf32, #tpu.memory_space<vmem>>, vector<1x16xf32>,
          %get3A_1692 = vector.shape_cast %get3A_1691 : vector<1x16xf32> to vector<16xf32>
          %add3A_1693 = arith.addf %get3A_1688, %get3A_1692 : vector<16xf32>
          %mul3A_1694 = arith.mulf %gather3A_1684, %get3A_2 : vector<16xf32>
          %add3A_1695 = arith.addf %add3A_1693, %mul3A_1694 : vector<16xf32>
          %max3A_1696 = arith.constant 0.000000e+00 : f32
          %max3A_1697 = vector.broadcast %max3A_1696 : f32 to vector<16xf32>
          %max3A_1698 = arith.maximumf %add3A_1695, %max3A_1697 : vector<16xf32>
          %mul3A_1699 = arith.mulf %max3A_1698, %get3A_14 : vector<16xf32>
          %get3A_1700 = arith.index_cast %add3A_1672 : i32 to index
          %get3A_1701 = arith.constant 16 : index
          %get3A_1702 = tpu.vector_load %arg13[%get3A_1700, %get3A_1701] {strides = array<i32>} : memref<128x128xf32, #tpu.memory_space<vmem>>, vector<1x16xf32>,
          %get3A_1703 = vector.shape_cast %get3A_1702 : vector<1x16xf32> to vector<16xf32>
          %get3A_1704 = arith.index_cast %add3A_1672 : i32 to index
          %get3A_1705 = arith.constant 80 : index
          %get3A_1706 = tpu.vector_load %arg14[%get3A_1704, %get3A_1705] {strides = array<i32>} : memref<128x128xf32, #tpu.memory_space<vmem>>, vector<1x16xf32>,
          %get3A_1707 = vector.shape_cast %get3A_1706 : vector<1x16xf32> to vector<16xf32>
          %add3A_1708 = arith.addf %get3A_1703, %get3A_1707 : vector<16xf32>
          %mul3A_1709 = arith.mulf %gather3A_1684, %get3A_5 : vector<16xf32>
          %add3A_1710 = arith.addf %add3A_1708, %mul3A_1709 : vector<16xf32>
          %max3A_1711 = arith.constant 0.000000e+00 : f32
          %max3A_1712 = vector.broadcast %max3A_1711 : f32 to vector<16xf32>
          %max3A_1713 = arith.maximumf %add3A_1710, %max3A_1712 : vector<16xf32>
          %mul3A_1714 = arith.mulf %max3A_1713, %get3A_17 : vector<16xf32>
          %add3A_1715 = arith.addf %mul3A_1699, %mul3A_1714 : vector<16xf32>
          %get3A_1716 = arith.index_cast %add3A_1672 : i32 to index
          %get3A_1717 = arith.constant 32 : index
          %get3A_1718 = tpu.vector_load %arg13[%get3A_1716, %get3A_1717] {strides = array<i32>} : memref<128x128xf32, #tpu.memory_space<vmem>>, vector<1x16xf32>,
          %get3A_1719 = vector.shape_cast %get3A_1718 : vector<1x16xf32> to vector<16xf32>
          %get3A_1720 = arith.index_cast %add3A_1672 : i32 to index
          %get3A_1721 = arith.constant 96 : index
          %get3A_1722 = tpu.vector_load %arg14[%get3A_1720, %get3A_1721] {strides = array<i32>} : memref<128x128xf32, #tpu.memory_space<vmem>>, vector<1x16xf32>,
          %get3A_1723 = vector.shape_cast %get3A_1722 : vector<1x16xf32> to vector<16xf32>
          %add3A_1724 = arith.addf %get3A_1719, %get3A_1723 : vector<16xf32>
          %mul3A_1725 = arith.mulf %gather3A_1684, %get3A_8 : vector<16xf32>
          %add3A_1726 = arith.addf %add3A_1724, %mul3A_1725 : vector<16xf32>
          %max3A_1727 = arith.constant 0.000000e+00 : f32
          %max3A_1728 = vector.broadcast %max3A_1727 : f32 to vector<16xf32>
          %max3A_1729 = arith.maximumf %add3A_1726, %max3A_1728 : vector<16xf32>
          %mul3A_1730 = arith.mulf %max3A_1729, %get3A_20 : vector<16xf32>
          %add3A_1731 = arith.addf %add3A_1715, %mul3A_1730 : vector<16xf32>
          %get3A_1732 = arith.index_cast %add3A_1672 : i32 to index
          %get3A_1733 = arith.constant 48 : index
          %get3A_1734 = tpu.vector_load %arg13[%get3A_1732, %get3A_1733] {strides = array<i32>} : memref<128x128xf32, #tpu.memory_space<vmem>>, vector<1x16xf32>,
          %get3A_1735 = vector.shape_cast %get3A_1734 : vector<1x16xf32> to vector<16xf32>
          %get3A_1736 = arith.index_cast %add3A_1672 : i32 to index
          %get3A_1737 = arith.constant 112 : index
          %get3A_1738 = tpu.vector_load %arg14[%get3A_1736, %get3A_1737] {strides = array<i32>} : memref<128x128xf32, #tpu.memory_space<vmem>>, vector<1x16xf32>,
          %get3A_1739 = vector.shape_cast %get3A_1738 : vector<1x16xf32> to vector<16xf32>
          %add3A_1740 = arith.addf %get3A_1735, %get3A_1739 : vector<16xf32>
          %mul3A_1741 = arith.mulf %gather3A_1684, %get3A_11 : vector<16xf32>
          %add3A_1742 = arith.addf %add3A_1740, %mul3A_1741 : vector<16xf32>
          %max3A_1743 = arith.constant 0.000000e+00 : f32
          %max3A_1744 = vector.broadcast %max3A_1743 : f32 to vector<16xf32>
          %max3A_1745 = arith.maximumf %add3A_1742, %max3A_1744 : vector<16xf32>
          %mul3A_1746 = arith.mulf %max3A_1745, %get3A_23 : vector<16xf32>
          %add3A_1747 = arith.addf %add3A_1731, %mul3A_1746 : vector<16xf32>
          %add3A_1748 = arith.constant 8 : i32
          %add3A_1749 = vector.broadcast %add3A_1748 : i32 to vector<16xi32>
          %add3A_1750 = arith.addi %iota3A, %add3A_1749 : vector<16xi32>
          %jit3A_1751 = arith.constant 16 : i32
          %eq3A_1752 = arith.constant 0 : i32
          %eq3A_1753 = arith.cmpi eq, %jit3A_1751, %eq3A_1752 : i32
          %jit3A_1754 = arith.constant 1 : i32
          %select_n3A_1755 = arith.select %eq3A_1753, %jit3A_1754, %jit3A_1751 : i32
          %rem3A_1756 = vector.broadcast %select_n3A_1755 : i32 to vector<16xi32>
          %rem3A_1757 = arith.remsi %add3A_1750, %rem3A_1756 : vector<16xi32>
          %ne3A_1758 = arith.constant 0 : i32
          %ne3A_1759 = vector.broadcast %ne3A_1758 : i32 to vector<16xi32>
          %ne3A_1760 = arith.cmpi ne, %rem3A_1757, %ne3A_1759 : vector<16xi32>
          %lt3A_1761 = arith.constant 0 : i32
          %lt3A_1762 = vector.broadcast %lt3A_1761 : i32 to vector<16xi32>
          %lt3A_1763 = arith.cmpi slt, %rem3A_1757, %lt3A_1762 : vector<16xi32>
          %lt3A_1764 = arith.constant 0 : i32
          %lt3A_1765 = arith.cmpi slt, %select_n3A_1755, %lt3A_1764 : i32
          %ne3A_1766 = vector.broadcast %lt3A_1765 : i1 to vector<16xi1>
          %ne3A_1767 = vector.broadcast %ne3A_1766 : vector<16xi1> to vector<16xi1>
          %ne3A_1768 = arith.xori %lt3A_1763, %ne3A_1767 : vector<16xi1>
          %and3A_1769 = arith.andi %ne3A_1768, %ne3A_1760 : vector<16xi1>
          %add3A_1770 = vector.broadcast %select_n3A_1755 : i32 to vector<16xi32>
          %add3A_1771 = arith.addi %rem3A_1757, %add3A_1770 : vector<16xi32>
          %select_n3A_1772 = arith.select %and3A_1769, %add3A_1771, %rem3A_1757 : vector<16xi1>, vector<16xi32>
          %lt3A_1773 = arith.constant 0 : i32
          %lt3A_1774 = vector.broadcast %lt3A_1773 : i32 to vector<16xi32>
          %lt3A_1775 = arith.cmpi slt, %select_n3A_1772, %lt3A_1774 : vector<16xi32>
          %add3A_1776 = arith.constant 16 : i32
          %add3A_1777 = vector.broadcast %add3A_1776 : i32 to vector<16xi32>
          %add3A_1778 = arith.addi %select_n3A_1772, %add3A_1777 : vector<16xi32>
          %select_n3A_1779 = arith.select %lt3A_1775, %add3A_1778, %select_n3A_1772 : vector<16xi1>, vector<16xi32>
          %broadcast_in_dim3A_1780 = vector.shape_cast %select_n3A_1779 : vector<16xi32> to vector<16x1xi32>
          %gather3A_1781 = vector.shape_cast %broadcast_in_dim3A_1780 : vector<16x1xi32> to vector<16xi32>
          %gather3A_1782 = tpu.dynamic_gather %add3A_1747[%gather3A_1781] in [0] : vector<16xf32>, vector<16xi32> -> vector<16xf32>
          %add3A_1783 = arith.addf %add3A_1747, %gather3A_1782 : vector<16xf32>
          %add3A_1784 = arith.constant 4 : i32
          %add3A_1785 = vector.broadcast %add3A_1784 : i32 to vector<16xi32>
          %add3A_1786 = arith.addi %iota3A, %add3A_1785 : vector<16xi32>
          %jit3A_1787 = arith.constant 16 : i32
          %eq3A_1788 = arith.constant 0 : i32
          %eq3A_1789 = arith.cmpi eq, %jit3A_1787, %eq3A_1788 : i32
          %jit3A_1790 = arith.constant 1 : i32
          %select_n3A_1791 = arith.select %eq3A_1789, %jit3A_1790, %jit3A_1787 : i32
          %rem3A_1792 = vector.broadcast %select_n3A_1791 : i32 to vector<16xi32>
          %rem3A_1793 = arith.remsi %add3A_1786, %rem3A_1792 : vector<16xi32>
          %ne3A_1794 = arith.constant 0 : i32
          %ne3A_1795 = vector.broadcast %ne3A_1794 : i32 to vector<16xi32>
          %ne3A_1796 = arith.cmpi ne, %rem3A_1793, %ne3A_1795 : vector<16xi32>
          %lt3A_1797 = arith.constant 0 : i32
          %lt3A_1798 = vector.broadcast %lt3A_1797 : i32 to vector<16xi32>
          %lt3A_1799 = arith.cmpi slt, %rem3A_1793, %lt3A_1798 : vector<16xi32>
          %lt3A_1800 = arith.constant 0 : i32
          %lt3A_1801 = arith.cmpi slt, %select_n3A_1791, %lt3A_1800 : i32
          %ne3A_1802 = vector.broadcast %lt3A_1801 : i1 to vector<16xi1>
          %ne3A_1803 = vector.broadcast %ne3A_1802 : vector<16xi1> to vector<16xi1>
          %ne3A_1804 = arith.xori %lt3A_1799, %ne3A_1803 : vector<16xi1>
          %and3A_1805 = arith.andi %ne3A_1804, %ne3A_1796 : vector<16xi1>
          %add3A_1806 = vector.broadcast %select_n3A_1791 : i32 to vector<16xi32>
          %add3A_1807 = arith.addi %rem3A_1793, %add3A_1806 : vector<16xi32>
          %select_n3A_1808 = arith.select %and3A_1805, %add3A_1807, %rem3A_1793 : vector<16xi1>, vector<16xi32>
          %lt3A_1809 = arith.constant 0 : i32
          %lt3A_1810 = vector.broadcast %lt3A_1809 : i32 to vector<16xi32>
          %lt3A_1811 = arith.cmpi slt, %select_n3A_1808, %lt3A_1810 : vector<16xi32>
          %add3A_1812 = arith.constant 16 : i32
          %add3A_1813 = vector.broadcast %add3A_1812 : i32 to vector<16xi32>
          %add3A_1814 = arith.addi %select_n3A_1808, %add3A_1813 : vector<16xi32>
          %select_n3A_1815 = arith.select %lt3A_1811, %add3A_1814, %select_n3A_1808 : vector<16xi1>, vector<16xi32>
          %broadcast_in_dim3A_1816 = vector.shape_cast %select_n3A_1815 : vector<16xi32> to vector<16x1xi32>
          %gather3A_1817 = vector.shape_cast %broadcast_in_dim3A_1816 : vector<16x1xi32> to vector<16xi32>
          %gather3A_1818 = tpu.dynamic_gather %add3A_1783[%gather3A_1817] in [0] : vector<16xf32>, vector<16xi32> -> vector<16xf32>
          %add3A_1819 = arith.addf %add3A_1783, %gather3A_1818 : vector<16xf32>
          %add3A_1820 = arith.constant 2 : i32
          %add3A_1821 = vector.broadcast %add3A_1820 : i32 to vector<16xi32>
          %add3A_1822 = arith.addi %iota3A, %add3A_1821 : vector<16xi32>
          %jit3A_1823 = arith.constant 16 : i32
          %eq3A_1824 = arith.constant 0 : i32
          %eq3A_1825 = arith.cmpi eq, %jit3A_1823, %eq3A_1824 : i32
          %jit3A_1826 = arith.constant 1 : i32
          %select_n3A_1827 = arith.select %eq3A_1825, %jit3A_1826, %jit3A_1823 : i32
          %rem3A_1828 = vector.broadcast %select_n3A_1827 : i32 to vector<16xi32>
          %rem3A_1829 = arith.remsi %add3A_1822, %rem3A_1828 : vector<16xi32>
          %ne3A_1830 = arith.constant 0 : i32
          %ne3A_1831 = vector.broadcast %ne3A_1830 : i32 to vector<16xi32>
          %ne3A_1832 = arith.cmpi ne, %rem3A_1829, %ne3A_1831 : vector<16xi32>
          %lt3A_1833 = arith.constant 0 : i32
          %lt3A_1834 = vector.broadcast %lt3A_1833 : i32 to vector<16xi32>
          %lt3A_1835 = arith.cmpi slt, %rem3A_1829, %lt3A_1834 : vector<16xi32>
          %lt3A_1836 = arith.constant 0 : i32
          %lt3A_1837 = arith.cmpi slt, %select_n3A_1827, %lt3A_1836 : i32
          %ne3A_1838 = vector.broadcast %lt3A_1837 : i1 to vector<16xi1>
          %ne3A_1839 = vector.broadcast %ne3A_1838 : vector<16xi1> to vector<16xi1>
          %ne3A_1840 = arith.xori %lt3A_1835, %ne3A_1839 : vector<16xi1>
          %and3A_1841 = arith.andi %ne3A_1840, %ne3A_1832 : vector<16xi1>
          %add3A_1842 = vector.broadcast %select_n3A_1827 : i32 to vector<16xi32>
          %add3A_1843 = arith.addi %rem3A_1829, %add3A_1842 : vector<16xi32>
          %select_n3A_1844 = arith.select %and3A_1841, %add3A_1843, %rem3A_1829 : vector<16xi1>, vector<16xi32>
          %lt3A_1845 = arith.constant 0 : i32
          %lt3A_1846 = vector.broadcast %lt3A_1845 : i32 to vector<16xi32>
          %lt3A_1847 = arith.cmpi slt, %select_n3A_1844, %lt3A_1846 : vector<16xi32>
          %add3A_1848 = arith.constant 16 : i32
          %add3A_1849 = vector.broadcast %add3A_1848 : i32 to vector<16xi32>
          %add3A_1850 = arith.addi %select_n3A_1844, %add3A_1849 : vector<16xi32>
          %select_n3A_1851 = arith.select %lt3A_1847, %add3A_1850, %select_n3A_1844 : vector<16xi1>, vector<16xi32>
          %broadcast_in_dim3A_1852 = vector.shape_cast %select_n3A_1851 : vector<16xi32> to vector<16x1xi32>
          %gather3A_1853 = vector.shape_cast %broadcast_in_dim3A_1852 : vector<16x1xi32> to vector<16xi32>
          %gather3A_1854 = tpu.dynamic_gather %add3A_1819[%gather3A_1853] in [0] : vector<16xf32>, vector<16xi32> -> vector<16xf32>
          %add3A_1855 = arith.addf %add3A_1819, %gather3A_1854 : vector<16xf32>
          %add3A_1856 = arith.constant 1 : i32
          %add3A_1857 = vector.broadcast %add3A_1856 : i32 to vector<16xi32>
          %add3A_1858 = arith.addi %iota3A, %add3A_1857 : vector<16xi32>
          %jit3A_1859 = arith.constant 16 : i32
          %eq3A_1860 = arith.constant 0 : i32
          %eq3A_1861 = arith.cmpi eq, %jit3A_1859, %eq3A_1860 : i32
          %jit3A_1862 = arith.constant 1 : i32
          %select_n3A_1863 = arith.select %eq3A_1861, %jit3A_1862, %jit3A_1859 : i32
          %rem3A_1864 = vector.broadcast %select_n3A_1863 : i32 to vector<16xi32>
          %rem3A_1865 = arith.remsi %add3A_1858, %rem3A_1864 : vector<16xi32>
          %ne3A_1866 = arith.constant 0 : i32
          %ne3A_1867 = vector.broadcast %ne3A_1866 : i32 to vector<16xi32>
          %ne3A_1868 = arith.cmpi ne, %rem3A_1865, %ne3A_1867 : vector<16xi32>
          %lt3A_1869 = arith.constant 0 : i32
          %lt3A_1870 = vector.broadcast %lt3A_1869 : i32 to vector<16xi32>
          %lt3A_1871 = arith.cmpi slt, %rem3A_1865, %lt3A_1870 : vector<16xi32>
          %lt3A_1872 = arith.constant 0 : i32
          %lt3A_1873 = arith.cmpi slt, %select_n3A_1863, %lt3A_1872 : i32
          %ne3A_1874 = vector.broadcast %lt3A_1873 : i1 to vector<16xi1>
          %ne3A_1875 = vector.broadcast %ne3A_1874 : vector<16xi1> to vector<16xi1>
          %ne3A_1876 = arith.xori %lt3A_1871, %ne3A_1875 : vector<16xi1>
          %and3A_1877 = arith.andi %ne3A_1876, %ne3A_1868 : vector<16xi1>
          %add3A_1878 = vector.broadcast %select_n3A_1863 : i32 to vector<16xi32>
          %add3A_1879 = arith.addi %rem3A_1865, %add3A_1878 : vector<16xi32>
          %select_n3A_1880 = arith.select %and3A_1877, %add3A_1879, %rem3A_1865 : vector<16xi1>, vector<16xi32>
          %lt3A_1881 = arith.constant 0 : i32
          %lt3A_1882 = vector.broadcast %lt3A_1881 : i32 to vector<16xi32>
          %lt3A_1883 = arith.cmpi slt, %select_n3A_1880, %lt3A_1882 : vector<16xi32>
          %add3A_1884 = arith.constant 16 : i32
          %add3A_1885 = vector.broadcast %add3A_1884 : i32 to vector<16xi32>
          %add3A_1886 = arith.addi %select_n3A_1880, %add3A_1885 : vector<16xi32>
          %select_n3A_1887 = arith.select %lt3A_1883, %add3A_1886, %select_n3A_1880 : vector<16xi1>, vector<16xi32>
          %broadcast_in_dim3A_1888 = vector.shape_cast %select_n3A_1887 : vector<16xi32> to vector<16x1xi32>
          %gather3A_1889 = vector.shape_cast %broadcast_in_dim3A_1888 : vector<16x1xi32> to vector<16xi32>
          %gather3A_1890 = tpu.dynamic_gather %add3A_1855[%gather3A_1889] in [0] : vector<16xf32>, vector<16xi32> -> vector<16xf32>
          %add3A_1891 = arith.addf %add3A_1855, %gather3A_1890 : vector<16xf32>
          %eq3A_1892 = arith.constant 7 : i32
          %eq3A_1893 = vector.broadcast %eq3A_1892 : i32 to vector<16xi32>
          %eq3A_1894 = arith.cmpi eq, %iota3A, %eq3A_1893 : vector<16xi32>
          %select_n3A_1895 = arith.select %eq3A_1894, %add3A_1891, %select_n3A_1668 : vector<16xi1>, vector<16xf32>
          %mul3A_1896 = arith.constant 16 : i32
          %mul3A_1897 = arith.muli %scan3A_80, %mul3A_1896 : i32
          %add3A_1898 = arith.constant 8 : i32
          %add3A_1899 = arith.addi %mul3A_1897, %add3A_1898 : i32
          %broadcast_in_dim3A_1900 = arith.constant 8 : i32
          %broadcast_in_dim3A_1901 = vector.broadcast %broadcast_in_dim3A_1900 : i32 to vector<16xi32>
          %lt3A_1902 = arith.constant 0 : i32
          %lt3A_1903 = vector.broadcast %lt3A_1902 : i32 to vector<16xi32>
          %lt3A_1904 = arith.cmpi slt, %broadcast_in_dim3A_1901, %lt3A_1903 : vector<16xi32>
          %add3A_1905 = arith.constant 16 : i32
          %add3A_1906 = vector.broadcast %add3A_1905 : i32 to vector<16xi32>
          %add3A_1907 = arith.addi %broadcast_in_dim3A_1901, %add3A_1906 : vector<16xi32>
          %select_n3A_1908 = arith.select %lt3A_1904, %add3A_1907, %broadcast_in_dim3A_1901 : vector<16xi1>, vector<16xi32>
          %broadcast_in_dim3A_1909 = vector.shape_cast %select_n3A_1908 : vector<16xi32> to vector<16x1xi32>
          %gather3A_1910 = vector.shape_cast %broadcast_in_dim3A_1909 : vector<16x1xi32> to vector<16xi32>
          %gather3A_1911 = tpu.dynamic_gather %get3A_88[%gather3A_1910] in [0] : vector<16xf32>, vector<16xi32> -> vector<16xf32>
          %get3A_1912 = arith.index_cast %add3A_1899 : i32 to index
          %get3A_1913 = arith.constant 0 : index
          %get3A_1914 = tpu.vector_load %arg13[%get3A_1912, %get3A_1913] {strides = array<i32>} : memref<128x128xf32, #tpu.memory_space<vmem>>, vector<1x16xf32>,
          %get3A_1915 = vector.shape_cast %get3A_1914 : vector<1x16xf32> to vector<16xf32>
          %get3A_1916 = arith.index_cast %add3A_1899 : i32 to index
          %get3A_1917 = arith.constant 64 : index
          %get3A_1918 = tpu.vector_load %arg14[%get3A_1916, %get3A_1917] {strides = array<i32>} : memref<128x128xf32, #tpu.memory_space<vmem>>, vector<1x16xf32>,
          %get3A_1919 = vector.shape_cast %get3A_1918 : vector<1x16xf32> to vector<16xf32>
          %add3A_1920 = arith.addf %get3A_1915, %get3A_1919 : vector<16xf32>
          %mul3A_1921 = arith.mulf %gather3A_1911, %get3A_2 : vector<16xf32>
          %add3A_1922 = arith.addf %add3A_1920, %mul3A_1921 : vector<16xf32>
          %max3A_1923 = arith.constant 0.000000e+00 : f32
          %max3A_1924 = vector.broadcast %max3A_1923 : f32 to vector<16xf32>
          %max3A_1925 = arith.maximumf %add3A_1922, %max3A_1924 : vector<16xf32>
          %mul3A_1926 = arith.mulf %max3A_1925, %get3A_14 : vector<16xf32>
          %get3A_1927 = arith.index_cast %add3A_1899 : i32 to index
          %get3A_1928 = arith.constant 16 : index
          %get3A_1929 = tpu.vector_load %arg13[%get3A_1927, %get3A_1928] {strides = array<i32>} : memref<128x128xf32, #tpu.memory_space<vmem>>, vector<1x16xf32>,
          %get3A_1930 = vector.shape_cast %get3A_1929 : vector<1x16xf32> to vector<16xf32>
          %get3A_1931 = arith.index_cast %add3A_1899 : i32 to index
          %get3A_1932 = arith.constant 80 : index
          %get3A_1933 = tpu.vector_load %arg14[%get3A_1931, %get3A_1932] {strides = array<i32>} : memref<128x128xf32, #tpu.memory_space<vmem>>, vector<1x16xf32>,
          %get3A_1934 = vector.shape_cast %get3A_1933 : vector<1x16xf32> to vector<16xf32>
          %add3A_1935 = arith.addf %get3A_1930, %get3A_1934 : vector<16xf32>
          %mul3A_1936 = arith.mulf %gather3A_1911, %get3A_5 : vector<16xf32>
          %add3A_1937 = arith.addf %add3A_1935, %mul3A_1936 : vector<16xf32>
          %max3A_1938 = arith.constant 0.000000e+00 : f32
          %max3A_1939 = vector.broadcast %max3A_1938 : f32 to vector<16xf32>
          %max3A_1940 = arith.maximumf %add3A_1937, %max3A_1939 : vector<16xf32>
          %mul3A_1941 = arith.mulf %max3A_1940, %get3A_17 : vector<16xf32>
          %add3A_1942 = arith.addf %mul3A_1926, %mul3A_1941 : vector<16xf32>
          %get3A_1943 = arith.index_cast %add3A_1899 : i32 to index
          %get3A_1944 = arith.constant 32 : index
          %get3A_1945 = tpu.vector_load %arg13[%get3A_1943, %get3A_1944] {strides = array<i32>} : memref<128x128xf32, #tpu.memory_space<vmem>>, vector<1x16xf32>,
          %get3A_1946 = vector.shape_cast %get3A_1945 : vector<1x16xf32> to vector<16xf32>
          %get3A_1947 = arith.index_cast %add3A_1899 : i32 to index
          %get3A_1948 = arith.constant 96 : index
          %get3A_1949 = tpu.vector_load %arg14[%get3A_1947, %get3A_1948] {strides = array<i32>} : memref<128x128xf32, #tpu.memory_space<vmem>>, vector<1x16xf32>,
          %get3A_1950 = vector.shape_cast %get3A_1949 : vector<1x16xf32> to vector<16xf32>
          %add3A_1951 = arith.addf %get3A_1946, %get3A_1950 : vector<16xf32>
          %mul3A_1952 = arith.mulf %gather3A_1911, %get3A_8 : vector<16xf32>
          %add3A_1953 = arith.addf %add3A_1951, %mul3A_1952 : vector<16xf32>
          %max3A_1954 = arith.constant 0.000000e+00 : f32
          %max3A_1955 = vector.broadcast %max3A_1954 : f32 to vector<16xf32>
          %max3A_1956 = arith.maximumf %add3A_1953, %max3A_1955 : vector<16xf32>
          %mul3A_1957 = arith.mulf %max3A_1956, %get3A_20 : vector<16xf32>
          %add3A_1958 = arith.addf %add3A_1942, %mul3A_1957 : vector<16xf32>
          %get3A_1959 = arith.index_cast %add3A_1899 : i32 to index
          %get3A_1960 = arith.constant 48 : index
          %get3A_1961 = tpu.vector_load %arg13[%get3A_1959, %get3A_1960] {strides = array<i32>} : memref<128x128xf32, #tpu.memory_space<vmem>>, vector<1x16xf32>,
          %get3A_1962 = vector.shape_cast %get3A_1961 : vector<1x16xf32> to vector<16xf32>
          %get3A_1963 = arith.index_cast %add3A_1899 : i32 to index
          %get3A_1964 = arith.constant 112 : index
          %get3A_1965 = tpu.vector_load %arg14[%get3A_1963, %get3A_1964] {strides = array<i32>} : memref<128x128xf32, #tpu.memory_space<vmem>>, vector<1x16xf32>,
          %get3A_1966 = vector.shape_cast %get3A_1965 : vector<1x16xf32> to vector<16xf32>
          %add3A_1967 = arith.addf %get3A_1962, %get3A_1966 : vector<16xf32>
          %mul3A_1968 = arith.mulf %gather3A_1911, %get3A_11 : vector<16xf32>
          %add3A_1969 = arith.addf %add3A_1967, %mul3A_1968 : vector<16xf32>
          %max3A_1970 = arith.constant 0.000000e+00 : f32
          %max3A_1971 = vector.broadcast %max3A_1970 : f32 to vector<16xf32>
          %max3A_1972 = arith.maximumf %add3A_1969, %max3A_1971 : vector<16xf32>
          %mul3A_1973 = arith.mulf %max3A_1972, %get3A_23 : vector<16xf32>
          %add3A_1974 = arith.addf %add3A_1958, %mul3A_1973 : vector<16xf32>
          %add3A_1975 = arith.constant 8 : i32
          %add3A_1976 = vector.broadcast %add3A_1975 : i32 to vector<16xi32>
          %add3A_1977 = arith.addi %iota3A, %add3A_1976 : vector<16xi32>
          %jit3A_1978 = arith.constant 16 : i32
          %eq3A_1979 = arith.constant 0 : i32
          %eq3A_1980 = arith.cmpi eq, %jit3A_1978, %eq3A_1979 : i32
          %jit3A_1981 = arith.constant 1 : i32
          %select_n3A_1982 = arith.select %eq3A_1980, %jit3A_1981, %jit3A_1978 : i32
          %rem3A_1983 = vector.broadcast %select_n3A_1982 : i32 to vector<16xi32>
          %rem3A_1984 = arith.remsi %add3A_1977, %rem3A_1983 : vector<16xi32>
          %ne3A_1985 = arith.constant 0 : i32
          %ne3A_1986 = vector.broadcast %ne3A_1985 : i32 to vector<16xi32>
          %ne3A_1987 = arith.cmpi ne, %rem3A_1984, %ne3A_1986 : vector<16xi32>
          %lt3A_1988 = arith.constant 0 : i32
          %lt3A_1989 = vector.broadcast %lt3A_1988 : i32 to vector<16xi32>
          %lt3A_1990 = arith.cmpi slt, %rem3A_1984, %lt3A_1989 : vector<16xi32>
          %lt3A_1991 = arith.constant 0 : i32
          %lt3A_1992 = arith.cmpi slt, %select_n3A_1982, %lt3A_1991 : i32
          %ne3A_1993 = vector.broadcast %lt3A_1992 : i1 to vector<16xi1>
          %ne3A_1994 = vector.broadcast %ne3A_1993 : vector<16xi1> to vector<16xi1>
          %ne3A_1995 = arith.xori %lt3A_1990, %ne3A_1994 : vector<16xi1>
          %and3A_1996 = arith.andi %ne3A_1995, %ne3A_1987 : vector<16xi1>
          %add3A_1997 = vector.broadcast %select_n3A_1982 : i32 to vector<16xi32>
          %add3A_1998 = arith.addi %rem3A_1984, %add3A_1997 : vector<16xi32>
          %select_n3A_1999 = arith.select %and3A_1996, %add3A_1998, %rem3A_1984 : vector<16xi1>, vector<16xi32>
          %lt3A_2000 = arith.constant 0 : i32
          %lt3A_2001 = vector.broadcast %lt3A_2000 : i32 to vector<16xi32>
          %lt3A_2002 = arith.cmpi slt, %select_n3A_1999, %lt3A_2001 : vector<16xi32>
          %add3A_2003 = arith.constant 16 : i32
          %add3A_2004 = vector.broadcast %add3A_2003 : i32 to vector<16xi32>
          %add3A_2005 = arith.addi %select_n3A_1999, %add3A_2004 : vector<16xi32>
          %select_n3A_2006 = arith.select %lt3A_2002, %add3A_2005, %select_n3A_1999 : vector<16xi1>, vector<16xi32>
          %broadcast_in_dim3A_2007 = vector.shape_cast %select_n3A_2006 : vector<16xi32> to vector<16x1xi32>
          %gather3A_2008 = vector.shape_cast %broadcast_in_dim3A_2007 : vector<16x1xi32> to vector<16xi32>
          %gather3A_2009 = tpu.dynamic_gather %add3A_1974[%gather3A_2008] in [0] : vector<16xf32>, vector<16xi32> -> vector<16xf32>
          %add3A_2010 = arith.addf %add3A_1974, %gather3A_2009 : vector<16xf32>
          %add3A_2011 = arith.constant 4 : i32
          %add3A_2012 = vector.broadcast %add3A_2011 : i32 to vector<16xi32>
          %add3A_2013 = arith.addi %iota3A, %add3A_2012 : vector<16xi32>
          %jit3A_2014 = arith.constant 16 : i32
          %eq3A_2015 = arith.constant 0 : i32
          %eq3A_2016 = arith.cmpi eq, %jit3A_2014, %eq3A_2015 : i32
          %jit3A_2017 = arith.constant 1 : i32
          %select_n3A_2018 = arith.select %eq3A_2016, %jit3A_2017, %jit3A_2014 : i32
          %rem3A_2019 = vector.broadcast %select_n3A_2018 : i32 to vector<16xi32>
          %rem3A_2020 = arith.remsi %add3A_2013, %rem3A_2019 : vector<16xi32>
          %ne3A_2021 = arith.constant 0 : i32
          %ne3A_2022 = vector.broadcast %ne3A_2021 : i32 to vector<16xi32>
          %ne3A_2023 = arith.cmpi ne, %rem3A_2020, %ne3A_2022 : vector<16xi32>
          %lt3A_2024 = arith.constant 0 : i32
          %lt3A_2025 = vector.broadcast %lt3A_2024 : i32 to vector<16xi32>
          %lt3A_2026 = arith.cmpi slt, %rem3A_2020, %lt3A_2025 : vector<16xi32>
          %lt3A_2027 = arith.constant 0 : i32
          %lt3A_2028 = arith.cmpi slt, %select_n3A_2018, %lt3A_2027 : i32
          %ne3A_2029 = vector.broadcast %lt3A_2028 : i1 to vector<16xi1>
          %ne3A_2030 = vector.broadcast %ne3A_2029 : vector<16xi1> to vector<16xi1>
          %ne3A_2031 = arith.xori %lt3A_2026, %ne3A_2030 : vector<16xi1>
          %and3A_2032 = arith.andi %ne3A_2031, %ne3A_2023 : vector<16xi1>
          %add3A_2033 = vector.broadcast %select_n3A_2018 : i32 to vector<16xi32>
          %add3A_2034 = arith.addi %rem3A_2020, %add3A_2033 : vector<16xi32>
          %select_n3A_2035 = arith.select %and3A_2032, %add3A_2034, %rem3A_2020 : vector<16xi1>, vector<16xi32>
          %lt3A_2036 = arith.constant 0 : i32
          %lt3A_2037 = vector.broadcast %lt3A_2036 : i32 to vector<16xi32>
          %lt3A_2038 = arith.cmpi slt, %select_n3A_2035, %lt3A_2037 : vector<16xi32>
          %add3A_2039 = arith.constant 16 : i32
          %add3A_2040 = vector.broadcast %add3A_2039 : i32 to vector<16xi32>
          %add3A_2041 = arith.addi %select_n3A_2035, %add3A_2040 : vector<16xi32>
          %select_n3A_2042 = arith.select %lt3A_2038, %add3A_2041, %select_n3A_2035 : vector<16xi1>, vector<16xi32>
          %broadcast_in_dim3A_2043 = vector.shape_cast %select_n3A_2042 : vector<16xi32> to vector<16x1xi32>
          %gather3A_2044 = vector.shape_cast %broadcast_in_dim3A_2043 : vector<16x1xi32> to vector<16xi32>
          %gather3A_2045 = tpu.dynamic_gather %add3A_2010[%gather3A_2044] in [0] : vector<16xf32>, vector<16xi32> -> vector<16xf32>
          %add3A_2046 = arith.addf %add3A_2010, %gather3A_2045 : vector<16xf32>
          %add3A_2047 = arith.constant 2 : i32
          %add3A_2048 = vector.broadcast %add3A_2047 : i32 to vector<16xi32>
          %add3A_2049 = arith.addi %iota3A, %add3A_2048 : vector<16xi32>
          %jit3A_2050 = arith.constant 16 : i32
          %eq3A_2051 = arith.constant 0 : i32
          %eq3A_2052 = arith.cmpi eq, %jit3A_2050, %eq3A_2051 : i32
          %jit3A_2053 = arith.constant 1 : i32
          %select_n3A_2054 = arith.select %eq3A_2052, %jit3A_2053, %jit3A_2050 : i32
          %rem3A_2055 = vector.broadcast %select_n3A_2054 : i32 to vector<16xi32>
          %rem3A_2056 = arith.remsi %add3A_2049, %rem3A_2055 : vector<16xi32>
          %ne3A_2057 = arith.constant 0 : i32
          %ne3A_2058 = vector.broadcast %ne3A_2057 : i32 to vector<16xi32>
          %ne3A_2059 = arith.cmpi ne, %rem3A_2056, %ne3A_2058 : vector<16xi32>
          %lt3A_2060 = arith.constant 0 : i32
          %lt3A_2061 = vector.broadcast %lt3A_2060 : i32 to vector<16xi32>
          %lt3A_2062 = arith.cmpi slt, %rem3A_2056, %lt3A_2061 : vector<16xi32>
          %lt3A_2063 = arith.constant 0 : i32
          %lt3A_2064 = arith.cmpi slt, %select_n3A_2054, %lt3A_2063 : i32
          %ne3A_2065 = vector.broadcast %lt3A_2064 : i1 to vector<16xi1>
          %ne3A_2066 = vector.broadcast %ne3A_2065 : vector<16xi1> to vector<16xi1>
          %ne3A_2067 = arith.xori %lt3A_2062, %ne3A_2066 : vector<16xi1>
          %and3A_2068 = arith.andi %ne3A_2067, %ne3A_2059 : vector<16xi1>
          %add3A_2069 = vector.broadcast %select_n3A_2054 : i32 to vector<16xi32>
          %add3A_2070 = arith.addi %rem3A_2056, %add3A_2069 : vector<16xi32>
          %select_n3A_2071 = arith.select %and3A_2068, %add3A_2070, %rem3A_2056 : vector<16xi1>, vector<16xi32>
          %lt3A_2072 = arith.constant 0 : i32
          %lt3A_2073 = vector.broadcast %lt3A_2072 : i32 to vector<16xi32>
          %lt3A_2074 = arith.cmpi slt, %select_n3A_2071, %lt3A_2073 : vector<16xi32>
          %add3A_2075 = arith.constant 16 : i32
          %add3A_2076 = vector.broadcast %add3A_2075 : i32 to vector<16xi32>
          %add3A_2077 = arith.addi %select_n3A_2071, %add3A_2076 : vector<16xi32>
          %select_n3A_2078 = arith.select %lt3A_2074, %add3A_2077, %select_n3A_2071 : vector<16xi1>, vector<16xi32>
          %broadcast_in_dim3A_2079 = vector.shape_cast %select_n3A_2078 : vector<16xi32> to vector<16x1xi32>
          %gather3A_2080 = vector.shape_cast %broadcast_in_dim3A_2079 : vector<16x1xi32> to vector<16xi32>
          %gather3A_2081 = tpu.dynamic_gather %add3A_2046[%gather3A_2080] in [0] : vector<16xf32>, vector<16xi32> -> vector<16xf32>
          %add3A_2082 = arith.addf %add3A_2046, %gather3A_2081 : vector<16xf32>
          %add3A_2083 = arith.constant 1 : i32
          %add3A_2084 = vector.broadcast %add3A_2083 : i32 to vector<16xi32>
          %add3A_2085 = arith.addi %iota3A, %add3A_2084 : vector<16xi32>
          %jit3A_2086 = arith.constant 16 : i32
          %eq3A_2087 = arith.constant 0 : i32
          %eq3A_2088 = arith.cmpi eq, %jit3A_2086, %eq3A_2087 : i32
          %jit3A_2089 = arith.constant 1 : i32
          %select_n3A_2090 = arith.select %eq3A_2088, %jit3A_2089, %jit3A_2086 : i32
          %rem3A_2091 = vector.broadcast %select_n3A_2090 : i32 to vector<16xi32>
          %rem3A_2092 = arith.remsi %add3A_2085, %rem3A_2091 : vector<16xi32>
          %ne3A_2093 = arith.constant 0 : i32
          %ne3A_2094 = vector.broadcast %ne3A_2093 : i32 to vector<16xi32>
          %ne3A_2095 = arith.cmpi ne, %rem3A_2092, %ne3A_2094 : vector<16xi32>
          %lt3A_2096 = arith.constant 0 : i32
          %lt3A_2097 = vector.broadcast %lt3A_2096 : i32 to vector<16xi32>
          %lt3A_2098 = arith.cmpi slt, %rem3A_2092, %lt3A_2097 : vector<16xi32>
          %lt3A_2099 = arith.constant 0 : i32
          %lt3A_2100 = arith.cmpi slt, %select_n3A_2090, %lt3A_2099 : i32
          %ne3A_2101 = vector.broadcast %lt3A_2100 : i1 to vector<16xi1>
          %ne3A_2102 = vector.broadcast %ne3A_2101 : vector<16xi1> to vector<16xi1>
          %ne3A_2103 = arith.xori %lt3A_2098, %ne3A_2102 : vector<16xi1>
          %and3A_2104 = arith.andi %ne3A_2103, %ne3A_2095 : vector<16xi1>
          %add3A_2105 = vector.broadcast %select_n3A_2090 : i32 to vector<16xi32>
          %add3A_2106 = arith.addi %rem3A_2092, %add3A_2105 : vector<16xi32>
          %select_n3A_2107 = arith.select %and3A_2104, %add3A_2106, %rem3A_2092 : vector<16xi1>, vector<16xi32>
          %lt3A_2108 = arith.constant 0 : i32
          %lt3A_2109 = vector.broadcast %lt3A_2108 : i32 to vector<16xi32>
          %lt3A_2110 = arith.cmpi slt, %select_n3A_2107, %lt3A_2109 : vector<16xi32>
          %add3A_2111 = arith.constant 16 : i32
          %add3A_2112 = vector.broadcast %add3A_2111 : i32 to vector<16xi32>
          %add3A_2113 = arith.addi %select_n3A_2107, %add3A_2112 : vector<16xi32>
          %select_n3A_2114 = arith.select %lt3A_2110, %add3A_2113, %select_n3A_2107 : vector<16xi1>, vector<16xi32>
          %broadcast_in_dim3A_2115 = vector.shape_cast %select_n3A_2114 : vector<16xi32> to vector<16x1xi32>
          %gather3A_2116 = vector.shape_cast %broadcast_in_dim3A_2115 : vector<16x1xi32> to vector<16xi32>
          %gather3A_2117 = tpu.dynamic_gather %add3A_2082[%gather3A_2116] in [0] : vector<16xf32>, vector<16xi32> -> vector<16xf32>
          %add3A_2118 = arith.addf %add3A_2082, %gather3A_2117 : vector<16xf32>
          %eq3A_2119 = arith.constant 8 : i32
          %eq3A_2120 = vector.broadcast %eq3A_2119 : i32 to vector<16xi32>
          %eq3A_2121 = arith.cmpi eq, %iota3A, %eq3A_2120 : vector<16xi32>
          %select_n3A_2122 = arith.select %eq3A_2121, %add3A_2118, %select_n3A_1895 : vector<16xi1>, vector<16xf32>
          %mul3A_2123 = arith.constant 16 : i32
          %mul3A_2124 = arith.muli %scan3A_80, %mul3A_2123 : i32
          %add3A_2125 = arith.constant 9 : i32
          %add3A_2126 = arith.addi %mul3A_2124, %add3A_2125 : i32
          %broadcast_in_dim3A_2127 = arith.constant 9 : i32
          %broadcast_in_dim3A_2128 = vector.broadcast %broadcast_in_dim3A_2127 : i32 to vector<16xi32>
          %lt3A_2129 = arith.constant 0 : i32
          %lt3A_2130 = vector.broadcast %lt3A_2129 : i32 to vector<16xi32>
          %lt3A_2131 = arith.cmpi slt, %broadcast_in_dim3A_2128, %lt3A_2130 : vector<16xi32>
          %add3A_2132 = arith.constant 16 : i32
          %add3A_2133 = vector.broadcast %add3A_2132 : i32 to vector<16xi32>
          %add3A_2134 = arith.addi %broadcast_in_dim3A_2128, %add3A_2133 : vector<16xi32>
          %select_n3A_2135 = arith.select %lt3A_2131, %add3A_2134, %broadcast_in_dim3A_2128 : vector<16xi1>, vector<16xi32>
          %broadcast_in_dim3A_2136 = vector.shape_cast %select_n3A_2135 : vector<16xi32> to vector<16x1xi32>
          %gather3A_2137 = vector.shape_cast %broadcast_in_dim3A_2136 : vector<16x1xi32> to vector<16xi32>
          %gather3A_2138 = tpu.dynamic_gather %get3A_88[%gather3A_2137] in [0] : vector<16xf32>, vector<16xi32> -> vector<16xf32>
          %get3A_2139 = arith.index_cast %add3A_2126 : i32 to index
          %get3A_2140 = arith.constant 0 : index
          %get3A_2141 = tpu.vector_load %arg13[%get3A_2139, %get3A_2140] {strides = array<i32>} : memref<128x128xf32, #tpu.memory_space<vmem>>, vector<1x16xf32>,
          %get3A_2142 = vector.shape_cast %get3A_2141 : vector<1x16xf32> to vector<16xf32>
          %get3A_2143 = arith.index_cast %add3A_2126 : i32 to index
          %get3A_2144 = arith.constant 64 : index
          %get3A_2145 = tpu.vector_load %arg14[%get3A_2143, %get3A_2144] {strides = array<i32>} : memref<128x128xf32, #tpu.memory_space<vmem>>, vector<1x16xf32>,
          %get3A_2146 = vector.shape_cast %get3A_2145 : vector<1x16xf32> to vector<16xf32>
          %add3A_2147 = arith.addf %get3A_2142, %get3A_2146 : vector<16xf32>
          %mul3A_2148 = arith.mulf %gather3A_2138, %get3A_2 : vector<16xf32>
          %add3A_2149 = arith.addf %add3A_2147, %mul3A_2148 : vector<16xf32>
          %max3A_2150 = arith.constant 0.000000e+00 : f32
          %max3A_2151 = vector.broadcast %max3A_2150 : f32 to vector<16xf32>
          %max3A_2152 = arith.maximumf %add3A_2149, %max3A_2151 : vector<16xf32>
          %mul3A_2153 = arith.mulf %max3A_2152, %get3A_14 : vector<16xf32>
          %get3A_2154 = arith.index_cast %add3A_2126 : i32 to index
          %get3A_2155 = arith.constant 16 : index
          %get3A_2156 = tpu.vector_load %arg13[%get3A_2154, %get3A_2155] {strides = array<i32>} : memref<128x128xf32, #tpu.memory_space<vmem>>, vector<1x16xf32>,
          %get3A_2157 = vector.shape_cast %get3A_2156 : vector<1x16xf32> to vector<16xf32>
          %get3A_2158 = arith.index_cast %add3A_2126 : i32 to index
          %get3A_2159 = arith.constant 80 : index
          %get3A_2160 = tpu.vector_load %arg14[%get3A_2158, %get3A_2159] {strides = array<i32>} : memref<128x128xf32, #tpu.memory_space<vmem>>, vector<1x16xf32>,
          %get3A_2161 = vector.shape_cast %get3A_2160 : vector<1x16xf32> to vector<16xf32>
          %add3A_2162 = arith.addf %get3A_2157, %get3A_2161 : vector<16xf32>
          %mul3A_2163 = arith.mulf %gather3A_2138, %get3A_5 : vector<16xf32>
          %add3A_2164 = arith.addf %add3A_2162, %mul3A_2163 : vector<16xf32>
          %max3A_2165 = arith.constant 0.000000e+00 : f32
          %max3A_2166 = vector.broadcast %max3A_2165 : f32 to vector<16xf32>
          %max3A_2167 = arith.maximumf %add3A_2164, %max3A_2166 : vector<16xf32>
          %mul3A_2168 = arith.mulf %max3A_2167, %get3A_17 : vector<16xf32>
          %add3A_2169 = arith.addf %mul3A_2153, %mul3A_2168 : vector<16xf32>
          %get3A_2170 = arith.index_cast %add3A_2126 : i32 to index
          %get3A_2171 = arith.constant 32 : index
          %get3A_2172 = tpu.vector_load %arg13[%get3A_2170, %get3A_2171] {strides = array<i32>} : memref<128x128xf32, #tpu.memory_space<vmem>>, vector<1x16xf32>,
          %get3A_2173 = vector.shape_cast %get3A_2172 : vector<1x16xf32> to vector<16xf32>
          %get3A_2174 = arith.index_cast %add3A_2126 : i32 to index
          %get3A_2175 = arith.constant 96 : index
          %get3A_2176 = tpu.vector_load %arg14[%get3A_2174, %get3A_2175] {strides = array<i32>} : memref<128x128xf32, #tpu.memory_space<vmem>>, vector<1x16xf32>,
          %get3A_2177 = vector.shape_cast %get3A_2176 : vector<1x16xf32> to vector<16xf32>
          %add3A_2178 = arith.addf %get3A_2173, %get3A_2177 : vector<16xf32>
          %mul3A_2179 = arith.mulf %gather3A_2138, %get3A_8 : vector<16xf32>
          %add3A_2180 = arith.addf %add3A_2178, %mul3A_2179 : vector<16xf32>
          %max3A_2181 = arith.constant 0.000000e+00 : f32
          %max3A_2182 = vector.broadcast %max3A_2181 : f32 to vector<16xf32>
          %max3A_2183 = arith.maximumf %add3A_2180, %max3A_2182 : vector<16xf32>
          %mul3A_2184 = arith.mulf %max3A_2183, %get3A_20 : vector<16xf32>
          %add3A_2185 = arith.addf %add3A_2169, %mul3A_2184 : vector<16xf32>
          %get3A_2186 = arith.index_cast %add3A_2126 : i32 to index
          %get3A_2187 = arith.constant 48 : index
          %get3A_2188 = tpu.vector_load %arg13[%get3A_2186, %get3A_2187] {strides = array<i32>} : memref<128x128xf32, #tpu.memory_space<vmem>>, vector<1x16xf32>,
          %get3A_2189 = vector.shape_cast %get3A_2188 : vector<1x16xf32> to vector<16xf32>
          %get3A_2190 = arith.index_cast %add3A_2126 : i32 to index
          %get3A_2191 = arith.constant 112 : index
          %get3A_2192 = tpu.vector_load %arg14[%get3A_2190, %get3A_2191] {strides = array<i32>} : memref<128x128xf32, #tpu.memory_space<vmem>>, vector<1x16xf32>,
          %get3A_2193 = vector.shape_cast %get3A_2192 : vector<1x16xf32> to vector<16xf32>
          %add3A_2194 = arith.addf %get3A_2189, %get3A_2193 : vector<16xf32>
          %mul3A_2195 = arith.mulf %gather3A_2138, %get3A_11 : vector<16xf32>
          %add3A_2196 = arith.addf %add3A_2194, %mul3A_2195 : vector<16xf32>
          %max3A_2197 = arith.constant 0.000000e+00 : f32
          %max3A_2198 = vector.broadcast %max3A_2197 : f32 to vector<16xf32>
          %max3A_2199 = arith.maximumf %add3A_2196, %max3A_2198 : vector<16xf32>
          %mul3A_2200 = arith.mulf %max3A_2199, %get3A_23 : vector<16xf32>
          %add3A_2201 = arith.addf %add3A_2185, %mul3A_2200 : vector<16xf32>
          %add3A_2202 = arith.constant 8 : i32
          %add3A_2203 = vector.broadcast %add3A_2202 : i32 to vector<16xi32>
          %add3A_2204 = arith.addi %iota3A, %add3A_2203 : vector<16xi32>
          %jit3A_2205 = arith.constant 16 : i32
          %eq3A_2206 = arith.constant 0 : i32
          %eq3A_2207 = arith.cmpi eq, %jit3A_2205, %eq3A_2206 : i32
          %jit3A_2208 = arith.constant 1 : i32
          %select_n3A_2209 = arith.select %eq3A_2207, %jit3A_2208, %jit3A_2205 : i32
          %rem3A_2210 = vector.broadcast %select_n3A_2209 : i32 to vector<16xi32>
          %rem3A_2211 = arith.remsi %add3A_2204, %rem3A_2210 : vector<16xi32>
          %ne3A_2212 = arith.constant 0 : i32
          %ne3A_2213 = vector.broadcast %ne3A_2212 : i32 to vector<16xi32>
          %ne3A_2214 = arith.cmpi ne, %rem3A_2211, %ne3A_2213 : vector<16xi32>
          %lt3A_2215 = arith.constant 0 : i32
          %lt3A_2216 = vector.broadcast %lt3A_2215 : i32 to vector<16xi32>
          %lt3A_2217 = arith.cmpi slt, %rem3A_2211, %lt3A_2216 : vector<16xi32>
          %lt3A_2218 = arith.constant 0 : i32
          %lt3A_2219 = arith.cmpi slt, %select_n3A_2209, %lt3A_2218 : i32
          %ne3A_2220 = vector.broadcast %lt3A_2219 : i1 to vector<16xi1>
          %ne3A_2221 = vector.broadcast %ne3A_2220 : vector<16xi1> to vector<16xi1>
          %ne3A_2222 = arith.xori %lt3A_2217, %ne3A_2221 : vector<16xi1>
          %and3A_2223 = arith.andi %ne3A_2222, %ne3A_2214 : vector<16xi1>
          %add3A_2224 = vector.broadcast %select_n3A_2209 : i32 to vector<16xi32>
          %add3A_2225 = arith.addi %rem3A_2211, %add3A_2224 : vector<16xi32>
          %select_n3A_2226 = arith.select %and3A_2223, %add3A_2225, %rem3A_2211 : vector<16xi1>, vector<16xi32>
          %lt3A_2227 = arith.constant 0 : i32
          %lt3A_2228 = vector.broadcast %lt3A_2227 : i32 to vector<16xi32>
          %lt3A_2229 = arith.cmpi slt, %select_n3A_2226, %lt3A_2228 : vector<16xi32>
          %add3A_2230 = arith.constant 16 : i32
          %add3A_2231 = vector.broadcast %add3A_2230 : i32 to vector<16xi32>
          %add3A_2232 = arith.addi %select_n3A_2226, %add3A_2231 : vector<16xi32>
          %select_n3A_2233 = arith.select %lt3A_2229, %add3A_2232, %select_n3A_2226 : vector<16xi1>, vector<16xi32>
          %broadcast_in_dim3A_2234 = vector.shape_cast %select_n3A_2233 : vector<16xi32> to vector<16x1xi32>
          %gather3A_2235 = vector.shape_cast %broadcast_in_dim3A_2234 : vector<16x1xi32> to vector<16xi32>
          %gather3A_2236 = tpu.dynamic_gather %add3A_2201[%gather3A_2235] in [0] : vector<16xf32>, vector<16xi32> -> vector<16xf32>
          %add3A_2237 = arith.addf %add3A_2201, %gather3A_2236 : vector<16xf32>
          %add3A_2238 = arith.constant 4 : i32
          %add3A_2239 = vector.broadcast %add3A_2238 : i32 to vector<16xi32>
          %add3A_2240 = arith.addi %iota3A, %add3A_2239 : vector<16xi32>
          %jit3A_2241 = arith.constant 16 : i32
          %eq3A_2242 = arith.constant 0 : i32
          %eq3A_2243 = arith.cmpi eq, %jit3A_2241, %eq3A_2242 : i32
          %jit3A_2244 = arith.constant 1 : i32
          %select_n3A_2245 = arith.select %eq3A_2243, %jit3A_2244, %jit3A_2241 : i32
          %rem3A_2246 = vector.broadcast %select_n3A_2245 : i32 to vector<16xi32>
          %rem3A_2247 = arith.remsi %add3A_2240, %rem3A_2246 : vector<16xi32>
          %ne3A_2248 = arith.constant 0 : i32
          %ne3A_2249 = vector.broadcast %ne3A_2248 : i32 to vector<16xi32>
          %ne3A_2250 = arith.cmpi ne, %rem3A_2247, %ne3A_2249 : vector<16xi32>
          %lt3A_2251 = arith.constant 0 : i32
          %lt3A_2252 = vector.broadcast %lt3A_2251 : i32 to vector<16xi32>
          %lt3A_2253 = arith.cmpi slt, %rem3A_2247, %lt3A_2252 : vector<16xi32>
          %lt3A_2254 = arith.constant 0 : i32
          %lt3A_2255 = arith.cmpi slt, %select_n3A_2245, %lt3A_2254 : i32
          %ne3A_2256 = vector.broadcast %lt3A_2255 : i1 to vector<16xi1>
          %ne3A_2257 = vector.broadcast %ne3A_2256 : vector<16xi1> to vector<16xi1>
          %ne3A_2258 = arith.xori %lt3A_2253, %ne3A_2257 : vector<16xi1>
          %and3A_2259 = arith.andi %ne3A_2258, %ne3A_2250 : vector<16xi1>
          %add3A_2260 = vector.broadcast %select_n3A_2245 : i32 to vector<16xi32>
          %add3A_2261 = arith.addi %rem3A_2247, %add3A_2260 : vector<16xi32>
          %select_n3A_2262 = arith.select %and3A_2259, %add3A_2261, %rem3A_2247 : vector<16xi1>, vector<16xi32>
          %lt3A_2263 = arith.constant 0 : i32
          %lt3A_2264 = vector.broadcast %lt3A_2263 : i32 to vector<16xi32>
          %lt3A_2265 = arith.cmpi slt, %select_n3A_2262, %lt3A_2264 : vector<16xi32>
          %add3A_2266 = arith.constant 16 : i32
          %add3A_2267 = vector.broadcast %add3A_2266 : i32 to vector<16xi32>
          %add3A_2268 = arith.addi %select_n3A_2262, %add3A_2267 : vector<16xi32>
          %select_n3A_2269 = arith.select %lt3A_2265, %add3A_2268, %select_n3A_2262 : vector<16xi1>, vector<16xi32>
          %broadcast_in_dim3A_2270 = vector.shape_cast %select_n3A_2269 : vector<16xi32> to vector<16x1xi32>
          %gather3A_2271 = vector.shape_cast %broadcast_in_dim3A_2270 : vector<16x1xi32> to vector<16xi32>
          %gather3A_2272 = tpu.dynamic_gather %add3A_2237[%gather3A_2271] in [0] : vector<16xf32>, vector<16xi32> -> vector<16xf32>
          %add3A_2273 = arith.addf %add3A_2237, %gather3A_2272 : vector<16xf32>
          %add3A_2274 = arith.constant 2 : i32
          %add3A_2275 = vector.broadcast %add3A_2274 : i32 to vector<16xi32>
          %add3A_2276 = arith.addi %iota3A, %add3A_2275 : vector<16xi32>
          %jit3A_2277 = arith.constant 16 : i32
          %eq3A_2278 = arith.constant 0 : i32
          %eq3A_2279 = arith.cmpi eq, %jit3A_2277, %eq3A_2278 : i32
          %jit3A_2280 = arith.constant 1 : i32
          %select_n3A_2281 = arith.select %eq3A_2279, %jit3A_2280, %jit3A_2277 : i32
          %rem3A_2282 = vector.broadcast %select_n3A_2281 : i32 to vector<16xi32>
          %rem3A_2283 = arith.remsi %add3A_2276, %rem3A_2282 : vector<16xi32>
          %ne3A_2284 = arith.constant 0 : i32
          %ne3A_2285 = vector.broadcast %ne3A_2284 : i32 to vector<16xi32>
          %ne3A_2286 = arith.cmpi ne, %rem3A_2283, %ne3A_2285 : vector<16xi32>
          %lt3A_2287 = arith.constant 0 : i32
          %lt3A_2288 = vector.broadcast %lt3A_2287 : i32 to vector<16xi32>
          %lt3A_2289 = arith.cmpi slt, %rem3A_2283, %lt3A_2288 : vector<16xi32>
          %lt3A_2290 = arith.constant 0 : i32
          %lt3A_2291 = arith.cmpi slt, %select_n3A_2281, %lt3A_2290 : i32
          %ne3A_2292 = vector.broadcast %lt3A_2291 : i1 to vector<16xi1>
          %ne3A_2293 = vector.broadcast %ne3A_2292 : vector<16xi1> to vector<16xi1>
          %ne3A_2294 = arith.xori %lt3A_2289, %ne3A_2293 : vector<16xi1>
          %and3A_2295 = arith.andi %ne3A_2294, %ne3A_2286 : vector<16xi1>
          %add3A_2296 = vector.broadcast %select_n3A_2281 : i32 to vector<16xi32>
          %add3A_2297 = arith.addi %rem3A_2283, %add3A_2296 : vector<16xi32>
          %select_n3A_2298 = arith.select %and3A_2295, %add3A_2297, %rem3A_2283 : vector<16xi1>, vector<16xi32>
          %lt3A_2299 = arith.constant 0 : i32
          %lt3A_2300 = vector.broadcast %lt3A_2299 : i32 to vector<16xi32>
          %lt3A_2301 = arith.cmpi slt, %select_n3A_2298, %lt3A_2300 : vector<16xi32>
          %add3A_2302 = arith.constant 16 : i32
          %add3A_2303 = vector.broadcast %add3A_2302 : i32 to vector<16xi32>
          %add3A_2304 = arith.addi %select_n3A_2298, %add3A_2303 : vector<16xi32>
          %select_n3A_2305 = arith.select %lt3A_2301, %add3A_2304, %select_n3A_2298 : vector<16xi1>, vector<16xi32>
          %broadcast_in_dim3A_2306 = vector.shape_cast %select_n3A_2305 : vector<16xi32> to vector<16x1xi32>
          %gather3A_2307 = vector.shape_cast %broadcast_in_dim3A_2306 : vector<16x1xi32> to vector<16xi32>
          %gather3A_2308 = tpu.dynamic_gather %add3A_2273[%gather3A_2307] in [0] : vector<16xf32>, vector<16xi32> -> vector<16xf32>
          %add3A_2309 = arith.addf %add3A_2273, %gather3A_2308 : vector<16xf32>
          %add3A_2310 = arith.constant 1 : i32
          %add3A_2311 = vector.broadcast %add3A_2310 : i32 to vector<16xi32>
          %add3A_2312 = arith.addi %iota3A, %add3A_2311 : vector<16xi32>
          %jit3A_2313 = arith.constant 16 : i32
          %eq3A_2314 = arith.constant 0 : i32
          %eq3A_2315 = arith.cmpi eq, %jit3A_2313, %eq3A_2314 : i32
          %jit3A_2316 = arith.constant 1 : i32
          %select_n3A_2317 = arith.select %eq3A_2315, %jit3A_2316, %jit3A_2313 : i32
          %rem3A_2318 = vector.broadcast %select_n3A_2317 : i32 to vector<16xi32>
          %rem3A_2319 = arith.remsi %add3A_2312, %rem3A_2318 : vector<16xi32>
          %ne3A_2320 = arith.constant 0 : i32
          %ne3A_2321 = vector.broadcast %ne3A_2320 : i32 to vector<16xi32>
          %ne3A_2322 = arith.cmpi ne, %rem3A_2319, %ne3A_2321 : vector<16xi32>
          %lt3A_2323 = arith.constant 0 : i32
          %lt3A_2324 = vector.broadcast %lt3A_2323 : i32 to vector<16xi32>
          %lt3A_2325 = arith.cmpi slt, %rem3A_2319, %lt3A_2324 : vector<16xi32>
          %lt3A_2326 = arith.constant 0 : i32
          %lt3A_2327 = arith.cmpi slt, %select_n3A_2317, %lt3A_2326 : i32
          %ne3A_2328 = vector.broadcast %lt3A_2327 : i1 to vector<16xi1>
          %ne3A_2329 = vector.broadcast %ne3A_2328 : vector<16xi1> to vector<16xi1>
          %ne3A_2330 = arith.xori %lt3A_2325, %ne3A_2329 : vector<16xi1>
          %and3A_2331 = arith.andi %ne3A_2330, %ne3A_2322 : vector<16xi1>
          %add3A_2332 = vector.broadcast %select_n3A_2317 : i32 to vector<16xi32>
          %add3A_2333 = arith.addi %rem3A_2319, %add3A_2332 : vector<16xi32>
          %select_n3A_2334 = arith.select %and3A_2331, %add3A_2333, %rem3A_2319 : vector<16xi1>, vector<16xi32>
          %lt3A_2335 = arith.constant 0 : i32
          %lt3A_2336 = vector.broadcast %lt3A_2335 : i32 to vector<16xi32>
          %lt3A_2337 = arith.cmpi slt, %select_n3A_2334, %lt3A_2336 : vector<16xi32>
          %add3A_2338 = arith.constant 16 : i32
          %add3A_2339 = vector.broadcast %add3A_2338 : i32 to vector<16xi32>
          %add3A_2340 = arith.addi %select_n3A_2334, %add3A_2339 : vector<16xi32>
          %select_n3A_2341 = arith.select %lt3A_2337, %add3A_2340, %select_n3A_2334 : vector<16xi1>, vector<16xi32>
          %broadcast_in_dim3A_2342 = vector.shape_cast %select_n3A_2341 : vector<16xi32> to vector<16x1xi32>
          %gather3A_2343 = vector.shape_cast %broadcast_in_dim3A_2342 : vector<16x1xi32> to vector<16xi32>
          %gather3A_2344 = tpu.dynamic_gather %add3A_2309[%gather3A_2343] in [0] : vector<16xf32>, vector<16xi32> -> vector<16xf32>
          %add3A_2345 = arith.addf %add3A_2309, %gather3A_2344 : vector<16xf32>
          %eq3A_2346 = arith.constant 9 : i32
          %eq3A_2347 = vector.broadcast %eq3A_2346 : i32 to vector<16xi32>
          %eq3A_2348 = arith.cmpi eq, %iota3A, %eq3A_2347 : vector<16xi32>
          %select_n3A_2349 = arith.select %eq3A_2348, %add3A_2345, %select_n3A_2122 : vector<16xi1>, vector<16xf32>
          %mul3A_2350 = arith.constant 16 : i32
          %mul3A_2351 = arith.muli %scan3A_80, %mul3A_2350 : i32
          %add3A_2352 = arith.constant 10 : i32
          %add3A_2353 = arith.addi %mul3A_2351, %add3A_2352 : i32
          %broadcast_in_dim3A_2354 = arith.constant 10 : i32
          %broadcast_in_dim3A_2355 = vector.broadcast %broadcast_in_dim3A_2354 : i32 to vector<16xi32>
          %lt3A_2356 = arith.constant 0 : i32
          %lt3A_2357 = vector.broadcast %lt3A_2356 : i32 to vector<16xi32>
          %lt3A_2358 = arith.cmpi slt, %broadcast_in_dim3A_2355, %lt3A_2357 : vector<16xi32>
          %add3A_2359 = arith.constant 16 : i32
          %add3A_2360 = vector.broadcast %add3A_2359 : i32 to vector<16xi32>
          %add3A_2361 = arith.addi %broadcast_in_dim3A_2355, %add3A_2360 : vector<16xi32>
          %select_n3A_2362 = arith.select %lt3A_2358, %add3A_2361, %broadcast_in_dim3A_2355 : vector<16xi1>, vector<16xi32>
          %broadcast_in_dim3A_2363 = vector.shape_cast %select_n3A_2362 : vector<16xi32> to vector<16x1xi32>
          %gather3A_2364 = vector.shape_cast %broadcast_in_dim3A_2363 : vector<16x1xi32> to vector<16xi32>
          %gather3A_2365 = tpu.dynamic_gather %get3A_88[%gather3A_2364] in [0] : vector<16xf32>, vector<16xi32> -> vector<16xf32>
          %get3A_2366 = arith.index_cast %add3A_2353 : i32 to index
          %get3A_2367 = arith.constant 0 : index
          %get3A_2368 = tpu.vector_load %arg13[%get3A_2366, %get3A_2367] {strides = array<i32>} : memref<128x128xf32, #tpu.memory_space<vmem>>, vector<1x16xf32>,
          %get3A_2369 = vector.shape_cast %get3A_2368 : vector<1x16xf32> to vector<16xf32>
          %get3A_2370 = arith.index_cast %add3A_2353 : i32 to index
          %get3A_2371 = arith.constant 64 : index
          %get3A_2372 = tpu.vector_load %arg14[%get3A_2370, %get3A_2371] {strides = array<i32>} : memref<128x128xf32, #tpu.memory_space<vmem>>, vector<1x16xf32>,
          %get3A_2373 = vector.shape_cast %get3A_2372 : vector<1x16xf32> to vector<16xf32>
          %add3A_2374 = arith.addf %get3A_2369, %get3A_2373 : vector<16xf32>
          %mul3A_2375 = arith.mulf %gather3A_2365, %get3A_2 : vector<16xf32>
          %add3A_2376 = arith.addf %add3A_2374, %mul3A_2375 : vector<16xf32>
          %max3A_2377 = arith.constant 0.000000e+00 : f32
          %max3A_2378 = vector.broadcast %max3A_2377 : f32 to vector<16xf32>
          %max3A_2379 = arith.maximumf %add3A_2376, %max3A_2378 : vector<16xf32>
          %mul3A_2380 = arith.mulf %max3A_2379, %get3A_14 : vector<16xf32>
          %get3A_2381 = arith.index_cast %add3A_2353 : i32 to index
          %get3A_2382 = arith.constant 16 : index
          %get3A_2383 = tpu.vector_load %arg13[%get3A_2381, %get3A_2382] {strides = array<i32>} : memref<128x128xf32, #tpu.memory_space<vmem>>, vector<1x16xf32>,
          %get3A_2384 = vector.shape_cast %get3A_2383 : vector<1x16xf32> to vector<16xf32>
          %get3A_2385 = arith.index_cast %add3A_2353 : i32 to index
          %get3A_2386 = arith.constant 80 : index
          %get3A_2387 = tpu.vector_load %arg14[%get3A_2385, %get3A_2386] {strides = array<i32>} : memref<128x128xf32, #tpu.memory_space<vmem>>, vector<1x16xf32>,
          %get3A_2388 = vector.shape_cast %get3A_2387 : vector<1x16xf32> to vector<16xf32>
          %add3A_2389 = arith.addf %get3A_2384, %get3A_2388 : vector<16xf32>
          %mul3A_2390 = arith.mulf %gather3A_2365, %get3A_5 : vector<16xf32>
          %add3A_2391 = arith.addf %add3A_2389, %mul3A_2390 : vector<16xf32>
          %max3A_2392 = arith.constant 0.000000e+00 : f32
          %max3A_2393 = vector.broadcast %max3A_2392 : f32 to vector<16xf32>
          %max3A_2394 = arith.maximumf %add3A_2391, %max3A_2393 : vector<16xf32>
          %mul3A_2395 = arith.mulf %max3A_2394, %get3A_17 : vector<16xf32>
          %add3A_2396 = arith.addf %mul3A_2380, %mul3A_2395 : vector<16xf32>
          %get3A_2397 = arith.index_cast %add3A_2353 : i32 to index
          %get3A_2398 = arith.constant 32 : index
          %get3A_2399 = tpu.vector_load %arg13[%get3A_2397, %get3A_2398] {strides = array<i32>} : memref<128x128xf32, #tpu.memory_space<vmem>>, vector<1x16xf32>,
          %get3A_2400 = vector.shape_cast %get3A_2399 : vector<1x16xf32> to vector<16xf32>
          %get3A_2401 = arith.index_cast %add3A_2353 : i32 to index
          %get3A_2402 = arith.constant 96 : index
          %get3A_2403 = tpu.vector_load %arg14[%get3A_2401, %get3A_2402] {strides = array<i32>} : memref<128x128xf32, #tpu.memory_space<vmem>>, vector<1x16xf32>,
          %get3A_2404 = vector.shape_cast %get3A_2403 : vector<1x16xf32> to vector<16xf32>
          %add3A_2405 = arith.addf %get3A_2400, %get3A_2404 : vector<16xf32>
          %mul3A_2406 = arith.mulf %gather3A_2365, %get3A_8 : vector<16xf32>
          %add3A_2407 = arith.addf %add3A_2405, %mul3A_2406 : vector<16xf32>
          %max3A_2408 = arith.constant 0.000000e+00 : f32
          %max3A_2409 = vector.broadcast %max3A_2408 : f32 to vector<16xf32>
          %max3A_2410 = arith.maximumf %add3A_2407, %max3A_2409 : vector<16xf32>
          %mul3A_2411 = arith.mulf %max3A_2410, %get3A_20 : vector<16xf32>
          %add3A_2412 = arith.addf %add3A_2396, %mul3A_2411 : vector<16xf32>
          %get3A_2413 = arith.index_cast %add3A_2353 : i32 to index
          %get3A_2414 = arith.constant 48 : index
          %get3A_2415 = tpu.vector_load %arg13[%get3A_2413, %get3A_2414] {strides = array<i32>} : memref<128x128xf32, #tpu.memory_space<vmem>>, vector<1x16xf32>,
          %get3A_2416 = vector.shape_cast %get3A_2415 : vector<1x16xf32> to vector<16xf32>
          %get3A_2417 = arith.index_cast %add3A_2353 : i32 to index
          %get3A_2418 = arith.constant 112 : index
          %get3A_2419 = tpu.vector_load %arg14[%get3A_2417, %get3A_2418] {strides = array<i32>} : memref<128x128xf32, #tpu.memory_space<vmem>>, vector<1x16xf32>,
          %get3A_2420 = vector.shape_cast %get3A_2419 : vector<1x16xf32> to vector<16xf32>
          %add3A_2421 = arith.addf %get3A_2416, %get3A_2420 : vector<16xf32>
          %mul3A_2422 = arith.mulf %gather3A_2365, %get3A_11 : vector<16xf32>
          %add3A_2423 = arith.addf %add3A_2421, %mul3A_2422 : vector<16xf32>
          %max3A_2424 = arith.constant 0.000000e+00 : f32
          %max3A_2425 = vector.broadcast %max3A_2424 : f32 to vector<16xf32>
          %max3A_2426 = arith.maximumf %add3A_2423, %max3A_2425 : vector<16xf32>
          %mul3A_2427 = arith.mulf %max3A_2426, %get3A_23 : vector<16xf32>
          %add3A_2428 = arith.addf %add3A_2412, %mul3A_2427 : vector<16xf32>
          %add3A_2429 = arith.constant 8 : i32
          %add3A_2430 = vector.broadcast %add3A_2429 : i32 to vector<16xi32>
          %add3A_2431 = arith.addi %iota3A, %add3A_2430 : vector<16xi32>
          %jit3A_2432 = arith.constant 16 : i32
          %eq3A_2433 = arith.constant 0 : i32
          %eq3A_2434 = arith.cmpi eq, %jit3A_2432, %eq3A_2433 : i32
          %jit3A_2435 = arith.constant 1 : i32
          %select_n3A_2436 = arith.select %eq3A_2434, %jit3A_2435, %jit3A_2432 : i32
          %rem3A_2437 = vector.broadcast %select_n3A_2436 : i32 to vector<16xi32>
          %rem3A_2438 = arith.remsi %add3A_2431, %rem3A_2437 : vector<16xi32>
          %ne3A_2439 = arith.constant 0 : i32
          %ne3A_2440 = vector.broadcast %ne3A_2439 : i32 to vector<16xi32>
          %ne3A_2441 = arith.cmpi ne, %rem3A_2438, %ne3A_2440 : vector<16xi32>
          %lt3A_2442 = arith.constant 0 : i32
          %lt3A_2443 = vector.broadcast %lt3A_2442 : i32 to vector<16xi32>
          %lt3A_2444 = arith.cmpi slt, %rem3A_2438, %lt3A_2443 : vector<16xi32>
          %lt3A_2445 = arith.constant 0 : i32
          %lt3A_2446 = arith.cmpi slt, %select_n3A_2436, %lt3A_2445 : i32
          %ne3A_2447 = vector.broadcast %lt3A_2446 : i1 to vector<16xi1>
          %ne3A_2448 = vector.broadcast %ne3A_2447 : vector<16xi1> to vector<16xi1>
          %ne3A_2449 = arith.xori %lt3A_2444, %ne3A_2448 : vector<16xi1>
          %and3A_2450 = arith.andi %ne3A_2449, %ne3A_2441 : vector<16xi1>
          %add3A_2451 = vector.broadcast %select_n3A_2436 : i32 to vector<16xi32>
          %add3A_2452 = arith.addi %rem3A_2438, %add3A_2451 : vector<16xi32>
          %select_n3A_2453 = arith.select %and3A_2450, %add3A_2452, %rem3A_2438 : vector<16xi1>, vector<16xi32>
          %lt3A_2454 = arith.constant 0 : i32
          %lt3A_2455 = vector.broadcast %lt3A_2454 : i32 to vector<16xi32>
          %lt3A_2456 = arith.cmpi slt, %select_n3A_2453, %lt3A_2455 : vector<16xi32>
          %add3A_2457 = arith.constant 16 : i32
          %add3A_2458 = vector.broadcast %add3A_2457 : i32 to vector<16xi32>
          %add3A_2459 = arith.addi %select_n3A_2453, %add3A_2458 : vector<16xi32>
          %select_n3A_2460 = arith.select %lt3A_2456, %add3A_2459, %select_n3A_2453 : vector<16xi1>, vector<16xi32>
          %broadcast_in_dim3A_2461 = vector.shape_cast %select_n3A_2460 : vector<16xi32> to vector<16x1xi32>
          %gather3A_2462 = vector.shape_cast %broadcast_in_dim3A_2461 : vector<16x1xi32> to vector<16xi32>
          %gather3A_2463 = tpu.dynamic_gather %add3A_2428[%gather3A_2462] in [0] : vector<16xf32>, vector<16xi32> -> vector<16xf32>
          %add3A_2464 = arith.addf %add3A_2428, %gather3A_2463 : vector<16xf32>
          %add3A_2465 = arith.constant 4 : i32
          %add3A_2466 = vector.broadcast %add3A_2465 : i32 to vector<16xi32>
          %add3A_2467 = arith.addi %iota3A, %add3A_2466 : vector<16xi32>
          %jit3A_2468 = arith.constant 16 : i32
          %eq3A_2469 = arith.constant 0 : i32
          %eq3A_2470 = arith.cmpi eq, %jit3A_2468, %eq3A_2469 : i32
          %jit3A_2471 = arith.constant 1 : i32
          %select_n3A_2472 = arith.select %eq3A_2470, %jit3A_2471, %jit3A_2468 : i32
          %rem3A_2473 = vector.broadcast %select_n3A_2472 : i32 to vector<16xi32>
          %rem3A_2474 = arith.remsi %add3A_2467, %rem3A_2473 : vector<16xi32>
          %ne3A_2475 = arith.constant 0 : i32
          %ne3A_2476 = vector.broadcast %ne3A_2475 : i32 to vector<16xi32>
          %ne3A_2477 = arith.cmpi ne, %rem3A_2474, %ne3A_2476 : vector<16xi32>
          %lt3A_2478 = arith.constant 0 : i32
          %lt3A_2479 = vector.broadcast %lt3A_2478 : i32 to vector<16xi32>
          %lt3A_2480 = arith.cmpi slt, %rem3A_2474, %lt3A_2479 : vector<16xi32>
          %lt3A_2481 = arith.constant 0 : i32
          %lt3A_2482 = arith.cmpi slt, %select_n3A_2472, %lt3A_2481 : i32
          %ne3A_2483 = vector.broadcast %lt3A_2482 : i1 to vector<16xi1>
          %ne3A_2484 = vector.broadcast %ne3A_2483 : vector<16xi1> to vector<16xi1>
          %ne3A_2485 = arith.xori %lt3A_2480, %ne3A_2484 : vector<16xi1>
          %and3A_2486 = arith.andi %ne3A_2485, %ne3A_2477 : vector<16xi1>
          %add3A_2487 = vector.broadcast %select_n3A_2472 : i32 to vector<16xi32>
          %add3A_2488 = arith.addi %rem3A_2474, %add3A_2487 : vector<16xi32>
          %select_n3A_2489 = arith.select %and3A_2486, %add3A_2488, %rem3A_2474 : vector<16xi1>, vector<16xi32>
          %lt3A_2490 = arith.constant 0 : i32
          %lt3A_2491 = vector.broadcast %lt3A_2490 : i32 to vector<16xi32>
          %lt3A_2492 = arith.cmpi slt, %select_n3A_2489, %lt3A_2491 : vector<16xi32>
          %add3A_2493 = arith.constant 16 : i32
          %add3A_2494 = vector.broadcast %add3A_2493 : i32 to vector<16xi32>
          %add3A_2495 = arith.addi %select_n3A_2489, %add3A_2494 : vector<16xi32>
          %select_n3A_2496 = arith.select %lt3A_2492, %add3A_2495, %select_n3A_2489 : vector<16xi1>, vector<16xi32>
          %broadcast_in_dim3A_2497 = vector.shape_cast %select_n3A_2496 : vector<16xi32> to vector<16x1xi32>
          %gather3A_2498 = vector.shape_cast %broadcast_in_dim3A_2497 : vector<16x1xi32> to vector<16xi32>
          %gather3A_2499 = tpu.dynamic_gather %add3A_2464[%gather3A_2498] in [0] : vector<16xf32>, vector<16xi32> -> vector<16xf32>
          %add3A_2500 = arith.addf %add3A_2464, %gather3A_2499 : vector<16xf32>
          %add3A_2501 = arith.constant 2 : i32
          %add3A_2502 = vector.broadcast %add3A_2501 : i32 to vector<16xi32>
          %add3A_2503 = arith.addi %iota3A, %add3A_2502 : vector<16xi32>
          %jit3A_2504 = arith.constant 16 : i32
          %eq3A_2505 = arith.constant 0 : i32
          %eq3A_2506 = arith.cmpi eq, %jit3A_2504, %eq3A_2505 : i32
          %jit3A_2507 = arith.constant 1 : i32
          %select_n3A_2508 = arith.select %eq3A_2506, %jit3A_2507, %jit3A_2504 : i32
          %rem3A_2509 = vector.broadcast %select_n3A_2508 : i32 to vector<16xi32>
          %rem3A_2510 = arith.remsi %add3A_2503, %rem3A_2509 : vector<16xi32>
          %ne3A_2511 = arith.constant 0 : i32
          %ne3A_2512 = vector.broadcast %ne3A_2511 : i32 to vector<16xi32>
          %ne3A_2513 = arith.cmpi ne, %rem3A_2510, %ne3A_2512 : vector<16xi32>
          %lt3A_2514 = arith.constant 0 : i32
          %lt3A_2515 = vector.broadcast %lt3A_2514 : i32 to vector<16xi32>
          %lt3A_2516 = arith.cmpi slt, %rem3A_2510, %lt3A_2515 : vector<16xi32>
          %lt3A_2517 = arith.constant 0 : i32
          %lt3A_2518 = arith.cmpi slt, %select_n3A_2508, %lt3A_2517 : i32
          %ne3A_2519 = vector.broadcast %lt3A_2518 : i1 to vector<16xi1>
          %ne3A_2520 = vector.broadcast %ne3A_2519 : vector<16xi1> to vector<16xi1>
          %ne3A_2521 = arith.xori %lt3A_2516, %ne3A_2520 : vector<16xi1>
          %and3A_2522 = arith.andi %ne3A_2521, %ne3A_2513 : vector<16xi1>
          %add3A_2523 = vector.broadcast %select_n3A_2508 : i32 to vector<16xi32>
          %add3A_2524 = arith.addi %rem3A_2510, %add3A_2523 : vector<16xi32>
          %select_n3A_2525 = arith.select %and3A_2522, %add3A_2524, %rem3A_2510 : vector<16xi1>, vector<16xi32>
          %lt3A_2526 = arith.constant 0 : i32
          %lt3A_2527 = vector.broadcast %lt3A_2526 : i32 to vector<16xi32>
          %lt3A_2528 = arith.cmpi slt, %select_n3A_2525, %lt3A_2527 : vector<16xi32>
          %add3A_2529 = arith.constant 16 : i32
          %add3A_2530 = vector.broadcast %add3A_2529 : i32 to vector<16xi32>
          %add3A_2531 = arith.addi %select_n3A_2525, %add3A_2530 : vector<16xi32>
          %select_n3A_2532 = arith.select %lt3A_2528, %add3A_2531, %select_n3A_2525 : vector<16xi1>, vector<16xi32>
          %broadcast_in_dim3A_2533 = vector.shape_cast %select_n3A_2532 : vector<16xi32> to vector<16x1xi32>
          %gather3A_2534 = vector.shape_cast %broadcast_in_dim3A_2533 : vector<16x1xi32> to vector<16xi32>
          %gather3A_2535 = tpu.dynamic_gather %add3A_2500[%gather3A_2534] in [0] : vector<16xf32>, vector<16xi32> -> vector<16xf32>
          %add3A_2536 = arith.addf %add3A_2500, %gather3A_2535 : vector<16xf32>
          %add3A_2537 = arith.constant 1 : i32
          %add3A_2538 = vector.broadcast %add3A_2537 : i32 to vector<16xi32>
          %add3A_2539 = arith.addi %iota3A, %add3A_2538 : vector<16xi32>
          %jit3A_2540 = arith.constant 16 : i32
          %eq3A_2541 = arith.constant 0 : i32
          %eq3A_2542 = arith.cmpi eq, %jit3A_2540, %eq3A_2541 : i32
          %jit3A_2543 = arith.constant 1 : i32
          %select_n3A_2544 = arith.select %eq3A_2542, %jit3A_2543, %jit3A_2540 : i32
          %rem3A_2545 = vector.broadcast %select_n3A_2544 : i32 to vector<16xi32>
          %rem3A_2546 = arith.remsi %add3A_2539, %rem3A_2545 : vector<16xi32>
          %ne3A_2547 = arith.constant 0 : i32
          %ne3A_2548 = vector.broadcast %ne3A_2547 : i32 to vector<16xi32>
          %ne3A_2549 = arith.cmpi ne, %rem3A_2546, %ne3A_2548 : vector<16xi32>
          %lt3A_2550 = arith.constant 0 : i32
          %lt3A_2551 = vector.broadcast %lt3A_2550 : i32 to vector<16xi32>
          %lt3A_2552 = arith.cmpi slt, %rem3A_2546, %lt3A_2551 : vector<16xi32>
          %lt3A_2553 = arith.constant 0 : i32
          %lt3A_2554 = arith.cmpi slt, %select_n3A_2544, %lt3A_2553 : i32
          %ne3A_2555 = vector.broadcast %lt3A_2554 : i1 to vector<16xi1>
          %ne3A_2556 = vector.broadcast %ne3A_2555 : vector<16xi1> to vector<16xi1>
          %ne3A_2557 = arith.xori %lt3A_2552, %ne3A_2556 : vector<16xi1>
          %and3A_2558 = arith.andi %ne3A_2557, %ne3A_2549 : vector<16xi1>
          %add3A_2559 = vector.broadcast %select_n3A_2544 : i32 to vector<16xi32>
          %add3A_2560 = arith.addi %rem3A_2546, %add3A_2559 : vector<16xi32>
          %select_n3A_2561 = arith.select %and3A_2558, %add3A_2560, %rem3A_2546 : vector<16xi1>, vector<16xi32>
          %lt3A_2562 = arith.constant 0 : i32
          %lt3A_2563 = vector.broadcast %lt3A_2562 : i32 to vector<16xi32>
          %lt3A_2564 = arith.cmpi slt, %select_n3A_2561, %lt3A_2563 : vector<16xi32>
          %add3A_2565 = arith.constant 16 : i32
          %add3A_2566 = vector.broadcast %add3A_2565 : i32 to vector<16xi32>
          %add3A_2567 = arith.addi %select_n3A_2561, %add3A_2566 : vector<16xi32>
          %select_n3A_2568 = arith.select %lt3A_2564, %add3A_2567, %select_n3A_2561 : vector<16xi1>, vector<16xi32>
          %broadcast_in_dim3A_2569 = vector.shape_cast %select_n3A_2568 : vector<16xi32> to vector<16x1xi32>
          %gather3A_2570 = vector.shape_cast %broadcast_in_dim3A_2569 : vector<16x1xi32> to vector<16xi32>
          %gather3A_2571 = tpu.dynamic_gather %add3A_2536[%gather3A_2570] in [0] : vector<16xf32>, vector<16xi32> -> vector<16xf32>
          %add3A_2572 = arith.addf %add3A_2536, %gather3A_2571 : vector<16xf32>
          %eq3A_2573 = arith.constant 10 : i32
          %eq3A_2574 = vector.broadcast %eq3A_2573 : i32 to vector<16xi32>
          %eq3A_2575 = arith.cmpi eq, %iota3A, %eq3A_2574 : vector<16xi32>
          %select_n3A_2576 = arith.select %eq3A_2575, %add3A_2572, %select_n3A_2349 : vector<16xi1>, vector<16xf32>
          %mul3A_2577 = arith.constant 16 : i32
          %mul3A_2578 = arith.muli %scan3A_80, %mul3A_2577 : i32
          %add3A_2579 = arith.constant 11 : i32
          %add3A_2580 = arith.addi %mul3A_2578, %add3A_2579 : i32
          %broadcast_in_dim3A_2581 = arith.constant 11 : i32
          %broadcast_in_dim3A_2582 = vector.broadcast %broadcast_in_dim3A_2581 : i32 to vector<16xi32>
          %lt3A_2583 = arith.constant 0 : i32
          %lt3A_2584 = vector.broadcast %lt3A_2583 : i32 to vector<16xi32>
          %lt3A_2585 = arith.cmpi slt, %broadcast_in_dim3A_2582, %lt3A_2584 : vector<16xi32>
          %add3A_2586 = arith.constant 16 : i32
          %add3A_2587 = vector.broadcast %add3A_2586 : i32 to vector<16xi32>
          %add3A_2588 = arith.addi %broadcast_in_dim3A_2582, %add3A_2587 : vector<16xi32>
          %select_n3A_2589 = arith.select %lt3A_2585, %add3A_2588, %broadcast_in_dim3A_2582 : vector<16xi1>, vector<16xi32>
          %broadcast_in_dim3A_2590 = vector.shape_cast %select_n3A_2589 : vector<16xi32> to vector<16x1xi32>
          %gather3A_2591 = vector.shape_cast %broadcast_in_dim3A_2590 : vector<16x1xi32> to vector<16xi32>
          %gather3A_2592 = tpu.dynamic_gather %get3A_88[%gather3A_2591] in [0] : vector<16xf32>, vector<16xi32> -> vector<16xf32>
          %get3A_2593 = arith.index_cast %add3A_2580 : i32 to index
          %get3A_2594 = arith.constant 0 : index
          %get3A_2595 = tpu.vector_load %arg13[%get3A_2593, %get3A_2594] {strides = array<i32>} : memref<128x128xf32, #tpu.memory_space<vmem>>, vector<1x16xf32>,
          %get3A_2596 = vector.shape_cast %get3A_2595 : vector<1x16xf32> to vector<16xf32>
          %get3A_2597 = arith.index_cast %add3A_2580 : i32 to index
          %get3A_2598 = arith.constant 64 : index
          %get3A_2599 = tpu.vector_load %arg14[%get3A_2597, %get3A_2598] {strides = array<i32>} : memref<128x128xf32, #tpu.memory_space<vmem>>, vector<1x16xf32>,
          %get3A_2600 = vector.shape_cast %get3A_2599 : vector<1x16xf32> to vector<16xf32>
          %add3A_2601 = arith.addf %get3A_2596, %get3A_2600 : vector<16xf32>
          %mul3A_2602 = arith.mulf %gather3A_2592, %get3A_2 : vector<16xf32>
          %add3A_2603 = arith.addf %add3A_2601, %mul3A_2602 : vector<16xf32>
          %max3A_2604 = arith.constant 0.000000e+00 : f32
          %max3A_2605 = vector.broadcast %max3A_2604 : f32 to vector<16xf32>
          %max3A_2606 = arith.maximumf %add3A_2603, %max3A_2605 : vector<16xf32>
          %mul3A_2607 = arith.mulf %max3A_2606, %get3A_14 : vector<16xf32>
          %get3A_2608 = arith.index_cast %add3A_2580 : i32 to index
          %get3A_2609 = arith.constant 16 : index
          %get3A_2610 = tpu.vector_load %arg13[%get3A_2608, %get3A_2609] {strides = array<i32>} : memref<128x128xf32, #tpu.memory_space<vmem>>, vector<1x16xf32>,
          %get3A_2611 = vector.shape_cast %get3A_2610 : vector<1x16xf32> to vector<16xf32>
          %get3A_2612 = arith.index_cast %add3A_2580 : i32 to index
          %get3A_2613 = arith.constant 80 : index
          %get3A_2614 = tpu.vector_load %arg14[%get3A_2612, %get3A_2613] {strides = array<i32>} : memref<128x128xf32, #tpu.memory_space<vmem>>, vector<1x16xf32>,
          %get3A_2615 = vector.shape_cast %get3A_2614 : vector<1x16xf32> to vector<16xf32>
          %add3A_2616 = arith.addf %get3A_2611, %get3A_2615 : vector<16xf32>
          %mul3A_2617 = arith.mulf %gather3A_2592, %get3A_5 : vector<16xf32>
          %add3A_2618 = arith.addf %add3A_2616, %mul3A_2617 : vector<16xf32>
          %max3A_2619 = arith.constant 0.000000e+00 : f32
          %max3A_2620 = vector.broadcast %max3A_2619 : f32 to vector<16xf32>
          %max3A_2621 = arith.maximumf %add3A_2618, %max3A_2620 : vector<16xf32>
          %mul3A_2622 = arith.mulf %max3A_2621, %get3A_17 : vector<16xf32>
          %add3A_2623 = arith.addf %mul3A_2607, %mul3A_2622 : vector<16xf32>
          %get3A_2624 = arith.index_cast %add3A_2580 : i32 to index
          %get3A_2625 = arith.constant 32 : index
          %get3A_2626 = tpu.vector_load %arg13[%get3A_2624, %get3A_2625] {strides = array<i32>} : memref<128x128xf32, #tpu.memory_space<vmem>>, vector<1x16xf32>,
          %get3A_2627 = vector.shape_cast %get3A_2626 : vector<1x16xf32> to vector<16xf32>
          %get3A_2628 = arith.index_cast %add3A_2580 : i32 to index
          %get3A_2629 = arith.constant 96 : index
          %get3A_2630 = tpu.vector_load %arg14[%get3A_2628, %get3A_2629] {strides = array<i32>} : memref<128x128xf32, #tpu.memory_space<vmem>>, vector<1x16xf32>,
          %get3A_2631 = vector.shape_cast %get3A_2630 : vector<1x16xf32> to vector<16xf32>
          %add3A_2632 = arith.addf %get3A_2627, %get3A_2631 : vector<16xf32>
          %mul3A_2633 = arith.mulf %gather3A_2592, %get3A_8 : vector<16xf32>
          %add3A_2634 = arith.addf %add3A_2632, %mul3A_2633 : vector<16xf32>
          %max3A_2635 = arith.constant 0.000000e+00 : f32
          %max3A_2636 = vector.broadcast %max3A_2635 : f32 to vector<16xf32>
          %max3A_2637 = arith.maximumf %add3A_2634, %max3A_2636 : vector<16xf32>
          %mul3A_2638 = arith.mulf %max3A_2637, %get3A_20 : vector<16xf32>
          %add3A_2639 = arith.addf %add3A_2623, %mul3A_2638 : vector<16xf32>
          %get3A_2640 = arith.index_cast %add3A_2580 : i32 to index
          %get3A_2641 = arith.constant 48 : index
          %get3A_2642 = tpu.vector_load %arg13[%get3A_2640, %get3A_2641] {strides = array<i32>} : memref<128x128xf32, #tpu.memory_space<vmem>>, vector<1x16xf32>,
          %get3A_2643 = vector.shape_cast %get3A_2642 : vector<1x16xf32> to vector<16xf32>
          %get3A_2644 = arith.index_cast %add3A_2580 : i32 to index
          %get3A_2645 = arith.constant 112 : index
          %get3A_2646 = tpu.vector_load %arg14[%get3A_2644, %get3A_2645] {strides = array<i32>} : memref<128x128xf32, #tpu.memory_space<vmem>>, vector<1x16xf32>,
          %get3A_2647 = vector.shape_cast %get3A_2646 : vector<1x16xf32> to vector<16xf32>
          %add3A_2648 = arith.addf %get3A_2643, %get3A_2647 : vector<16xf32>
          %mul3A_2649 = arith.mulf %gather3A_2592, %get3A_11 : vector<16xf32>
          %add3A_2650 = arith.addf %add3A_2648, %mul3A_2649 : vector<16xf32>
          %max3A_2651 = arith.constant 0.000000e+00 : f32
          %max3A_2652 = vector.broadcast %max3A_2651 : f32 to vector<16xf32>
          %max3A_2653 = arith.maximumf %add3A_2650, %max3A_2652 : vector<16xf32>
          %mul3A_2654 = arith.mulf %max3A_2653, %get3A_23 : vector<16xf32>
          %add3A_2655 = arith.addf %add3A_2639, %mul3A_2654 : vector<16xf32>
          %add3A_2656 = arith.constant 8 : i32
          %add3A_2657 = vector.broadcast %add3A_2656 : i32 to vector<16xi32>
          %add3A_2658 = arith.addi %iota3A, %add3A_2657 : vector<16xi32>
          %jit3A_2659 = arith.constant 16 : i32
          %eq3A_2660 = arith.constant 0 : i32
          %eq3A_2661 = arith.cmpi eq, %jit3A_2659, %eq3A_2660 : i32
          %jit3A_2662 = arith.constant 1 : i32
          %select_n3A_2663 = arith.select %eq3A_2661, %jit3A_2662, %jit3A_2659 : i32
          %rem3A_2664 = vector.broadcast %select_n3A_2663 : i32 to vector<16xi32>
          %rem3A_2665 = arith.remsi %add3A_2658, %rem3A_2664 : vector<16xi32>
          %ne3A_2666 = arith.constant 0 : i32
          %ne3A_2667 = vector.broadcast %ne3A_2666 : i32 to vector<16xi32>
          %ne3A_2668 = arith.cmpi ne, %rem3A_2665, %ne3A_2667 : vector<16xi32>
          %lt3A_2669 = arith.constant 0 : i32
          %lt3A_2670 = vector.broadcast %lt3A_2669 : i32 to vector<16xi32>
          %lt3A_2671 = arith.cmpi slt, %rem3A_2665, %lt3A_2670 : vector<16xi32>
          %lt3A_2672 = arith.constant 0 : i32
          %lt3A_2673 = arith.cmpi slt, %select_n3A_2663, %lt3A_2672 : i32
          %ne3A_2674 = vector.broadcast %lt3A_2673 : i1 to vector<16xi1>
          %ne3A_2675 = vector.broadcast %ne3A_2674 : vector<16xi1> to vector<16xi1>
          %ne3A_2676 = arith.xori %lt3A_2671, %ne3A_2675 : vector<16xi1>
          %and3A_2677 = arith.andi %ne3A_2676, %ne3A_2668 : vector<16xi1>
          %add3A_2678 = vector.broadcast %select_n3A_2663 : i32 to vector<16xi32>
          %add3A_2679 = arith.addi %rem3A_2665, %add3A_2678 : vector<16xi32>
          %select_n3A_2680 = arith.select %and3A_2677, %add3A_2679, %rem3A_2665 : vector<16xi1>, vector<16xi32>
          %lt3A_2681 = arith.constant 0 : i32
          %lt3A_2682 = vector.broadcast %lt3A_2681 : i32 to vector<16xi32>
          %lt3A_2683 = arith.cmpi slt, %select_n3A_2680, %lt3A_2682 : vector<16xi32>
          %add3A_2684 = arith.constant 16 : i32
          %add3A_2685 = vector.broadcast %add3A_2684 : i32 to vector<16xi32>
          %add3A_2686 = arith.addi %select_n3A_2680, %add3A_2685 : vector<16xi32>
          %select_n3A_2687 = arith.select %lt3A_2683, %add3A_2686, %select_n3A_2680 : vector<16xi1>, vector<16xi32>
          %broadcast_in_dim3A_2688 = vector.shape_cast %select_n3A_2687 : vector<16xi32> to vector<16x1xi32>
          %gather3A_2689 = vector.shape_cast %broadcast_in_dim3A_2688 : vector<16x1xi32> to vector<16xi32>
          %gather3A_2690 = tpu.dynamic_gather %add3A_2655[%gather3A_2689] in [0] : vector<16xf32>, vector<16xi32> -> vector<16xf32>
          %add3A_2691 = arith.addf %add3A_2655, %gather3A_2690 : vector<16xf32>
          %add3A_2692 = arith.constant 4 : i32
          %add3A_2693 = vector.broadcast %add3A_2692 : i32 to vector<16xi32>
          %add3A_2694 = arith.addi %iota3A, %add3A_2693 : vector<16xi32>
          %jit3A_2695 = arith.constant 16 : i32
          %eq3A_2696 = arith.constant 0 : i32
          %eq3A_2697 = arith.cmpi eq, %jit3A_2695, %eq3A_2696 : i32
          %jit3A_2698 = arith.constant 1 : i32
          %select_n3A_2699 = arith.select %eq3A_2697, %jit3A_2698, %jit3A_2695 : i32
          %rem3A_2700 = vector.broadcast %select_n3A_2699 : i32 to vector<16xi32>
          %rem3A_2701 = arith.remsi %add3A_2694, %rem3A_2700 : vector<16xi32>
          %ne3A_2702 = arith.constant 0 : i32
          %ne3A_2703 = vector.broadcast %ne3A_2702 : i32 to vector<16xi32>
          %ne3A_2704 = arith.cmpi ne, %rem3A_2701, %ne3A_2703 : vector<16xi32>
          %lt3A_2705 = arith.constant 0 : i32
          %lt3A_2706 = vector.broadcast %lt3A_2705 : i32 to vector<16xi32>
          %lt3A_2707 = arith.cmpi slt, %rem3A_2701, %lt3A_2706 : vector<16xi32>
          %lt3A_2708 = arith.constant 0 : i32
          %lt3A_2709 = arith.cmpi slt, %select_n3A_2699, %lt3A_2708 : i32
          %ne3A_2710 = vector.broadcast %lt3A_2709 : i1 to vector<16xi1>
          %ne3A_2711 = vector.broadcast %ne3A_2710 : vector<16xi1> to vector<16xi1>
          %ne3A_2712 = arith.xori %lt3A_2707, %ne3A_2711 : vector<16xi1>
          %and3A_2713 = arith.andi %ne3A_2712, %ne3A_2704 : vector<16xi1>
          %add3A_2714 = vector.broadcast %select_n3A_2699 : i32 to vector<16xi32>
          %add3A_2715 = arith.addi %rem3A_2701, %add3A_2714 : vector<16xi32>
          %select_n3A_2716 = arith.select %and3A_2713, %add3A_2715, %rem3A_2701 : vector<16xi1>, vector<16xi32>
          %lt3A_2717 = arith.constant 0 : i32
          %lt3A_2718 = vector.broadcast %lt3A_2717 : i32 to vector<16xi32>
          %lt3A_2719 = arith.cmpi slt, %select_n3A_2716, %lt3A_2718 : vector<16xi32>
          %add3A_2720 = arith.constant 16 : i32
          %add3A_2721 = vector.broadcast %add3A_2720 : i32 to vector<16xi32>
          %add3A_2722 = arith.addi %select_n3A_2716, %add3A_2721 : vector<16xi32>
          %select_n3A_2723 = arith.select %lt3A_2719, %add3A_2722, %select_n3A_2716 : vector<16xi1>, vector<16xi32>
          %broadcast_in_dim3A_2724 = vector.shape_cast %select_n3A_2723 : vector<16xi32> to vector<16x1xi32>
          %gather3A_2725 = vector.shape_cast %broadcast_in_dim3A_2724 : vector<16x1xi32> to vector<16xi32>
          %gather3A_2726 = tpu.dynamic_gather %add3A_2691[%gather3A_2725] in [0] : vector<16xf32>, vector<16xi32> -> vector<16xf32>
          %add3A_2727 = arith.addf %add3A_2691, %gather3A_2726 : vector<16xf32>
          %add3A_2728 = arith.constant 2 : i32
          %add3A_2729 = vector.broadcast %add3A_2728 : i32 to vector<16xi32>
          %add3A_2730 = arith.addi %iota3A, %add3A_2729 : vector<16xi32>
          %jit3A_2731 = arith.constant 16 : i32
          %eq3A_2732 = arith.constant 0 : i32
          %eq3A_2733 = arith.cmpi eq, %jit3A_2731, %eq3A_2732 : i32
          %jit3A_2734 = arith.constant 1 : i32
          %select_n3A_2735 = arith.select %eq3A_2733, %jit3A_2734, %jit3A_2731 : i32
          %rem3A_2736 = vector.broadcast %select_n3A_2735 : i32 to vector<16xi32>
          %rem3A_2737 = arith.remsi %add3A_2730, %rem3A_2736 : vector<16xi32>
          %ne3A_2738 = arith.constant 0 : i32
          %ne3A_2739 = vector.broadcast %ne3A_2738 : i32 to vector<16xi32>
          %ne3A_2740 = arith.cmpi ne, %rem3A_2737, %ne3A_2739 : vector<16xi32>
          %lt3A_2741 = arith.constant 0 : i32
          %lt3A_2742 = vector.broadcast %lt3A_2741 : i32 to vector<16xi32>
          %lt3A_2743 = arith.cmpi slt, %rem3A_2737, %lt3A_2742 : vector<16xi32>
          %lt3A_2744 = arith.constant 0 : i32
          %lt3A_2745 = arith.cmpi slt, %select_n3A_2735, %lt3A_2744 : i32
          %ne3A_2746 = vector.broadcast %lt3A_2745 : i1 to vector<16xi1>
          %ne3A_2747 = vector.broadcast %ne3A_2746 : vector<16xi1> to vector<16xi1>
          %ne3A_2748 = arith.xori %lt3A_2743, %ne3A_2747 : vector<16xi1>
          %and3A_2749 = arith.andi %ne3A_2748, %ne3A_2740 : vector<16xi1>
          %add3A_2750 = vector.broadcast %select_n3A_2735 : i32 to vector<16xi32>
          %add3A_2751 = arith.addi %rem3A_2737, %add3A_2750 : vector<16xi32>
          %select_n3A_2752 = arith.select %and3A_2749, %add3A_2751, %rem3A_2737 : vector<16xi1>, vector<16xi32>
          %lt3A_2753 = arith.constant 0 : i32
          %lt3A_2754 = vector.broadcast %lt3A_2753 : i32 to vector<16xi32>
          %lt3A_2755 = arith.cmpi slt, %select_n3A_2752, %lt3A_2754 : vector<16xi32>
          %add3A_2756 = arith.constant 16 : i32
          %add3A_2757 = vector.broadcast %add3A_2756 : i32 to vector<16xi32>
          %add3A_2758 = arith.addi %select_n3A_2752, %add3A_2757 : vector<16xi32>
          %select_n3A_2759 = arith.select %lt3A_2755, %add3A_2758, %select_n3A_2752 : vector<16xi1>, vector<16xi32>
          %broadcast_in_dim3A_2760 = vector.shape_cast %select_n3A_2759 : vector<16xi32> to vector<16x1xi32>
          %gather3A_2761 = vector.shape_cast %broadcast_in_dim3A_2760 : vector<16x1xi32> to vector<16xi32>
          %gather3A_2762 = tpu.dynamic_gather %add3A_2727[%gather3A_2761] in [0] : vector<16xf32>, vector<16xi32> -> vector<16xf32>
          %add3A_2763 = arith.addf %add3A_2727, %gather3A_2762 : vector<16xf32>
          %add3A_2764 = arith.constant 1 : i32
          %add3A_2765 = vector.broadcast %add3A_2764 : i32 to vector<16xi32>
          %add3A_2766 = arith.addi %iota3A, %add3A_2765 : vector<16xi32>
          %jit3A_2767 = arith.constant 16 : i32
          %eq3A_2768 = arith.constant 0 : i32
          %eq3A_2769 = arith.cmpi eq, %jit3A_2767, %eq3A_2768 : i32
          %jit3A_2770 = arith.constant 1 : i32
          %select_n3A_2771 = arith.select %eq3A_2769, %jit3A_2770, %jit3A_2767 : i32
          %rem3A_2772 = vector.broadcast %select_n3A_2771 : i32 to vector<16xi32>
          %rem3A_2773 = arith.remsi %add3A_2766, %rem3A_2772 : vector<16xi32>
          %ne3A_2774 = arith.constant 0 : i32
          %ne3A_2775 = vector.broadcast %ne3A_2774 : i32 to vector<16xi32>
          %ne3A_2776 = arith.cmpi ne, %rem3A_2773, %ne3A_2775 : vector<16xi32>
          %lt3A_2777 = arith.constant 0 : i32
          %lt3A_2778 = vector.broadcast %lt3A_2777 : i32 to vector<16xi32>
          %lt3A_2779 = arith.cmpi slt, %rem3A_2773, %lt3A_2778 : vector<16xi32>
          %lt3A_2780 = arith.constant 0 : i32
          %lt3A_2781 = arith.cmpi slt, %select_n3A_2771, %lt3A_2780 : i32
          %ne3A_2782 = vector.broadcast %lt3A_2781 : i1 to vector<16xi1>
          %ne3A_2783 = vector.broadcast %ne3A_2782 : vector<16xi1> to vector<16xi1>
          %ne3A_2784 = arith.xori %lt3A_2779, %ne3A_2783 : vector<16xi1>
          %and3A_2785 = arith.andi %ne3A_2784, %ne3A_2776 : vector<16xi1>
          %add3A_2786 = vector.broadcast %select_n3A_2771 : i32 to vector<16xi32>
          %add3A_2787 = arith.addi %rem3A_2773, %add3A_2786 : vector<16xi32>
          %select_n3A_2788 = arith.select %and3A_2785, %add3A_2787, %rem3A_2773 : vector<16xi1>, vector<16xi32>
          %lt3A_2789 = arith.constant 0 : i32
          %lt3A_2790 = vector.broadcast %lt3A_2789 : i32 to vector<16xi32>
          %lt3A_2791 = arith.cmpi slt, %select_n3A_2788, %lt3A_2790 : vector<16xi32>
          %add3A_2792 = arith.constant 16 : i32
          %add3A_2793 = vector.broadcast %add3A_2792 : i32 to vector<16xi32>
          %add3A_2794 = arith.addi %select_n3A_2788, %add3A_2793 : vector<16xi32>
          %select_n3A_2795 = arith.select %lt3A_2791, %add3A_2794, %select_n3A_2788 : vector<16xi1>, vector<16xi32>
          %broadcast_in_dim3A_2796 = vector.shape_cast %select_n3A_2795 : vector<16xi32> to vector<16x1xi32>
          %gather3A_2797 = vector.shape_cast %broadcast_in_dim3A_2796 : vector<16x1xi32> to vector<16xi32>
          %gather3A_2798 = tpu.dynamic_gather %add3A_2763[%gather3A_2797] in [0] : vector<16xf32>, vector<16xi32> -> vector<16xf32>
          %add3A_2799 = arith.addf %add3A_2763, %gather3A_2798 : vector<16xf32>
          %eq3A_2800 = arith.constant 11 : i32
          %eq3A_2801 = vector.broadcast %eq3A_2800 : i32 to vector<16xi32>
          %eq3A_2802 = arith.cmpi eq, %iota3A, %eq3A_2801 : vector<16xi32>
          %select_n3A_2803 = arith.select %eq3A_2802, %add3A_2799, %select_n3A_2576 : vector<16xi1>, vector<16xf32>
          %mul3A_2804 = arith.constant 16 : i32
          %mul3A_2805 = arith.muli %scan3A_80, %mul3A_2804 : i32
          %add3A_2806 = arith.constant 12 : i32
          %add3A_2807 = arith.addi %mul3A_2805, %add3A_2806 : i32
          %broadcast_in_dim3A_2808 = arith.constant 12 : i32
          %broadcast_in_dim3A_2809 = vector.broadcast %broadcast_in_dim3A_2808 : i32 to vector<16xi32>
          %lt3A_2810 = arith.constant 0 : i32
          %lt3A_2811 = vector.broadcast %lt3A_2810 : i32 to vector<16xi32>
          %lt3A_2812 = arith.cmpi slt, %broadcast_in_dim3A_2809, %lt3A_2811 : vector<16xi32>
          %add3A_2813 = arith.constant 16 : i32
          %add3A_2814 = vector.broadcast %add3A_2813 : i32 to vector<16xi32>
          %add3A_2815 = arith.addi %broadcast_in_dim3A_2809, %add3A_2814 : vector<16xi32>
          %select_n3A_2816 = arith.select %lt3A_2812, %add3A_2815, %broadcast_in_dim3A_2809 : vector<16xi1>, vector<16xi32>
          %broadcast_in_dim3A_2817 = vector.shape_cast %select_n3A_2816 : vector<16xi32> to vector<16x1xi32>
          %gather3A_2818 = vector.shape_cast %broadcast_in_dim3A_2817 : vector<16x1xi32> to vector<16xi32>
          %gather3A_2819 = tpu.dynamic_gather %get3A_88[%gather3A_2818] in [0] : vector<16xf32>, vector<16xi32> -> vector<16xf32>
          %get3A_2820 = arith.index_cast %add3A_2807 : i32 to index
          %get3A_2821 = arith.constant 0 : index
          %get3A_2822 = tpu.vector_load %arg13[%get3A_2820, %get3A_2821] {strides = array<i32>} : memref<128x128xf32, #tpu.memory_space<vmem>>, vector<1x16xf32>,
          %get3A_2823 = vector.shape_cast %get3A_2822 : vector<1x16xf32> to vector<16xf32>
          %get3A_2824 = arith.index_cast %add3A_2807 : i32 to index
          %get3A_2825 = arith.constant 64 : index
          %get3A_2826 = tpu.vector_load %arg14[%get3A_2824, %get3A_2825] {strides = array<i32>} : memref<128x128xf32, #tpu.memory_space<vmem>>, vector<1x16xf32>,
          %get3A_2827 = vector.shape_cast %get3A_2826 : vector<1x16xf32> to vector<16xf32>
          %add3A_2828 = arith.addf %get3A_2823, %get3A_2827 : vector<16xf32>
          %mul3A_2829 = arith.mulf %gather3A_2819, %get3A_2 : vector<16xf32>
          %add3A_2830 = arith.addf %add3A_2828, %mul3A_2829 : vector<16xf32>
          %max3A_2831 = arith.constant 0.000000e+00 : f32
          %max3A_2832 = vector.broadcast %max3A_2831 : f32 to vector<16xf32>
          %max3A_2833 = arith.maximumf %add3A_2830, %max3A_2832 : vector<16xf32>
          %mul3A_2834 = arith.mulf %max3A_2833, %get3A_14 : vector<16xf32>
          %get3A_2835 = arith.index_cast %add3A_2807 : i32 to index
          %get3A_2836 = arith.constant 16 : index
          %get3A_2837 = tpu.vector_load %arg13[%get3A_2835, %get3A_2836] {strides = array<i32>} : memref<128x128xf32, #tpu.memory_space<vmem>>, vector<1x16xf32>,
          %get3A_2838 = vector.shape_cast %get3A_2837 : vector<1x16xf32> to vector<16xf32>
          %get3A_2839 = arith.index_cast %add3A_2807 : i32 to index
          %get3A_2840 = arith.constant 80 : index
          %get3A_2841 = tpu.vector_load %arg14[%get3A_2839, %get3A_2840] {strides = array<i32>} : memref<128x128xf32, #tpu.memory_space<vmem>>, vector<1x16xf32>,
          %get3A_2842 = vector.shape_cast %get3A_2841 : vector<1x16xf32> to vector<16xf32>
          %add3A_2843 = arith.addf %get3A_2838, %get3A_2842 : vector<16xf32>
          %mul3A_2844 = arith.mulf %gather3A_2819, %get3A_5 : vector<16xf32>
          %add3A_2845 = arith.addf %add3A_2843, %mul3A_2844 : vector<16xf32>
          %max3A_2846 = arith.constant 0.000000e+00 : f32
          %max3A_2847 = vector.broadcast %max3A_2846 : f32 to vector<16xf32>
          %max3A_2848 = arith.maximumf %add3A_2845, %max3A_2847 : vector<16xf32>
          %mul3A_2849 = arith.mulf %max3A_2848, %get3A_17 : vector<16xf32>
          %add3A_2850 = arith.addf %mul3A_2834, %mul3A_2849 : vector<16xf32>
          %get3A_2851 = arith.index_cast %add3A_2807 : i32 to index
          %get3A_2852 = arith.constant 32 : index
          %get3A_2853 = tpu.vector_load %arg13[%get3A_2851, %get3A_2852] {strides = array<i32>} : memref<128x128xf32, #tpu.memory_space<vmem>>, vector<1x16xf32>,
          %get3A_2854 = vector.shape_cast %get3A_2853 : vector<1x16xf32> to vector<16xf32>
          %get3A_2855 = arith.index_cast %add3A_2807 : i32 to index
          %get3A_2856 = arith.constant 96 : index
          %get3A_2857 = tpu.vector_load %arg14[%get3A_2855, %get3A_2856] {strides = array<i32>} : memref<128x128xf32, #tpu.memory_space<vmem>>, vector<1x16xf32>,
          %get3A_2858 = vector.shape_cast %get3A_2857 : vector<1x16xf32> to vector<16xf32>
          %add3A_2859 = arith.addf %get3A_2854, %get3A_2858 : vector<16xf32>
          %mul3A_2860 = arith.mulf %gather3A_2819, %get3A_8 : vector<16xf32>
          %add3A_2861 = arith.addf %add3A_2859, %mul3A_2860 : vector<16xf32>
          %max3A_2862 = arith.constant 0.000000e+00 : f32
          %max3A_2863 = vector.broadcast %max3A_2862 : f32 to vector<16xf32>
          %max3A_2864 = arith.maximumf %add3A_2861, %max3A_2863 : vector<16xf32>
          %mul3A_2865 = arith.mulf %max3A_2864, %get3A_20 : vector<16xf32>
          %add3A_2866 = arith.addf %add3A_2850, %mul3A_2865 : vector<16xf32>
          %get3A_2867 = arith.index_cast %add3A_2807 : i32 to index
          %get3A_2868 = arith.constant 48 : index
          %get3A_2869 = tpu.vector_load %arg13[%get3A_2867, %get3A_2868] {strides = array<i32>} : memref<128x128xf32, #tpu.memory_space<vmem>>, vector<1x16xf32>,
          %get3A_2870 = vector.shape_cast %get3A_2869 : vector<1x16xf32> to vector<16xf32>
          %get3A_2871 = arith.index_cast %add3A_2807 : i32 to index
          %get3A_2872 = arith.constant 112 : index
          %get3A_2873 = tpu.vector_load %arg14[%get3A_2871, %get3A_2872] {strides = array<i32>} : memref<128x128xf32, #tpu.memory_space<vmem>>, vector<1x16xf32>,
          %get3A_2874 = vector.shape_cast %get3A_2873 : vector<1x16xf32> to vector<16xf32>
          %add3A_2875 = arith.addf %get3A_2870, %get3A_2874 : vector<16xf32>
          %mul3A_2876 = arith.mulf %gather3A_2819, %get3A_11 : vector<16xf32>
          %add3A_2877 = arith.addf %add3A_2875, %mul3A_2876 : vector<16xf32>
          %max3A_2878 = arith.constant 0.000000e+00 : f32
          %max3A_2879 = vector.broadcast %max3A_2878 : f32 to vector<16xf32>
          %max3A_2880 = arith.maximumf %add3A_2877, %max3A_2879 : vector<16xf32>
          %mul3A_2881 = arith.mulf %max3A_2880, %get3A_23 : vector<16xf32>
          %add3A_2882 = arith.addf %add3A_2866, %mul3A_2881 : vector<16xf32>
          %add3A_2883 = arith.constant 8 : i32
          %add3A_2884 = vector.broadcast %add3A_2883 : i32 to vector<16xi32>
          %add3A_2885 = arith.addi %iota3A, %add3A_2884 : vector<16xi32>
          %jit3A_2886 = arith.constant 16 : i32
          %eq3A_2887 = arith.constant 0 : i32
          %eq3A_2888 = arith.cmpi eq, %jit3A_2886, %eq3A_2887 : i32
          %jit3A_2889 = arith.constant 1 : i32
          %select_n3A_2890 = arith.select %eq3A_2888, %jit3A_2889, %jit3A_2886 : i32
          %rem3A_2891 = vector.broadcast %select_n3A_2890 : i32 to vector<16xi32>
          %rem3A_2892 = arith.remsi %add3A_2885, %rem3A_2891 : vector<16xi32>
          %ne3A_2893 = arith.constant 0 : i32
          %ne3A_2894 = vector.broadcast %ne3A_2893 : i32 to vector<16xi32>
          %ne3A_2895 = arith.cmpi ne, %rem3A_2892, %ne3A_2894 : vector<16xi32>
          %lt3A_2896 = arith.constant 0 : i32
          %lt3A_2897 = vector.broadcast %lt3A_2896 : i32 to vector<16xi32>
          %lt3A_2898 = arith.cmpi slt, %rem3A_2892, %lt3A_2897 : vector<16xi32>
          %lt3A_2899 = arith.constant 0 : i32
          %lt3A_2900 = arith.cmpi slt, %select_n3A_2890, %lt3A_2899 : i32
          %ne3A_2901 = vector.broadcast %lt3A_2900 : i1 to vector<16xi1>
          %ne3A_2902 = vector.broadcast %ne3A_2901 : vector<16xi1> to vector<16xi1>
          %ne3A_2903 = arith.xori %lt3A_2898, %ne3A_2902 : vector<16xi1>
          %and3A_2904 = arith.andi %ne3A_2903, %ne3A_2895 : vector<16xi1>
          %add3A_2905 = vector.broadcast %select_n3A_2890 : i32 to vector<16xi32>
          %add3A_2906 = arith.addi %rem3A_2892, %add3A_2905 : vector<16xi32>
          %select_n3A_2907 = arith.select %and3A_2904, %add3A_2906, %rem3A_2892 : vector<16xi1>, vector<16xi32>
          %lt3A_2908 = arith.constant 0 : i32
          %lt3A_2909 = vector.broadcast %lt3A_2908 : i32 to vector<16xi32>
          %lt3A_2910 = arith.cmpi slt, %select_n3A_2907, %lt3A_2909 : vector<16xi32>
          %add3A_2911 = arith.constant 16 : i32
          %add3A_2912 = vector.broadcast %add3A_2911 : i32 to vector<16xi32>
          %add3A_2913 = arith.addi %select_n3A_2907, %add3A_2912 : vector<16xi32>
          %select_n3A_2914 = arith.select %lt3A_2910, %add3A_2913, %select_n3A_2907 : vector<16xi1>, vector<16xi32>
          %broadcast_in_dim3A_2915 = vector.shape_cast %select_n3A_2914 : vector<16xi32> to vector<16x1xi32>
          %gather3A_2916 = vector.shape_cast %broadcast_in_dim3A_2915 : vector<16x1xi32> to vector<16xi32>
          %gather3A_2917 = tpu.dynamic_gather %add3A_2882[%gather3A_2916] in [0] : vector<16xf32>, vector<16xi32> -> vector<16xf32>
          %add3A_2918 = arith.addf %add3A_2882, %gather3A_2917 : vector<16xf32>
          %add3A_2919 = arith.constant 4 : i32
          %add3A_2920 = vector.broadcast %add3A_2919 : i32 to vector<16xi32>
          %add3A_2921 = arith.addi %iota3A, %add3A_2920 : vector<16xi32>
          %jit3A_2922 = arith.constant 16 : i32
          %eq3A_2923 = arith.constant 0 : i32
          %eq3A_2924 = arith.cmpi eq, %jit3A_2922, %eq3A_2923 : i32
          %jit3A_2925 = arith.constant 1 : i32
          %select_n3A_2926 = arith.select %eq3A_2924, %jit3A_2925, %jit3A_2922 : i32
          %rem3A_2927 = vector.broadcast %select_n3A_2926 : i32 to vector<16xi32>
          %rem3A_2928 = arith.remsi %add3A_2921, %rem3A_2927 : vector<16xi32>
          %ne3A_2929 = arith.constant 0 : i32
          %ne3A_2930 = vector.broadcast %ne3A_2929 : i32 to vector<16xi32>
          %ne3A_2931 = arith.cmpi ne, %rem3A_2928, %ne3A_2930 : vector<16xi32>
          %lt3A_2932 = arith.constant 0 : i32
          %lt3A_2933 = vector.broadcast %lt3A_2932 : i32 to vector<16xi32>
          %lt3A_2934 = arith.cmpi slt, %rem3A_2928, %lt3A_2933 : vector<16xi32>
          %lt3A_2935 = arith.constant 0 : i32
          %lt3A_2936 = arith.cmpi slt, %select_n3A_2926, %lt3A_2935 : i32
          %ne3A_2937 = vector.broadcast %lt3A_2936 : i1 to vector<16xi1>
          %ne3A_2938 = vector.broadcast %ne3A_2937 : vector<16xi1> to vector<16xi1>
          %ne3A_2939 = arith.xori %lt3A_2934, %ne3A_2938 : vector<16xi1>
          %and3A_2940 = arith.andi %ne3A_2939, %ne3A_2931 : vector<16xi1>
          %add3A_2941 = vector.broadcast %select_n3A_2926 : i32 to vector<16xi32>
          %add3A_2942 = arith.addi %rem3A_2928, %add3A_2941 : vector<16xi32>
          %select_n3A_2943 = arith.select %and3A_2940, %add3A_2942, %rem3A_2928 : vector<16xi1>, vector<16xi32>
          %lt3A_2944 = arith.constant 0 : i32
          %lt3A_2945 = vector.broadcast %lt3A_2944 : i32 to vector<16xi32>
          %lt3A_2946 = arith.cmpi slt, %select_n3A_2943, %lt3A_2945 : vector<16xi32>
          %add3A_2947 = arith.constant 16 : i32
          %add3A_2948 = vector.broadcast %add3A_2947 : i32 to vector<16xi32>
          %add3A_2949 = arith.addi %select_n3A_2943, %add3A_2948 : vector<16xi32>
          %select_n3A_2950 = arith.select %lt3A_2946, %add3A_2949, %select_n3A_2943 : vector<16xi1>, vector<16xi32>
          %broadcast_in_dim3A_2951 = vector.shape_cast %select_n3A_2950 : vector<16xi32> to vector<16x1xi32>
          %gather3A_2952 = vector.shape_cast %broadcast_in_dim3A_2951 : vector<16x1xi32> to vector<16xi32>
          %gather3A_2953 = tpu.dynamic_gather %add3A_2918[%gather3A_2952] in [0] : vector<16xf32>, vector<16xi32> -> vector<16xf32>
          %add3A_2954 = arith.addf %add3A_2918, %gather3A_2953 : vector<16xf32>
          %add3A_2955 = arith.constant 2 : i32
          %add3A_2956 = vector.broadcast %add3A_2955 : i32 to vector<16xi32>
          %add3A_2957 = arith.addi %iota3A, %add3A_2956 : vector<16xi32>
          %jit3A_2958 = arith.constant 16 : i32
          %eq3A_2959 = arith.constant 0 : i32
          %eq3A_2960 = arith.cmpi eq, %jit3A_2958, %eq3A_2959 : i32
          %jit3A_2961 = arith.constant 1 : i32
          %select_n3A_2962 = arith.select %eq3A_2960, %jit3A_2961, %jit3A_2958 : i32
          %rem3A_2963 = vector.broadcast %select_n3A_2962 : i32 to vector<16xi32>
          %rem3A_2964 = arith.remsi %add3A_2957, %rem3A_2963 : vector<16xi32>
          %ne3A_2965 = arith.constant 0 : i32
          %ne3A_2966 = vector.broadcast %ne3A_2965 : i32 to vector<16xi32>
          %ne3A_2967 = arith.cmpi ne, %rem3A_2964, %ne3A_2966 : vector<16xi32>
          %lt3A_2968 = arith.constant 0 : i32
          %lt3A_2969 = vector.broadcast %lt3A_2968 : i32 to vector<16xi32>
          %lt3A_2970 = arith.cmpi slt, %rem3A_2964, %lt3A_2969 : vector<16xi32>
          %lt3A_2971 = arith.constant 0 : i32
          %lt3A_2972 = arith.cmpi slt, %select_n3A_2962, %lt3A_2971 : i32
          %ne3A_2973 = vector.broadcast %lt3A_2972 : i1 to vector<16xi1>
          %ne3A_2974 = vector.broadcast %ne3A_2973 : vector<16xi1> to vector<16xi1>
          %ne3A_2975 = arith.xori %lt3A_2970, %ne3A_2974 : vector<16xi1>
          %and3A_2976 = arith.andi %ne3A_2975, %ne3A_2967 : vector<16xi1>
          %add3A_2977 = vector.broadcast %select_n3A_2962 : i32 to vector<16xi32>
          %add3A_2978 = arith.addi %rem3A_2964, %add3A_2977 : vector<16xi32>
          %select_n3A_2979 = arith.select %and3A_2976, %add3A_2978, %rem3A_2964 : vector<16xi1>, vector<16xi32>
          %lt3A_2980 = arith.constant 0 : i32
          %lt3A_2981 = vector.broadcast %lt3A_2980 : i32 to vector<16xi32>
          %lt3A_2982 = arith.cmpi slt, %select_n3A_2979, %lt3A_2981 : vector<16xi32>
          %add3A_2983 = arith.constant 16 : i32
          %add3A_2984 = vector.broadcast %add3A_2983 : i32 to vector<16xi32>
          %add3A_2985 = arith.addi %select_n3A_2979, %add3A_2984 : vector<16xi32>
          %select_n3A_2986 = arith.select %lt3A_2982, %add3A_2985, %select_n3A_2979 : vector<16xi1>, vector<16xi32>
          %broadcast_in_dim3A_2987 = vector.shape_cast %select_n3A_2986 : vector<16xi32> to vector<16x1xi32>
          %gather3A_2988 = vector.shape_cast %broadcast_in_dim3A_2987 : vector<16x1xi32> to vector<16xi32>
          %gather3A_2989 = tpu.dynamic_gather %add3A_2954[%gather3A_2988] in [0] : vector<16xf32>, vector<16xi32> -> vector<16xf32>
          %add3A_2990 = arith.addf %add3A_2954, %gather3A_2989 : vector<16xf32>
          %add3A_2991 = arith.constant 1 : i32
          %add3A_2992 = vector.broadcast %add3A_2991 : i32 to vector<16xi32>
          %add3A_2993 = arith.addi %iota3A, %add3A_2992 : vector<16xi32>
          %jit3A_2994 = arith.constant 16 : i32
          %eq3A_2995 = arith.constant 0 : i32
          %eq3A_2996 = arith.cmpi eq, %jit3A_2994, %eq3A_2995 : i32
          %jit3A_2997 = arith.constant 1 : i32
          %select_n3A_2998 = arith.select %eq3A_2996, %jit3A_2997, %jit3A_2994 : i32
          %rem3A_2999 = vector.broadcast %select_n3A_2998 : i32 to vector<16xi32>
          %rem3A_3000 = arith.remsi %add3A_2993, %rem3A_2999 : vector<16xi32>
          %ne3A_3001 = arith.constant 0 : i32
          %ne3A_3002 = vector.broadcast %ne3A_3001 : i32 to vector<16xi32>
          %ne3A_3003 = arith.cmpi ne, %rem3A_3000, %ne3A_3002 : vector<16xi32>
          %lt3A_3004 = arith.constant 0 : i32
          %lt3A_3005 = vector.broadcast %lt3A_3004 : i32 to vector<16xi32>
          %lt3A_3006 = arith.cmpi slt, %rem3A_3000, %lt3A_3005 : vector<16xi32>
          %lt3A_3007 = arith.constant 0 : i32
          %lt3A_3008 = arith.cmpi slt, %select_n3A_2998, %lt3A_3007 : i32
          %ne3A_3009 = vector.broadcast %lt3A_3008 : i1 to vector<16xi1>
          %ne3A_3010 = vector.broadcast %ne3A_3009 : vector<16xi1> to vector<16xi1>
          %ne3A_3011 = arith.xori %lt3A_3006, %ne3A_3010 : vector<16xi1>
          %and3A_3012 = arith.andi %ne3A_3011, %ne3A_3003 : vector<16xi1>
          %add3A_3013 = vector.broadcast %select_n3A_2998 : i32 to vector<16xi32>
          %add3A_3014 = arith.addi %rem3A_3000, %add3A_3013 : vector<16xi32>
          %select_n3A_3015 = arith.select %and3A_3012, %add3A_3014, %rem3A_3000 : vector<16xi1>, vector<16xi32>
          %lt3A_3016 = arith.constant 0 : i32
          %lt3A_3017 = vector.broadcast %lt3A_3016 : i32 to vector<16xi32>
          %lt3A_3018 = arith.cmpi slt, %select_n3A_3015, %lt3A_3017 : vector<16xi32>
          %add3A_3019 = arith.constant 16 : i32
          %add3A_3020 = vector.broadcast %add3A_3019 : i32 to vector<16xi32>
          %add3A_3021 = arith.addi %select_n3A_3015, %add3A_3020 : vector<16xi32>
          %select_n3A_3022 = arith.select %lt3A_3018, %add3A_3021, %select_n3A_3015 : vector<16xi1>, vector<16xi32>
          %broadcast_in_dim3A_3023 = vector.shape_cast %select_n3A_3022 : vector<16xi32> to vector<16x1xi32>
          %gather3A_3024 = vector.shape_cast %broadcast_in_dim3A_3023 : vector<16x1xi32> to vector<16xi32>
          %gather3A_3025 = tpu.dynamic_gather %add3A_2990[%gather3A_3024] in [0] : vector<16xf32>, vector<16xi32> -> vector<16xf32>
          %add3A_3026 = arith.addf %add3A_2990, %gather3A_3025 : vector<16xf32>
          %eq3A_3027 = arith.constant 12 : i32
          %eq3A_3028 = vector.broadcast %eq3A_3027 : i32 to vector<16xi32>
          %eq3A_3029 = arith.cmpi eq, %iota3A, %eq3A_3028 : vector<16xi32>
          %select_n3A_3030 = arith.select %eq3A_3029, %add3A_3026, %select_n3A_2803 : vector<16xi1>, vector<16xf32>
          %mul3A_3031 = arith.constant 16 : i32
          %mul3A_3032 = arith.muli %scan3A_80, %mul3A_3031 : i32
          %add3A_3033 = arith.constant 13 : i32
          %add3A_3034 = arith.addi %mul3A_3032, %add3A_3033 : i32
          %broadcast_in_dim3A_3035 = arith.constant 13 : i32
          %broadcast_in_dim3A_3036 = vector.broadcast %broadcast_in_dim3A_3035 : i32 to vector<16xi32>
          %lt3A_3037 = arith.constant 0 : i32
          %lt3A_3038 = vector.broadcast %lt3A_3037 : i32 to vector<16xi32>
          %lt3A_3039 = arith.cmpi slt, %broadcast_in_dim3A_3036, %lt3A_3038 : vector<16xi32>
          %add3A_3040 = arith.constant 16 : i32
          %add3A_3041 = vector.broadcast %add3A_3040 : i32 to vector<16xi32>
          %add3A_3042 = arith.addi %broadcast_in_dim3A_3036, %add3A_3041 : vector<16xi32>
          %select_n3A_3043 = arith.select %lt3A_3039, %add3A_3042, %broadcast_in_dim3A_3036 : vector<16xi1>, vector<16xi32>
          %broadcast_in_dim3A_3044 = vector.shape_cast %select_n3A_3043 : vector<16xi32> to vector<16x1xi32>
          %gather3A_3045 = vector.shape_cast %broadcast_in_dim3A_3044 : vector<16x1xi32> to vector<16xi32>
          %gather3A_3046 = tpu.dynamic_gather %get3A_88[%gather3A_3045] in [0] : vector<16xf32>, vector<16xi32> -> vector<16xf32>
          %get3A_3047 = arith.index_cast %add3A_3034 : i32 to index
          %get3A_3048 = arith.constant 0 : index
          %get3A_3049 = tpu.vector_load %arg13[%get3A_3047, %get3A_3048] {strides = array<i32>} : memref<128x128xf32, #tpu.memory_space<vmem>>, vector<1x16xf32>,
          %get3A_3050 = vector.shape_cast %get3A_3049 : vector<1x16xf32> to vector<16xf32>
          %get3A_3051 = arith.index_cast %add3A_3034 : i32 to index
          %get3A_3052 = arith.constant 64 : index
          %get3A_3053 = tpu.vector_load %arg14[%get3A_3051, %get3A_3052] {strides = array<i32>} : memref<128x128xf32, #tpu.memory_space<vmem>>, vector<1x16xf32>,
          %get3A_3054 = vector.shape_cast %get3A_3053 : vector<1x16xf32> to vector<16xf32>
          %add3A_3055 = arith.addf %get3A_3050, %get3A_3054 : vector<16xf32>
          %mul3A_3056 = arith.mulf %gather3A_3046, %get3A_2 : vector<16xf32>
          %add3A_3057 = arith.addf %add3A_3055, %mul3A_3056 : vector<16xf32>
          %max3A_3058 = arith.constant 0.000000e+00 : f32
          %max3A_3059 = vector.broadcast %max3A_3058 : f32 to vector<16xf32>
          %max3A_3060 = arith.maximumf %add3A_3057, %max3A_3059 : vector<16xf32>
          %mul3A_3061 = arith.mulf %max3A_3060, %get3A_14 : vector<16xf32>
          %get3A_3062 = arith.index_cast %add3A_3034 : i32 to index
          %get3A_3063 = arith.constant 16 : index
          %get3A_3064 = tpu.vector_load %arg13[%get3A_3062, %get3A_3063] {strides = array<i32>} : memref<128x128xf32, #tpu.memory_space<vmem>>, vector<1x16xf32>,
          %get3A_3065 = vector.shape_cast %get3A_3064 : vector<1x16xf32> to vector<16xf32>
          %get3A_3066 = arith.index_cast %add3A_3034 : i32 to index
          %get3A_3067 = arith.constant 80 : index
          %get3A_3068 = tpu.vector_load %arg14[%get3A_3066, %get3A_3067] {strides = array<i32>} : memref<128x128xf32, #tpu.memory_space<vmem>>, vector<1x16xf32>,
          %get3A_3069 = vector.shape_cast %get3A_3068 : vector<1x16xf32> to vector<16xf32>
          %add3A_3070 = arith.addf %get3A_3065, %get3A_3069 : vector<16xf32>
          %mul3A_3071 = arith.mulf %gather3A_3046, %get3A_5 : vector<16xf32>
          %add3A_3072 = arith.addf %add3A_3070, %mul3A_3071 : vector<16xf32>
          %max3A_3073 = arith.constant 0.000000e+00 : f32
          %max3A_3074 = vector.broadcast %max3A_3073 : f32 to vector<16xf32>
          %max3A_3075 = arith.maximumf %add3A_3072, %max3A_3074 : vector<16xf32>
          %mul3A_3076 = arith.mulf %max3A_3075, %get3A_17 : vector<16xf32>
          %add3A_3077 = arith.addf %mul3A_3061, %mul3A_3076 : vector<16xf32>
          %get3A_3078 = arith.index_cast %add3A_3034 : i32 to index
          %get3A_3079 = arith.constant 32 : index
          %get3A_3080 = tpu.vector_load %arg13[%get3A_3078, %get3A_3079] {strides = array<i32>} : memref<128x128xf32, #tpu.memory_space<vmem>>, vector<1x16xf32>,
          %get3A_3081 = vector.shape_cast %get3A_3080 : vector<1x16xf32> to vector<16xf32>
          %get3A_3082 = arith.index_cast %add3A_3034 : i32 to index
          %get3A_3083 = arith.constant 96 : index
          %get3A_3084 = tpu.vector_load %arg14[%get3A_3082, %get3A_3083] {strides = array<i32>} : memref<128x128xf32, #tpu.memory_space<vmem>>, vector<1x16xf32>,
          %get3A_3085 = vector.shape_cast %get3A_3084 : vector<1x16xf32> to vector<16xf32>
          %add3A_3086 = arith.addf %get3A_3081, %get3A_3085 : vector<16xf32>
          %mul3A_3087 = arith.mulf %gather3A_3046, %get3A_8 : vector<16xf32>
          %add3A_3088 = arith.addf %add3A_3086, %mul3A_3087 : vector<16xf32>
          %max3A_3089 = arith.constant 0.000000e+00 : f32
          %max3A_3090 = vector.broadcast %max3A_3089 : f32 to vector<16xf32>
          %max3A_3091 = arith.maximumf %add3A_3088, %max3A_3090 : vector<16xf32>
          %mul3A_3092 = arith.mulf %max3A_3091, %get3A_20 : vector<16xf32>
          %add3A_3093 = arith.addf %add3A_3077, %mul3A_3092 : vector<16xf32>
          %get3A_3094 = arith.index_cast %add3A_3034 : i32 to index
          %get3A_3095 = arith.constant 48 : index
          %get3A_3096 = tpu.vector_load %arg13[%get3A_3094, %get3A_3095] {strides = array<i32>} : memref<128x128xf32, #tpu.memory_space<vmem>>, vector<1x16xf32>,
          %get3A_3097 = vector.shape_cast %get3A_3096 : vector<1x16xf32> to vector<16xf32>
          %get3A_3098 = arith.index_cast %add3A_3034 : i32 to index
          %get3A_3099 = arith.constant 112 : index
          %get3A_3100 = tpu.vector_load %arg14[%get3A_3098, %get3A_3099] {strides = array<i32>} : memref<128x128xf32, #tpu.memory_space<vmem>>, vector<1x16xf32>,
          %get3A_3101 = vector.shape_cast %get3A_3100 : vector<1x16xf32> to vector<16xf32>
          %add3A_3102 = arith.addf %get3A_3097, %get3A_3101 : vector<16xf32>
          %mul3A_3103 = arith.mulf %gather3A_3046, %get3A_11 : vector<16xf32>
          %add3A_3104 = arith.addf %add3A_3102, %mul3A_3103 : vector<16xf32>
          %max3A_3105 = arith.constant 0.000000e+00 : f32
          %max3A_3106 = vector.broadcast %max3A_3105 : f32 to vector<16xf32>
          %max3A_3107 = arith.maximumf %add3A_3104, %max3A_3106 : vector<16xf32>
          %mul3A_3108 = arith.mulf %max3A_3107, %get3A_23 : vector<16xf32>
          %add3A_3109 = arith.addf %add3A_3093, %mul3A_3108 : vector<16xf32>
          %add3A_3110 = arith.constant 8 : i32
          %add3A_3111 = vector.broadcast %add3A_3110 : i32 to vector<16xi32>
          %add3A_3112 = arith.addi %iota3A, %add3A_3111 : vector<16xi32>
          %jit3A_3113 = arith.constant 16 : i32
          %eq3A_3114 = arith.constant 0 : i32
          %eq3A_3115 = arith.cmpi eq, %jit3A_3113, %eq3A_3114 : i32
          %jit3A_3116 = arith.constant 1 : i32
          %select_n3A_3117 = arith.select %eq3A_3115, %jit3A_3116, %jit3A_3113 : i32
          %rem3A_3118 = vector.broadcast %select_n3A_3117 : i32 to vector<16xi32>
          %rem3A_3119 = arith.remsi %add3A_3112, %rem3A_3118 : vector<16xi32>
          %ne3A_3120 = arith.constant 0 : i32
          %ne3A_3121 = vector.broadcast %ne3A_3120 : i32 to vector<16xi32>
          %ne3A_3122 = arith.cmpi ne, %rem3A_3119, %ne3A_3121 : vector<16xi32>
          %lt3A_3123 = arith.constant 0 : i32
          %lt3A_3124 = vector.broadcast %lt3A_3123 : i32 to vector<16xi32>
          %lt3A_3125 = arith.cmpi slt, %rem3A_3119, %lt3A_3124 : vector<16xi32>
          %lt3A_3126 = arith.constant 0 : i32
          %lt3A_3127 = arith.cmpi slt, %select_n3A_3117, %lt3A_3126 : i32
          %ne3A_3128 = vector.broadcast %lt3A_3127 : i1 to vector<16xi1>
          %ne3A_3129 = vector.broadcast %ne3A_3128 : vector<16xi1> to vector<16xi1>
          %ne3A_3130 = arith.xori %lt3A_3125, %ne3A_3129 : vector<16xi1>
          %and3A_3131 = arith.andi %ne3A_3130, %ne3A_3122 : vector<16xi1>
          %add3A_3132 = vector.broadcast %select_n3A_3117 : i32 to vector<16xi32>
          %add3A_3133 = arith.addi %rem3A_3119, %add3A_3132 : vector<16xi32>
          %select_n3A_3134 = arith.select %and3A_3131, %add3A_3133, %rem3A_3119 : vector<16xi1>, vector<16xi32>
          %lt3A_3135 = arith.constant 0 : i32
          %lt3A_3136 = vector.broadcast %lt3A_3135 : i32 to vector<16xi32>
          %lt3A_3137 = arith.cmpi slt, %select_n3A_3134, %lt3A_3136 : vector<16xi32>
          %add3A_3138 = arith.constant 16 : i32
          %add3A_3139 = vector.broadcast %add3A_3138 : i32 to vector<16xi32>
          %add3A_3140 = arith.addi %select_n3A_3134, %add3A_3139 : vector<16xi32>
          %select_n3A_3141 = arith.select %lt3A_3137, %add3A_3140, %select_n3A_3134 : vector<16xi1>, vector<16xi32>
          %broadcast_in_dim3A_3142 = vector.shape_cast %select_n3A_3141 : vector<16xi32> to vector<16x1xi32>
          %gather3A_3143 = vector.shape_cast %broadcast_in_dim3A_3142 : vector<16x1xi32> to vector<16xi32>
          %gather3A_3144 = tpu.dynamic_gather %add3A_3109[%gather3A_3143] in [0] : vector<16xf32>, vector<16xi32> -> vector<16xf32>
          %add3A_3145 = arith.addf %add3A_3109, %gather3A_3144 : vector<16xf32>
          %add3A_3146 = arith.constant 4 : i32
          %add3A_3147 = vector.broadcast %add3A_3146 : i32 to vector<16xi32>
          %add3A_3148 = arith.addi %iota3A, %add3A_3147 : vector<16xi32>
          %jit3A_3149 = arith.constant 16 : i32
          %eq3A_3150 = arith.constant 0 : i32
          %eq3A_3151 = arith.cmpi eq, %jit3A_3149, %eq3A_3150 : i32
          %jit3A_3152 = arith.constant 1 : i32
          %select_n3A_3153 = arith.select %eq3A_3151, %jit3A_3152, %jit3A_3149 : i32
          %rem3A_3154 = vector.broadcast %select_n3A_3153 : i32 to vector<16xi32>
          %rem3A_3155 = arith.remsi %add3A_3148, %rem3A_3154 : vector<16xi32>
          %ne3A_3156 = arith.constant 0 : i32
          %ne3A_3157 = vector.broadcast %ne3A_3156 : i32 to vector<16xi32>
          %ne3A_3158 = arith.cmpi ne, %rem3A_3155, %ne3A_3157 : vector<16xi32>
          %lt3A_3159 = arith.constant 0 : i32
          %lt3A_3160 = vector.broadcast %lt3A_3159 : i32 to vector<16xi32>
          %lt3A_3161 = arith.cmpi slt, %rem3A_3155, %lt3A_3160 : vector<16xi32>
          %lt3A_3162 = arith.constant 0 : i32
          %lt3A_3163 = arith.cmpi slt, %select_n3A_3153, %lt3A_3162 : i32
          %ne3A_3164 = vector.broadcast %lt3A_3163 : i1 to vector<16xi1>
          %ne3A_3165 = vector.broadcast %ne3A_3164 : vector<16xi1> to vector<16xi1>
          %ne3A_3166 = arith.xori %lt3A_3161, %ne3A_3165 : vector<16xi1>
          %and3A_3167 = arith.andi %ne3A_3166, %ne3A_3158 : vector<16xi1>
          %add3A_3168 = vector.broadcast %select_n3A_3153 : i32 to vector<16xi32>
          %add3A_3169 = arith.addi %rem3A_3155, %add3A_3168 : vector<16xi32>
          %select_n3A_3170 = arith.select %and3A_3167, %add3A_3169, %rem3A_3155 : vector<16xi1>, vector<16xi32>
          %lt3A_3171 = arith.constant 0 : i32
          %lt3A_3172 = vector.broadcast %lt3A_3171 : i32 to vector<16xi32>
          %lt3A_3173 = arith.cmpi slt, %select_n3A_3170, %lt3A_3172 : vector<16xi32>
          %add3A_3174 = arith.constant 16 : i32
          %add3A_3175 = vector.broadcast %add3A_3174 : i32 to vector<16xi32>
          %add3A_3176 = arith.addi %select_n3A_3170, %add3A_3175 : vector<16xi32>
          %select_n3A_3177 = arith.select %lt3A_3173, %add3A_3176, %select_n3A_3170 : vector<16xi1>, vector<16xi32>
          %broadcast_in_dim3A_3178 = vector.shape_cast %select_n3A_3177 : vector<16xi32> to vector<16x1xi32>
          %gather3A_3179 = vector.shape_cast %broadcast_in_dim3A_3178 : vector<16x1xi32> to vector<16xi32>
          %gather3A_3180 = tpu.dynamic_gather %add3A_3145[%gather3A_3179] in [0] : vector<16xf32>, vector<16xi32> -> vector<16xf32>
          %add3A_3181 = arith.addf %add3A_3145, %gather3A_3180 : vector<16xf32>
          %add3A_3182 = arith.constant 2 : i32
          %add3A_3183 = vector.broadcast %add3A_3182 : i32 to vector<16xi32>
          %add3A_3184 = arith.addi %iota3A, %add3A_3183 : vector<16xi32>
          %jit3A_3185 = arith.constant 16 : i32
          %eq3A_3186 = arith.constant 0 : i32
          %eq3A_3187 = arith.cmpi eq, %jit3A_3185, %eq3A_3186 : i32
          %jit3A_3188 = arith.constant 1 : i32
          %select_n3A_3189 = arith.select %eq3A_3187, %jit3A_3188, %jit3A_3185 : i32
          %rem3A_3190 = vector.broadcast %select_n3A_3189 : i32 to vector<16xi32>
          %rem3A_3191 = arith.remsi %add3A_3184, %rem3A_3190 : vector<16xi32>
          %ne3A_3192 = arith.constant 0 : i32
          %ne3A_3193 = vector.broadcast %ne3A_3192 : i32 to vector<16xi32>
          %ne3A_3194 = arith.cmpi ne, %rem3A_3191, %ne3A_3193 : vector<16xi32>
          %lt3A_3195 = arith.constant 0 : i32
          %lt3A_3196 = vector.broadcast %lt3A_3195 : i32 to vector<16xi32>
          %lt3A_3197 = arith.cmpi slt, %rem3A_3191, %lt3A_3196 : vector<16xi32>
          %lt3A_3198 = arith.constant 0 : i32
          %lt3A_3199 = arith.cmpi slt, %select_n3A_3189, %lt3A_3198 : i32
          %ne3A_3200 = vector.broadcast %lt3A_3199 : i1 to vector<16xi1>
          %ne3A_3201 = vector.broadcast %ne3A_3200 : vector<16xi1> to vector<16xi1>
          %ne3A_3202 = arith.xori %lt3A_3197, %ne3A_3201 : vector<16xi1>
          %and3A_3203 = arith.andi %ne3A_3202, %ne3A_3194 : vector<16xi1>
          %add3A_3204 = vector.broadcast %select_n3A_3189 : i32 to vector<16xi32>
          %add3A_3205 = arith.addi %rem3A_3191, %add3A_3204 : vector<16xi32>
          %select_n3A_3206 = arith.select %and3A_3203, %add3A_3205, %rem3A_3191 : vector<16xi1>, vector<16xi32>
          %lt3A_3207 = arith.constant 0 : i32
          %lt3A_3208 = vector.broadcast %lt3A_3207 : i32 to vector<16xi32>
          %lt3A_3209 = arith.cmpi slt, %select_n3A_3206, %lt3A_3208 : vector<16xi32>
          %add3A_3210 = arith.constant 16 : i32
          %add3A_3211 = vector.broadcast %add3A_3210 : i32 to vector<16xi32>
          %add3A_3212 = arith.addi %select_n3A_3206, %add3A_3211 : vector<16xi32>
          %select_n3A_3213 = arith.select %lt3A_3209, %add3A_3212, %select_n3A_3206 : vector<16xi1>, vector<16xi32>
          %broadcast_in_dim3A_3214 = vector.shape_cast %select_n3A_3213 : vector<16xi32> to vector<16x1xi32>
          %gather3A_3215 = vector.shape_cast %broadcast_in_dim3A_3214 : vector<16x1xi32> to vector<16xi32>
          %gather3A_3216 = tpu.dynamic_gather %add3A_3181[%gather3A_3215] in [0] : vector<16xf32>, vector<16xi32> -> vector<16xf32>
          %add3A_3217 = arith.addf %add3A_3181, %gather3A_3216 : vector<16xf32>
          %add3A_3218 = arith.constant 1 : i32
          %add3A_3219 = vector.broadcast %add3A_3218 : i32 to vector<16xi32>
          %add3A_3220 = arith.addi %iota3A, %add3A_3219 : vector<16xi32>
          %jit3A_3221 = arith.constant 16 : i32
          %eq3A_3222 = arith.constant 0 : i32
          %eq3A_3223 = arith.cmpi eq, %jit3A_3221, %eq3A_3222 : i32
          %jit3A_3224 = arith.constant 1 : i32
          %select_n3A_3225 = arith.select %eq3A_3223, %jit3A_3224, %jit3A_3221 : i32
          %rem3A_3226 = vector.broadcast %select_n3A_3225 : i32 to vector<16xi32>
          %rem3A_3227 = arith.remsi %add3A_3220, %rem3A_3226 : vector<16xi32>
          %ne3A_3228 = arith.constant 0 : i32
          %ne3A_3229 = vector.broadcast %ne3A_3228 : i32 to vector<16xi32>
          %ne3A_3230 = arith.cmpi ne, %rem3A_3227, %ne3A_3229 : vector<16xi32>
          %lt3A_3231 = arith.constant 0 : i32
          %lt3A_3232 = vector.broadcast %lt3A_3231 : i32 to vector<16xi32>
          %lt3A_3233 = arith.cmpi slt, %rem3A_3227, %lt3A_3232 : vector<16xi32>
          %lt3A_3234 = arith.constant 0 : i32
          %lt3A_3235 = arith.cmpi slt, %select_n3A_3225, %lt3A_3234 : i32
          %ne3A_3236 = vector.broadcast %lt3A_3235 : i1 to vector<16xi1>
          %ne3A_3237 = vector.broadcast %ne3A_3236 : vector<16xi1> to vector<16xi1>
          %ne3A_3238 = arith.xori %lt3A_3233, %ne3A_3237 : vector<16xi1>
          %and3A_3239 = arith.andi %ne3A_3238, %ne3A_3230 : vector<16xi1>
          %add3A_3240 = vector.broadcast %select_n3A_3225 : i32 to vector<16xi32>
          %add3A_3241 = arith.addi %rem3A_3227, %add3A_3240 : vector<16xi32>
          %select_n3A_3242 = arith.select %and3A_3239, %add3A_3241, %rem3A_3227 : vector<16xi1>, vector<16xi32>
          %lt3A_3243 = arith.constant 0 : i32
          %lt3A_3244 = vector.broadcast %lt3A_3243 : i32 to vector<16xi32>
          %lt3A_3245 = arith.cmpi slt, %select_n3A_3242, %lt3A_3244 : vector<16xi32>
          %add3A_3246 = arith.constant 16 : i32
          %add3A_3247 = vector.broadcast %add3A_3246 : i32 to vector<16xi32>
          %add3A_3248 = arith.addi %select_n3A_3242, %add3A_3247 : vector<16xi32>
          %select_n3A_3249 = arith.select %lt3A_3245, %add3A_3248, %select_n3A_3242 : vector<16xi1>, vector<16xi32>
          %broadcast_in_dim3A_3250 = vector.shape_cast %select_n3A_3249 : vector<16xi32> to vector<16x1xi32>
          %gather3A_3251 = vector.shape_cast %broadcast_in_dim3A_3250 : vector<16x1xi32> to vector<16xi32>
          %gather3A_3252 = tpu.dynamic_gather %add3A_3217[%gather3A_3251] in [0] : vector<16xf32>, vector<16xi32> -> vector<16xf32>
          %add3A_3253 = arith.addf %add3A_3217, %gather3A_3252 : vector<16xf32>
          %eq3A_3254 = arith.constant 13 : i32
          %eq3A_3255 = vector.broadcast %eq3A_3254 : i32 to vector<16xi32>
          %eq3A_3256 = arith.cmpi eq, %iota3A, %eq3A_3255 : vector<16xi32>
          %select_n3A_3257 = arith.select %eq3A_3256, %add3A_3253, %select_n3A_3030 : vector<16xi1>, vector<16xf32>
          %mul3A_3258 = arith.constant 16 : i32
          %mul3A_3259 = arith.muli %scan3A_80, %mul3A_3258 : i32
          %add3A_3260 = arith.constant 14 : i32
          %add3A_3261 = arith.addi %mul3A_3259, %add3A_3260 : i32
          %broadcast_in_dim3A_3262 = arith.constant 14 : i32
          %broadcast_in_dim3A_3263 = vector.broadcast %broadcast_in_dim3A_3262 : i32 to vector<16xi32>
          %lt3A_3264 = arith.constant 0 : i32
          %lt3A_3265 = vector.broadcast %lt3A_3264 : i32 to vector<16xi32>
          %lt3A_3266 = arith.cmpi slt, %broadcast_in_dim3A_3263, %lt3A_3265 : vector<16xi32>
          %add3A_3267 = arith.constant 16 : i32
          %add3A_3268 = vector.broadcast %add3A_3267 : i32 to vector<16xi32>
          %add3A_3269 = arith.addi %broadcast_in_dim3A_3263, %add3A_3268 : vector<16xi32>
          %select_n3A_3270 = arith.select %lt3A_3266, %add3A_3269, %broadcast_in_dim3A_3263 : vector<16xi1>, vector<16xi32>
          %broadcast_in_dim3A_3271 = vector.shape_cast %select_n3A_3270 : vector<16xi32> to vector<16x1xi32>
          %gather3A_3272 = vector.shape_cast %broadcast_in_dim3A_3271 : vector<16x1xi32> to vector<16xi32>
          %gather3A_3273 = tpu.dynamic_gather %get3A_88[%gather3A_3272] in [0] : vector<16xf32>, vector<16xi32> -> vector<16xf32>
          %get3A_3274 = arith.index_cast %add3A_3261 : i32 to index
          %get3A_3275 = arith.constant 0 : index
          %get3A_3276 = tpu.vector_load %arg13[%get3A_3274, %get3A_3275] {strides = array<i32>} : memref<128x128xf32, #tpu.memory_space<vmem>>, vector<1x16xf32>,
          %get3A_3277 = vector.shape_cast %get3A_3276 : vector<1x16xf32> to vector<16xf32>
          %get3A_3278 = arith.index_cast %add3A_3261 : i32 to index
          %get3A_3279 = arith.constant 64 : index
          %get3A_3280 = tpu.vector_load %arg14[%get3A_3278, %get3A_3279] {strides = array<i32>} : memref<128x128xf32, #tpu.memory_space<vmem>>, vector<1x16xf32>,
          %get3A_3281 = vector.shape_cast %get3A_3280 : vector<1x16xf32> to vector<16xf32>
          %add3A_3282 = arith.addf %get3A_3277, %get3A_3281 : vector<16xf32>
          %mul3A_3283 = arith.mulf %gather3A_3273, %get3A_2 : vector<16xf32>
          %add3A_3284 = arith.addf %add3A_3282, %mul3A_3283 : vector<16xf32>
          %max3A_3285 = arith.constant 0.000000e+00 : f32
          %max3A_3286 = vector.broadcast %max3A_3285 : f32 to vector<16xf32>
          %max3A_3287 = arith.maximumf %add3A_3284, %max3A_3286 : vector<16xf32>
          %mul3A_3288 = arith.mulf %max3A_3287, %get3A_14 : vector<16xf32>
          %get3A_3289 = arith.index_cast %add3A_3261 : i32 to index
          %get3A_3290 = arith.constant 16 : index
          %get3A_3291 = tpu.vector_load %arg13[%get3A_3289, %get3A_3290] {strides = array<i32>} : memref<128x128xf32, #tpu.memory_space<vmem>>, vector<1x16xf32>,
          %get3A_3292 = vector.shape_cast %get3A_3291 : vector<1x16xf32> to vector<16xf32>
          %get3A_3293 = arith.index_cast %add3A_3261 : i32 to index
          %get3A_3294 = arith.constant 80 : index
          %get3A_3295 = tpu.vector_load %arg14[%get3A_3293, %get3A_3294] {strides = array<i32>} : memref<128x128xf32, #tpu.memory_space<vmem>>, vector<1x16xf32>,
          %get3A_3296 = vector.shape_cast %get3A_3295 : vector<1x16xf32> to vector<16xf32>
          %add3A_3297 = arith.addf %get3A_3292, %get3A_3296 : vector<16xf32>
          %mul3A_3298 = arith.mulf %gather3A_3273, %get3A_5 : vector<16xf32>
          %add3A_3299 = arith.addf %add3A_3297, %mul3A_3298 : vector<16xf32>
          %max3A_3300 = arith.constant 0.000000e+00 : f32
          %max3A_3301 = vector.broadcast %max3A_3300 : f32 to vector<16xf32>
          %max3A_3302 = arith.maximumf %add3A_3299, %max3A_3301 : vector<16xf32>
          %mul3A_3303 = arith.mulf %max3A_3302, %get3A_17 : vector<16xf32>
          %add3A_3304 = arith.addf %mul3A_3288, %mul3A_3303 : vector<16xf32>
          %get3A_3305 = arith.index_cast %add3A_3261 : i32 to index
          %get3A_3306 = arith.constant 32 : index
          %get3A_3307 = tpu.vector_load %arg13[%get3A_3305, %get3A_3306] {strides = array<i32>} : memref<128x128xf32, #tpu.memory_space<vmem>>, vector<1x16xf32>,
          %get3A_3308 = vector.shape_cast %get3A_3307 : vector<1x16xf32> to vector<16xf32>
          %get3A_3309 = arith.index_cast %add3A_3261 : i32 to index
          %get3A_3310 = arith.constant 96 : index
          %get3A_3311 = tpu.vector_load %arg14[%get3A_3309, %get3A_3310] {strides = array<i32>} : memref<128x128xf32, #tpu.memory_space<vmem>>, vector<1x16xf32>,
          %get3A_3312 = vector.shape_cast %get3A_3311 : vector<1x16xf32> to vector<16xf32>
          %add3A_3313 = arith.addf %get3A_3308, %get3A_3312 : vector<16xf32>
          %mul3A_3314 = arith.mulf %gather3A_3273, %get3A_8 : vector<16xf32>
          %add3A_3315 = arith.addf %add3A_3313, %mul3A_3314 : vector<16xf32>
          %max3A_3316 = arith.constant 0.000000e+00 : f32
          %max3A_3317 = vector.broadcast %max3A_3316 : f32 to vector<16xf32>
          %max3A_3318 = arith.maximumf %add3A_3315, %max3A_3317 : vector<16xf32>
          %mul3A_3319 = arith.mulf %max3A_3318, %get3A_20 : vector<16xf32>
          %add3A_3320 = arith.addf %add3A_3304, %mul3A_3319 : vector<16xf32>
          %get3A_3321 = arith.index_cast %add3A_3261 : i32 to index
          %get3A_3322 = arith.constant 48 : index
          %get3A_3323 = tpu.vector_load %arg13[%get3A_3321, %get3A_3322] {strides = array<i32>} : memref<128x128xf32, #tpu.memory_space<vmem>>, vector<1x16xf32>,
          %get3A_3324 = vector.shape_cast %get3A_3323 : vector<1x16xf32> to vector<16xf32>
          %get3A_3325 = arith.index_cast %add3A_3261 : i32 to index
          %get3A_3326 = arith.constant 112 : index
          %get3A_3327 = tpu.vector_load %arg14[%get3A_3325, %get3A_3326] {strides = array<i32>} : memref<128x128xf32, #tpu.memory_space<vmem>>, vector<1x16xf32>,
          %get3A_3328 = vector.shape_cast %get3A_3327 : vector<1x16xf32> to vector<16xf32>
          %add3A_3329 = arith.addf %get3A_3324, %get3A_3328 : vector<16xf32>
          %mul3A_3330 = arith.mulf %gather3A_3273, %get3A_11 : vector<16xf32>
          %add3A_3331 = arith.addf %add3A_3329, %mul3A_3330 : vector<16xf32>
          %max3A_3332 = arith.constant 0.000000e+00 : f32
          %max3A_3333 = vector.broadcast %max3A_3332 : f32 to vector<16xf32>
          %max3A_3334 = arith.maximumf %add3A_3331, %max3A_3333 : vector<16xf32>
          %mul3A_3335 = arith.mulf %max3A_3334, %get3A_23 : vector<16xf32>
          %add3A_3336 = arith.addf %add3A_3320, %mul3A_3335 : vector<16xf32>
          %add3A_3337 = arith.constant 8 : i32
          %add3A_3338 = vector.broadcast %add3A_3337 : i32 to vector<16xi32>
          %add3A_3339 = arith.addi %iota3A, %add3A_3338 : vector<16xi32>
          %jit3A_3340 = arith.constant 16 : i32
          %eq3A_3341 = arith.constant 0 : i32
          %eq3A_3342 = arith.cmpi eq, %jit3A_3340, %eq3A_3341 : i32
          %jit3A_3343 = arith.constant 1 : i32
          %select_n3A_3344 = arith.select %eq3A_3342, %jit3A_3343, %jit3A_3340 : i32
          %rem3A_3345 = vector.broadcast %select_n3A_3344 : i32 to vector<16xi32>
          %rem3A_3346 = arith.remsi %add3A_3339, %rem3A_3345 : vector<16xi32>
          %ne3A_3347 = arith.constant 0 : i32
          %ne3A_3348 = vector.broadcast %ne3A_3347 : i32 to vector<16xi32>
          %ne3A_3349 = arith.cmpi ne, %rem3A_3346, %ne3A_3348 : vector<16xi32>
          %lt3A_3350 = arith.constant 0 : i32
          %lt3A_3351 = vector.broadcast %lt3A_3350 : i32 to vector<16xi32>
          %lt3A_3352 = arith.cmpi slt, %rem3A_3346, %lt3A_3351 : vector<16xi32>
          %lt3A_3353 = arith.constant 0 : i32
          %lt3A_3354 = arith.cmpi slt, %select_n3A_3344, %lt3A_3353 : i32
          %ne3A_3355 = vector.broadcast %lt3A_3354 : i1 to vector<16xi1>
          %ne3A_3356 = vector.broadcast %ne3A_3355 : vector<16xi1> to vector<16xi1>
          %ne3A_3357 = arith.xori %lt3A_3352, %ne3A_3356 : vector<16xi1>
          %and3A_3358 = arith.andi %ne3A_3357, %ne3A_3349 : vector<16xi1>
          %add3A_3359 = vector.broadcast %select_n3A_3344 : i32 to vector<16xi32>
          %add3A_3360 = arith.addi %rem3A_3346, %add3A_3359 : vector<16xi32>
          %select_n3A_3361 = arith.select %and3A_3358, %add3A_3360, %rem3A_3346 : vector<16xi1>, vector<16xi32>
          %lt3A_3362 = arith.constant 0 : i32
          %lt3A_3363 = vector.broadcast %lt3A_3362 : i32 to vector<16xi32>
          %lt3A_3364 = arith.cmpi slt, %select_n3A_3361, %lt3A_3363 : vector<16xi32>
          %add3A_3365 = arith.constant 16 : i32
          %add3A_3366 = vector.broadcast %add3A_3365 : i32 to vector<16xi32>
          %add3A_3367 = arith.addi %select_n3A_3361, %add3A_3366 : vector<16xi32>
          %select_n3A_3368 = arith.select %lt3A_3364, %add3A_3367, %select_n3A_3361 : vector<16xi1>, vector<16xi32>
          %broadcast_in_dim3A_3369 = vector.shape_cast %select_n3A_3368 : vector<16xi32> to vector<16x1xi32>
          %gather3A_3370 = vector.shape_cast %broadcast_in_dim3A_3369 : vector<16x1xi32> to vector<16xi32>
          %gather3A_3371 = tpu.dynamic_gather %add3A_3336[%gather3A_3370] in [0] : vector<16xf32>, vector<16xi32> -> vector<16xf32>
          %add3A_3372 = arith.addf %add3A_3336, %gather3A_3371 : vector<16xf32>
          %add3A_3373 = arith.constant 4 : i32
          %add3A_3374 = vector.broadcast %add3A_3373 : i32 to vector<16xi32>
          %add3A_3375 = arith.addi %iota3A, %add3A_3374 : vector<16xi32>
          %jit3A_3376 = arith.constant 16 : i32
          %eq3A_3377 = arith.constant 0 : i32
          %eq3A_3378 = arith.cmpi eq, %jit3A_3376, %eq3A_3377 : i32
          %jit3A_3379 = arith.constant 1 : i32
          %select_n3A_3380 = arith.select %eq3A_3378, %jit3A_3379, %jit3A_3376 : i32
          %rem3A_3381 = vector.broadcast %select_n3A_3380 : i32 to vector<16xi32>
          %rem3A_3382 = arith.remsi %add3A_3375, %rem3A_3381 : vector<16xi32>
          %ne3A_3383 = arith.constant 0 : i32
          %ne3A_3384 = vector.broadcast %ne3A_3383 : i32 to vector<16xi32>
          %ne3A_3385 = arith.cmpi ne, %rem3A_3382, %ne3A_3384 : vector<16xi32>
          %lt3A_3386 = arith.constant 0 : i32
          %lt3A_3387 = vector.broadcast %lt3A_3386 : i32 to vector<16xi32>
          %lt3A_3388 = arith.cmpi slt, %rem3A_3382, %lt3A_3387 : vector<16xi32>
          %lt3A_3389 = arith.constant 0 : i32
          %lt3A_3390 = arith.cmpi slt, %select_n3A_3380, %lt3A_3389 : i32
          %ne3A_3391 = vector.broadcast %lt3A_3390 : i1 to vector<16xi1>
          %ne3A_3392 = vector.broadcast %ne3A_3391 : vector<16xi1> to vector<16xi1>
          %ne3A_3393 = arith.xori %lt3A_3388, %ne3A_3392 : vector<16xi1>
          %and3A_3394 = arith.andi %ne3A_3393, %ne3A_3385 : vector<16xi1>
          %add3A_3395 = vector.broadcast %select_n3A_3380 : i32 to vector<16xi32>
          %add3A_3396 = arith.addi %rem3A_3382, %add3A_3395 : vector<16xi32>
          %select_n3A_3397 = arith.select %and3A_3394, %add3A_3396, %rem3A_3382 : vector<16xi1>, vector<16xi32>
          %lt3A_3398 = arith.constant 0 : i32
          %lt3A_3399 = vector.broadcast %lt3A_3398 : i32 to vector<16xi32>
          %lt3A_3400 = arith.cmpi slt, %select_n3A_3397, %lt3A_3399 : vector<16xi32>
          %add3A_3401 = arith.constant 16 : i32
          %add3A_3402 = vector.broadcast %add3A_3401 : i32 to vector<16xi32>
          %add3A_3403 = arith.addi %select_n3A_3397, %add3A_3402 : vector<16xi32>
          %select_n3A_3404 = arith.select %lt3A_3400, %add3A_3403, %select_n3A_3397 : vector<16xi1>, vector<16xi32>
          %broadcast_in_dim3A_3405 = vector.shape_cast %select_n3A_3404 : vector<16xi32> to vector<16x1xi32>
          %gather3A_3406 = vector.shape_cast %broadcast_in_dim3A_3405 : vector<16x1xi32> to vector<16xi32>
          %gather3A_3407 = tpu.dynamic_gather %add3A_3372[%gather3A_3406] in [0] : vector<16xf32>, vector<16xi32> -> vector<16xf32>
          %add3A_3408 = arith.addf %add3A_3372, %gather3A_3407 : vector<16xf32>
          %add3A_3409 = arith.constant 2 : i32
          %add3A_3410 = vector.broadcast %add3A_3409 : i32 to vector<16xi32>
          %add3A_3411 = arith.addi %iota3A, %add3A_3410 : vector<16xi32>
          %jit3A_3412 = arith.constant 16 : i32
          %eq3A_3413 = arith.constant 0 : i32
          %eq3A_3414 = arith.cmpi eq, %jit3A_3412, %eq3A_3413 : i32
          %jit3A_3415 = arith.constant 1 : i32
          %select_n3A_3416 = arith.select %eq3A_3414, %jit3A_3415, %jit3A_3412 : i32
          %rem3A_3417 = vector.broadcast %select_n3A_3416 : i32 to vector<16xi32>
          %rem3A_3418 = arith.remsi %add3A_3411, %rem3A_3417 : vector<16xi32>
          %ne3A_3419 = arith.constant 0 : i32
          %ne3A_3420 = vector.broadcast %ne3A_3419 : i32 to vector<16xi32>
          %ne3A_3421 = arith.cmpi ne, %rem3A_3418, %ne3A_3420 : vector<16xi32>
          %lt3A_3422 = arith.constant 0 : i32
          %lt3A_3423 = vector.broadcast %lt3A_3422 : i32 to vector<16xi32>
          %lt3A_3424 = arith.cmpi slt, %rem3A_3418, %lt3A_3423 : vector<16xi32>
          %lt3A_3425 = arith.constant 0 : i32
          %lt3A_3426 = arith.cmpi slt, %select_n3A_3416, %lt3A_3425 : i32
          %ne3A_3427 = vector.broadcast %lt3A_3426 : i1 to vector<16xi1>
          %ne3A_3428 = vector.broadcast %ne3A_3427 : vector<16xi1> to vector<16xi1>
          %ne3A_3429 = arith.xori %lt3A_3424, %ne3A_3428 : vector<16xi1>
          %and3A_3430 = arith.andi %ne3A_3429, %ne3A_3421 : vector<16xi1>
          %add3A_3431 = vector.broadcast %select_n3A_3416 : i32 to vector<16xi32>
          %add3A_3432 = arith.addi %rem3A_3418, %add3A_3431 : vector<16xi32>
          %select_n3A_3433 = arith.select %and3A_3430, %add3A_3432, %rem3A_3418 : vector<16xi1>, vector<16xi32>
          %lt3A_3434 = arith.constant 0 : i32
          %lt3A_3435 = vector.broadcast %lt3A_3434 : i32 to vector<16xi32>
          %lt3A_3436 = arith.cmpi slt, %select_n3A_3433, %lt3A_3435 : vector<16xi32>
          %add3A_3437 = arith.constant 16 : i32
          %add3A_3438 = vector.broadcast %add3A_3437 : i32 to vector<16xi32>
          %add3A_3439 = arith.addi %select_n3A_3433, %add3A_3438 : vector<16xi32>
          %select_n3A_3440 = arith.select %lt3A_3436, %add3A_3439, %select_n3A_3433 : vector<16xi1>, vector<16xi32>
          %broadcast_in_dim3A_3441 = vector.shape_cast %select_n3A_3440 : vector<16xi32> to vector<16x1xi32>
          %gather3A_3442 = vector.shape_cast %broadcast_in_dim3A_3441 : vector<16x1xi32> to vector<16xi32>
          %gather3A_3443 = tpu.dynamic_gather %add3A_3408[%gather3A_3442] in [0] : vector<16xf32>, vector<16xi32> -> vector<16xf32>
          %add3A_3444 = arith.addf %add3A_3408, %gather3A_3443 : vector<16xf32>
          %add3A_3445 = arith.constant 1 : i32
          %add3A_3446 = vector.broadcast %add3A_3445 : i32 to vector<16xi32>
          %add3A_3447 = arith.addi %iota3A, %add3A_3446 : vector<16xi32>
          %jit3A_3448 = arith.constant 16 : i32
          %eq3A_3449 = arith.constant 0 : i32
          %eq3A_3450 = arith.cmpi eq, %jit3A_3448, %eq3A_3449 : i32
          %jit3A_3451 = arith.constant 1 : i32
          %select_n3A_3452 = arith.select %eq3A_3450, %jit3A_3451, %jit3A_3448 : i32
          %rem3A_3453 = vector.broadcast %select_n3A_3452 : i32 to vector<16xi32>
          %rem3A_3454 = arith.remsi %add3A_3447, %rem3A_3453 : vector<16xi32>
          %ne3A_3455 = arith.constant 0 : i32
          %ne3A_3456 = vector.broadcast %ne3A_3455 : i32 to vector<16xi32>
          %ne3A_3457 = arith.cmpi ne, %rem3A_3454, %ne3A_3456 : vector<16xi32>
          %lt3A_3458 = arith.constant 0 : i32
          %lt3A_3459 = vector.broadcast %lt3A_3458 : i32 to vector<16xi32>
          %lt3A_3460 = arith.cmpi slt, %rem3A_3454, %lt3A_3459 : vector<16xi32>
          %lt3A_3461 = arith.constant 0 : i32
          %lt3A_3462 = arith.cmpi slt, %select_n3A_3452, %lt3A_3461 : i32
          %ne3A_3463 = vector.broadcast %lt3A_3462 : i1 to vector<16xi1>
          %ne3A_3464 = vector.broadcast %ne3A_3463 : vector<16xi1> to vector<16xi1>
          %ne3A_3465 = arith.xori %lt3A_3460, %ne3A_3464 : vector<16xi1>
          %and3A_3466 = arith.andi %ne3A_3465, %ne3A_3457 : vector<16xi1>
          %add3A_3467 = vector.broadcast %select_n3A_3452 : i32 to vector<16xi32>
          %add3A_3468 = arith.addi %rem3A_3454, %add3A_3467 : vector<16xi32>
          %select_n3A_3469 = arith.select %and3A_3466, %add3A_3468, %rem3A_3454 : vector<16xi1>, vector<16xi32>
          %lt3A_3470 = arith.constant 0 : i32
          %lt3A_3471 = vector.broadcast %lt3A_3470 : i32 to vector<16xi32>
          %lt3A_3472 = arith.cmpi slt, %select_n3A_3469, %lt3A_3471 : vector<16xi32>
          %add3A_3473 = arith.constant 16 : i32
          %add3A_3474 = vector.broadcast %add3A_3473 : i32 to vector<16xi32>
          %add3A_3475 = arith.addi %select_n3A_3469, %add3A_3474 : vector<16xi32>
          %select_n3A_3476 = arith.select %lt3A_3472, %add3A_3475, %select_n3A_3469 : vector<16xi1>, vector<16xi32>
          %broadcast_in_dim3A_3477 = vector.shape_cast %select_n3A_3476 : vector<16xi32> to vector<16x1xi32>
          %gather3A_3478 = vector.shape_cast %broadcast_in_dim3A_3477 : vector<16x1xi32> to vector<16xi32>
          %gather3A_3479 = tpu.dynamic_gather %add3A_3444[%gather3A_3478] in [0] : vector<16xf32>, vector<16xi32> -> vector<16xf32>
          %add3A_3480 = arith.addf %add3A_3444, %gather3A_3479 : vector<16xf32>
          %eq3A_3481 = arith.constant 14 : i32
          %eq3A_3482 = vector.broadcast %eq3A_3481 : i32 to vector<16xi32>
          %eq3A_3483 = arith.cmpi eq, %iota3A, %eq3A_3482 : vector<16xi32>
          %select_n3A_3484 = arith.select %eq3A_3483, %add3A_3480, %select_n3A_3257 : vector<16xi1>, vector<16xf32>
          %mul3A_3485 = arith.constant 16 : i32
          %mul3A_3486 = arith.muli %scan3A_80, %mul3A_3485 : i32
          %add3A_3487 = arith.constant 15 : i32
          %add3A_3488 = arith.addi %mul3A_3486, %add3A_3487 : i32
          %broadcast_in_dim3A_3489 = arith.constant 15 : i32
          %broadcast_in_dim3A_3490 = vector.broadcast %broadcast_in_dim3A_3489 : i32 to vector<16xi32>
          %lt3A_3491 = arith.constant 0 : i32
          %lt3A_3492 = vector.broadcast %lt3A_3491 : i32 to vector<16xi32>
          %lt3A_3493 = arith.cmpi slt, %broadcast_in_dim3A_3490, %lt3A_3492 : vector<16xi32>
          %add3A_3494 = arith.constant 16 : i32
          %add3A_3495 = vector.broadcast %add3A_3494 : i32 to vector<16xi32>
          %add3A_3496 = arith.addi %broadcast_in_dim3A_3490, %add3A_3495 : vector<16xi32>
          %select_n3A_3497 = arith.select %lt3A_3493, %add3A_3496, %broadcast_in_dim3A_3490 : vector<16xi1>, vector<16xi32>
          %broadcast_in_dim3A_3498 = vector.shape_cast %select_n3A_3497 : vector<16xi32> to vector<16x1xi32>
          %gather3A_3499 = vector.shape_cast %broadcast_in_dim3A_3498 : vector<16x1xi32> to vector<16xi32>
          %gather3A_3500 = tpu.dynamic_gather %get3A_88[%gather3A_3499] in [0] : vector<16xf32>, vector<16xi32> -> vector<16xf32>
          %get3A_3501 = arith.index_cast %add3A_3488 : i32 to index
          %get3A_3502 = arith.constant 0 : index
          %get3A_3503 = tpu.vector_load %arg13[%get3A_3501, %get3A_3502] {strides = array<i32>} : memref<128x128xf32, #tpu.memory_space<vmem>>, vector<1x16xf32>,
          %get3A_3504 = vector.shape_cast %get3A_3503 : vector<1x16xf32> to vector<16xf32>
          %get3A_3505 = arith.index_cast %add3A_3488 : i32 to index
          %get3A_3506 = arith.constant 64 : index
          %get3A_3507 = tpu.vector_load %arg14[%get3A_3505, %get3A_3506] {strides = array<i32>} : memref<128x128xf32, #tpu.memory_space<vmem>>, vector<1x16xf32>,
          %get3A_3508 = vector.shape_cast %get3A_3507 : vector<1x16xf32> to vector<16xf32>
          %add3A_3509 = arith.addf %get3A_3504, %get3A_3508 : vector<16xf32>
          %mul3A_3510 = arith.mulf %gather3A_3500, %get3A_2 : vector<16xf32>
          %add3A_3511 = arith.addf %add3A_3509, %mul3A_3510 : vector<16xf32>
          %max3A_3512 = arith.constant 0.000000e+00 : f32
          %max3A_3513 = vector.broadcast %max3A_3512 : f32 to vector<16xf32>
          %max3A_3514 = arith.maximumf %add3A_3511, %max3A_3513 : vector<16xf32>
          %mul3A_3515 = arith.mulf %max3A_3514, %get3A_14 : vector<16xf32>
          %get3A_3516 = arith.index_cast %add3A_3488 : i32 to index
          %get3A_3517 = arith.constant 16 : index
          %get3A_3518 = tpu.vector_load %arg13[%get3A_3516, %get3A_3517] {strides = array<i32>} : memref<128x128xf32, #tpu.memory_space<vmem>>, vector<1x16xf32>,
          %get3A_3519 = vector.shape_cast %get3A_3518 : vector<1x16xf32> to vector<16xf32>
          %get3A_3520 = arith.index_cast %add3A_3488 : i32 to index
          %get3A_3521 = arith.constant 80 : index
          %get3A_3522 = tpu.vector_load %arg14[%get3A_3520, %get3A_3521] {strides = array<i32>} : memref<128x128xf32, #tpu.memory_space<vmem>>, vector<1x16xf32>,
          %get3A_3523 = vector.shape_cast %get3A_3522 : vector<1x16xf32> to vector<16xf32>
          %add3A_3524 = arith.addf %get3A_3519, %get3A_3523 : vector<16xf32>
          %mul3A_3525 = arith.mulf %gather3A_3500, %get3A_5 : vector<16xf32>
          %add3A_3526 = arith.addf %add3A_3524, %mul3A_3525 : vector<16xf32>
          %max3A_3527 = arith.constant 0.000000e+00 : f32
          %max3A_3528 = vector.broadcast %max3A_3527 : f32 to vector<16xf32>
          %max3A_3529 = arith.maximumf %add3A_3526, %max3A_3528 : vector<16xf32>
          %mul3A_3530 = arith.mulf %max3A_3529, %get3A_17 : vector<16xf32>
          %add3A_3531 = arith.addf %mul3A_3515, %mul3A_3530 : vector<16xf32>
          %get3A_3532 = arith.index_cast %add3A_3488 : i32 to index
          %get3A_3533 = arith.constant 32 : index
          %get3A_3534 = tpu.vector_load %arg13[%get3A_3532, %get3A_3533] {strides = array<i32>} : memref<128x128xf32, #tpu.memory_space<vmem>>, vector<1x16xf32>,
          %get3A_3535 = vector.shape_cast %get3A_3534 : vector<1x16xf32> to vector<16xf32>
          %get3A_3536 = arith.index_cast %add3A_3488 : i32 to index
          %get3A_3537 = arith.constant 96 : index
          %get3A_3538 = tpu.vector_load %arg14[%get3A_3536, %get3A_3537] {strides = array<i32>} : memref<128x128xf32, #tpu.memory_space<vmem>>, vector<1x16xf32>,
          %get3A_3539 = vector.shape_cast %get3A_3538 : vector<1x16xf32> to vector<16xf32>
          %add3A_3540 = arith.addf %get3A_3535, %get3A_3539 : vector<16xf32>
          %mul3A_3541 = arith.mulf %gather3A_3500, %get3A_8 : vector<16xf32>
          %add3A_3542 = arith.addf %add3A_3540, %mul3A_3541 : vector<16xf32>
          %max3A_3543 = arith.constant 0.000000e+00 : f32
          %max3A_3544 = vector.broadcast %max3A_3543 : f32 to vector<16xf32>
          %max3A_3545 = arith.maximumf %add3A_3542, %max3A_3544 : vector<16xf32>
          %mul3A_3546 = arith.mulf %max3A_3545, %get3A_20 : vector<16xf32>
          %add3A_3547 = arith.addf %add3A_3531, %mul3A_3546 : vector<16xf32>
          %get3A_3548 = arith.index_cast %add3A_3488 : i32 to index
          %get3A_3549 = arith.constant 48 : index
          %get3A_3550 = tpu.vector_load %arg13[%get3A_3548, %get3A_3549] {strides = array<i32>} : memref<128x128xf32, #tpu.memory_space<vmem>>, vector<1x16xf32>,
          %get3A_3551 = vector.shape_cast %get3A_3550 : vector<1x16xf32> to vector<16xf32>
          %get3A_3552 = arith.index_cast %add3A_3488 : i32 to index
          %get3A_3553 = arith.constant 112 : index
          %get3A_3554 = tpu.vector_load %arg14[%get3A_3552, %get3A_3553] {strides = array<i32>} : memref<128x128xf32, #tpu.memory_space<vmem>>, vector<1x16xf32>,
          %get3A_3555 = vector.shape_cast %get3A_3554 : vector<1x16xf32> to vector<16xf32>
          %add3A_3556 = arith.addf %get3A_3551, %get3A_3555 : vector<16xf32>
          %mul3A_3557 = arith.mulf %gather3A_3500, %get3A_11 : vector<16xf32>
          %add3A_3558 = arith.addf %add3A_3556, %mul3A_3557 : vector<16xf32>
          %max3A_3559 = arith.constant 0.000000e+00 : f32
          %max3A_3560 = vector.broadcast %max3A_3559 : f32 to vector<16xf32>
          %max3A_3561 = arith.maximumf %add3A_3558, %max3A_3560 : vector<16xf32>
          %mul3A_3562 = arith.mulf %max3A_3561, %get3A_23 : vector<16xf32>
          %add3A_3563 = arith.addf %add3A_3547, %mul3A_3562 : vector<16xf32>
          %add3A_3564 = arith.constant 8 : i32
          %add3A_3565 = vector.broadcast %add3A_3564 : i32 to vector<16xi32>
          %add3A_3566 = arith.addi %iota3A, %add3A_3565 : vector<16xi32>
          %jit3A_3567 = arith.constant 16 : i32
          %eq3A_3568 = arith.constant 0 : i32
          %eq3A_3569 = arith.cmpi eq, %jit3A_3567, %eq3A_3568 : i32
          %jit3A_3570 = arith.constant 1 : i32
          %select_n3A_3571 = arith.select %eq3A_3569, %jit3A_3570, %jit3A_3567 : i32
          %rem3A_3572 = vector.broadcast %select_n3A_3571 : i32 to vector<16xi32>
          %rem3A_3573 = arith.remsi %add3A_3566, %rem3A_3572 : vector<16xi32>
          %ne3A_3574 = arith.constant 0 : i32
          %ne3A_3575 = vector.broadcast %ne3A_3574 : i32 to vector<16xi32>
          %ne3A_3576 = arith.cmpi ne, %rem3A_3573, %ne3A_3575 : vector<16xi32>
          %lt3A_3577 = arith.constant 0 : i32
          %lt3A_3578 = vector.broadcast %lt3A_3577 : i32 to vector<16xi32>
          %lt3A_3579 = arith.cmpi slt, %rem3A_3573, %lt3A_3578 : vector<16xi32>
          %lt3A_3580 = arith.constant 0 : i32
          %lt3A_3581 = arith.cmpi slt, %select_n3A_3571, %lt3A_3580 : i32
          %ne3A_3582 = vector.broadcast %lt3A_3581 : i1 to vector<16xi1>
          %ne3A_3583 = vector.broadcast %ne3A_3582 : vector<16xi1> to vector<16xi1>
          %ne3A_3584 = arith.xori %lt3A_3579, %ne3A_3583 : vector<16xi1>
          %and3A_3585 = arith.andi %ne3A_3584, %ne3A_3576 : vector<16xi1>
          %add3A_3586 = vector.broadcast %select_n3A_3571 : i32 to vector<16xi32>
          %add3A_3587 = arith.addi %rem3A_3573, %add3A_3586 : vector<16xi32>
          %select_n3A_3588 = arith.select %and3A_3585, %add3A_3587, %rem3A_3573 : vector<16xi1>, vector<16xi32>
          %lt3A_3589 = arith.constant 0 : i32
          %lt3A_3590 = vector.broadcast %lt3A_3589 : i32 to vector<16xi32>
          %lt3A_3591 = arith.cmpi slt, %select_n3A_3588, %lt3A_3590 : vector<16xi32>
          %add3A_3592 = arith.constant 16 : i32
          %add3A_3593 = vector.broadcast %add3A_3592 : i32 to vector<16xi32>
          %add3A_3594 = arith.addi %select_n3A_3588, %add3A_3593 : vector<16xi32>
          %select_n3A_3595 = arith.select %lt3A_3591, %add3A_3594, %select_n3A_3588 : vector<16xi1>, vector<16xi32>
          %broadcast_in_dim3A_3596 = vector.shape_cast %select_n3A_3595 : vector<16xi32> to vector<16x1xi32>
          %gather3A_3597 = vector.shape_cast %broadcast_in_dim3A_3596 : vector<16x1xi32> to vector<16xi32>
          %gather3A_3598 = tpu.dynamic_gather %add3A_3563[%gather3A_3597] in [0] : vector<16xf32>, vector<16xi32> -> vector<16xf32>
          %add3A_3599 = arith.addf %add3A_3563, %gather3A_3598 : vector<16xf32>
          %add3A_3600 = arith.constant 4 : i32
          %add3A_3601 = vector.broadcast %add3A_3600 : i32 to vector<16xi32>
          %add3A_3602 = arith.addi %iota3A, %add3A_3601 : vector<16xi32>
          %jit3A_3603 = arith.constant 16 : i32
          %eq3A_3604 = arith.constant 0 : i32
          %eq3A_3605 = arith.cmpi eq, %jit3A_3603, %eq3A_3604 : i32
          %jit3A_3606 = arith.constant 1 : i32
          %select_n3A_3607 = arith.select %eq3A_3605, %jit3A_3606, %jit3A_3603 : i32
          %rem3A_3608 = vector.broadcast %select_n3A_3607 : i32 to vector<16xi32>
          %rem3A_3609 = arith.remsi %add3A_3602, %rem3A_3608 : vector<16xi32>
          %ne3A_3610 = arith.constant 0 : i32
          %ne3A_3611 = vector.broadcast %ne3A_3610 : i32 to vector<16xi32>
          %ne3A_3612 = arith.cmpi ne, %rem3A_3609, %ne3A_3611 : vector<16xi32>
          %lt3A_3613 = arith.constant 0 : i32
          %lt3A_3614 = vector.broadcast %lt3A_3613 : i32 to vector<16xi32>
          %lt3A_3615 = arith.cmpi slt, %rem3A_3609, %lt3A_3614 : vector<16xi32>
          %lt3A_3616 = arith.constant 0 : i32
          %lt3A_3617 = arith.cmpi slt, %select_n3A_3607, %lt3A_3616 : i32
          %ne3A_3618 = vector.broadcast %lt3A_3617 : i1 to vector<16xi1>
          %ne3A_3619 = vector.broadcast %ne3A_3618 : vector<16xi1> to vector<16xi1>
          %ne3A_3620 = arith.xori %lt3A_3615, %ne3A_3619 : vector<16xi1>
          %and3A_3621 = arith.andi %ne3A_3620, %ne3A_3612 : vector<16xi1>
          %add3A_3622 = vector.broadcast %select_n3A_3607 : i32 to vector<16xi32>
          %add3A_3623 = arith.addi %rem3A_3609, %add3A_3622 : vector<16xi32>
          %select_n3A_3624 = arith.select %and3A_3621, %add3A_3623, %rem3A_3609 : vector<16xi1>, vector<16xi32>
          %lt3A_3625 = arith.constant 0 : i32
          %lt3A_3626 = vector.broadcast %lt3A_3625 : i32 to vector<16xi32>
          %lt3A_3627 = arith.cmpi slt, %select_n3A_3624, %lt3A_3626 : vector<16xi32>
          %add3A_3628 = arith.constant 16 : i32
          %add3A_3629 = vector.broadcast %add3A_3628 : i32 to vector<16xi32>
          %add3A_3630 = arith.addi %select_n3A_3624, %add3A_3629 : vector<16xi32>
          %select_n3A_3631 = arith.select %lt3A_3627, %add3A_3630, %select_n3A_3624 : vector<16xi1>, vector<16xi32>
          %broadcast_in_dim3A_3632 = vector.shape_cast %select_n3A_3631 : vector<16xi32> to vector<16x1xi32>
          %gather3A_3633 = vector.shape_cast %broadcast_in_dim3A_3632 : vector<16x1xi32> to vector<16xi32>
          %gather3A_3634 = tpu.dynamic_gather %add3A_3599[%gather3A_3633] in [0] : vector<16xf32>, vector<16xi32> -> vector<16xf32>
          %add3A_3635 = arith.addf %add3A_3599, %gather3A_3634 : vector<16xf32>
          %add3A_3636 = arith.constant 2 : i32
          %add3A_3637 = vector.broadcast %add3A_3636 : i32 to vector<16xi32>
          %add3A_3638 = arith.addi %iota3A, %add3A_3637 : vector<16xi32>
          %jit3A_3639 = arith.constant 16 : i32
          %eq3A_3640 = arith.constant 0 : i32
          %eq3A_3641 = arith.cmpi eq, %jit3A_3639, %eq3A_3640 : i32
          %jit3A_3642 = arith.constant 1 : i32
          %select_n3A_3643 = arith.select %eq3A_3641, %jit3A_3642, %jit3A_3639 : i32
          %rem3A_3644 = vector.broadcast %select_n3A_3643 : i32 to vector<16xi32>
          %rem3A_3645 = arith.remsi %add3A_3638, %rem3A_3644 : vector<16xi32>
          %ne3A_3646 = arith.constant 0 : i32
          %ne3A_3647 = vector.broadcast %ne3A_3646 : i32 to vector<16xi32>
          %ne3A_3648 = arith.cmpi ne, %rem3A_3645, %ne3A_3647 : vector<16xi32>
          %lt3A_3649 = arith.constant 0 : i32
          %lt3A_3650 = vector.broadcast %lt3A_3649 : i32 to vector<16xi32>
          %lt3A_3651 = arith.cmpi slt, %rem3A_3645, %lt3A_3650 : vector<16xi32>
          %lt3A_3652 = arith.constant 0 : i32
          %lt3A_3653 = arith.cmpi slt, %select_n3A_3643, %lt3A_3652 : i32
          %ne3A_3654 = vector.broadcast %lt3A_3653 : i1 to vector<16xi1>
          %ne3A_3655 = vector.broadcast %ne3A_3654 : vector<16xi1> to vector<16xi1>
          %ne3A_3656 = arith.xori %lt3A_3651, %ne3A_3655 : vector<16xi1>
          %and3A_3657 = arith.andi %ne3A_3656, %ne3A_3648 : vector<16xi1>
          %add3A_3658 = vector.broadcast %select_n3A_3643 : i32 to vector<16xi32>
          %add3A_3659 = arith.addi %rem3A_3645, %add3A_3658 : vector<16xi32>
          %select_n3A_3660 = arith.select %and3A_3657, %add3A_3659, %rem3A_3645 : vector<16xi1>, vector<16xi32>
          %lt3A_3661 = arith.constant 0 : i32
          %lt3A_3662 = vector.broadcast %lt3A_3661 : i32 to vector<16xi32>
          %lt3A_3663 = arith.cmpi slt, %select_n3A_3660, %lt3A_3662 : vector<16xi32>
          %add3A_3664 = arith.constant 16 : i32
          %add3A_3665 = vector.broadcast %add3A_3664 : i32 to vector<16xi32>
          %add3A_3666 = arith.addi %select_n3A_3660, %add3A_3665 : vector<16xi32>
          %select_n3A_3667 = arith.select %lt3A_3663, %add3A_3666, %select_n3A_3660 : vector<16xi1>, vector<16xi32>
          %broadcast_in_dim3A_3668 = vector.shape_cast %select_n3A_3667 : vector<16xi32> to vector<16x1xi32>
          %gather3A_3669 = vector.shape_cast %broadcast_in_dim3A_3668 : vector<16x1xi32> to vector<16xi32>
          %gather3A_3670 = tpu.dynamic_gather %add3A_3635[%gather3A_3669] in [0] : vector<16xf32>, vector<16xi32> -> vector<16xf32>
          %add3A_3671 = arith.addf %add3A_3635, %gather3A_3670 : vector<16xf32>
          %add3A_3672 = arith.constant 1 : i32
          %add3A_3673 = vector.broadcast %add3A_3672 : i32 to vector<16xi32>
          %add3A_3674 = arith.addi %iota3A, %add3A_3673 : vector<16xi32>
          %jit3A_3675 = arith.constant 16 : i32
          %eq3A_3676 = arith.constant 0 : i32
          %eq3A_3677 = arith.cmpi eq, %jit3A_3675, %eq3A_3676 : i32
          %jit3A_3678 = arith.constant 1 : i32
          %select_n3A_3679 = arith.select %eq3A_3677, %jit3A_3678, %jit3A_3675 : i32
          %rem3A_3680 = vector.broadcast %select_n3A_3679 : i32 to vector<16xi32>
          %rem3A_3681 = arith.remsi %add3A_3674, %rem3A_3680 : vector<16xi32>
          %ne3A_3682 = arith.constant 0 : i32
          %ne3A_3683 = vector.broadcast %ne3A_3682 : i32 to vector<16xi32>
          %ne3A_3684 = arith.cmpi ne, %rem3A_3681, %ne3A_3683 : vector<16xi32>
          %lt3A_3685 = arith.constant 0 : i32
          %lt3A_3686 = vector.broadcast %lt3A_3685 : i32 to vector<16xi32>
          %lt3A_3687 = arith.cmpi slt, %rem3A_3681, %lt3A_3686 : vector<16xi32>
          %lt3A_3688 = arith.constant 0 : i32
          %lt3A_3689 = arith.cmpi slt, %select_n3A_3679, %lt3A_3688 : i32
          %ne3A_3690 = vector.broadcast %lt3A_3689 : i1 to vector<16xi1>
          %ne3A_3691 = vector.broadcast %ne3A_3690 : vector<16xi1> to vector<16xi1>
          %ne3A_3692 = arith.xori %lt3A_3687, %ne3A_3691 : vector<16xi1>
          %and3A_3693 = arith.andi %ne3A_3692, %ne3A_3684 : vector<16xi1>
          %add3A_3694 = vector.broadcast %select_n3A_3679 : i32 to vector<16xi32>
          %add3A_3695 = arith.addi %rem3A_3681, %add3A_3694 : vector<16xi32>
          %select_n3A_3696 = arith.select %and3A_3693, %add3A_3695, %rem3A_3681 : vector<16xi1>, vector<16xi32>
          %lt3A_3697 = arith.constant 0 : i32
          %lt3A_3698 = vector.broadcast %lt3A_3697 : i32 to vector<16xi32>
          %lt3A_3699 = arith.cmpi slt, %select_n3A_3696, %lt3A_3698 : vector<16xi32>
          %add3A_3700 = arith.constant 16 : i32
          %add3A_3701 = vector.broadcast %add3A_3700 : i32 to vector<16xi32>
          %add3A_3702 = arith.addi %select_n3A_3696, %add3A_3701 : vector<16xi32>
          %select_n3A_3703 = arith.select %lt3A_3699, %add3A_3702, %select_n3A_3696 : vector<16xi1>, vector<16xi32>
          %broadcast_in_dim3A_3704 = vector.shape_cast %select_n3A_3703 : vector<16xi32> to vector<16x1xi32>
          %gather3A_3705 = vector.shape_cast %broadcast_in_dim3A_3704 : vector<16x1xi32> to vector<16xi32>
          %gather3A_3706 = tpu.dynamic_gather %add3A_3671[%gather3A_3705] in [0] : vector<16xf32>, vector<16xi32> -> vector<16xf32>
          %add3A_3707 = arith.addf %add3A_3671, %gather3A_3706 : vector<16xf32>
          %eq3A_3708 = arith.constant 15 : i32
          %eq3A_3709 = vector.broadcast %eq3A_3708 : i32 to vector<16xi32>
          %eq3A_3710 = arith.cmpi eq, %iota3A, %eq3A_3709 : vector<16xi32>
          %select_n3A_3711 = arith.select %eq3A_3710, %add3A_3707, %select_n3A_3484 : vector<16xi1>, vector<16xf32>
          %add3A_3712 = arith.addf %select_n3A_3711, %get3A_26 : vector<16xf32>
          %mul3A_3713 = arith.constant 16 : i32
          %mul3A_3714 = arith.muli %scan3A_80, %mul3A_3713 : i32
          %swap3A = arith.index_cast %scan3A_48 : i32 to index
          %swap3A_3715 = arith.index_cast %mul3A_3714 : i32 to index
          %swap3A_3716 = tpu.vector_load %arg15[%swap3A, %swap3A_3715] {strides = array<i32>} : memref<16x128xf32, #tpu.memory_space<vmem>>, vector<1x16xf32>,
          %swap3A_3717 = vector.shape_cast %swap3A_3716 : vector<1x16xf32> to vector<16xf32>
          %swap3A_3718 = vector.shape_cast %add3A_3712 : vector<16xf32> to vector<1x16xf32>
          tpu.vector_store %arg15[%swap3A, %swap3A_3715], %swap3A_3718 {strides = array<i32>} : memref<16x128xf32, #tpu.memory_space<vmem>>, vector<1x16xf32>,
          %scan3A_3719 = arith.constant 0 : i32
          scf.yield %scan3A_3719 : i32
        }
        %scan3A_78 = arith.constant 8 : i32
        %scan3A_79 = arith.constant 0 : i32
        scf.yield %scan3A_79 : i32
      }
      %scan3A_46 = arith.constant 16 : i32
      "tpu.region"() ({
        %run_scoped3A = tpu.sem_alloc : memref<!tpu.dma_semaphore, #tpu.memory_space<semaphore_mem>>
        %dma_start3A = arith.constant 0 : i32
        %dma_start3A_48 = tpu.memref_slice %arg9[%add3A_39, %dma_start3A] : memref<2560x128xf32, #tpu.memory_space<hbm>> -> memref<16x128xf32, #tpu.memory_space<hbm>>
        %dma_start3A_49 = arith.constant 0 : i32
        %dma_start3A_50 = tpu.memref_slice %arg9[%add3A_39, %dma_start3A_49] : memref<2560x128xf32, #tpu.memory_space<hbm>> -> memref<16x128xf32, #tpu.memory_space<hbm>>
        tpu.enqueue_dma source(%arg15 : memref<16x128xf32, #tpu.memory_space<vmem>>) target(%dma_start3A_50 : memref<16x128xf32, #tpu.memory_space<hbm>>) target_semaphore(%run_scoped3A : memref<!tpu.dma_semaphore, #tpu.memory_space<semaphore_mem>>)
        %dma_wait3A = arith.constant 0 : i32
        %dma_wait3A_51 = tpu.memref_slice %arg9[%add3A_39, %dma_wait3A] : memref<2560x128xf32, #tpu.memory_space<hbm>> -> memref<16x128xf32, #tpu.memory_space<hbm>>
        %dma_wait3A_52 = arith.constant 0 : i32
        %dma_wait3A_53 = tpu.memref_slice %arg9[%add3A_39, %dma_wait3A_52] : memref<2560x128xf32, #tpu.memory_space<hbm>> -> memref<16x128xf32, #tpu.memory_space<hbm>>
        tpu.wait_dma2 semaphore(%run_scoped3A : memref<!tpu.dma_semaphore, #tpu.memory_space<semaphore_mem>>) src(%arg15 : memref<16x128xf32, #tpu.memory_space<vmem>>) dst(%dma_wait3A_53 : memref<16x128xf32, #tpu.memory_space<hbm>>)
        tpu.yield
      }) : () -> ()
      %scan3A_47 = arith.constant 0 : i32
      scf.yield %scan3A_47 : i32
    }
    %scan3A_34 = arith.constant 5 : i32
    return
  }
}

#map = affine_map<(d0, d1) -> (0, 0)>
#map1 = affine_map<(d0, d1) -> (0, 0, 0)>
module attributes {stable_mosaic.version = 14 : i64} {
  func.func @_seg_body(%arg0: i32, %arg1: i32, %arg2: memref<10000x128xf32, #tpu.memory_space<hbm>>, %arg3: memref<2560x128xi32, #tpu.memory_space<hbm>>, %arg4: memref<2560x128xi32, #tpu.memory_space<hbm>>, %arg5: memref<10240x128xf32, #tpu.memory_space<hbm>>, %arg6: memref<2x10240x128xf32, #tpu.memory_space<hbm>>, %arg7: memref<16x128xi32, #tpu.memory_space<vmem>>, %arg8: memref<16x128xi32, #tpu.memory_space<vmem>>, %arg9: memref<128x128xf32, #tpu.memory_space<vmem>>, %arg10: memref<10240x128xf32, #tpu.memory_space<vmem_shared>>, %arg11: memref<!tpu.dma_semaphore, #tpu.memory_space<semaphore_mem>>) attributes {dimension_semantics = [#tpu.dimension_semantics<core_parallel>, #tpu.dimension_semantics<subcore_parallel>], iteration_bounds = array<i64: 2, 16>, scalar_prefetch = 0 : i64, scratch_operands = 5 : i64, tpu.core_type = #tpu.core_type<sc_vector_subcore>, window_params = [{transform_indices = #map}, {transform_indices = #map}, {transform_indices = #map}, {transform_indices = #map}, {transform_indices = #map1}]} {
    %mul3A = arith.constant 2 : i32
    %mul3A_0 = arith.muli %arg1, %mul3A : i32
    %add3A = arith.addi %mul3A_0, %arg0 : i32
    %mul3A_1 = arith.constant 640 : i32
    %mul3A_2 = arith.muli %arg1, %mul3A_1 : i32
    %mul3A_3 = arith.constant 640 : i32
    %mul3A_4 = arith.muli %arg1, %mul3A_3 : i32
    "tpu.region"() ({
      %run_scoped3A = tpu.sem_alloc : memref<!tpu.dma_semaphore, #tpu.memory_space<semaphore_mem>>
      %dma_start3A = arith.constant 0 : i32
      %dma_start3A_18 = tpu.memref_slice %arg10[%mul3A_4, %dma_start3A] : memref<10240x128xf32, #tpu.memory_space<vmem_shared>> -> memref<640x128xf32, #tpu.memory_space<vmem_shared>>
      %dma_start3A_19 = arith.constant 0 : i32
      %dma_start3A_20 = tpu.memref_slice %arg5[%mul3A_2, %dma_start3A_19] : memref<10240x128xf32, #tpu.memory_space<hbm>> -> memref<640x128xf32, #tpu.memory_space<hbm>>
      tpu.enqueue_dma source(%dma_start3A_20 : memref<640x128xf32, #tpu.memory_space<hbm>>) target(%dma_start3A_18 : memref<640x128xf32, #tpu.memory_space<vmem_shared>>) target_semaphore(%run_scoped3A : memref<!tpu.dma_semaphore, #tpu.memory_space<semaphore_mem>>)
      %dma_wait3A = arith.constant 0 : i32
      %dma_wait3A_21 = tpu.memref_slice %arg10[%mul3A_4, %dma_wait3A] : memref<10240x128xf32, #tpu.memory_space<vmem_shared>> -> memref<640x128xf32, #tpu.memory_space<vmem_shared>>
      %dma_wait3A_22 = arith.constant 0 : i32
      %dma_wait3A_23 = tpu.memref_slice %arg5[%mul3A_2, %dma_wait3A_22] : memref<10240x128xf32, #tpu.memory_space<hbm>> -> memref<640x128xf32, #tpu.memory_space<hbm>>
      tpu.wait_dma2 semaphore(%run_scoped3A : memref<!tpu.dma_semaphore, #tpu.memory_space<semaphore_mem>>) src(%dma_wait3A_23 : memref<640x128xf32, #tpu.memory_space<hbm>>) dst(%dma_wait3A_21 : memref<640x128xf32, #tpu.memory_space<vmem_shared>>)
      tpu.yield
    }) : () -> ()
    %barrier3A = arith.constant 0 : index
    tpu.barrier barrier_id(%barrier3A)
    %mul3A_5 = arith.constant 80 : i32
    %mul3A_6 = arith.muli %add3A, %mul3A_5 : i32
    %scan3A = arith.constant 0 : i32
    %scan3A_7 = arith.constant 0 : i32
    %scan3A_8 = arith.constant 5 : i32
    %scan3A_9 = arith.addi %scan3A_7, %scan3A_8 : i32
    %scan3A_10 = arith.constant 1 : i32
    %scan3A_11 = scf.for %scan3A_18 = %scan3A_7 to %scan3A_9 step %scan3A_10 iter_args(%scan3A_19 = %scan3A) -> (i32)  : i32 {
      %mul3A_20 = arith.constant 16 : i32
      %mul3A_21 = arith.muli %scan3A_18, %mul3A_20 : i32
      %add3A_22 = arith.addi %mul3A_6, %mul3A_21 : i32
      "tpu.region"() ({
        %run_scoped3A = tpu.sem_alloc : memref<!tpu.dma_semaphore, #tpu.memory_space<semaphore_mem>>
        %dma_start3A = arith.constant 0 : i32
        %dma_start3A_31 = tpu.memref_slice %arg3[%add3A_22, %dma_start3A] : memref<2560x128xi32, #tpu.memory_space<hbm>> -> memref<16x128xi32, #tpu.memory_space<hbm>>
        %dma_start3A_32 = arith.constant 0 : i32
        %dma_start3A_33 = tpu.memref_slice %arg3[%add3A_22, %dma_start3A_32] : memref<2560x128xi32, #tpu.memory_space<hbm>> -> memref<16x128xi32, #tpu.memory_space<hbm>>
        tpu.enqueue_dma source(%dma_start3A_33 : memref<16x128xi32, #tpu.memory_space<hbm>>) target(%arg7 : memref<16x128xi32, #tpu.memory_space<vmem>>) target_semaphore(%run_scoped3A : memref<!tpu.dma_semaphore, #tpu.memory_space<semaphore_mem>>)
        %dma_wait3A = arith.constant 0 : i32
        %dma_wait3A_34 = tpu.memref_slice %arg3[%add3A_22, %dma_wait3A] : memref<2560x128xi32, #tpu.memory_space<hbm>> -> memref<16x128xi32, #tpu.memory_space<hbm>>
        %dma_wait3A_35 = arith.constant 0 : i32
        %dma_wait3A_36 = tpu.memref_slice %arg3[%add3A_22, %dma_wait3A_35] : memref<2560x128xi32, #tpu.memory_space<hbm>> -> memref<16x128xi32, #tpu.memory_space<hbm>>
        tpu.wait_dma2 semaphore(%run_scoped3A : memref<!tpu.dma_semaphore, #tpu.memory_space<semaphore_mem>>) src(%dma_wait3A_36 : memref<16x128xi32, #tpu.memory_space<hbm>>) dst(%arg7 : memref<16x128xi32, #tpu.memory_space<vmem>>)
        tpu.yield
      }) : () -> ()
      "tpu.region"() ({
        %run_scoped3A = tpu.sem_alloc : memref<!tpu.dma_semaphore, #tpu.memory_space<semaphore_mem>>
        %dma_start3A = arith.constant 0 : i32
        %dma_start3A_31 = tpu.memref_slice %arg4[%add3A_22, %dma_start3A] : memref<2560x128xi32, #tpu.memory_space<hbm>> -> memref<16x128xi32, #tpu.memory_space<hbm>>
        %dma_start3A_32 = arith.constant 0 : i32
        %dma_start3A_33 = tpu.memref_slice %arg4[%add3A_22, %dma_start3A_32] : memref<2560x128xi32, #tpu.memory_space<hbm>> -> memref<16x128xi32, #tpu.memory_space<hbm>>
        tpu.enqueue_dma source(%dma_start3A_33 : memref<16x128xi32, #tpu.memory_space<hbm>>) target(%arg8 : memref<16x128xi32, #tpu.memory_space<vmem>>) target_semaphore(%run_scoped3A : memref<!tpu.dma_semaphore, #tpu.memory_space<semaphore_mem>>)
        %dma_wait3A = arith.constant 0 : i32
        %dma_wait3A_34 = tpu.memref_slice %arg4[%add3A_22, %dma_wait3A] : memref<2560x128xi32, #tpu.memory_space<hbm>> -> memref<16x128xi32, #tpu.memory_space<hbm>>
        %dma_wait3A_35 = arith.constant 0 : i32
        %dma_wait3A_36 = tpu.memref_slice %arg4[%add3A_22, %dma_wait3A_35] : memref<2560x128xi32, #tpu.memory_space<hbm>> -> memref<16x128xi32, #tpu.memory_space<hbm>>
        tpu.wait_dma2 semaphore(%run_scoped3A : memref<!tpu.dma_semaphore, #tpu.memory_space<semaphore_mem>>) src(%dma_wait3A_36 : memref<16x128xi32, #tpu.memory_space<hbm>>) dst(%arg8 : memref<16x128xi32, #tpu.memory_space<vmem>>)
        tpu.yield
      }) : () -> ()
      %scan3A_23 = arith.constant 0 : i32
      %scan3A_24 = arith.constant 0 : i32
      %scan3A_25 = arith.constant 16 : i32
      %scan3A_26 = arith.addi %scan3A_24, %scan3A_25 : i32
      %scan3A_27 = arith.constant 1 : i32
      %scan3A_28 = scf.for %scan3A_31 = %scan3A_24 to %scan3A_26 step %scan3A_27 iter_args(%scan3A_32 = %scan3A_23) -> (i32)  : i32 {
        %dma_start3A = arith.constant 0 : i32
        %dma_start3A_33 = tpu.memref_slice %arg7[%scan3A_31, %dma_start3A] : memref<16x128xi32, #tpu.memory_space<vmem>> -> memref<1x128xi32, #tpu.memory_space<vmem>>
        %dma_start3A_34 = tpu.memref_squeeze %dma_start3A_33 : memref<1x128xi32, #tpu.memory_space<vmem>> -> memref<128xi32, #tpu.memory_space<vmem>>
        %dma_start3A_35 = arith.constant 0 : i32
        %dma_start3A_36 = arith.constant 0 : i32
        %dma_start3A_37 = tpu.memref_slice %arg2[%dma_start3A_35, %dma_start3A_36] : memref<10000x128xf32, #tpu.memory_space<hbm>> -> memref<10000x128xf32, #tpu.memory_space<hbm>>
        tpu.enqueue_indirect_dma source(%dma_start3A_37 : memref<10000x128xf32, #tpu.memory_space<hbm>>) target(%arg9 : memref<128x128xf32, #tpu.memory_space<vmem>>) offsets(%dma_start3A_34 : memref<128xi32, #tpu.memory_space<vmem>>) semaphore(%arg11 : memref<!tpu.dma_semaphore, #tpu.memory_space<semaphore_mem>>)
        %dma_wait3A = arith.constant 0 : i32
        %dma_wait3A_38 = tpu.memref_slice %arg7[%scan3A_31, %dma_wait3A] : memref<16x128xi32, #tpu.memory_space<vmem>> -> memref<1x128xi32, #tpu.memory_space<vmem>>
        %dma_wait3A_39 = tpu.memref_squeeze %dma_wait3A_38 : memref<1x128xi32, #tpu.memory_space<vmem>> -> memref<128xi32, #tpu.memory_space<vmem>>
        %dma_wait3A_40 = arith.constant 0 : i32
        %dma_wait3A_41 = arith.constant 0 : i32
        %dma_wait3A_42 = tpu.memref_slice %arg2[%dma_wait3A_40, %dma_wait3A_41] : memref<10000x128xf32, #tpu.memory_space<hbm>> -> memref<10000x128xf32, #tpu.memory_space<hbm>>
        tpu.wait_indirect_dma semaphore(%arg11 : memref<!tpu.dma_semaphore, #tpu.memory_space<semaphore_mem>>) src(%dma_wait3A_42 : memref<10000x128xf32, #tpu.memory_space<hbm>>) dst(%arg9 : memref<128x128xf32, #tpu.memory_space<vmem>>)
        "tpu.region"() ({
          %run_scoped3A = tpu.sem_alloc : memref<!tpu.dma_semaphore, #tpu.memory_space<semaphore_mem>>
          %dma_start3A_44 = arith.constant 0 : i32
          %dma_start3A_45 = tpu.memref_slice %arg8[%scan3A_31, %dma_start3A_44] : memref<16x128xi32, #tpu.memory_space<vmem>> -> memref<1x128xi32, #tpu.memory_space<vmem>>
          %dma_start3A_46 = tpu.memref_squeeze %dma_start3A_45 : memref<1x128xi32, #tpu.memory_space<vmem>> -> memref<128xi32, #tpu.memory_space<vmem>>
          %dma_start3A_47 = arith.constant 0 : i32
          %dma_start3A_48 = arith.constant 0 : i32
          %dma_start3A_49 = tpu.memref_slice %arg10[%dma_start3A_47, %dma_start3A_48] : memref<10240x128xf32, #tpu.memory_space<vmem_shared>> -> memref<10240x128xf32, #tpu.memory_space<vmem_shared>>
          tpu.enqueue_indirect_dma source(%arg9 : memref<128x128xf32, #tpu.memory_space<vmem>>) target(%dma_start3A_49 : memref<10240x128xf32, #tpu.memory_space<vmem_shared>>) offsets(%dma_start3A_46 : memref<128xi32, #tpu.memory_space<vmem>>) semaphore(%run_scoped3A : memref<!tpu.dma_semaphore, #tpu.memory_space<semaphore_mem>>) {add = true}
          %dma_wait3A_50 = arith.constant 0 : i32
          %dma_wait3A_51 = tpu.memref_slice %arg8[%scan3A_31, %dma_wait3A_50] : memref<16x128xi32, #tpu.memory_space<vmem>> -> memref<1x128xi32, #tpu.memory_space<vmem>>
          %dma_wait3A_52 = tpu.memref_squeeze %dma_wait3A_51 : memref<1x128xi32, #tpu.memory_space<vmem>> -> memref<128xi32, #tpu.memory_space<vmem>>
          %dma_wait3A_53 = arith.constant 0 : i32
          %dma_wait3A_54 = arith.constant 0 : i32
          %dma_wait3A_55 = tpu.memref_slice %arg10[%dma_wait3A_53, %dma_wait3A_54] : memref<10240x128xf32, #tpu.memory_space<vmem_shared>> -> memref<10240x128xf32, #tpu.memory_space<vmem_shared>>
          tpu.wait_indirect_dma semaphore(%run_scoped3A : memref<!tpu.dma_semaphore, #tpu.memory_space<semaphore_mem>>) src(%arg9 : memref<128x128xf32, #tpu.memory_space<vmem>>) dst(%dma_wait3A_55 : memref<10240x128xf32, #tpu.memory_space<vmem_shared>>)
          tpu.yield
        }) : () -> ()
        %scan3A_43 = arith.constant 0 : i32
        scf.yield %scan3A_43 : i32
      }
      %scan3A_29 = arith.constant 16 : i32
      %scan3A_30 = arith.constant 0 : i32
      scf.yield %scan3A_30 : i32
    }
    %scan3A_12 = arith.constant 5 : i32
    %barrier3A_13 = arith.constant 0 : index
    tpu.barrier barrier_id(%barrier3A_13)
    %mul3A_14 = arith.constant 640 : i32
    %mul3A_15 = arith.muli %arg1, %mul3A_14 : i32
    %mul3A_16 = arith.constant 640 : i32
    %mul3A_17 = arith.muli %arg1, %mul3A_16 : i32
    "tpu.region"() ({
      %run_scoped3A = tpu.sem_alloc : memref<!tpu.dma_semaphore, #tpu.memory_space<semaphore_mem>>
      %dma_start3A = arith.constant 0 : i32
      %dma_start3A_18 = tpu.memref_slice %arg6[%arg0, %mul3A_17, %dma_start3A] : memref<2x10240x128xf32, #tpu.memory_space<hbm>> -> memref<1x640x128xf32, #tpu.memory_space<hbm>>
      %dma_start3A_19 = tpu.memref_squeeze %dma_start3A_18 : memref<1x640x128xf32, #tpu.memory_space<hbm>> -> memref<640x128xf32, #tpu.memory_space<hbm>>
      %dma_start3A_20 = arith.constant 0 : i32
      %dma_start3A_21 = tpu.memref_slice %arg10[%mul3A_15, %dma_start3A_20] : memref<10240x128xf32, #tpu.memory_space<vmem_shared>> -> memref<640x128xf32, #tpu.memory_space<vmem_shared>>
      tpu.enqueue_dma source(%dma_start3A_21 : memref<640x128xf32, #tpu.memory_space<vmem_shared>>) target(%dma_start3A_19 : memref<640x128xf32, #tpu.memory_space<hbm>>) target_semaphore(%run_scoped3A : memref<!tpu.dma_semaphore, #tpu.memory_space<semaphore_mem>>)
      %dma_wait3A = arith.constant 0 : i32
      %dma_wait3A_22 = tpu.memref_slice %arg6[%arg0, %mul3A_17, %dma_wait3A] : memref<2x10240x128xf32, #tpu.memory_space<hbm>> -> memref<1x640x128xf32, #tpu.memory_space<hbm>>
      %dma_wait3A_23 = tpu.memref_squeeze %dma_wait3A_22 : memref<1x640x128xf32, #tpu.memory_space<hbm>> -> memref<640x128xf32, #tpu.memory_space<hbm>>
      %dma_wait3A_24 = arith.constant 0 : i32
      %dma_wait3A_25 = tpu.memref_slice %arg10[%mul3A_15, %dma_wait3A_24] : memref<10240x128xf32, #tpu.memory_space<vmem_shared>> -> memref<640x128xf32, #tpu.memory_space<vmem_shared>>
      tpu.wait_dma2 semaphore(%run_scoped3A : memref<!tpu.dma_semaphore, #tpu.memory_space<semaphore_mem>>) src(%dma_wait3A_25 : memref<640x128xf32, #tpu.memory_space<vmem_shared>>) dst(%dma_wait3A_23 : memref<640x128xf32, #tpu.memory_space<hbm>>)
      tpu.yield
    }) : () -> ()
    return
  }
}

#map = affine_map<(d0, d1) -> (0, 0)>
#map1 = affine_map<(d0, d1) -> (0, 0, 0)>
module attributes {stable_mosaic.version = 14 : i64} {
  func.func @_seg_body(%arg0: i32, %arg1: i32, %arg2: memref<10000x128xf32, #tpu.memory_space<hbm>>, %arg3: memref<2560x128xi32, #tpu.memory_space<hbm>>, %arg4: memref<2560x128xi32, #tpu.memory_space<hbm>>, %arg5: memref<10240x128xf32, #tpu.memory_space<hbm>>, %arg6: memref<2x10240x128xf32, #tpu.memory_space<hbm>>, %arg7: memref<16x128xi32, #tpu.memory_space<vmem>>, %arg8: memref<16x128xi32, #tpu.memory_space<vmem>>, %arg9: memref<128x128xf32, #tpu.memory_space<vmem>>, %arg10: memref<10240x128xf32, #tpu.memory_space<vmem_shared>>, %arg11: memref<!tpu.dma_semaphore, #tpu.memory_space<semaphore_mem>>) attributes {dimension_semantics = [#tpu.dimension_semantics<core_parallel>, #tpu.dimension_semantics<subcore_parallel>], iteration_bounds = array<i64: 2, 16>, scalar_prefetch = 0 : i64, scratch_operands = 5 : i64, tpu.core_type = #tpu.core_type<sc_vector_subcore>, window_params = [{transform_indices = #map}, {transform_indices = #map}, {transform_indices = #map}, {transform_indices = #map}, {transform_indices = #map1}]} {
    %mul3A = arith.constant 2 : i32
    %mul3A_0 = arith.muli %arg1, %mul3A : i32
    %add3A = arith.addi %mul3A_0, %arg0 : i32
    %mul3A_1 = arith.constant 640 : i32
    %mul3A_2 = arith.muli %arg1, %mul3A_1 : i32
    %mul3A_3 = arith.constant 640 : i32
    %mul3A_4 = arith.muli %arg1, %mul3A_3 : i32
    "tpu.region"() ({
      %run_scoped3A = tpu.sem_alloc : memref<!tpu.dma_semaphore, #tpu.memory_space<semaphore_mem>>
      %dma_start3A = arith.constant 0 : i32
      %dma_start3A_18 = tpu.memref_slice %arg10[%mul3A_4, %dma_start3A] : memref<10240x128xf32, #tpu.memory_space<vmem_shared>> -> memref<640x128xf32, #tpu.memory_space<vmem_shared>>
      %dma_start3A_19 = arith.constant 0 : i32
      %dma_start3A_20 = tpu.memref_slice %arg5[%mul3A_2, %dma_start3A_19] : memref<10240x128xf32, #tpu.memory_space<hbm>> -> memref<640x128xf32, #tpu.memory_space<hbm>>
      tpu.enqueue_dma source(%dma_start3A_20 : memref<640x128xf32, #tpu.memory_space<hbm>>) target(%dma_start3A_18 : memref<640x128xf32, #tpu.memory_space<vmem_shared>>) target_semaphore(%run_scoped3A : memref<!tpu.dma_semaphore, #tpu.memory_space<semaphore_mem>>)
      %dma_wait3A = arith.constant 0 : i32
      %dma_wait3A_21 = tpu.memref_slice %arg10[%mul3A_4, %dma_wait3A] : memref<10240x128xf32, #tpu.memory_space<vmem_shared>> -> memref<640x128xf32, #tpu.memory_space<vmem_shared>>
      %dma_wait3A_22 = arith.constant 0 : i32
      %dma_wait3A_23 = tpu.memref_slice %arg5[%mul3A_2, %dma_wait3A_22] : memref<10240x128xf32, #tpu.memory_space<hbm>> -> memref<640x128xf32, #tpu.memory_space<hbm>>
      tpu.wait_dma2 semaphore(%run_scoped3A : memref<!tpu.dma_semaphore, #tpu.memory_space<semaphore_mem>>) src(%dma_wait3A_23 : memref<640x128xf32, #tpu.memory_space<hbm>>) dst(%dma_wait3A_21 : memref<640x128xf32, #tpu.memory_space<vmem_shared>>)
      tpu.yield
    }) : () -> ()
    %barrier3A = arith.constant 0 : index
    tpu.barrier barrier_id(%barrier3A)
    %mul3A_5 = arith.constant 80 : i32
    %mul3A_6 = arith.muli %add3A, %mul3A_5 : i32
    %scan3A = arith.constant 0 : i32
    %scan3A_7 = arith.constant 0 : i32
    %scan3A_8 = arith.constant 5 : i32
    %scan3A_9 = arith.addi %scan3A_7, %scan3A_8 : i32
    %scan3A_10 = arith.constant 1 : i32
    %scan3A_11 = scf.for %scan3A_18 = %scan3A_7 to %scan3A_9 step %scan3A_10 iter_args(%scan3A_19 = %scan3A) -> (i32)  : i32 {
      %mul3A_20 = arith.constant 16 : i32
      %mul3A_21 = arith.muli %scan3A_18, %mul3A_20 : i32
      %add3A_22 = arith.addi %mul3A_6, %mul3A_21 : i32
      "tpu.region"() ({
        %run_scoped3A = tpu.sem_alloc : memref<!tpu.dma_semaphore, #tpu.memory_space<semaphore_mem>>
        %dma_start3A = arith.constant 0 : i32
        %dma_start3A_31 = tpu.memref_slice %arg3[%add3A_22, %dma_start3A] : memref<2560x128xi32, #tpu.memory_space<hbm>> -> memref<16x128xi32, #tpu.memory_space<hbm>>
        %dma_start3A_32 = arith.constant 0 : i32
        %dma_start3A_33 = tpu.memref_slice %arg3[%add3A_22, %dma_start3A_32] : memref<2560x128xi32, #tpu.memory_space<hbm>> -> memref<16x128xi32, #tpu.memory_space<hbm>>
        tpu.enqueue_dma source(%dma_start3A_33 : memref<16x128xi32, #tpu.memory_space<hbm>>) target(%arg7 : memref<16x128xi32, #tpu.memory_space<vmem>>) target_semaphore(%run_scoped3A : memref<!tpu.dma_semaphore, #tpu.memory_space<semaphore_mem>>)
        %dma_wait3A = arith.constant 0 : i32
        %dma_wait3A_34 = tpu.memref_slice %arg3[%add3A_22, %dma_wait3A] : memref<2560x128xi32, #tpu.memory_space<hbm>> -> memref<16x128xi32, #tpu.memory_space<hbm>>
        %dma_wait3A_35 = arith.constant 0 : i32
        %dma_wait3A_36 = tpu.memref_slice %arg3[%add3A_22, %dma_wait3A_35] : memref<2560x128xi32, #tpu.memory_space<hbm>> -> memref<16x128xi32, #tpu.memory_space<hbm>>
        tpu.wait_dma2 semaphore(%run_scoped3A : memref<!tpu.dma_semaphore, #tpu.memory_space<semaphore_mem>>) src(%dma_wait3A_36 : memref<16x128xi32, #tpu.memory_space<hbm>>) dst(%arg7 : memref<16x128xi32, #tpu.memory_space<vmem>>)
        tpu.yield
      }) : () -> ()
      "tpu.region"() ({
        %run_scoped3A = tpu.sem_alloc : memref<!tpu.dma_semaphore, #tpu.memory_space<semaphore_mem>>
        %dma_start3A = arith.constant 0 : i32
        %dma_start3A_31 = tpu.memref_slice %arg4[%add3A_22, %dma_start3A] : memref<2560x128xi32, #tpu.memory_space<hbm>> -> memref<16x128xi32, #tpu.memory_space<hbm>>
        %dma_start3A_32 = arith.constant 0 : i32
        %dma_start3A_33 = tpu.memref_slice %arg4[%add3A_22, %dma_start3A_32] : memref<2560x128xi32, #tpu.memory_space<hbm>> -> memref<16x128xi32, #tpu.memory_space<hbm>>
        tpu.enqueue_dma source(%dma_start3A_33 : memref<16x128xi32, #tpu.memory_space<hbm>>) target(%arg8 : memref<16x128xi32, #tpu.memory_space<vmem>>) target_semaphore(%run_scoped3A : memref<!tpu.dma_semaphore, #tpu.memory_space<semaphore_mem>>)
        %dma_wait3A = arith.constant 0 : i32
        %dma_wait3A_34 = tpu.memref_slice %arg4[%add3A_22, %dma_wait3A] : memref<2560x128xi32, #tpu.memory_space<hbm>> -> memref<16x128xi32, #tpu.memory_space<hbm>>
        %dma_wait3A_35 = arith.constant 0 : i32
        %dma_wait3A_36 = tpu.memref_slice %arg4[%add3A_22, %dma_wait3A_35] : memref<2560x128xi32, #tpu.memory_space<hbm>> -> memref<16x128xi32, #tpu.memory_space<hbm>>
        tpu.wait_dma2 semaphore(%run_scoped3A : memref<!tpu.dma_semaphore, #tpu.memory_space<semaphore_mem>>) src(%dma_wait3A_36 : memref<16x128xi32, #tpu.memory_space<hbm>>) dst(%arg8 : memref<16x128xi32, #tpu.memory_space<vmem>>)
        tpu.yield
      }) : () -> ()
      %scan3A_23 = arith.constant 0 : i32
      %scan3A_24 = arith.constant 0 : i32
      %scan3A_25 = arith.constant 16 : i32
      %scan3A_26 = arith.addi %scan3A_24, %scan3A_25 : i32
      %scan3A_27 = arith.constant 1 : i32
      %scan3A_28 = scf.for %scan3A_31 = %scan3A_24 to %scan3A_26 step %scan3A_27 iter_args(%scan3A_32 = %scan3A_23) -> (i32)  : i32 {
        %dma_start3A = arith.constant 0 : i32
        %dma_start3A_33 = tpu.memref_slice %arg7[%scan3A_31, %dma_start3A] : memref<16x128xi32, #tpu.memory_space<vmem>> -> memref<1x128xi32, #tpu.memory_space<vmem>>
        %dma_start3A_34 = tpu.memref_squeeze %dma_start3A_33 : memref<1x128xi32, #tpu.memory_space<vmem>> -> memref<128xi32, #tpu.memory_space<vmem>>
        %dma_start3A_35 = arith.constant 0 : i32
        %dma_start3A_36 = arith.constant 0 : i32
        %dma_start3A_37 = tpu.memref_slice %arg2[%dma_start3A_35, %dma_start3A_36] : memref<10000x128xf32, #tpu.memory_space<hbm>> -> memref<10000x128xf32, #tpu.memory_space<hbm>>
        tpu.enqueue_indirect_dma source(%dma_start3A_37 : memref<10000x128xf32, #tpu.memory_space<hbm>>) target(%arg9 : memref<128x128xf32, #tpu.memory_space<vmem>>) offsets(%dma_start3A_34 : memref<128xi32, #tpu.memory_space<vmem>>) semaphore(%arg11 : memref<!tpu.dma_semaphore, #tpu.memory_space<semaphore_mem>>)
        %dma_wait3A = arith.constant 0 : i32
        %dma_wait3A_38 = tpu.memref_slice %arg7[%scan3A_31, %dma_wait3A] : memref<16x128xi32, #tpu.memory_space<vmem>> -> memref<1x128xi32, #tpu.memory_space<vmem>>
        %dma_wait3A_39 = tpu.memref_squeeze %dma_wait3A_38 : memref<1x128xi32, #tpu.memory_space<vmem>> -> memref<128xi32, #tpu.memory_space<vmem>>
        %dma_wait3A_40 = arith.constant 0 : i32
        %dma_wait3A_41 = arith.constant 0 : i32
        %dma_wait3A_42 = tpu.memref_slice %arg2[%dma_wait3A_40, %dma_wait3A_41] : memref<10000x128xf32, #tpu.memory_space<hbm>> -> memref<10000x128xf32, #tpu.memory_space<hbm>>
        tpu.wait_indirect_dma semaphore(%arg11 : memref<!tpu.dma_semaphore, #tpu.memory_space<semaphore_mem>>) src(%dma_wait3A_42 : memref<10000x128xf32, #tpu.memory_space<hbm>>) dst(%arg9 : memref<128x128xf32, #tpu.memory_space<vmem>>)
        "tpu.region"() ({
          %run_scoped3A = tpu.sem_alloc : memref<!tpu.dma_semaphore, #tpu.memory_space<semaphore_mem>>
          %dma_start3A_44 = arith.constant 0 : i32
          %dma_start3A_45 = tpu.memref_slice %arg8[%scan3A_31, %dma_start3A_44] : memref<16x128xi32, #tpu.memory_space<vmem>> -> memref<1x128xi32, #tpu.memory_space<vmem>>
          %dma_start3A_46 = tpu.memref_squeeze %dma_start3A_45 : memref<1x128xi32, #tpu.memory_space<vmem>> -> memref<128xi32, #tpu.memory_space<vmem>>
          %dma_start3A_47 = arith.constant 0 : i32
          %dma_start3A_48 = arith.constant 0 : i32
          %dma_start3A_49 = tpu.memref_slice %arg10[%dma_start3A_47, %dma_start3A_48] : memref<10240x128xf32, #tpu.memory_space<vmem_shared>> -> memref<10240x128xf32, #tpu.memory_space<vmem_shared>>
          tpu.enqueue_indirect_dma source(%arg9 : memref<128x128xf32, #tpu.memory_space<vmem>>) target(%dma_start3A_49 : memref<10240x128xf32, #tpu.memory_space<vmem_shared>>) offsets(%dma_start3A_46 : memref<128xi32, #tpu.memory_space<vmem>>) semaphore(%run_scoped3A : memref<!tpu.dma_semaphore, #tpu.memory_space<semaphore_mem>>) {add = true}
          %dma_wait3A_50 = arith.constant 0 : i32
          %dma_wait3A_51 = tpu.memref_slice %arg8[%scan3A_31, %dma_wait3A_50] : memref<16x128xi32, #tpu.memory_space<vmem>> -> memref<1x128xi32, #tpu.memory_space<vmem>>
          %dma_wait3A_52 = tpu.memref_squeeze %dma_wait3A_51 : memref<1x128xi32, #tpu.memory_space<vmem>> -> memref<128xi32, #tpu.memory_space<vmem>>
          %dma_wait3A_53 = arith.constant 0 : i32
          %dma_wait3A_54 = arith.constant 0 : i32
          %dma_wait3A_55 = tpu.memref_slice %arg10[%dma_wait3A_53, %dma_wait3A_54] : memref<10240x128xf32, #tpu.memory_space<vmem_shared>> -> memref<10240x128xf32, #tpu.memory_space<vmem_shared>>
          tpu.wait_indirect_dma semaphore(%run_scoped3A : memref<!tpu.dma_semaphore, #tpu.memory_space<semaphore_mem>>) src(%arg9 : memref<128x128xf32, #tpu.memory_space<vmem>>) dst(%dma_wait3A_55 : memref<10240x128xf32, #tpu.memory_space<vmem_shared>>)
          tpu.yield
        }) : () -> ()
        %scan3A_43 = arith.constant 0 : i32
        scf.yield %scan3A_43 : i32
      }
      %scan3A_29 = arith.constant 16 : i32
      %scan3A_30 = arith.constant 0 : i32
      scf.yield %scan3A_30 : i32
    }
    %scan3A_12 = arith.constant 5 : i32
    %barrier3A_13 = arith.constant 0 : index
    tpu.barrier barrier_id(%barrier3A_13)
    %mul3A_14 = arith.constant 640 : i32
    %mul3A_15 = arith.muli %arg1, %mul3A_14 : i32
    %mul3A_16 = arith.constant 640 : i32
    %mul3A_17 = arith.muli %arg1, %mul3A_16 : i32
    "tpu.region"() ({
      %run_scoped3A = tpu.sem_alloc : memref<!tpu.dma_semaphore, #tpu.memory_space<semaphore_mem>>
      %dma_start3A = arith.constant 0 : i32
      %dma_start3A_18 = tpu.memref_slice %arg6[%arg0, %mul3A_17, %dma_start3A] : memref<2x10240x128xf32, #tpu.memory_space<hbm>> -> memref<1x640x128xf32, #tpu.memory_space<hbm>>
      %dma_start3A_19 = tpu.memref_squeeze %dma_start3A_18 : memref<1x640x128xf32, #tpu.memory_space<hbm>> -> memref<640x128xf32, #tpu.memory_space<hbm>>
      %dma_start3A_20 = arith.constant 0 : i32
      %dma_start3A_21 = tpu.memref_slice %arg10[%mul3A_15, %dma_start3A_20] : memref<10240x128xf32, #tpu.memory_space<vmem_shared>> -> memref<640x128xf32, #tpu.memory_space<vmem_shared>>
      tpu.enqueue_dma source(%dma_start3A_21 : memref<640x128xf32, #tpu.memory_space<vmem_shared>>) target(%dma_start3A_19 : memref<640x128xf32, #tpu.memory_space<hbm>>) target_semaphore(%run_scoped3A : memref<!tpu.dma_semaphore, #tpu.memory_space<semaphore_mem>>)
      %dma_wait3A = arith.constant 0 : i32
      %dma_wait3A_22 = tpu.memref_slice %arg6[%arg0, %mul3A_17, %dma_wait3A] : memref<2x10240x128xf32, #tpu.memory_space<hbm>> -> memref<1x640x128xf32, #tpu.memory_space<hbm>>
      %dma_wait3A_23 = tpu.memref_squeeze %dma_wait3A_22 : memref<1x640x128xf32, #tpu.memory_space<hbm>> -> memref<640x128xf32, #tpu.memory_space<hbm>>
      %dma_wait3A_24 = arith.constant 0 : i32
      %dma_wait3A_25 = tpu.memref_slice %arg10[%mul3A_15, %dma_wait3A_24] : memref<10240x128xf32, #tpu.memory_space<vmem_shared>> -> memref<640x128xf32, #tpu.memory_space<vmem_shared>>
      tpu.wait_dma2 semaphore(%run_scoped3A : memref<!tpu.dma_semaphore, #tpu.memory_space<semaphore_mem>>) src(%dma_wait3A_25 : memref<640x128xf32, #tpu.memory_space<vmem_shared>>) dst(%dma_wait3A_23 : memref<640x128xf32, #tpu.memory_space<hbm>>)
      tpu.yield
    }) : () -> ()
    return
  }
}

module attributes {stable_mosaic.version = 14 : i64} {
  func.func @_tc1_body(%arg0: memref<10000x128xf32, #tpu.memory_space<vmem>>, %arg1: memref<128x128xf32, #tpu.memory_space<vmem>>, %arg2: memref<10000x128xf32, #tpu.memory_space<vmem>>, %arg3: memref<10000x64xf32, #tpu.memory_space<vmem>>) attributes {dimension_semantics = [], scalar_prefetch = 0 : i64, scratch_operands = 0 : i64, tpu.core_type = #tpu.core_type<tc>} {
    %get3A = arith.constant 0 : index
    %get3A_0 = arith.constant 0 : index
    %get3A_1 = vector.load %arg0[%get3A, %get3A_0] : memref<10000x128xf32, #tpu.memory_space<vmem>>, vector<10000x128xf32>
    %get3A_2 = arith.constant 0 : index
    %get3A_3 = arith.constant 0 : index
    %get3A_4 = vector.load %arg1[%get3A_2, %get3A_3] : memref<128x128xf32, #tpu.memory_space<vmem>>, vector<128x128xf32>
    %dot_general3A = arith.constant dense<0.000000e+00> : vector<10000x128xf32>
    %dot_general3A_5 = tpu.matmul %get3A_1, %get3A_4, %dot_general3A {dimension_numbers = #tpu.dot_dimension_numbers<[1], [0], [0], [1], [0, 0, 1, 1], [], []>, transpose_lhs_hint = false} : vector<10000x128xf32>, vector<128x128xf32>, vector<10000x128xf32> -> vector<10000x128xf32>
    %slice3A = vector.extract_strided_slice %dot_general3A_5 {offsets = [0, 0], sizes = [10000, 64], strides = [1, 1]} : vector<10000x128xf32> to vector<10000x64xf32>
    %broadcast_in_dim3A = arith.constant 1.000000e+00 : f32
    %broadcast_in_dim3A_6 = vector.broadcast %broadcast_in_dim3A : f32 to vector<10000x1xf32>
    %broadcast_in_dim3A_7 = arith.constant 0.000000e+00 : f32
    %broadcast_in_dim3A_8 = vector.broadcast %broadcast_in_dim3A_7 : f32 to vector<10000x63xf32>
    %concatenate3A = tpu.concatenate %slice3A, %broadcast_in_dim3A_6, %broadcast_in_dim3A_8 in 1 : vector<10000x64xf32>, vector<10000x1xf32>, vector<10000x63xf32> -> vector<10000x128xf32>
    %swap3A = arith.constant 0 : index
    %swap3A_9 = arith.constant 0 : index
    %swap3A_10 = vector.load %arg2[%swap3A, %swap3A_9] : memref<10000x128xf32, #tpu.memory_space<vmem>>, vector<10000x128xf32>
    tpu.vector_store %arg2[%swap3A, %swap3A_9], %concatenate3A {strides = array<i32>} : memref<10000x128xf32, #tpu.memory_space<vmem>>, vector<10000x128xf32>,
    %slice3A_11 = vector.extract_strided_slice %dot_general3A_5 {offsets = [0, 64], sizes = [10000, 64], strides = [1, 1]} : vector<10000x128xf32> to vector<10000x64xf32>
    %swap3A_12 = arith.constant 0 : index
    %swap3A_13 = arith.constant 0 : index
    %swap3A_14 = vector.load %arg3[%swap3A_12, %swap3A_13] : memref<10000x64xf32, #tpu.memory_space<vmem>>, vector<10000x64xf32>
    tpu.vector_store %arg3[%swap3A_12, %swap3A_13], %slice3A_11 {strides = array<i32>} : memref<10000x64xf32, #tpu.memory_space<vmem>>, vector<10000x64xf32>,
    return
  }
}

module attributes {stable_mosaic.version = 14 : i64} {
  func.func @_tc2_body(%arg0: memref<2x10240x128xf32, #tpu.memory_space<vmem>>, %arg1: memref<10000x64xf32, #tpu.memory_space<vmem>>, %arg2: memref<1x64xf32, #tpu.memory_space<vmem>>, %arg3: memref<64x128xf32, #tpu.memory_space<vmem>>, %arg4: memref<10000x128xf32, #tpu.memory_space<vmem>>, %arg5: memref<10000x1xf32, #tpu.memory_space<vmem>>) attributes {dimension_semantics = [], scalar_prefetch = 0 : i64, scratch_operands = 0 : i64, tpu.core_type = #tpu.core_type<tc>} {
    %get3A = arith.constant 0 : index
    %get3A_0 = arith.constant 0 : index
    %get3A_1 = arith.constant 0 : index
    %get3A_2 = vector.load %arg0[%get3A, %get3A_0, %get3A_1] : memref<2x10240x128xf32, #tpu.memory_space<vmem>>, vector<1x10240x128xf32>
    %get3A_3 = vector.shape_cast %get3A_2 : vector<1x10240x128xf32> to vector<10240x128xf32>
    %slice3A = vector.extract_strided_slice %get3A_3 {offsets = [0, 64], sizes = [10000, 1], strides = [1, 1]} : vector<10240x128xf32> to vector<10000x1xf32>
    %get3A_4 = arith.constant 1 : index
    %get3A_5 = arith.constant 0 : index
    %get3A_6 = arith.constant 0 : index
    %get3A_7 = vector.load %arg0[%get3A_4, %get3A_5, %get3A_6] : memref<2x10240x128xf32, #tpu.memory_space<vmem>>, vector<1x10240x128xf32>
    %get3A_8 = vector.shape_cast %get3A_7 : vector<1x10240x128xf32> to vector<10240x128xf32>
    %slice3A_9 = vector.extract_strided_slice %get3A_8 {offsets = [0, 64], sizes = [10000, 1], strides = [1, 1]} : vector<10240x128xf32> to vector<10000x1xf32>
    %add3A = arith.addf %slice3A, %slice3A_9 : vector<10000x1xf32>
    %max3A = arith.constant 1.000000e+00 : f32
    %max3A_10 = vector.broadcast %max3A : f32 to vector<10000x1xf32>
    %max3A_11 = arith.maximumf %add3A, %max3A_10 : vector<10000x1xf32>
    %div3A = arith.constant 1.000000e+00 : f32
    %div3A_12 = vector.broadcast %div3A : f32 to vector<10000x1xf32>
    %div3A_13 = arith.divf %div3A_12, %max3A_11 : vector<10000x1xf32>
    %get3A_14 = arith.constant 0 : index
    %get3A_15 = arith.constant 0 : index
    %get3A_16 = arith.constant 0 : index
    %get3A_17 = vector.load %arg0[%get3A_14, %get3A_15, %get3A_16] : memref<2x10240x128xf32, #tpu.memory_space<vmem>>, vector<1x10240x128xf32>
    %get3A_18 = vector.shape_cast %get3A_17 : vector<1x10240x128xf32> to vector<10240x128xf32>
    %slice3A_19 = vector.extract_strided_slice %get3A_18 {offsets = [0, 0], sizes = [10000, 64], strides = [1, 1]} : vector<10240x128xf32> to vector<10000x64xf32>
    %get3A_20 = arith.constant 1 : index
    %get3A_21 = arith.constant 0 : index
    %get3A_22 = arith.constant 0 : index
    %get3A_23 = vector.load %arg0[%get3A_20, %get3A_21, %get3A_22] : memref<2x10240x128xf32, #tpu.memory_space<vmem>>, vector<1x10240x128xf32>
    %get3A_24 = vector.shape_cast %get3A_23 : vector<1x10240x128xf32> to vector<10240x128xf32>
    %slice3A_25 = vector.extract_strided_slice %get3A_24 {offsets = [0, 0], sizes = [10000, 64], strides = [1, 1]} : vector<10240x128xf32> to vector<10000x64xf32>
    %add3A_26 = arith.addf %slice3A_19, %slice3A_25 : vector<10000x64xf32>
    %mul3A = vector.broadcast %div3A_13 : vector<10000x1xf32> to vector<10000x64xf32>
    %mul3A_27 = arith.mulf %add3A_26, %mul3A : vector<10000x64xf32>
    %get3A_28 = arith.constant 0 : index
    %get3A_29 = arith.constant 0 : index
    %get3A_30 = vector.load %arg2[%get3A_28, %get3A_29] : memref<1x64xf32, #tpu.memory_space<vmem>>, vector<1x64xf32>
    %add3A_31 = vector.broadcast %get3A_30 : vector<1x64xf32> to vector<10000x64xf32>
    %add3A_32 = arith.addf %mul3A_27, %add3A_31 : vector<10000x64xf32>
    %get3A_33 = arith.constant 0 : index
    %get3A_34 = arith.constant 0 : index
    %get3A_35 = vector.load %arg1[%get3A_33, %get3A_34] : memref<10000x64xf32, #tpu.memory_space<vmem>>, vector<10000x64xf32>
    %add3A_36 = arith.addf %add3A_32, %get3A_35 : vector<10000x64xf32>
    %max3A_37 = arith.constant 0.000000e+00 : f32
    %max3A_38 = vector.broadcast %max3A_37 : f32 to vector<10000x64xf32>
    %max3A_39 = arith.maximumf %add3A_36, %max3A_38 : vector<10000x64xf32>
    %get3A_40 = arith.constant 0 : index
    %get3A_41 = arith.constant 0 : index
    %get3A_42 = vector.load %arg3[%get3A_40, %get3A_41] : memref<64x128xf32, #tpu.memory_space<vmem>>, vector<64x128xf32>
    %dot_general3A = arith.constant dense<0.000000e+00> : vector<10000x128xf32>
    %dot_general3A_43 = tpu.matmul %max3A_39, %get3A_42, %dot_general3A {dimension_numbers = #tpu.dot_dimension_numbers<[1], [0], [0], [1], [0, 0, 1, 1], [], []>, transpose_lhs_hint = false} : vector<10000x64xf32>, vector<64x128xf32>, vector<10000x128xf32> -> vector<10000x128xf32>
    %swap3A = arith.constant 0 : index
    %swap3A_44 = arith.constant 0 : index
    %swap3A_45 = vector.load %arg4[%swap3A, %swap3A_44] : memref<10000x128xf32, #tpu.memory_space<vmem>>, vector<10000x128xf32>
    tpu.vector_store %arg4[%swap3A, %swap3A_44], %dot_general3A_43 {strides = array<i32>} : memref<10000x128xf32, #tpu.memory_space<vmem>>, vector<10000x128xf32>,
    %swap3A_46 = arith.constant 0 : index
    %swap3A_47 = arith.constant 0 : index
    %swap3A_48 = vector.load %arg5[%swap3A_46, %swap3A_47] : memref<10000x1xf32, #tpu.memory_space<vmem>>, vector<10000x1xf32>
    tpu.vector_store %arg5[%swap3A_46, %swap3A_47], %div3A_13 {strides = array<i32>} : memref<10000x1xf32, #tpu.memory_space<vmem>>, vector<10000x1xf32>,
    return
  }
}

module attributes {stable_mosaic.version = 14 : i64} {
  func.func @_tc3_body(%arg0: memref<2x10240x128xf32, #tpu.memory_space<vmem>>, %arg1: memref<10000x1xf32, #tpu.memory_space<vmem>>, %arg2: memref<10000x128xf32, #tpu.memory_space<vmem>>, %arg3: memref<1x64xf32, #tpu.memory_space<vmem>>, %arg4: memref<64x128xf32, #tpu.memory_space<vmem>>, %arg5: memref<1x128xf32, #tpu.memory_space<vmem>>, %arg6: memref<10000x128xf32, #tpu.memory_space<vmem>>) attributes {dimension_semantics = [], scalar_prefetch = 0 : i64, scratch_operands = 0 : i64, tpu.core_type = #tpu.core_type<tc>} {
    %get3A = arith.constant 0 : index
    %get3A_0 = arith.constant 0 : index
    %get3A_1 = arith.constant 0 : index
    %get3A_2 = vector.load %arg0[%get3A, %get3A_0, %get3A_1] : memref<2x10240x128xf32, #tpu.memory_space<vmem>>, vector<1x10240x128xf32>
    %get3A_3 = vector.shape_cast %get3A_2 : vector<1x10240x128xf32> to vector<10240x128xf32>
    %slice3A = vector.extract_strided_slice %get3A_3 {offsets = [0, 0], sizes = [10000, 64], strides = [1, 1]} : vector<10240x128xf32> to vector<10000x64xf32>
    %get3A_4 = arith.constant 1 : index
    %get3A_5 = arith.constant 0 : index
    %get3A_6 = arith.constant 0 : index
    %get3A_7 = vector.load %arg0[%get3A_4, %get3A_5, %get3A_6] : memref<2x10240x128xf32, #tpu.memory_space<vmem>>, vector<1x10240x128xf32>
    %get3A_8 = vector.shape_cast %get3A_7 : vector<1x10240x128xf32> to vector<10240x128xf32>
    %slice3A_9 = vector.extract_strided_slice %get3A_8 {offsets = [0, 0], sizes = [10000, 64], strides = [1, 1]} : vector<10240x128xf32> to vector<10000x64xf32>
    %add3A = arith.addf %slice3A, %slice3A_9 : vector<10000x64xf32>
    %get3A_10 = arith.constant 0 : index
    %get3A_11 = arith.constant 0 : index
    %get3A_12 = vector.load %arg1[%get3A_10, %get3A_11] : memref<10000x1xf32, #tpu.memory_space<vmem>>, vector<10000x1xf32>
    %mul3A = vector.broadcast %get3A_12 : vector<10000x1xf32> to vector<10000x64xf32>
    %mul3A_13 = arith.mulf %add3A, %mul3A : vector<10000x64xf32>
    %get3A_14 = arith.constant 0 : index
    %get3A_15 = arith.constant 0 : index
    %get3A_16 = vector.load %arg3[%get3A_14, %get3A_15] : memref<1x64xf32, #tpu.memory_space<vmem>>, vector<1x64xf32>
    %add3A_17 = vector.broadcast %get3A_16 : vector<1x64xf32> to vector<10000x64xf32>
    %add3A_18 = arith.addf %mul3A_13, %add3A_17 : vector<10000x64xf32>
    %get3A_19 = arith.constant 0 : index
    %get3A_20 = arith.constant 0 : index
    %get3A_21 = vector.load %arg2[%get3A_19, %get3A_20] : memref<10000x128xf32, #tpu.memory_space<vmem>>, vector<10000x128xf32>
    %slice3A_22 = vector.extract_strided_slice %get3A_21 {offsets = [0, 64], sizes = [10000, 64], strides = [1, 1]} : vector<10000x128xf32> to vector<10000x64xf32>
    %add3A_23 = arith.addf %add3A_18, %slice3A_22 : vector<10000x64xf32>
    %max3A = arith.constant 0.000000e+00 : f32
    %max3A_24 = vector.broadcast %max3A : f32 to vector<10000x64xf32>
    %max3A_25 = arith.maximumf %add3A_23, %max3A_24 : vector<10000x64xf32>
    %get3A_26 = arith.constant 0 : index
    %get3A_27 = arith.constant 0 : index
    %get3A_28 = vector.load %arg4[%get3A_26, %get3A_27] : memref<64x128xf32, #tpu.memory_space<vmem>>, vector<64x128xf32>
    %dot_general3A = arith.constant dense<0.000000e+00> : vector<10000x128xf32>
    %dot_general3A_29 = tpu.matmul %max3A_25, %get3A_28, %dot_general3A {dimension_numbers = #tpu.dot_dimension_numbers<[1], [0], [0], [1], [0, 0, 1, 1], [], []>, transpose_lhs_hint = false} : vector<10000x64xf32>, vector<64x128xf32>, vector<10000x128xf32> -> vector<10000x128xf32>
    %get3A_30 = arith.constant 0 : index
    %get3A_31 = arith.constant 0 : index
    %get3A_32 = vector.load %arg5[%get3A_30, %get3A_31] : memref<1x128xf32, #tpu.memory_space<vmem>>, vector<1x128xf32>
    %add3A_33 = vector.broadcast %get3A_32 : vector<1x128xf32> to vector<10000x128xf32>
    %add3A_34 = arith.addf %dot_general3A_29, %add3A_33 : vector<10000x128xf32>
    %swap3A = arith.constant 0 : index
    %swap3A_35 = arith.constant 0 : index
    %swap3A_36 = vector.load %arg6[%swap3A, %swap3A_35] : memref<10000x128xf32, #tpu.memory_space<vmem>>, vector<10000x128xf32>
    tpu.vector_store %arg6[%swap3A, %swap3A_35], %add3A_34 {strides = array<i32>} : memref<10000x128xf32, #tpu.memory_space<vmem>>, vector<10000x128xf32>,
    return
  }
}

</mosaic_0001>

<sc_bundles>
// kernel: kernel.11.cloned.1.call-start
scs
__scs_entry_jumppad:
0x0: {  	(pc) =	sbr.rel $0x88, $3  }
0x1: {  	(tag) =	ssettag $0x0;
	lr =	simm.s32 $0x1  }
0x2: {  	[smem:$0x3F93] =	sst lr;
	_ =	strace $0xD0000000  }
0x3: {  	_ = 	snop  }
0x4: {  	_ = 	snop  }
0x5: {  	_ = 	snop  }
0x6: {  	_ = 	snop  }
0x7: {  	_ = 	snop  }
__scs_overlays_trampoline_lowered:
0x8: {  	[smem:$0x3FA2] =	sst s0  }
0x9: {  	[smem:$0x3FA3] =	sst s1  }
0xa: {  	[smem:$0x3FA4] =	sst s2  }
0xb: {  	[smem:$0x3FA5] =	sst s3  }
0xc: {  	[smem:$0x3FA6] =	sst s4  }
0xd: {  	[smem:$0x3FA7] =	sst s5  }
0xe: {  	[smem:$0x3FA8] =	sst s6  }
0xf: {  	[smem:$0x3FA9] =	sst s7  }
0x10: {  	[smem:$0x3FAA] =	sst s8  }
0x11: {  	[smem:$0x3FAB] =	sst s9;
	s0 =	simm.s32 @!p0 $0x0  }
0x12: {  	s1 =	sld [smem:$0x3F91];
	s0 =	simm.s32 @p0 $0x1  }
0x13: {  	[smem:$0x3FAC] =	sst s0;
	s0 =	simm.s32 @!p1 $0x0  }
0x14: {  	s2 =	sld [smem:$0x3F90];
	s0 =	simm.s32 @p1 $0x1  }
0x15: {  	[smem:$0x3FAD] =	sst s0;
	s0 =	simm.s32 @!p2 $0x0  }
0x16: {  	s3 =	sld [smem:$0x3FDB];
	s0 =	simm.s32 @p2 $0x1  }
0x17: {  	s4 =	simm.s32 $0x1BF5;
	[smem:$0x3FAF] =	sst s0  }
0x18: {  	s0 =	sld [smem:$0x3F92];
	_ =	swait.ge [sflag:s4], $0x0  }
0x19: {  	s7 =	sld [smem:$0x3F93]  }
0x1a: {  	s8 =	sadd.s32 $0xFFFFE003, lr  }
0x1b: {  	s9 =	sadd.s32 $0xFFFFFEF7, lr;
	s5 =	simm.s32 $0xFFFFFFFF;
	p2 =	slt.u32 s8, $0xFFFFF086  }
0x1c: {  	p1 =	slt.u32 s9, $0xF7A;
	s5 =	simm.s32 @!p2 $0x0  }
0x1d: {  	s5 =	simm.s32 @p1 $0x1;
	p0 =	seq.s32 s7, s2  }
0x1e: {  	s7 =	smul.u32 @!p0 $0xF7A, s2;
	p2 =	seq.s32 @!p0 s5, $0x0  }
0x1f: {  	s9 =	smul.u32 $0xF7A, s1;
	s8 =	simm.s32 @!p0 $0x1BF5;
	p2 =	por !p2, p0  }
0x20: {  	[sflag:s8] =	ssyncset.s32 @!p0 $0xFFFFF086;
	s6 =	sadd.s32 @!p0 s3, s7;
	s7 =	simm.s32 @!p0 $0x108  }
0x21: {  	s3 =	sadd.s32 s3, s9;
	s6 =	sadd.s32 @!p0 $0x88, s6;
	s7 =	simm.s32 @p2 $0x1082  }
0x22: {  	[simem:s7], [sflag:s8] =	dma.local @!p0 [hbm:s6], $0xF7A  }
0x23: {  	s9 =	sor.u32 $0xD0000000, s2;
	s6 =	simm.s32 $0x108;
	_ =	swait.ge @!p0 [sflag:s8], $0x0  }
0x24: {  	s3 =	sadd.s32 $0x88, s3;
	s6 =	simm.s32 @!p1 $0x1082;
	[sflag:s4] =	ssyncset.s32 $0xFFFFF086  }
0x25: {  	[simem:s6], [sflag:s4] =	dma.local [hbm:s3], $0xF7A  }
0x26: {  	[smem:$0x3F93] =	sst s1;
	(tag) =	ssettag s2;
	_ =	strace s9  }
0x27: {  	s1 =	sld [smem:$0x3FA3]  }
0x28: {  	s2 =	sld [smem:$0x3FA4]  }
0x29: {  	s4 =	sld [smem:$0x3FA6]  }
0x2a: {  	p0 =	seq.s32 s5, $0x0;
	s5 =	sld [smem:$0x3FA7]  }
0x2b: {  	s6 =	sld [smem:$0x3FA8]  }
0x2c: {  	s7 =	sld [smem:$0x3FA9]  }
0x2d: {  	s3 =	simm.s32 $0x108;
	s8 =	sld [smem:$0x3FAA]  }
0x2e: {  	s3 =	simm.s32 @!p0 $0x1082;
	s9 =	sld [smem:$0x3FAB]  }
0x2f: {  	lr =	sadd.s32 s0, s3;
	s0 =	sld [smem:$0x3FA2]  }
0x30: {  	s3 =	sld [smem:$0x3FA5]  }
0x31: {  	[smem:$0x3FAE] =	sst s10  }
0x32: {  	s10 =	sld [smem:$0x3FAC];
	_ =	sdelay $0x3  }
0x33: {  	p0 =	seq.s32 s10, $0x1;
	s10 =	sld [smem:$0x3FAE];
	_ =	sdelay $0x3  }
0x34: {  	[smem:$0x3FAE] =	sst s10  }
0x35: {  	s10 =	sld [smem:$0x3FAD];
	_ =	sdelay $0x3  }
0x36: {  	p1 =	seq.s32 s10, $0x1;
	s10 =	sld [smem:$0x3FAE];
	_ =	sdelay $0x3  }
0x37: {  	[smem:$0x3FAE] =	sst s10  }
0x38: {  	s10 =	sld [smem:$0x3FAF]  }
0x39: {  	_ = 	snop;
	(pc) =	sbr.ind lr, $3  }
0x3a: {  	_ = 	snop  }
0x3b: {  	_ = 	snop  }
0x3c: {  	p2 =	seq.s32 s10, $0x1;
	s10 =	sld [smem:$0x3FAE]  }
0x3d: {  	_ =	shalt  }
0x3e: {  	_ =	shalt  }
0x3f: {  	_ =	shalt  }
0x40: {  	_ =	shalt  }
0x41: {  	_ =	shalt  }
0x42: {  	_ =	shalt  }
0x43: {  	_ =	shalt  }
0x44: {  	_ =	shalt  }
0x45: {  	_ =	shalt  }
0x46: {  	_ =	shalt  }
0x47: {  	_ =	shalt  }
0x48: {  	_ =	shalt  }
0x49: {  	_ =	shalt  }
0x4a: {  	_ =	shalt  }
0x4b: {  	_ =	shalt  }
0x4c: {  	_ =	shalt  }
0x4d: {  	_ =	shalt  }
0x4e: {  	_ =	shalt  }
0x4f: {  	_ =	shalt  }
0x50: {  	_ =	shalt  }
0x51: {  	_ =	shalt  }
0x52: {  	_ =	shalt  }
0x53: {  	_ =	shalt  }
0x54: {  	_ =	shalt  }
0x55: {  	_ =	shalt  }
0x56: {  	_ =	shalt  }
0x57: {  	_ =	shalt  }
0x58: {  	_ =	shalt  }
0x59: {  	_ =	shalt  }
0x5a: {  	_ =	shalt  }
0x5b: {  	_ =	shalt  }
0x5c: {  	_ =	shalt  }
0x5d: {  	_ =	shalt  }
0x5e: {  	_ =	shalt  }
0x5f: {  	_ =	shalt  }
0x60: {  	_ =	shalt  }
0x61: {  	_ =	shalt  }
0x62: {  	_ =	shalt  }
0x63: {  	_ =	shalt  }
0x64: {  	_ =	shalt  }
0x65: {  	_ =	shalt  }
0x66: {  	_ =	shalt  }
0x67: {  	_ =	shalt  }
0x68: {  	_ =	shalt  }
0x69: {  	_ =	shalt  }
0x6a: {  	_ =	shalt  }
0x6b: {  	_ =	shalt  }
0x6c: {  	_ =	shalt  }
0x6d: {  	_ =	shalt  }
0x6e: {  	_ =	shalt  }
0x6f: {  	_ =	shalt  }
0x70: {  	_ =	shalt  }
0x71: {  	_ =	shalt  }
0x72: {  	_ =	shalt  }
0x73: {  	_ =	shalt  }
0x74: {  	_ =	shalt  }
0x75: {  	_ =	shalt  }
0x76: {  	_ =	shalt  }
0x77: {  	_ =	shalt  }
0x78: {  	_ =	shalt  }
0x79: {  	_ =	shalt  }
0x7a: {  	_ =	shalt  }
0x7b: {  	_ =	shalt  }
0x7c: {  	_ =	shalt  }
0x7d: {  	_ =	shalt  }
0x7e: {  	_ =	shalt  }
0x7f: {  	_ =	shalt  }
0x80: {  	_ =	shalt  }
0x81: {  	_ =	shalt  }
0x82: {  	_ =	shalt  }
0x83: {  	_ =	shalt  }
0x84: {  	_ =	shalt  }
0x85: {  	_ =	shalt  }
0x86: {  	_ =	shalt  }
0x87: {  	_ =	shalt  }
.Lfunc_end0:
.L_simem_size_0:
called_computation.1_lowered:
.L_overlay_start_0:
0x88: {  	s2 =	sld [smem:$0x3FD9]  }
0x89: {  	s3 =	sld [smem:$0x3FFE];
	_ =	sdelay $0x1  }
0x8a: {  	s1 =	srdreg.scid  }
0x8b: {  	s0 =	sand.u32 $0x1, s1  }
0x8c: {  	s16 =	sshll.u32 s0, $0xA;
	s2 =	sadd.s32 s3, s2  }
0x8d: {  	s2 =	sadd.s32 s2, s16  }
0x8e: {  	[smem:$0x3FBA] =	sst s2  }
0x8f: {  	_ = 	snop  }
0x90: {  	(tm) =	ssettm $0x1  }
0x91: {  	s17 =	sld [smem:$0x3FFB];
	_ =	sdelay $0x3  }
0x92: {  	_ =	strace s17  }
0x93: {  	s2 =	sld [smem:$0x3FFC];
	_ =	sdelay $0x3  }
0x94: {  	_ =	strace s2  }
0x95: {  	s2 =	sld [smem:$0x3FFD];
	_ =	sdelay $0x3  }
0x96: {  	_ =	strace s2  }
0x97: {  	_ =	strace $0x8FFFFFFF  }
0x98: {  	s18 =	sld [smem:$0x3FDB];
	_ =	sdelay $0x1  }
0x99: {  	s19 =	simm.s32 $_scs_section_size  }
0x9a: {  	s4 =	simm.s32 $_size__tile_overlayer_lowered;
	s5 =	simm.s32 $_tile_overlayer_lowered  }
0x9b: {  	s22 =	simm.s32 $0x1BFF;
	s21 =	sshll.u32 s5, $0x1;
	s2 =	sadd.s32 s19, s18  }
0x9c: {  	s6 =	simm.s32 $0x0;
	s20 =	sshll.u32 s4, $0x1;
	s4 =	sadd.s32 s21, s2  }
0x9d: {  	[timem:s6], [sflag:s22] =	dma.local [hbm:s4], s20  }
0x9e: {  	_ =	swait.ge [sflag:s22], s20  }
0x9f: {  	s3 =	ssub.s32 $0x0, s20;
	[sflag:s22] =	ssyncset.done $0x0  }
0xa0: {  	[sflag:s22] =	ssyncadd.s32 s3;
	_ =	sdelay $0x1  }
0xa1: {  	s23 =	simm.s32 $0x1B8B  }
0xa2: {  	_ =	swait.ge [sflag:s23], $0x1  }
0xa3: {  	[sflag:s23] =	ssyncset.done $0x0  }
0xa4: {  	s25 =	simm.s32 $0x1B8E;
	s24 =	sld [smem:$0x3FFE];
	[sflag:s23] =	ssyncadd.s32 $0xFFFFFFFF  }
0xa5: {  	s26 =	simm.s32 $execute0_lowered;
	[smem:$0x3FD2] =	sst s25  }
0xa6: {  	s4 =	sshll.u32 s26, $0x1;
	_ =	strace $0x80000049;
	[dreg:$0x1] =	wrdreg $0xFFFFFFFF  }
0xa7: {  	s28 =	simm.s32 $_size_execute0_lowered;
	s2 =	sadd.s32 s2, s4;
	[dreg:$0x0] =	wrdreg $0x0  }
0xa8: {  	s4 =	sshll.u32 s28, $0x1;
	[dreg:$0x2] =	wrdreg s2  }
0xa9: {  	[dreg:$0x3] =	wrdreg s4  }
0xaa: {  	[dreg:$0x4] =	wrdreg $0xC0  }
0xab: {  	_ =	task [dreg:s6], $0x5FFFF  }
0xac: {  	[dreg:$0x1] =	wrdreg $0xFFFFFFFF  }
0xad: {  	[dreg:$0x0] =	wrdreg $0x60  }
0xae: {  	[dreg:$0x2] =	wrdreg s24  }
0xaf: {  	[dreg:$0x3] =	wrdreg $0x50000  }
0xb0: {  	[dreg:$0x4] =	wrdreg $0x9  }
0xb1: {  	_ =	task.clear_ibuf [dreg:s6], $0x5FFFF;
	_ =	strace $0x90000049  }
0xb2: {  	s29 =	simm.s32 $0x9;
	_ =	strace $0x8000004B  }
0xb3: {  	_ =	swait.ge [sflag:s29], $0x1  }
0xb4: {  	[sflag:s29] =	ssyncadd.s32 $0xFFFFFFFF  }
0xb5: {  	_ =	strace $0x9000004B  }
0xb6: {  	_ =	sfence  }
0xb7: {  	s30 =	sld [smem:$0x0];
	_ =	sdelay $0x2  }
0xb8: {  	s31 =	sshll.u32 s1, $0xD;
	s1 =	sshrl.u32 s1, $0x2  }
0xb9: {  	s3 =	sand.u32 $0x4000, s31;
	s1 =	sadd.s32 s1, s30  }
0xba: {  	s0 =	sor.u32 s3, s0;
	s1 =	sshll.u32 s1, $0x11  }
0xbb: {  	s0 =	sor.u32 s1, s0  }
0xbc: {  	s0 =	sadd.s32 $0x8F2B, s0  }
0xbd: {  	[sflag:s0] =	ssyncadd.remote.s32 $0x1  }
0xbe: {  	_ =	sfence.sel $0xFFFF  }
0xbf: {  	[dreg:$0x0] =	wrdreg $0xFFFFFFFF;
	(pc) =	sbr.abs _section_cstart, $3  }
0xc0: {  	[dreg:$0x1] =	wrdreg $0xFFFFFFFF  }
0xc1: {  	_ =	task.clear_ibuf [dreg:s6], $0x2FFFF;
	_ =	strace $0x9FFFFFFF  }
0xc2: {  	(tm) =	ssettm $0x7FFFFFFF  }
0xc3: {  	_ =	shalt  }
tec
execute0_lowered:
.L_overlay_start_1:
0x0: {  	(tag) =	ssettag $0x1  }
0x1: {  	s7 =	rddreg [dreg:$0x0]  }
0x2: {  	s2 =	rddreg [dreg:$0x1]  }
0x3: {  	s0 =	rddreg [dreg:$0x2]  }
0x4: {  	s3 =	simm.s32 $0x0;
	s1 =	stileid.u32;
	s4 =	srdreg.scid  }
0x5: {  	s15 =	simm.s32 $0x80;
	s16 =	simm.s32 $0x1000;
	s17 =	simm.s32 $0x1  }
0x6: {  	[smem:$0x7FF] =	sst s3;
	s8 =	smul.u32 $0x14000, s1;
	s9 =	sand.u32 $0x1, s4  }
0x7: {  	s4 =	sadd.s32 $0xBA00, s7;
	s5 =	sadd.s32 $0x32C00, s7;
	s6 =	sadd.s32 $0x1A00, s7  }
0x8: {  	s13 =	smul.u32 $0x50000, s1;
	s29 =	sshll.u32 s1, $0x1;
	s31 =	sshll.u32 s1, $0x6  }
0x9: {  	_ =	strace $0x8000004A;
	s10 =	smul.u32 $0x140000, s9;
	s28 =	ssub.s32 $0x2, s9  }
0xa: {  	s9 =	sor.u32 s9, s29;
	s11 =	sshrl.u32 s8, $0x3;
	s12 =	sshrl.u32 s28, $0x1  }
0xb: {  	s30 =	sshrl.u32 s13, $0x2;
	s9 =	smul.u32 $0x2800, s9;
	s8 =	sadd.s32 s8, s10  }
0xc: {  	s11 =	sadd.s32 s11, s7;
	s12 =	ssub.s32 s28, s12;
	s8 =	sshrl.u32 s8, $0x3  }
0xd: {  	s13 =	sadd.s32 s30, s2;
	s14 =	sadd.s32 s8, s7;
	s7 =	sadd.s32 $0x50C00, s11  }
0xe: {  	s8 =	sor.u32 $0x1C02, s31;
	s11 =	smax.u32 s12, $0x1;
	s12 =	sshrl.u32 s13, $0x3  }
0xf: {  	s13 =	simm.s32 $0x2;
	s10 =	sadd.s32 $0x78C00, s14;
	s14 =	simm.s32 $0x800  }
.LBB2_1:
0x10: {  	[spmem:s12], [sflag:s8] =	dma.local [hbm:s7], $0x2800  }
0x11: {  	_ =	swait.ge [sflag:s13], $0x2800  }
0x12: {  	[sflag:s13] =	ssyncset.done $0x0  }
0x13: {  	[sflag:s13] =	ssyncadd.s32 $0xFFFFD800  }
0x14: {  	s18 =	simm.s32 $0x0;
	[bflag:$0x0] =	sbarrier.arrive $0xFFFF  }
.LBB2_2:
0x15: {  	s19 =	sshll.u32 s18, $0xB  }
0x16: {  	s19 =	sadd.s32 s9, s19  }
0x17: {  	s19 =	sshrl.u32 s19, $0x3  }
0x18: {  	s21 =	simm.s32 $0x0;
	s20 =	sadd.s32 s5, s19  }
0x19: {  	[tilespmem:s21], [sflag:$0x2] =	stream.linear.gather [hbm4b:s20+s21], $0x800, $0x38;
	[tilespmem:$0x19000] =	vst v63  }
0x1a: {  	_ =	swait.ge [sflag:s13], $0x800  }
0x1b: {  	[sflag:s13] =	ssyncset.done $0x0  }
0x1c: {  	s19 =	sadd.s32 s6, s19;
	[sflag:s13] =	ssyncadd.s32 $0xFFFFF800  }
0x1d: {  	[tilespmem:s14], [sflag:$0x2] =	stream.linear.gather [hbm4b:s19+s21], $0x800, $0x38;
	[tilespmem:$0x19000] =	vst v63  }
0x1e: {  	_ =	swait.ge [sflag:s13], $0x800  }
0x1f: {  	[sflag:s13] =	ssyncset.done $0x0  }
0x20: {  	s30 =	simm.s32 $0x0;
	[sflag:s13] =	ssyncadd.s32 $0xFFFFF800  }
0x21: {  	[tilespmem:s16], [sflag:$0x1] =	stream.indirect.gather [hbm4b:s4+s15], $0x80, s30, s15, $0xb8;
	[tilespmem:$0x19000] =	vst v63  }
0x22: {  	_ =	swait.ge [sflag:s17], $0x4000  }
0x23: {  	[sflag:s17] =	ssyncset.done $0x0  }
0x24: {  	s31 =	simm.s32 $0x800;
	[sflag:s17] =	ssyncadd.s32 $0xFFFFC000  }
0x25: {  	[spmem:s2] =	stream.indirect.scatter.add.f32 [tilespmem:s16], [sflag:$0x2], $0x80, s31, s15, $0xb8;
	[tilespmem:$0x19000] =	vst v63  }
0x26: {  	_ =	swait.ge [sflag:s13], $0x4000  }
0x27: {  	s20 =	simm.s32 $0x400;
	s19 =	simm.s32 $0x200;
	[sflag:s13] =	ssyncset.done $0x0  }
.LBB2_3:
0x28: {  	s21 =	sshra.s32 s19, $0x2  }
0x29: {  	[sflag:s13] =	ssyncadd.s32 $0xFFFFC000;
	s19 =	smov.u32 s20;
	s22 =	sadd.s32 $0x200, s20  }
0x2a: {  	[tilespmem:s16], [sflag:$0x1] =	stream.indirect.gather [hbm4b:s4+s15], $0x80, s21, s15, $0xb8;
	[tilespmem:$0x19000] =	vst v63  }
0x2b: {  	p0 =	sne.s32 s20, $0x1E00;
	_ =	swait.ge [sflag:s17], $0x4000  }
.Ltmp0:
0x2c: {  	[sflag:s17] =	ssyncset.done $0x0;
	(pc) =	sbr.rel @p0 .LBB2_3-.Ltmp0, $4  }
0x2d: {  	s20 =	sadd.s32 $0x800, s21;
	[sflag:s17] =	ssyncadd.s32 $0xFFFFC000  }
0x2e: {  	[spmem:s2] =	stream.indirect.scatter.add.f32 [tilespmem:s16], [sflag:$0x2], $0x80, s20, s15, $0xb8;
	[tilespmem:$0x19000] =	vst v63  }
0x2f: {  	_ =	swait.ge [sflag:s13], $0x4000  }
0x30: {  	s20 =	smov.u32 s22;
	[sflag:s13] =	ssyncset.done $0x0  }
0x31: {  	s19 =	sshra.s32 s19, $0x2;
	[sflag:s13] =	ssyncadd.s32 $0xFFFFC000  }
0x32: {  	[tilespmem:s16], [sflag:$0x1] =	stream.indirect.gather [hbm4b:s4+s15], $0x80, s19, s15, $0xb8;
	[tilespmem:$0x19000] =	vst v63  }
0x33: {  	s18 =	sadd.s32 $0x1, s18;
	_ =	swait.ge [sflag:s17], $0x4000  }
0x34: {  	p0 =	sne.s32 s18, $0x5;
	[sflag:s17] =	ssyncset.done $0x0  }
.Ltmp1:
0x35: {  	s19 =	sadd.s32 $0x800, s19;
	[sflag:s17] =	ssyncadd.s32 $0xFFFFC000;
	(pc) =	sbr.rel @p0 .LBB2_2-.Ltmp1, $4  }
0x36: {  	[spmem:s2] =	stream.indirect.scatter.add.f32 [tilespmem:s16], [sflag:$0x2], $0x80, s19, s15, $0xb8;
	[tilespmem:$0x19000] =	vst v63  }
0x37: {  	_ =	swait.ge [sflag:s13], $0x4000  }
0x38: {  	[sflag:s13] =	ssyncset.done $0x0  }
0x39: {  	[sflag:s13] =	ssyncadd.s32 $0xFFFFC000  }
0x3a: {  	s3 =	sadd.s32 $0x1, s3  }
0x3b: {  	p0 =	sne.s32 s3, s11  }
.Ltmp2:
0x3c: {  	[bflag:$0x0] =	sbarrier.arrive $0xFFFF;
	(pc) =	sbr.rel @p0 .LBB2_1-.Ltmp2, $4  }
0x3d: {  	[hbm:s10], [sflag:s8] =	dma.local [spmem:s12], $0x2800  }
0x3e: {  	_ =	swait.ge [sflag:s13], $0x2800  }
0x3f: {  	[sflag:s13] =	ssyncset.done $0x0  }
0x40: {  	[sflag:s13] =	ssyncadd.s32 $0xFFFFD800  }
0x41: {  	_ =	sfence.sel $0x180000  }
0x42: {  	[bflag:$0x0] =	sbarrier.arrive $0xFFFF  }
0x43: {  	p0 =	sne.s32 s1, $0x0;
	_ =	strace $0x9000004A  }
0x44: {  	s0 =	sadd.s32 @!p0 $0x100000, s0;
	[bflag:$0x2] =	sbarrier.arrive $0xFFFF  }
0x45: {  	[sflag:s0] =	ssyncadd.tile.s32 @!p0 $0x1;
	_ =	shalt  }
.Lfunc_end2:
_tile_overlayer_lowered:
.L_overlay_start_2:
0x46: {  	(tag) =	ssettag $0x2  }
0x47: {  	s0 =	rddreg [dreg:$0x0];
	s2 =	stileid.u32  }
0x48: {  	s1 =	rddreg [dreg:$0x1];
	p0 =	sne.s32 s2, $0x0  }
0x49: {  	s3 =	rddreg [dreg:$0x2];
	[bflag:$0x3] =	sbarrier.arrive $0xFFFF;
	s2 =	simm.s32 @!p0 $0x1C02  }
0x4a: {  	[timem:s3], [sflag:s2] =	dma.local @!p0 [hbm:s0], s1  }
0x4b: {  	s0 =	simm.s32 @!p0 $0x2  }
0x4c: {  	_ =	swait.ge @!p0 [sflag:s0], s1  }
0x4d: {  	s1 =	ssub.s32 @!p0 $0x0, s1;
	[sflag:s0] =	ssyncset.done @!p0 $0x0  }
0x4e: {  	[sflag:s0] =	ssyncadd.s32 @!p0 s1  }
0x4f: {  	[bflag:$0x3] =	sbarrier.arrive $0xFFFF  }
0x50: {  	_ =	shalt  }

// kernel: kernel.14.cloned.1.call-start
scs
__scs_entry_jumppad:
0x0: {  	(pc) =	sbr.rel $0x88, $3  }
0x1: {  	(tag) =	ssettag $0x0;
	lr =	simm.s32 $0x1  }
0x2: {  	[smem:$0x3F93] =	sst lr;
	_ =	strace $0xD0000000  }
0x3: {  	_ = 	snop  }
0x4: {  	_ = 	snop  }
0x5: {  	_ = 	snop  }
0x6: {  	_ = 	snop  }
0x7: {  	_ = 	snop  }
__scs_overlays_trampoline_lowered:
0x8: {  	[smem:$0x3FA2] =	sst s0  }
0x9: {  	[smem:$0x3FA3] =	sst s1  }
0xa: {  	[smem:$0x3FA4] =	sst s2  }
0xb: {  	[smem:$0x3FA5] =	sst s3  }
0xc: {  	[smem:$0x3FA6] =	sst s4  }
0xd: {  	[smem:$0x3FA7] =	sst s5  }
0xe: {  	[smem:$0x3FA8] =	sst s6  }
0xf: {  	[smem:$0x3FA9] =	sst s7  }
0x10: {  	[smem:$0x3FAA] =	sst s8  }
0x11: {  	[smem:$0x3FAB] =	sst s9;
	s0 =	simm.s32 @!p0 $0x0  }
0x12: {  	s1 =	sld [smem:$0x3F91];
	s0 =	simm.s32 @p0 $0x1  }
0x13: {  	[smem:$0x3FAC] =	sst s0;
	s0 =	simm.s32 @!p1 $0x0  }
0x14: {  	s2 =	sld [smem:$0x3F90];
	s0 =	simm.s32 @p1 $0x1  }
0x15: {  	[smem:$0x3FAD] =	sst s0;
	s0 =	simm.s32 @!p2 $0x0  }
0x16: {  	s3 =	sld [smem:$0x3FDB];
	s0 =	simm.s32 @p2 $0x1  }
0x17: {  	s4 =	simm.s32 $0x1BF5;
	[smem:$0x3FAF] =	sst s0  }
0x18: {  	s0 =	sld [smem:$0x3F92];
	_ =	swait.ge [sflag:s4], $0x0  }
0x19: {  	s7 =	sld [smem:$0x3F93]  }
0x1a: {  	s8 =	sadd.s32 $0xFFFFE003, lr  }
0x1b: {  	s9 =	sadd.s32 $0xFFFFFEF7, lr;
	s5 =	simm.s32 $0xFFFFFFFF;
	p2 =	slt.u32 s8, $0xFFFFF086  }
0x1c: {  	p1 =	slt.u32 s9, $0xF7A;
	s5 =	simm.s32 @!p2 $0x0  }
0x1d: {  	s5 =	simm.s32 @p1 $0x1;
	p0 =	seq.s32 s7, s2  }
0x1e: {  	s7 =	smul.u32 @!p0 $0xF7A, s2;
	p2 =	seq.s32 @!p0 s5, $0x0  }
0x1f: {  	s9 =	smul.u32 $0xF7A, s1;
	s8 =	simm.s32 @!p0 $0x1BF5;
	p2 =	por !p2, p0  }
0x20: {  	[sflag:s8] =	ssyncset.s32 @!p0 $0xFFFFF086;
	s6 =	sadd.s32 @!p0 s3, s7;
	s7 =	simm.s32 @!p0 $0x108  }
0x21: {  	s3 =	sadd.s32 s3, s9;
	s6 =	sadd.s32 @!p0 $0x88, s6;
	s7 =	simm.s32 @p2 $0x1082  }
0x22: {  	[simem:s7], [sflag:s8] =	dma.local @!p0 [hbm:s6], $0xF7A  }
0x23: {  	s9 =	sor.u32 $0xD0000000, s2;
	s6 =	simm.s32 $0x108;
	_ =	swait.ge @!p0 [sflag:s8], $0x0  }
0x24: {  	s3 =	sadd.s32 $0x88, s3;
	s6 =	simm.s32 @!p1 $0x1082;
	[sflag:s4] =	ssyncset.s32 $0xFFFFF086  }
0x25: {  	[simem:s6], [sflag:s4] =	dma.local [hbm:s3], $0xF7A  }
0x26: {  	[smem:$0x3F93] =	sst s1;
	(tag) =	ssettag s2;
	_ =	strace s9  }
0x27: {  	s1 =	sld [smem:$0x3FA3]  }
0x28: {  	s2 =	sld [smem:$0x3FA4]  }
0x29: {  	s4 =	sld [smem:$0x3FA6]  }
0x2a: {  	p0 =	seq.s32 s5, $0x0;
	s5 =	sld [smem:$0x3FA7]  }
0x2b: {  	s6 =	sld [smem:$0x3FA8]  }
0x2c: {  	s7 =	sld [smem:$0x3FA9]  }
0x2d: {  	s3 =	simm.s32 $0x108;
	s8 =	sld [smem:$0x3FAA]  }
0x2e: {  	s3 =	simm.s32 @!p0 $0x1082;
	s9 =	sld [smem:$0x3FAB]  }
0x2f: {  	lr =	sadd.s32 s0, s3;
	s0 =	sld [smem:$0x3FA2]  }
0x30: {  	s3 =	sld [smem:$0x3FA5]  }
0x31: {  	[smem:$0x3FAE] =	sst s10  }
0x32: {  	s10 =	sld [smem:$0x3FAC];
	_ =	sdelay $0x3  }
0x33: {  	p0 =	seq.s32 s10, $0x1;
	s10 =	sld [smem:$0x3FAE];
	_ =	sdelay $0x3  }
0x34: {  	[smem:$0x3FAE] =	sst s10  }
0x35: {  	s10 =	sld [smem:$0x3FAD];
	_ =	sdelay $0x3  }
0x36: {  	p1 =	seq.s32 s10, $0x1;
	s10 =	sld [smem:$0x3FAE];
	_ =	sdelay $0x3  }
0x37: {  	[smem:$0x3FAE] =	sst s10  }
0x38: {  	s10 =	sld [smem:$0x3FAF]  }
0x39: {  	_ = 	snop;
	(pc) =	sbr.ind lr, $3  }
0x3a: {  	_ = 	snop  }
0x3b: {  	_ = 	snop  }
0x3c: {  	p2 =	seq.s32 s10, $0x1;
	s10 =	sld [smem:$0x3FAE]  }
0x3d: {  	_ =	shalt  }
0x3e: {  	_ =	shalt  }
0x3f: {  	_ =	shalt  }
0x40: {  	_ =	shalt  }
0x41: {  	_ =	shalt  }
0x42: {  	_ =	shalt  }
0x43: {  	_ =	shalt  }
0x44: {  	_ =	shalt  }
0x45: {  	_ =	shalt  }
0x46: {  	_ =	shalt  }
0x47: {  	_ =	shalt  }
0x48: {  	_ =	shalt  }
0x49: {  	_ =	shalt  }
0x4a: {  	_ =	shalt  }
0x4b: {  	_ =	shalt  }
0x4c: {  	_ =	shalt  }
0x4d: {  	_ =	shalt  }
0x4e: {  	_ =	shalt  }
0x4f: {  	_ =	shalt  }
0x50: {  	_ =	shalt  }
0x51: {  	_ =	shalt  }
0x52: {  	_ =	shalt  }
0x53: {  	_ =	shalt  }
0x54: {  	_ =	shalt  }
0x55: {  	_ =	shalt  }
0x56: {  	_ =	shalt  }
0x57: {  	_ =	shalt  }
0x58: {  	_ =	shalt  }
0x59: {  	_ =	shalt  }
0x5a: {  	_ =	shalt  }
0x5b: {  	_ =	shalt  }
0x5c: {  	_ =	shalt  }
0x5d: {  	_ =	shalt  }
0x5e: {  	_ =	shalt  }
0x5f: {  	_ =	shalt  }
0x60: {  	_ =	shalt  }
0x61: {  	_ =	shalt  }
0x62: {  	_ =	shalt  }
0x63: {  	_ =	shalt  }
0x64: {  	_ =	shalt  }
0x65: {  	_ =	shalt  }
0x66: {  	_ =	shalt  }
0x67: {  	_ =	shalt  }
0x68: {  	_ =	shalt  }
0x69: {  	_ =	shalt  }
0x6a: {  	_ =	shalt  }
0x6b: {  	_ =	shalt  }
0x6c: {  	_ =	shalt  }
0x6d: {  	_ =	shalt  }
0x6e: {  	_ =	shalt  }
0x6f: {  	_ =	shalt  }
0x70: {  	_ =	shalt  }
0x71: {  	_ =	shalt  }
0x72: {  	_ =	shalt  }
0x73: {  	_ =	shalt  }
0x74: {  	_ =	shalt  }
0x75: {  	_ =	shalt  }
0x76: {  	_ =	shalt  }
0x77: {  	_ =	shalt  }
0x78: {  	_ =	shalt  }
0x79: {  	_ =	shalt  }
0x7a: {  	_ =	shalt  }
0x7b: {  	_ =	shalt  }
0x7c: {  	_ =	shalt  }
0x7d: {  	_ =	shalt  }
0x7e: {  	_ =	shalt  }
0x7f: {  	_ =	shalt  }
0x80: {  	_ =	shalt  }
0x81: {  	_ =	shalt  }
0x82: {  	_ =	shalt  }
0x83: {  	_ =	shalt  }
0x84: {  	_ =	shalt  }
0x85: {  	_ =	shalt  }
0x86: {  	_ =	shalt  }
0x87: {  	_ =	shalt  }
.Lfunc_end0:
.L_simem_size_0:
called_computation.2_lowered:
.L_overlay_start_0:
0x88: {  	s2 =	sld [smem:$0x3FD9]  }
0x89: {  	s3 =	sld [smem:$0x3FFE];
	_ =	sdelay $0x1  }
0x8a: {  	s1 =	srdreg.scid  }
0x8b: {  	s0 =	sand.u32 $0x1, s1  }
0x8c: {  	s17 =	sshll.u32 s0, $0xA;
	s2 =	sadd.s32 s3, s2  }
0x8d: {  	s2 =	sadd.s32 s2, s17  }
0x8e: {  	[smem:$0x3FBA] =	sst s2  }
0x8f: {  	_ = 	snop  }
0x90: {  	s2 =	sld [smem:$0x3FBD]  }
0x91: {  	s18 =	sld [smem:$0x3FD0];
	(tm) =	ssettm $0x1  }
0x92: {  	s4 =	sld [smem:$0x3FFB];
	_ =	sdelay $0x3  }
0x93: {  	_ =	strace s4  }
0x94: {  	s4 =	sld [smem:$0x3FFC];
	_ =	sdelay $0x3  }
0x95: {  	_ =	strace s4  }
0x96: {  	s4 =	sld [smem:$0x3FFD];
	_ =	sdelay $0x3  }
0x97: {  	_ =	strace s4  }
0x98: {  	_ =	strace $0x8FFFFFFF  }
0x99: {  	s19 =	sld [smem:$0x3FDB];
	_ =	sdelay $0x1  }
0x9a: {  	s5 =	simm.s32 $_scs_section_size  }
0x9b: {  	s6 =	simm.s32 $_size__tile_overlayer_lowered;
	s7 =	simm.s32 $_tile_overlayer_lowered  }
0x9c: {  	s22 =	simm.s32 $0x1BFF;
	s21 =	sshll.u32 s7, $0x1;
	s4 =	sadd.s32 s5, s19  }
0x9d: {  	s8 =	simm.s32 $0x0;
	s20 =	sshll.u32 s6, $0x1;
	s6 =	sadd.s32 s21, s4  }
0x9e: {  	[timem:s8], [sflag:s22] =	dma.local [hbm:s6], s20  }
0x9f: {  	_ =	swait.ge [sflag:s22], s20  }
0xa0: {  	s5 =	ssub.s32 $0x0, s20;
	[sflag:s22] =	ssyncset.done $0x0  }
0xa1: {  	[sflag:s22] =	ssyncadd.s32 s5;
	_ =	sdelay $0x1  }
0xa2: {  	s23 =	simm.s32 $0x1B8B  }
0xa3: {  	_ =	swait.ge [sflag:s23], $0x1  }
0xa4: {  	[sflag:s23] =	ssyncset.done $0x0  }
0xa5: {  	s25 =	simm.s32 $0x1B8E;
	s24 =	sld [smem:$0x3FFE];
	[sflag:s23] =	ssyncadd.s32 $0xFFFFFFFF  }
0xa6: {  	s26 =	simm.s32 $execute0_lowered;
	[smem:$0x3FD2] =	sst s25  }
0xa7: {  	s6 =	sshll.u32 s26, $0x1;
	_ =	strace $0x8000004C;
	[dreg:$0x1] =	wrdreg $0xFFFFFFFF  }
0xa8: {  	s28 =	simm.s32 $_size_execute0_lowered;
	s4 =	sadd.s32 s4, s6;
	[dreg:$0x0] =	wrdreg $0x0  }
0xa9: {  	s6 =	sshll.u32 s28, $0x1;
	[dreg:$0x2] =	wrdreg s4  }
0xaa: {  	[dreg:$0x3] =	wrdreg s6  }
0xab: {  	[dreg:$0x4] =	wrdreg $0xC0  }
0xac: {  	_ =	task [dreg:s8], $0x5FFFF  }
0xad: {  	[dreg:$0x1] =	wrdreg $0xFFFFFFFF  }
0xae: {  	[dreg:$0x0] =	wrdreg $0x60  }
0xaf: {  	[dreg:$0x2] =	wrdreg s24  }
0xb0: {  	[dreg:$0x3] =	wrdreg s18  }
0xb1: {  	[dreg:$0x4] =	wrdreg s2  }
0xb2: {  	[dreg:$0x5] =	wrdreg $0x9  }
0xb3: {  	_ =	task.clear_ibuf [dreg:s8], $0x6FFFF;
	_ =	strace $0x9000004C  }
0xb4: {  	s29 =	simm.s32 $0x9;
	_ =	strace $0x8000004E  }
0xb5: {  	_ =	swait.ge [sflag:s29], $0x1  }
0xb6: {  	[sflag:s29] =	ssyncadd.s32 $0xFFFFFFFF  }
0xb7: {  	_ =	strace $0x9000004E  }
0xb8: {  	_ =	sfence  }
0xb9: {  	s30 =	sld [smem:$0x0];
	_ =	sdelay $0x2  }
0xba: {  	s31 =	sshll.u32 s1, $0xD;
	s1 =	sshrl.u32 s1, $0x2  }
0xbb: {  	s3 =	sand.u32 $0x4000, s31;
	s1 =	sadd.s32 s1, s30  }
0xbc: {  	s0 =	sor.u32 s3, s0;
	s1 =	sshll.u32 s1, $0x11  }
0xbd: {  	s0 =	sor.u32 s1, s0  }
0xbe: {  	s0 =	sadd.s32 $0x8F2B, s0  }
0xbf: {  	[sflag:s0] =	ssyncadd.remote.s32 $0x1  }
0xc0: {  	_ =	sfence.sel $0xFFFF  }
0xc1: {  	[dreg:$0x0] =	wrdreg $0xFFFFFFFF;
	(pc) =	sbr.abs _section_cstart, $3  }
0xc2: {  	[dreg:$0x1] =	wrdreg $0xFFFFFFFF  }
0xc3: {  	_ =	task.clear_ibuf [dreg:s8], $0x2FFFF;
	_ =	strace $0x9FFFFFFF  }
0xc4: {  	(tm) =	ssettm $0x7FFFFFFF  }
0xc5: {  	_ =	shalt  }
tec
execute0_lowered:
.L_overlay_start_1:
0x0: {  	(tag) =	ssettag $0x1  }
0x1: {  	v0 =	vimm.s32 $0xFEDCBA98;
	v1 =	vimm.s32 $0x76543210;
	v2 =	vimm.s32 $0x3210FEDC  }
0x2: {  	v3 =	vimm.s32 $0xBA987654;
	v4 =	vimm.s32 $0x10FEDCBA;
	v5 =	vimm.s32 $0x98765432  }
0x3: {  	v6 =	vimm.s32 $0xFEDCBA9;
	v7 =	vimm.s32 $0x87654321;
	vm0 =	vmmov $0x1  }
0x4: {  	vm1 =	vmmov $0x3;
	vm2 =	vmmov $0x7;
	v8 =	vimm.s32 $0x4  }
0x5: {  	vm3 =	vmmov $0xf;
	v9 =	vimm.s32 $0x5;
	vm4 =	vmmov $0x1f  }
0x6: {  	v10 =	vimm.s32 $0x6;
	vm5 =	vmmov $0x3f;
	v11 =	vimm.s32 $0x7  }
0x7: {  	vm6 =	vmmov $0x7f;
	v12 =	vimm.s32 $0x8;
	vm7 =	vmmov $0xff  }
0x8: {  	v13 =	vimm.s32 $0x9;
	vm8 =	vmmov $0x1ff;
	v14 =	vimm.s32 $0xA  }
0x9: {  	s1 =	rddreg [dreg:$0x0];
	vm9 =	vmmov $0x3ff;
	v15 =	vimm.s32 $0xB;
	vm10 =	vmmov $0x7ff  }
0xa: {  	s0 =	rddreg [dreg:$0x1];
	v16 =	vimm.s32 $0xC;
	vm11 =	vmmov $0xfff;
	v17 =	vimm.s32 $0xD  }
0xb: {  	s2 =	rddreg [dreg:$0x2];
	vm12 =	vmmov $0x1fff;
	v18 =	vimm.s32 $0xE;
	vm13 =	vmmov $0x3fff  }
0xc: {  	s3 =	simm.s32 $0x0;
	s6 =	srdreg.scid;
	s9 =	stileid.u32;
	v19 =	vimm.s32 $0xF;
	vm14 =	vmmov $0x7fff;
	v0 =	vunpack.c.l.s4.s8 v0  }
0xd: {  	s13 =	simm.s32 $0xA000;
	s14 =	simm.s32 $0x2;
	s15 =	simm.s32 $0xA080;
	v1 =	vunpack.c.l.s4.s8 v1;
	v2 =	vunpack.c.l.s4.s8 v2;
	v3 =	vunpack.c.l.s4.s8 v3  }
0xe: {  	s16 =	simm.s32 $0xA100;
	s17 =	simm.s32 $0x800;
	s18 =	simm.s32 $0x80;
	v4 =	vunpack.c.l.s4.s8 v4;
	v5 =	vunpack.c.l.s4.s8 v5;
	v6 =	vunpack.c.l.s4.s8 v6  }
0xf: {  	s19 =	simm.s32 $0x1800;
	s20 =	simm.s32 $0x1;
	s21 =	simm.s32 $0x5800;
	v7 =	vunpack.c.l.s4.s8 v7;
	v0 =	vunpack.c.0.s8.s32 v0;
	v2 =	vunpack.c.0.s8.s32 v2  }
0x10: {  	s22 =	simm.s32 $0x9800;
	s23 =	simm.s32 $0x0;
	[smem:$0x7FF] =	sst s3;
	v3 =	vunpack.c.0.s8.s32 v3;
	v4 =	vunpack.c.0.s8.s32 v4;
	v5 =	vunpack.c.0.s8.s32 v5  }
0x11: {  	s4 =	sadd.s32 $0x1A00, s1;
	s5 =	sadd.s32 $0x46C00, s1;
	s6 =	sand.u32 $0x1, s6;
	v6 =	vunpack.c.0.s8.s32 v6;
	v7 =	vunpack.c.0.s8.s32 v7;
	v1 =	vunpack.c.0.s8.s32 v1  }
0x12: {  	s7 =	sadd.s32 $0x3CC00, s1;
	s8 =	sadd.s32 $0xC8E00, s1;
	s11 =	ssub.s32 $0x2, s6;
	v2 =	vcombine.low v3, v2;
	v3 =	vand.u32 $0xF, v0;
	v4 =	vcombine.low v5, v4  }
0x13: {  	s10 =	sshll.u32 s9, $0x1;
	s9 =	sadd.s32 $0x28C00, s1;
	s12 =	sshrl.u32 s11, $0x1;
	v5 =	vcombine.low v7, v6;
	v0 =	vimm.s32 $0x0;
	v6 =	vimm.s32 $0x2  }
0x14: {  	_ =	strace $0x8000004D;
	s6 =	sor.u32 s6, s10;
	s31 =	ssub.s32 s11, s12;
	v7 =	vimm.s32 $0x3;
	v1 =	vcombine.low v3, v1;
	v2 =	vand.u32 $0xF, v2  }
0x15: {  	s10 =	sadd.s32 $0x28E00, s1;
	s11 =	smul.u32 $0x2800, s6;
	s12 =	smax.u32 s31, $0x1;
	v3 =	vand.u32 $0xF, v4;
	v4 =	vand.u32 $0xF, v5;
	v5 =	vimm.s32 $0x1  }
.LBB2_1:
0x16: {  	[tilespmem:s13], [sflag:$0x2] =	stream.linear.gather [hbm4b:s0+s3], $0x80, $0x38;
	[tilespmem:$0xA180] =	vst v63  }
0x17: {  	_ =	swait.ge [sflag:s14], $0x80  }
0x18: {  	[sflag:s14] =	ssyncset.done $0x0  }
0x19: {  	[sflag:s14] =	ssyncadd.s32 $0xFFFFFF80  }
0x1a: {  	[tilespmem:s15], [sflag:$0x2] =	stream.linear.gather [hbm4b:s2+s3], $0x80, $0x38;
	[tilespmem:$0xA180] =	vst v63  }
0x1b: {  	_ =	swait.ge [sflag:s14], $0x80  }
0x1c: {  	[sflag:s14] =	ssyncset.done $0x0  }
0x1d: {  	[sflag:s14] =	ssyncadd.s32 $0xFFFFFF80  }
0x1e: {  	[tilespmem:s16], [sflag:$0x2] =	stream.linear.gather [hbm4b:s9+s3], $0x80, $0x38;
	[tilespmem:$0xA180] =	vst v63  }
0x1f: {  	_ =	swait.ge [sflag:s14], $0x80  }
0x20: {  	[sflag:s14] =	ssyncset.done $0x0  }
0x21: {  	[sflag:s14] =	ssyncadd.s32 $0xFFFFFF80  }
0x22: {  	v20 =	vld [tilespmem:$0xA000]  }
0x23: {  	v21 =	vld [tilespmem:$0xA010]  }
0x24: {  	v22 =	vld [tilespmem:$0xA020]  }
0x25: {  	v23 =	vld [tilespmem:$0xA030]  }
0x26: {  	v24 =	vld [tilespmem:$0xA080]  }
0x27: {  	v25 =	vld [tilespmem:$0xA090]  }
0x28: {  	v26 =	vld [tilespmem:$0xA0A0]  }
0x29: {  	v27 =	vld [tilespmem:$0xA0B0]  }
0x2a: {  	s24 =	simm.s32 $0x0;
	v28 =	vld [tilespmem:$0xA100]  }
.LBB2_2:
0x2b: {  	s1 =	sshll.u32 s24, $0xB  }
0x2c: {  	s1 =	sadd.s32 s11, s1  }
0x2d: {  	s25 =	sshrl.u32 s1, $0x3  }
0x2e: {  	s26 =	simm.s32 $0x0;
	s1 =	sadd.s32 s5, s25  }
0x2f: {  	[tilespmem:s26], [sflag:$0x2] =	stream.linear.gather [hbm4b:s1+s26], $0x800, $0x38;
	[tilespmem:$0xA180] =	vst v63  }
0x30: {  	_ =	swait.ge [sflag:s14], $0x800  }
0x31: {  	[sflag:s14] =	ssyncset.done $0x0  }
0x32: {  	s30 =	sadd.s32 s7, s25;
	[sflag:s14] =	ssyncadd.s32 $0xFFFFF800  }
0x33: {  	[tilespmem:s17], [sflag:$0x2] =	stream.linear.gather [hbm4b:s30+s26], $0x800, $0x38;
	[tilespmem:$0xA180] =	vst v63  }
0x34: {  	_ =	swait.ge [sflag:s14], $0x800  }
0x35: {  	[sflag:s14] =	ssyncset.done $0x0  }
0x36: {  	s28 =	simm.s32 $0x1000;
	s31 =	sadd.s32 s8, s25;
	[sflag:s14] =	ssyncadd.s32 $0xFFFFF800  }
0x37: {  	[tilespmem:s28], [sflag:$0x2] =	stream.linear.gather [hbm4b:s31+s26], $0x800, $0x38;
	[tilespmem:$0xA180] =	vst v63  }
0x38: {  	_ =	swait.ge [sflag:s14], $0x800  }
0x39: {  	[sflag:s14] =	ssyncset.done $0x0  }
0x3a: {  	s29 =	simm.s32 $0x9800;
	[sflag:s14] =	ssyncadd.s32 $0xFFFFF800  }
.LBB2_3:
0x3b: {  	s1 =	sshll.u32 s26, $0x7  }
0x3c: {  	[tilespmem:s19], [sflag:$0x1] =	stream.indirect.gather [hbm4b:s4+s18], $0x80, s1, s18, $0xb8;
	[tilespmem:$0xA180] =	vst v63  }
0x3d: {  	_ =	swait.ge [sflag:s20], $0x4000  }
0x3e: {  	[sflag:s20] =	ssyncset.done $0x0  }
0x3f: {  	s1 =	sadd.s32 $0x800, s1;
	[sflag:s20] =	ssyncadd.s32 $0xFFFFC000  }
0x40: {  	[tilespmem:s21], [sflag:$0x1] =	stream.indirect.gather [hbm4b:s4+s18], $0x80, s1, s18, $0xb8;
	[tilespmem:$0xA180] =	vst v63  }
0x41: {  	_ =	swait.ge [sflag:s20], $0x4000  }
0x42: {  	s30 =	simm.s32 $0x1C00;
	[sflag:s20] =	ssyncset.done $0x0  }
0x43: {  	s31 =	simm.s32 $0x5C40;
	v29 =	vmov s28;
	v30 =	vmov s29;
	s1 =	simm.s32 $0x0;
	[sflag:s20] =	ssyncadd.s32 $0xFFFFC000  }
.LBB2_4:
0x44: {  	v32 =	vld [tilespmem:s30+$0xFFFFFC00]  }
0x45: {  	v33 =	vld [tilespmem:s31+$0xFFFFFC00]  }
0x46: {  	v34 =	vld [tilespmem:s30+$0xFFFFFC10]  }
0x47: {  	v35 =	vld [tilespmem:s31+$0xFFFFFC10]  }
0x48: {  	v36 =	vld [tilespmem:s30+$0xFFFFFC20]  }
0x49: {  	v38 =	vld [tilespmem:s31+$0xFFFFFC20]  }
0x4a: {  	v46 =	vld [tilespmem:s30+$0xFFFFFC30]  }
0x4b: {  	v40 =	vld [tilespmem:s31+$0xFFFFFC30]  }
0x4c: {  	v50 =	vld [tilespmem:s30+$0xFFFFFC80]  }
0x4d: {  	s6 =	sshra.s32 s1, $0x2;
	v53 =	vld [tilespmem:s30+$0xFFFFFC90]  }
0x4e: {  	v31 =	vld.idx.msk [tilespmem:v29+s6+$0x0 ss:$0x1], $0xffff  }
0x4f: {  	v54 =	vld [tilespmem:s31+$0xFFFFFC90]  }
0x50: {  	v51 =	vld [tilespmem:s31+$0xFFFFFC80]  }
0x51: {  	v43 =	vld [tilespmem:s30+$0xFFFFFD00]  }
0x52: {  	v62 =	vld [tilespmem:s31+$0xFFFFFD00]  }
0x53: {  	v55 =	vld [tilespmem:s30+$0xFFFFFCA0];
	v32 =	vadd.f32 v33, v32;
	v34 =	vadd.f32 v35, v34;
	v37 =	vperm.xlane v31, v0  }
0x54: {  	v48 =	vadd.f32 v38, v36;
	v60 =	vadd.f32 v54, v53;
	v53 =	vld [tilespmem:s30+$0xFFFFFD30];
	v41 =	vperm.xlane v31, v5  }
0x55: {  	v33 =	vadd.f32 v40, v46;
	v46 =	vld [tilespmem:s31+$0xFFFFFD30];
	v39 =	vmul.f32 v37, v20;
	v47 =	vmul.f32 v37, v21  }
0x56: {  	v57 =	vld [tilespmem:s31+$0xFFFFFCA0];
	v38 =	vadd.f32 v51, v50;
	v49 =	vmul.f32 v37, v22;
	v52 =	vmul.f32 v37, v23  }
0x57: {  	v42 =	vld [tilespmem:s30+$0xFFFFFCB0];
	v40 =	vadd.f32 v62, v43;
	v59 =	vmul.f32 v41, v20;
	v61 =	vmul.f32 v41, v21  }
0x58: {  	v58 =	vld [tilespmem:s31+$0xFFFFFCB0];
	v63 =	vmul.f32 v41, v22;
	v32 =	vadd.f32 v32, v39;
	v34 =	vadd.f32 v34, v47  }
0x59: {  	v45 =	vld [tilespmem:s31+$0xFFFFFD20];
	v41 =	vmul.f32 v41, v23;
	v35 =	vadd.f32 v48, v49;
	v33 =	vadd.f32 v33, v52  }
0x5a: {  	v51 =	vld [tilespmem:s30+$0xFFFFFD20];
	v38 =	vadd.f32 v38, v59;
	v52 =	vperm.xlane v31, v6;
	v62 =	vadd.f32 v46, v53  }
0x5b: {  	v48 =	vld [tilespmem:s30+$0xFFFFFD10];
	v32 =	vmax.f32 v32, $0.0e+00;
	v34 =	vmax.f32 v34, $0.0e+00;
	v35 =	vmax.f32 v35, $0.0e+00  }
0x5c: {  	v49 =	vld [tilespmem:s31+$0xFFFFFD10];
	v33 =	vmax.f32 v33, $0.0e+00;
	v54 =	vmul.f32 v52, v20;
	v59 =	vmul.f32 v52, v22  }
0x5d: {  	v38 =	vmax.f32 v38, $0.0e+00;
	v32 =	vmul.f32 v32, v24;
	v34 =	vmul.f32 v34, v25  }
0x5e: {  	v56 =	vmul.f32 v35, v26;
	v33 =	vmul.f32 v33, v27;
	v35 =	vadd.f32 v57, v55  }
0x5f: {  	v50 =	vmul.f32 v38, v24;
	v40 =	vadd.f32 v40, v54;
	v32 =	vadd.f32 v34, v32  }
0x60: {  	v47 =	vld [tilespmem:s31+$0xFFFFFDB0];
	v55 =	vmul.f32 v52, v21;
	v35 =	vadd.f32 v35, v63;
	v34 =	vadd.f32 v58, v42  }
0x61: {  	v57 =	vld [tilespmem:s31+$0xFFFFFD80];
	v37 =	vadd.f32 v49, v48;
	v58 =	vadd.f32 v45, v51;
	v63 =	vmul.f32 v52, v23  }
0x62: {  	v49 =	vperm.xlane v31, v7;
	v51 =	vld [tilespmem:s30+$0xFFFFFDB0];
	v40 =	vmax.f32 v40, $0.0e+00;
	v32 =	vadd.f32 v56, v32  }
0x63: {  	v35 =	vmax.f32 v35, $0.0e+00;
	v34 =	vadd.f32 v34, v41;
	v56 =	vld [tilespmem:s30+$0xFFFFFD80];
	v37 =	vadd.f32 v37, v55  }
0x64: {  	v40 =	vmul.f32 v40, v24;
	v32 =	vadd.f32 v33, v32;
	v33 =	vadd.f32 v60, v61;
	v60 =	vld [tilespmem:s30+$0xFFFFFD90]  }
0x65: {  	v52 =	vmul.f32 v49, v20;
	v53 =	vmul.f32 v49, v21;
	v37 =	vmax.f32 v37, $0.0e+00;
	v61 =	vld [tilespmem:s31+$0xFFFFFD90]  }
0x66: {  	v38 =	vadd.f32 v62, v63;
	v35 =	vmul.f32 v35, v26;
	v37 =	vmul.f32 v37, v25  }
0x67: {  	v34 =	vmax.f32 v34, $0.0e+00;
	v44 =	vperm.xlane v32, v1;
	v33 =	vmax.f32 v33, $0.0e+00  }
0x68: {  	v39 =	vadd.f32 v47, v51;
	v33 =	vmul.f32 v33, v25;
	v37 =	vadd.f32 v37, v40  }
0x69: {  	v36 =	vadd.f32 v57, v56;
	v40 =	vmul.f32 v49, v23;
	v32 =	vadd.f32 v32, v44  }
0x6a: {  	v48 =	vld [tilespmem:s30+$0xFFFFFDA0];
	v55 =	vmax.f32 v38, $0.0e+00;
	v33 =	vadd.f32 v33, v50;
	v43 =	vadd.f32 v61, v60  }
0x6b: {  	v34 =	vmul.f32 v34, v27;
	v50 =	vld [tilespmem:s31+$0xFFFFFDA0];
	v36 =	vadd.f32 v36, v52;
	v39 =	vadd.f32 v39, v40  }
0x6c: {  	v41 =	vperm.xlane v32, v2;
	v33 =	vadd.f32 v35, v33;
	v35 =	vadd.f32 v58, v59  }
0x6d: {  	v56 =	vadd.f32 v43, v53;
	v59 =	vmul.f32 v49, v22;
	v60 =	vmax.f32 v36, $0.0e+00  }
0x6e: {  	v46 =	vmax.f32 v39, $0.0e+00;
	v35 =	vmax.f32 v35, $0.0e+00;
	v33 =	vadd.f32 v34, v33  }
0x6f: {  	v32 =	vadd.f32 v32, v41;
	v47 =	vmul.f32 v46, v27;
	v35 =	vmul.f32 v35, v26  }
0x70: {  	v51 =	vld [tilespmem:s31+$0xFFFFFE00];
	v41 =	vperm.xlane v31, v8;
	v58 =	vadd.f32 v50, v48;
	v57 =	vperm.xlane v33, v1  }
0x71: {  	v49 =	vld [tilespmem:s30+$0xFFFFFE00];
	v61 =	vmax.f32 v56, $0.0e+00;
	v54 =	vadd.f32 v35, v37;
	v35 =	vmul.f32 v55, v27  }
0x72: {  	v50 =	vperm.xlane v32, v3;
	v62 =	vadd.f32 v58, v59;
	v33 =	vadd.f32 v33, v57  }
0x73: {  	v52 =	vld [tilespmem:s30+$0xFFFFFE10];
	v36 =	vmul.f32 v61, v25;
	v34 =	vadd.f32 v35, v54;
	v35 =	vmul.f32 v60, v24  }
0x74: {  	v56 =	vld [tilespmem:s30+$0xFFFFFE20];
	v32 =	vadd.f32 v32, v50;
	v37 =	vmax.f32 v62, $0.0e+00;
	v44 =	vperm.xlane v33, v2  }
0x75: {  	v54 =	vld [tilespmem:s31+$0xFFFFFE10];
	v45 =	vmul.f32 v37, v26;
	v63 =	vperm.xlane v34, v1;
	v35 =	vadd.f32 v36, v35  }
0x76: {  	v59 =	vld [tilespmem:s31+$0xFFFFFE20];
	v57 =	vperm.xlane v32, v4;
	v36 =	vadd.f32 v51, v49;
	v33 =	vadd.f32 v33, v44  }
0x77: {  	v62 =	vmul.f32 v41, v20;
	v34 =	vadd.f32 v34, v63;
	v35 =	vadd.f32 v45, v35  }
0x78: {  	v32 =	vadd.f32 v32, v57;
	v40 =	vperm.xlane v33, v3  }
0x79: {  	v44 =	vld [tilespmem:s30+$0xFFFFFE80];
	v36 =	vadd.f32 v36, v62;
	v48 =	vperm.xlane v34, v2;
	v35 =	vadd.f32 v47, v35  }
0x7a: {  	v51 =	vmul.f32 v41, v23;
	v63 =	vld [tilespmem:s31+$0xFFFFFE80];
	v37 =	vadd.f32 v54, v52;
	v33 =	vadd.f32 v33, v40  }
0x7b: {  	v54 =	vadd.f32 v59, v56;
	v56 =	vld [tilespmem:s31+$0xFFFFFE90];
	v34 =	vadd.f32 v34, v48;
	v53 =	vperm.xlane v35, v1  }
0x7c: {  	v52 =	vmul.f32 v41, v21;
	v59 =	vld [tilespmem:s30+$0xFFFFFEA0];
	v36 =	vmax.f32 v36, $0.0e+00;
	v58 =	vperm.xlane v33, v4  }
0x7d: {  	v47 =	vperm.xlane v31, v11;
	v55 =	vperm.xlane v34, v3;
	v35 =	vadd.f32 v35, v53;
	v53 =	vld [tilespmem:s30+$0xFFFFFE90]  }
0x7e: {  	v57 =	vadd.f32 v37, v52;
	v36 =	vmul.f32 v36, v24;
	v48 =	vld [tilespmem:s31+$0xFFFFFEA0];
	v33 =	vadd.f32 v33, v58  }
0x7f: {  	v45 =	vld [tilespmem:s30+$0xFFFFFE30];
	v34 =	vadd.f32 v34, v55;
	v60 =	vperm.xlane v35, v2;
	v55 =	vmul.f32 v41, v22  }
0x80: {  	v44 =	vadd.f32 v63, v44;
	v58 =	vld [tilespmem:s31+$0xFFFFFE30];
	v33 =	vsel vm0, v32, v33;
	v32 =	vmax.f32 v57, $0.0e+00  }
0x81: {  	v61 =	vperm.xlane v34, v4;
	v35 =	vadd.f32 v35, v60;
	v38 =	vadd.f32 v54, v55  }
0x82: {  	v43 =	vld [tilespmem:s30+$0xFFFFFF00];
	v60 =	vperm.xlane v31, v9;
	v32 =	vmul.f32 v32, v25;
	v42 =	vadd.f32 v56, v53  }
0x83: {  	v50 =	vld [tilespmem:s31+$0xFFFFFEB0];
	v53 =	vadd.f32 v48, v59;
	v34 =	vadd.f32 v34, v61;
	v38 =	vmax.f32 v38, $0.0e+00  }
0x84: {  	v61 =	vld [tilespmem:s30+$0xFFFFFEB0];
	v49 =	vmul.f32 v60, v20;
	v62 =	vmul.f32 v60, v21;
	v32 =	vadd.f32 v32, v36  }
0x85: {  	v57 =	vld [tilespmem:s31+$0xFFFFFF00];
	v37 =	vadd.f32 v58, v45;
	v54 =	vmul.f32 v60, v22;
	v59 =	vmul.f32 v60, v23  }
0x86: {  	v60 =	vld [tilespmem:s30+$0xFFFFFF10];
	v63 =	vmul.f32 v38, v26;
	v52 =	vadd.f32 v44, v49;
	v42 =	vadd.f32 v42, v62  }
0x87: {  	v40 =	vperm.xlane v35, v3;
	v37 =	vadd.f32 v37, v51;
	v36 =	vadd.f32 v53, v54;
	v62 =	vld [tilespmem:s30+$0xFFFFFF20]  }
0x88: {  	v32 =	vadd.f32 v63, v32;
	v63 =	vld [tilespmem:s31+$0xFFFFFF20];
	v55 =	vmax.f32 v52, $0.0e+00;
	v56 =	vmax.f32 v42, $0.0e+00  }
0x89: {  	v53 =	vld [tilespmem:s31+$0xFFFFFF30];
	v37 =	vmax.f32 v37, $0.0e+00;
	v58 =	vadd.f32 v50, v61;
	v38 =	vmul.f32 v55, v24  }
0x8a: {  	v35 =	vadd.f32 v35, v40;
	v41 =	vmul.f32 v56, v25;
	v61 =	vld [tilespmem:s31+$0xFFFFFF10];
	v37 =	vmul.f32 v37, v27  }
0x8b: {  	v34 =	vsel vm1, v33, v34;
	v36 =	vmax.f32 v36, $0.0e+00;
	v56 =	vld [tilespmem:s30+$0xFFFFFF80];
	v39 =	vadd.f32 v58, v59  }
0x8c: {  	v52 =	vperm.xlane v35, v4;
	v38 =	vadd.f32 v41, v38;
	v37 =	vadd.f32 v37, v32;
	v41 =	vld [tilespmem:s30+$0xFFFFFF30]  }
0x8d: {  	v42 =	vadd.f32 v57, v43;
	v36 =	vmul.f32 v36, v26;
	v58 =	vld [tilespmem:s31+$0xFFFFFF80];
	v40 =	vadd.f32 v63, v62  }
0x8e: {  	v51 =	vmax.f32 v39, $0.0e+00;
	v39 =	vperm.xlane v31, v10;
	v54 =	vperm.xlane v37, v1  }
0x8f: {  	v36 =	vadd.f32 v36, v38;
	v32 =	vmul.f32 v51, v27;
	v45 =	vadd.f32 v61, v60  }
0x90: {  	v48 =	vld [tilespmem:s30+$0xFFFFFFB0];
	v55 =	vmul.f32 v39, v20;
	v57 =	vmul.f32 v39, v21;
	v37 =	vadd.f32 v37, v54  }
0x91: {  	v62 =	vld [tilespmem:s31+$0xFFFFFF90];
	v59 =	vmul.f32 v39, v22;
	v36 =	vadd.f32 v32, v36;
	v32 =	vadd.f32 v35, v52  }
0x92: {  	v60 =	vld [tilespmem:s30+$0xFFFFFF90];
	v39 =	vmul.f32 v39, v23;
	v38 =	vadd.f32 v53, v41;
	v56 =	vadd.f32 v58, v56  }
0x93: {  	v49 =	vld [tilespmem:s30+$0x30];
	v58 =	vmul.f32 v47, v20;
	v53 =	vmul.f32 v47, v22;
	v42 =	vadd.f32 v42, v55  }
0x94: {  	v43 =	vld [tilespmem:s30+$0xFFFFFFA0];
	v45 =	vadd.f32 v45, v57;
	v40 =	vadd.f32 v40, v59;
	v59 =	vmul.f32 v47, v21  }
0x95: {  	v55 =	vld [tilespmem:s31+$0xFFFFFFA0];
	v47 =	vmul.f32 v47, v23;
	v61 =	vperm.xlane v36, v1;
	v38 =	vadd.f32 v38, v39  }
0x96: {  	v57 =	vld [tilespmem:s31+$0xFFFFFFB0];
	v34 =	vsel vm2, v34, v32;
	v42 =	vmax.f32 v42, $0.0e+00;
	v54 =	vmax.f32 v45, $0.0e+00  }
0x97: {  	v50 =	vld [tilespmem:s31+$0x80];
	v40 =	vmax.f32 v40, $0.0e+00;
	v44 =	vadd.f32 v62, v60;
	v63 =	vmul.f32 v42, v24  }
0x98: {  	v51 =	vld [tilespmem:s30+$0x0];
	v35 =	vadd.f32 v36, v61;
	v42 =	vmul.f32 v54, v25;
	v40 =	vmul.f32 v40, v26  }
0x99: {  	v60 =	vld [tilespmem:s31+$0x0];
	v61 =	vadd.f32 v56, v58;
	v38 =	vmax.f32 v38, $0.0e+00;
	v62 =	vadd.f32 v44, v59  }
0x9a: {  	v54 =	vld [tilespmem:s31+$0x10];
	v38 =	vmul.f32 v38, v27;
	v36 =	vadd.f32 v42, v63;
	v52 =	vadd.f32 v55, v43  }
0x9b: {  	v58 =	vld [tilespmem:s31+$0x20];
	v33 =	vmax.f32 v61, $0.0e+00;
	v59 =	vadd.f32 v57, v48;
	v48 =	vperm.xlane v31, v12  }
0x9c: {  	v63 =	vld [tilespmem:s30+$0x10];
	v41 =	vmax.f32 v62, $0.0e+00;
	v33 =	vmul.f32 v33, v24;
	v36 =	vadd.f32 v40, v36  }
0x9d: {  	v55 =	vld [tilespmem:s30+$0x20];
	v41 =	vmul.f32 v41, v25;
	v40 =	vadd.f32 v52, v53;
	v46 =	vadd.f32 v59, v47  }
0x9e: {  	v57 =	vld [tilespmem:s31+$0x30];
	v39 =	vadd.f32 v60, v51;
	v60 =	vmul.f32 v48, v20;
	v61 =	vmul.f32 v48, v21  }
0x9f: {  	v59 =	vld [tilespmem:s30+$0xA0];
	v33 =	vadd.f32 v41, v33;
	v40 =	vmax.f32 v40, $0.0e+00;
	v36 =	vadd.f32 v38, v36  }
0xa0: {  	v52 =	vld [tilespmem:s31+$0xA0];
	v62 =	vmax.f32 v46, $0.0e+00;
	v39 =	vadd.f32 v39, v60;
	v60 =	vperm.xlane v31, v13  }
0xa1: {  	v41 =	vld [tilespmem:s30+$0x80];
	v40 =	vmul.f32 v40, v26;
	v42 =	vadd.f32 v54, v63;
	v38 =	vmul.f32 v62, v27  }
0xa2: {  	v43 =	vadd.f32 v58, v55;
	v58 =	vmul.f32 v48, v22;
	v39 =	vmax.f32 v39, $0.0e+00  }
0xa3: {  	v51 =	vld [tilespmem:s30+$0x90];
	v62 =	vmul.f32 v60, v20;
	v33 =	vadd.f32 v40, v33;
	v56 =	vadd.f32 v42, v61  }
0xa4: {  	v63 =	vld [tilespmem:s31+$0x90];
	v39 =	vmul.f32 v39, v24;
	v43 =	vadd.f32 v43, v58;
	v42 =	vadd.f32 v57, v49  }
0xa5: {  	v57 =	vmul.f32 v48, v23;
	v45 =	vadd.f32 v52, v59;
	v58 =	vmul.f32 v60, v22  }
0xa6: {  	v53 =	vld [tilespmem:s31+$0xB0];
	v49 =	vperm.xlane v36, v1;
	v40 =	vmax.f32 v56, $0.0e+00;
	v41 =	vadd.f32 v50, v41  }
0xa7: {  	v61 =	vld [tilespmem:s30+$0xB0];
	v56 =	vmax.f32 v43, $0.0e+00;
	v42 =	vadd.f32 v42, v57;
	v45 =	vadd.f32 v45, v58  }
0xa8: {  	v33 =	vadd.f32 v38, v33;
	v36 =	vadd.f32 v36, v49;
	v40 =	vmul.f32 v40, v25  }
0xa9: {  	v46 =	vadd.f32 v63, v51;
	v63 =	vmul.f32 v60, v21;
	v60 =	vmul.f32 v60, v23  }
0xaa: {  	v51 =	vperm.xlane v37, v2;
	v41 =	vadd.f32 v41, v62;
	v42 =	vmax.f32 v42, $0.0e+00  }
0xab: {  	v52 =	vperm.xlane v33, v1;
	v55 =	vperm.xlane v36, v2;
	v39 =	vadd.f32 v40, v39  }
0xac: {  	v46 =	vadd.f32 v46, v63;
	v40 =	vmul.f32 v56, v26;
	v44 =	vadd.f32 v53, v61  }
0xad: {  	v63 =	vmax.f32 v45, $0.0e+00;
	v42 =	vmul.f32 v42, v27;
	v53 =	vperm.xlane v35, v2  }
0xae: {  	v37 =	vadd.f32 v37, v51;
	v41 =	vmax.f32 v41, $0.0e+00;
	v48 =	vmul.f32 v63, v26  }
0xaf: {  	v33 =	vadd.f32 v33, v52;
	v36 =	vadd.f32 v36, v55;
	v59 =	vmax.f32 v46, $0.0e+00  }
0xb0: {  	v39 =	vadd.f32 v40, v39;
	v61 =	vmul.f32 v41, v24;
	v62 =	vmul.f32 v59, v25  }
0xb1: {  	v51 =	vld [tilespmem:s30+$0x190];
	v44 =	vadd.f32 v44, v60;
	v35 =	vadd.f32 v35, v53;
	v57 =	vperm.xlane v37, v3  }
0xb2: {  	v63 =	vld [tilespmem:s31+$0x110];
	v58 =	vperm.xlane v33, v2;
	v39 =	vadd.f32 v42, v39;
	v40 =	vadd.f32 v62, v61  }
0xb3: {  	v46 =	vld [tilespmem:s31+$0x190];
	v59 =	vperm.xlane v36, v3;
	v50 =	vmax.f32 v44, $0.0e+00;
	v37 =	vadd.f32 v37, v57  }
0xb4: {  	v41 =	vld [tilespmem:s30+$0x100];
	v38 =	vmul.f32 v50, v27;
	v54 =	vperm.xlane v39, v1;
	v40 =	vadd.f32 v48, v40  }
0xb5: {  	v43 =	vperm.xlane v35, v3;
	v57 =	vld [tilespmem:s31+$0x120];
	v33 =	vadd.f32 v33, v58;
	v36 =	vadd.f32 v36, v59  }
0xb6: {  	v49 =	vperm.xlane v31, v14;
	v50 =	vld [tilespmem:s31+$0x130];
	v39 =	vadd.f32 v39, v54;
	v38 =	vadd.f32 v38, v40  }
0xb7: {  	v35 =	vadd.f32 v35, v43;
	v61 =	vperm.xlane v37, v4;
	v62 =	vperm.xlane v33, v3;
	v48 =	vld [tilespmem:s30+$0x130]  }
0xb8: {  	v46 =	vadd.f32 v46, v51;
	v40 =	vld [tilespmem:s31+$0x100];
	v44 =	vperm.xlane v39, v2;
	v56 =	vperm.xlane v38, v1  }
0xb9: {  	v43 =	vld [tilespmem:s30+$0x120];
	v54 =	vperm.xlane v35, v4;
	v37 =	vadd.f32 v37, v61;
	v33 =	vadd.f32 v33, v62  }
0xba: {  	v61 =	vmul.f32 v49, v20;
	v39 =	vadd.f32 v39, v44;
	v44 =	vld [tilespmem:s30+$0x110];
	v38 =	vadd.f32 v38, v56  }
0xbb: {  	v62 =	vmul.f32 v49, v21;
	v35 =	vadd.f32 v35, v54;
	v56 =	vperm.xlane v36, v4  }
0xbc: {  	v48 =	vadd.f32 v50, v48;
	v55 =	vperm.xlane v39, v3;
	v60 =	vperm.xlane v38, v2  }
0xbd: {  	v34 =	vsel vm3, v34, v37;
	v40 =	vadd.f32 v40, v41;
	v36 =	vadd.f32 v36, v56  }
0xbe: {  	v59 =	vperm.xlane v33, v4;
	v39 =	vadd.f32 v39, v55;
	v38 =	vadd.f32 v38, v60  }
0xbf: {  	v41 =	vld [tilespmem:s30+$0x180];
	v56 =	vadd.f32 v57, v43;
	v57 =	vmul.f32 v49, v22;
	v44 =	vadd.f32 v63, v44  }
0xc0: {  	v45 =	vadd.f32 v33, v59;
	v63 =	vld [tilespmem:s31+$0x180];
	v60 =	vperm.xlane v39, v4;
	v58 =	vperm.xlane v38, v3  }
0xc1: {  	v47 =	vld [tilespmem:s30+$0x220];
	v49 =	vmul.f32 v49, v23;
	v40 =	vadd.f32 v40, v61;
	v44 =	vadd.f32 v44, v62  }
0xc2: {  	v34 =	vsel vm4, v34, v35;
	v33 =	vadd.f32 v39, v60;
	v60 =	vld [tilespmem:s31+$0x1A0];
	v38 =	vadd.f32 v38, v58  }
0xc3: {  	v48 =	vadd.f32 v48, v49;
	v34 =	vsel vm5, v34, v36;
	v40 =	vmax.f32 v40, $0.0e+00;
	v58 =	vld [tilespmem:s30+$0x1A0]  }
0xc4: {  	v61 =	vld [tilespmem:s30+$0x1B0];
	v59 =	vmax.f32 v44, $0.0e+00;
	v44 =	vperm.xlane v31, v15;
	v55 =	vperm.xlane v38, v4  }
0xc5: {  	v40 =	vmul.f32 v40, v24;
	v43 =	vmul.f32 v59, v25;
	v41 =	vadd.f32 v63, v41;
	v63 =	vld [tilespmem:s31+$0x1B0]  }
0xc6: {  	v62 =	vmul.f32 v44, v20;
	v32 =	vadd.f32 v38, v55;
	v38 =	vadd.f32 v56, v57;
	v56 =	vld [tilespmem:s30+$0x200]  }
0xc7: {  	v34 =	vsel vm6, v34, v45;
	v40 =	vadd.f32 v43, v40;
	v55 =	vmul.f32 v44, v21;
	v57 =	vld [tilespmem:s31+$0x200]  }
0xc8: {  	v49 =	vld [tilespmem:s31+$0x280];
	v41 =	vadd.f32 v41, v62;
	v42 =	vadd.f32 v60, v58;
	v58 =	vmul.f32 v44, v22  }
0xc9: {  	v59 =	vld [tilespmem:s30+$0x210];
	v44 =	vmul.f32 v44, v23;
	v38 =	vmax.f32 v38, $0.0e+00;
	v46 =	vadd.f32 v46, v55  }
0xca: {  	v60 =	vld [tilespmem:s31+$0x210];
	v41 =	vmax.f32 v41, $0.0e+00;
	v39 =	vadd.f32 v63, v61;
	v61 =	vmax.f32 v48, $0.0e+00  }
0xcb: {  	v48 =	vld [tilespmem:s30+$0x280];
	v38 =	vmul.f32 v38, v26;
	v42 =	vadd.f32 v42, v58;
	v46 =	vmax.f32 v46, $0.0e+00  }
0xcc: {  	v41 =	vmul.f32 v41, v24;
	v46 =	vmul.f32 v46, v25;
	v43 =	vadd.f32 v57, v56;
	v56 =	vld [tilespmem:s30+$0x290]  }
0xcd: {  	v39 =	vadd.f32 v39, v44;
	v38 =	vadd.f32 v38, v40;
	v42 =	vmax.f32 v42, $0.0e+00;
	v57 =	vld [tilespmem:s31+$0x290]  }
0xce: {  	v53 =	vld [tilespmem:s30+$0x2B0];
	v40 =	vmul.f32 v61, v27;
	v42 =	vmul.f32 v42, v26;
	v41 =	vadd.f32 v46, v41  }
0xcf: {  	v44 =	vld [tilespmem:s31+$0x220];
	v39 =	vmax.f32 v39, $0.0e+00;
	v50 =	vadd.f32 v60, v59;
	v46 =	vperm.xlane v31, v16  }
0xd0: {  	v60 =	vld [tilespmem:s31+$0x230];
	v39 =	vmul.f32 v39, v27;
	v35 =	vadd.f32 v40, v38;
	v41 =	vadd.f32 v42, v41  }
0xd1: {  	v48 =	vadd.f32 v49, v48;
	v49 =	vld [tilespmem:s31+$0x2A0];
	v62 =	vmul.f32 v46, v20;
	v63 =	vmul.f32 v46, v21  }
0xd2: {  	v42 =	vadd.f32 v57, v56;
	v57 =	vld [tilespmem:s31+$0x2B0];
	v38 =	vadd.f32 v39, v41;
	v41 =	vperm.xlane v31, v17  }
0xd3: {  	v33 =	vsel vm7, v34, v33;
	v58 =	vadd.f32 v43, v62;
	v59 =	vadd.f32 v50, v63;
	v50 =	vld [tilespmem:s30+$0x230]  }
0xd4: {  	v55 =	vadd.f32 v44, v47;
	v56 =	vmul.f32 v46, v22;
	v43 =	vld [tilespmem:s30+$0x2A0];
	v62 =	vmul.f32 v41, v20  }
0xd5: {  	v37 =	vmax.f32 v58, $0.0e+00;
	v61 =	vmax.f32 v59, $0.0e+00;
	v63 =	vmul.f32 v41, v21  }
0xd6: {  	v52 =	vld [tilespmem:s30+$0x380];
	v37 =	vmul.f32 v37, v24;
	v40 =	vmul.f32 v61, v25;
	v58 =	vadd.f32 v48, v62  }
0xd7: {  	v32 =	vsel vm8, v33, v32;
	v59 =	vld [tilespmem:s30+$0x300];
	v42 =	vadd.f32 v42, v63;
	v57 =	vadd.f32 v57, v53  }
0xd8: {  	v61 =	vmul.f32 v46, v23;
	v62 =	vld [tilespmem:s30+$0x310];
	v37 =	vadd.f32 v40, v37;
	v40 =	vadd.f32 v55, v56  }
0xd9: {  	v63 =	vld [tilespmem:s31+$0x310];
	v39 =	vadd.f32 v60, v50;
	v43 =	vadd.f32 v49, v43;
	v55 =	vmul.f32 v41, v22  }
0xda: {  	v60 =	vld [tilespmem:s31+$0x300];
	v41 =	vmul.f32 v41, v23;
	v36 =	vmax.f32 v58, $0.0e+00;
	v42 =	vmax.f32 v42, $0.0e+00  }
0xdb: {  	v49 =	vld [tilespmem:s30+$0x320];
	v36 =	vmul.f32 v36, v24;
	v42 =	vmul.f32 v42, v25;
	v39 =	vadd.f32 v39, v61  }
0xdc: {  	v56 =	vld [tilespmem:s31+$0x320];
	v40 =	vmax.f32 v40, $0.0e+00;
	v43 =	vadd.f32 v43, v55;
	v41 =	vadd.f32 v57, v41  }
0xdd: {  	v45 =	vld [tilespmem:s30+$0x390];
	v40 =	vmul.f32 v40, v26;
	v36 =	vadd.f32 v42, v36;
	v42 =	vperm.xlane v31, v18  }
0xde: {  	v47 =	vld [tilespmem:s30+$0x330];
	v39 =	vmax.f32 v39, $0.0e+00;
	v43 =	vmax.f32 v43, $0.0e+00;
	v46 =	vadd.f32 v63, v62  }
0xdf: {  	v55 =	vld [tilespmem:s31+$0x330];
	v41 =	vmax.f32 v41, $0.0e+00;
	v31 =	vperm.xlane v31, v19;
	v43 =	vmul.f32 v43, v26  }
0xe0: {  	v63 =	vld [tilespmem:s31+$0x3A0];
	v44 =	vadd.f32 v60, v59;
	v58 =	vmul.f32 v42, v20;
	v59 =	vmul.f32 v42, v21  }
0xe1: {  	v60 =	vld [tilespmem:s31+$0x380];
	v37 =	vadd.f32 v40, v37;
	v39 =	vmul.f32 v39, v27;
	v49 =	vadd.f32 v56, v49  }
0xe2: {  	v54 =	vmul.f32 v42, v22;
	v44 =	vadd.f32 v44, v58;
	v61 =	vadd.f32 v46, v59;
	v46 =	vld [tilespmem:s31+$0x390]  }
0xe3: {  	v41 =	vmul.f32 v41, v27;
	v56 =	vld [tilespmem:s30+$0x3B0];
	v36 =	vadd.f32 v43, v36;
	v37 =	vadd.f32 v39, v37  }
0xe4: {  	v51 =	vadd.f32 v55, v47;
	v58 =	vadd.f32 v49, v54;
	v62 =	vmax.f32 v44, $0.0e+00;
	v44 =	vld [tilespmem:s30+$0x3A0]  }
0xe5: {  	v59 =	vld [tilespmem:s31+$0x3B0];
	v36 =	vadd.f32 v41, v36;
	v40 =	vmax.f32 v61, $0.0e+00;
	v61 =	vmul.f32 v31, v20  }
0xe6: {  	v60 =	vadd.f32 v60, v52;
	v43 =	vmul.f32 v62, v24;
	v40 =	vmul.f32 v40, v25  }
0xe7: {  	v52 =	vmul.f32 v42, v23;
	v62 =	vmul.f32 v31, v21;
	v45 =	vadd.f32 v46, v45  }
0xe8: {  	v57 =	vadd.f32 v40, v43;
	v43 =	vadd.f32 v60, v61;
	v40 =	vmax.f32 v58, $0.0e+00  }
0xe9: {  	v44 =	vadd.f32 v63, v44;
	v63 =	vmul.f32 v31, v22;
	v45 =	vadd.f32 v45, v62  }
0xea: {  	v39 =	vadd.f32 v59, v56;
	v40 =	vmul.f32 v40, v26;
	v53 =	vmax.f32 v43, $0.0e+00  }
0xeb: {  	v31 =	vmul.f32 v31, v23;
	v44 =	vadd.f32 v44, v63;
	v54 =	vmax.f32 v45, $0.0e+00  }
0xec: {  	v33 =	vadd.f32 v51, v52;
	v55 =	vmul.f32 v53, v24;
	v56 =	vmul.f32 v54, v25  }
0xed: {  	v34 =	vadd.f32 v40, v57;
	v31 =	vadd.f32 v39, v31;
	v57 =	vmax.f32 v44, $0.0e+00  }
0xee: {  	v33 =	vmax.f32 v33, $0.0e+00;
	v58 =	vadd.f32 v56, v55;
	v39 =	vmul.f32 v57, v26  }
0xef: {  	v59 =	vperm.xlane v35, v1;
	v33 =	vmul.f32 v33, v27;
	v31 =	vmax.f32 v31, $0.0e+00  }
0xf0: {  	v60 =	vperm.xlane v38, v1;
	v31 =	vmul.f32 v31, v27;
	v39 =	vadd.f32 v39, v58  }
0xf1: {  	v61 =	vperm.xlane v37, v1;
	v35 =	vadd.f32 v35, v59;
	v33 =	vadd.f32 v33, v34  }
0xf2: {  	v62 =	vadd.f32 v38, v60;
	v63 =	vperm.xlane v36, v1;
	v31 =	vadd.f32 v31, v39  }
0xf3: {  	v37 =	vadd.f32 v37, v61;
	v44 =	vperm.xlane v35, v2;
	v45 =	vperm.xlane v33, v1  }
0xf4: {  	v46 =	vperm.xlane v62, v2;
	v36 =	vadd.f32 v36, v63;
	v47 =	vperm.xlane v31, v1  }
0xf5: {  	v48 =	vperm.xlane v37, v2;
	v35 =	vadd.f32 v35, v44;
	v33 =	vadd.f32 v33, v45  }
0xf6: {  	v34 =	vadd.f32 v62, v46;
	v49 =	vperm.xlane v36, v2;
	v31 =	vadd.f32 v31, v47  }
0xf7: {  	v37 =	vadd.f32 v37, v48;
	v50 =	vperm.xlane v35, v3;
	v51 =	vperm.xlane v33, v2  }
0xf8: {  	v41 =	vperm.xlane v34, v3;
	v36 =	vadd.f32 v36, v49;
	v52 =	vperm.xlane v31, v2  }
0xf9: {  	v53 =	vperm.xlane v37, v3;
	v35 =	vadd.f32 v35, v50;
	v33 =	vadd.f32 v33, v51  }
0xfa: {  	v34 =	vadd.f32 v34, v41;
	v54 =	vperm.xlane v36, v3;
	v31 =	vadd.f32 v31, v52  }
0xfb: {  	v37 =	vadd.f32 v37, v53;
	v55 =	vperm.xlane v35, v4;
	v56 =	vperm.xlane v33, v3  }
0xfc: {  	v41 =	vperm.xlane v34, v4;
	v36 =	vadd.f32 v36, v54;
	v57 =	vperm.xlane v31, v3  }
0xfd: {  	v58 =	vperm.xlane v37, v4;
	v35 =	vadd.f32 v35, v55;
	v33 =	vadd.f32 v33, v56  }
0xfe: {  	v34 =	vadd.f32 v34, v41;
	v59 =	vperm.xlane v36, v4;
	v31 =	vadd.f32 v31, v57  }
0xff: {  	v60 =	vadd.f32 v37, v58;
	v32 =	vsel vm9, v32, v35;
	v61 =	vperm.xlane v33, v4  }
0x100: {  	v62 =	vadd.f32 v36, v59;
	v32 =	vsel vm10, v32, v34;
	v63 =	vperm.xlane v31, v4  }
0x101: {  	v32 =	vsel vm11, v32, v60;
	v33 =	vadd.f32 v33, v61  }
0x102: {  	p0 =	sne.s32 s1, $0x1C0;
	v32 =	vsel vm12, v32, v62;
	v31 =	vadd.f32 v31, v63  }
.Ltmp0:
0x103: {  	v32 =	vsel vm13, v32, v33;
	(pc) =	sbr.rel @p0 .LBB2_4-.Ltmp0, $3  }
0x104: {  	v31 =	vsel vm14, v32, v31  }
0x105: {  	v31 =	vadd.f32 v31, v28;
	_ =	sdelay $0x1  }
0x106: {  	s1 =	sadd.s32 $0x40, s1;
	s31 =	sadd.s32 $0x800, s31;
	s30 =	sadd.s32 $0x800, s30;
	[tilespmem:v30+s6+$0x0 ss:$0x1] =	vst.idx.msk $0xffff, v31  }
0x107: {  	s26 =	sadd.s32 $0x1, s26  }
0x108: {  	p0 =	sne.s32 s26, $0x10  }
.Ltmp1:
0x109: {  	_ = 	snop;
	(pc) =	sbr.rel @p0 .LBB2_3-.Ltmp1, $2  }
0x10a: {  	_ =	sdelay $0x2  }
0x10b: {  	s28 =	sadd.s32 $0x80, s28;
	s29 =	sadd.s32 $0x80, s29  }
0x10c: {  	s24 =	sadd.s32 $0x1, s24  }
0x10d: {  	p0 =	sne.s32 s24, $0x5  }
.Ltmp2:
0x10e: {  	s1 =	sadd.s32 s10, s25;
	(pc) =	sbr.rel @p0 .LBB2_2-.Ltmp2, $4  }
0x10f: {  	[hbm4b:s1+s3] =	stream.linear.scatter [tilespmem:s22], [sflag:$0x2], $0x800, $0x38;
	[tilespmem:$0xA180] =	vst v63  }
0x110: {  	_ =	swait.ge [sflag:s14], $0x800  }
0x111: {  	[sflag:s14] =	ssyncset.done $0x0  }
0x112: {  	[sflag:s14] =	ssyncadd.s32 $0xFFFFF800  }
0x113: {  	s23 =	sadd.s32 $0x1, s23  }
0x114: {  	p0 =	sne.s32 s23, s12  }
.Ltmp3:
0x115: {  	_ = 	snop;
	(pc) =	sbr.rel @p0 .LBB2_1-.Ltmp3, $1  }
0x116: {  	_ =	sdelay $0x3  }
0x117: {  	_ =	sfence.sel $0x180000  }
0x118: {  	[bflag:$0x0] =	sbarrier.arrive $0xFFFF  }
0x119: {  	_ =	strace $0x9000004D  }
0x11a: {  	s0 =	stileid.u32;
	[bflag:$0x2] =	sbarrier.arrive $0xFFFF  }
0x11b: {  	p0 =	sne.s32 s0, $0x0;
	s0 =	rddreg [dreg:$0x3]  }
0x11c: {  	s0 =	sadd.s32 @!p0 $0x100000, s0  }
0x11d: {  	[sflag:s0] =	ssyncadd.tile.s32 @!p0 $0x1;
	_ =	shalt  }
.Lfunc_end2:
_tile_overlayer_lowered:
.L_overlay_start_2:
0x11e: {  	(tag) =	ssettag $0x2  }
0x11f: {  	s0 =	rddreg [dreg:$0x0];
	s2 =	stileid.u32  }
0x120: {  	s1 =	rddreg [dreg:$0x1];
	p0 =	sne.s32 s2, $0x0  }
0x121: {  	s3 =	rddreg [dreg:$0x2];
	[bflag:$0x3] =	sbarrier.arrive $0xFFFF;
	s2 =	simm.s32 @!p0 $0x1C02  }
0x122: {  	[timem:s3], [sflag:s2] =	dma.local @!p0 [hbm:s0], s1  }
0x123: {  	s0 =	simm.s32 @!p0 $0x2  }
0x124: {  	_ =	swait.ge @!p0 [sflag:s0], s1  }
0x125: {  	s1 =	ssub.s32 @!p0 $0x0, s1;
	[sflag:s0] =	ssyncset.done @!p0 $0x0  }
0x126: {  	[sflag:s0] =	ssyncadd.s32 @!p0 s1  }
0x127: {  	[bflag:$0x3] =	sbarrier.arrive $0xFFFF  }
0x128: {  	_ =	shalt  }

// kernel: kernel.8.cloned.1.call-start
scs
__scs_entry_jumppad:
0x0: {  	(pc) =	sbr.rel $0x88, $3  }
0x1: {  	(tag) =	ssettag $0x0;
	lr =	simm.s32 $0x1  }
0x2: {  	[smem:$0x3F93] =	sst lr;
	_ =	strace $0xD0000000  }
0x3: {  	_ = 	snop  }
0x4: {  	_ = 	snop  }
0x5: {  	_ = 	snop  }
0x6: {  	_ = 	snop  }
0x7: {  	_ = 	snop  }
__scs_overlays_trampoline_lowered:
0x8: {  	[smem:$0x3FA2] =	sst s0  }
0x9: {  	[smem:$0x3FA3] =	sst s1  }
0xa: {  	[smem:$0x3FA4] =	sst s2  }
0xb: {  	[smem:$0x3FA5] =	sst s3  }
0xc: {  	[smem:$0x3FA6] =	sst s4  }
0xd: {  	[smem:$0x3FA7] =	sst s5  }
0xe: {  	[smem:$0x3FA8] =	sst s6  }
0xf: {  	[smem:$0x3FA9] =	sst s7  }
0x10: {  	[smem:$0x3FAA] =	sst s8  }
0x11: {  	[smem:$0x3FAB] =	sst s9;
	s0 =	simm.s32 @!p0 $0x0  }
0x12: {  	s1 =	sld [smem:$0x3F91];
	s0 =	simm.s32 @p0 $0x1  }
0x13: {  	[smem:$0x3FAC] =	sst s0;
	s0 =	simm.s32 @!p1 $0x0  }
0x14: {  	s2 =	sld [smem:$0x3F90];
	s0 =	simm.s32 @p1 $0x1  }
0x15: {  	[smem:$0x3FAD] =	sst s0;
	s0 =	simm.s32 @!p2 $0x0  }
0x16: {  	s3 =	sld [smem:$0x3FDB];
	s0 =	simm.s32 @p2 $0x1  }
0x17: {  	s4 =	simm.s32 $0x1BF5;
	[smem:$0x3FAF] =	sst s0  }
0x18: {  	s0 =	sld [smem:$0x3F92];
	_ =	swait.ge [sflag:s4], $0x0  }
0x19: {  	s7 =	sld [smem:$0x3F93]  }
0x1a: {  	s8 =	sadd.s32 $0xFFFFE003, lr  }
0x1b: {  	s9 =	sadd.s32 $0xFFFFFEF7, lr;
	s5 =	simm.s32 $0xFFFFFFFF;
	p2 =	slt.u32 s8, $0xFFFFF086  }
0x1c: {  	p1 =	slt.u32 s9, $0xF7A;
	s5 =	simm.s32 @!p2 $0x0  }
0x1d: {  	s5 =	simm.s32 @p1 $0x1;
	p0 =	seq.s32 s7, s2  }
0x1e: {  	s7 =	smul.u32 @!p0 $0xF7A, s2;
	p2 =	seq.s32 @!p0 s5, $0x0  }
0x1f: {  	s9 =	smul.u32 $0xF7A, s1;
	s8 =	simm.s32 @!p0 $0x1BF5;
	p2 =	por !p2, p0  }
0x20: {  	[sflag:s8] =	ssyncset.s32 @!p0 $0xFFFFF086;
	s6 =	sadd.s32 @!p0 s3, s7;
	s7 =	simm.s32 @!p0 $0x108  }
0x21: {  	s3 =	sadd.s32 s3, s9;
	s6 =	sadd.s32 @!p0 $0x88, s6;
	s7 =	simm.s32 @p2 $0x1082  }
0x22: {  	[simem:s7], [sflag:s8] =	dma.local @!p0 [hbm:s6], $0xF7A  }
0x23: {  	s9 =	sor.u32 $0xD0000000, s2;
	s6 =	simm.s32 $0x108;
	_ =	swait.ge @!p0 [sflag:s8], $0x0  }
0x24: {  	s3 =	sadd.s32 $0x88, s3;
	s6 =	simm.s32 @!p1 $0x1082;
	[sflag:s4] =	ssyncset.s32 $0xFFFFF086  }
0x25: {  	[simem:s6], [sflag:s4] =	dma.local [hbm:s3], $0xF7A  }
0x26: {  	[smem:$0x3F93] =	sst s1;
	(tag) =	ssettag s2;
	_ =	strace s9  }
0x27: {  	s1 =	sld [smem:$0x3FA3]  }
0x28: {  	s2 =	sld [smem:$0x3FA4]  }
0x29: {  	s4 =	sld [smem:$0x3FA6]  }
0x2a: {  	p0 =	seq.s32 s5, $0x0;
	s5 =	sld [smem:$0x3FA7]  }
0x2b: {  	s6 =	sld [smem:$0x3FA8]  }
0x2c: {  	s7 =	sld [smem:$0x3FA9]  }
0x2d: {  	s3 =	simm.s32 $0x108;
	s8 =	sld [smem:$0x3FAA]  }
0x2e: {  	s3 =	simm.s32 @!p0 $0x1082;
	s9 =	sld [smem:$0x3FAB]  }
0x2f: {  	lr =	sadd.s32 s0, s3;
	s0 =	sld [smem:$0x3FA2]  }
0x30: {  	s3 =	sld [smem:$0x3FA5]  }
0x31: {  	[smem:$0x3FAE] =	sst s10  }
0x32: {  	s10 =	sld [smem:$0x3FAC];
	_ =	sdelay $0x3  }
0x33: {  	p0 =	seq.s32 s10, $0x1;
	s10 =	sld [smem:$0x3FAE];
	_ =	sdelay $0x3  }
0x34: {  	[smem:$0x3FAE] =	sst s10  }
0x35: {  	s10 =	sld [smem:$0x3FAD];
	_ =	sdelay $0x3  }
0x36: {  	p1 =	seq.s32 s10, $0x1;
	s10 =	sld [smem:$0x3FAE];
	_ =	sdelay $0x3  }
0x37: {  	[smem:$0x3FAE] =	sst s10  }
0x38: {  	s10 =	sld [smem:$0x3FAF]  }
0x39: {  	_ = 	snop;
	(pc) =	sbr.ind lr, $3  }
0x3a: {  	_ = 	snop  }
0x3b: {  	_ = 	snop  }
0x3c: {  	p2 =	seq.s32 s10, $0x1;
	s10 =	sld [smem:$0x3FAE]  }
0x3d: {  	_ =	shalt  }
0x3e: {  	_ =	shalt  }
0x3f: {  	_ =	shalt  }
0x40: {  	_ =	shalt  }
0x41: {  	_ =	shalt  }
0x42: {  	_ =	shalt  }
0x43: {  	_ =	shalt  }
0x44: {  	_ =	shalt  }
0x45: {  	_ =	shalt  }
0x46: {  	_ =	shalt  }
0x47: {  	_ =	shalt  }
0x48: {  	_ =	shalt  }
0x49: {  	_ =	shalt  }
0x4a: {  	_ =	shalt  }
0x4b: {  	_ =	shalt  }
0x4c: {  	_ =	shalt  }
0x4d: {  	_ =	shalt  }
0x4e: {  	_ =	shalt  }
0x4f: {  	_ =	shalt  }
0x50: {  	_ =	shalt  }
0x51: {  	_ =	shalt  }
0x52: {  	_ =	shalt  }
0x53: {  	_ =	shalt  }
0x54: {  	_ =	shalt  }
0x55: {  	_ =	shalt  }
0x56: {  	_ =	shalt  }
0x57: {  	_ =	shalt  }
0x58: {  	_ =	shalt  }
0x59: {  	_ =	shalt  }
0x5a: {  	_ =	shalt  }
0x5b: {  	_ =	shalt  }
0x5c: {  	_ =	shalt  }
0x5d: {  	_ =	shalt  }
0x5e: {  	_ =	shalt  }
0x5f: {  	_ =	shalt  }
0x60: {  	_ =	shalt  }
0x61: {  	_ =	shalt  }
0x62: {  	_ =	shalt  }
0x63: {  	_ =	shalt  }
0x64: {  	_ =	shalt  }
0x65: {  	_ =	shalt  }
0x66: {  	_ =	shalt  }
0x67: {  	_ =	shalt  }
0x68: {  	_ =	shalt  }
0x69: {  	_ =	shalt  }
0x6a: {  	_ =	shalt  }
0x6b: {  	_ =	shalt  }
0x6c: {  	_ =	shalt  }
0x6d: {  	_ =	shalt  }
0x6e: {  	_ =	shalt  }
0x6f: {  	_ =	shalt  }
0x70: {  	_ =	shalt  }
0x71: {  	_ =	shalt  }
0x72: {  	_ =	shalt  }
0x73: {  	_ =	shalt  }
0x74: {  	_ =	shalt  }
0x75: {  	_ =	shalt  }
0x76: {  	_ =	shalt  }
0x77: {  	_ =	shalt  }
0x78: {  	_ =	shalt  }
0x79: {  	_ =	shalt  }
0x7a: {  	_ =	shalt  }
0x7b: {  	_ =	shalt  }
0x7c: {  	_ =	shalt  }
0x7d: {  	_ =	shalt  }
0x7e: {  	_ =	shalt  }
0x7f: {  	_ =	shalt  }
0x80: {  	_ =	shalt  }
0x81: {  	_ =	shalt  }
0x82: {  	_ =	shalt  }
0x83: {  	_ =	shalt  }
0x84: {  	_ =	shalt  }
0x85: {  	_ =	shalt  }
0x86: {  	_ =	shalt  }
0x87: {  	_ =	shalt  }
.Lfunc_end0:
.L_simem_size_0:
called_computation_lowered:
.L_overlay_start_0:
0x88: {  	s2 =	sld [smem:$0x3FD9]  }
0x89: {  	s3 =	sld [smem:$0x3FFE];
	_ =	sdelay $0x1  }
0x8a: {  	s1 =	srdreg.scid  }
0x8b: {  	s0 =	sand.u32 $0x1, s1  }
0x8c: {  	s16 =	sshll.u32 s0, $0xA;
	s2 =	sadd.s32 s3, s2  }
0x8d: {  	s2 =	sadd.s32 s2, s16  }
0x8e: {  	[smem:$0x3FBA] =	sst s2  }
0x8f: {  	_ = 	snop  }
0x90: {  	(tm) =	ssettm $0x1  }
0x91: {  	s17 =	sld [smem:$0x3FFB];
	_ =	sdelay $0x3  }
0x92: {  	_ =	strace s17  }
0x93: {  	s2 =	sld [smem:$0x3FFC];
	_ =	sdelay $0x3  }
0x94: {  	_ =	strace s2  }
0x95: {  	s2 =	sld [smem:$0x3FFD];
	_ =	sdelay $0x3  }
0x96: {  	_ =	strace s2  }
0x97: {  	_ =	strace $0x8FFFFFFF  }
0x98: {  	s18 =	sld [smem:$0x3FDB];
	_ =	sdelay $0x1  }
0x99: {  	s19 =	simm.s32 $_scs_section_size  }
0x9a: {  	s4 =	simm.s32 $_size__tile_overlayer_lowered;
	s5 =	simm.s32 $_tile_overlayer_lowered  }
0x9b: {  	s22 =	simm.s32 $0x1BFF;
	s21 =	sshll.u32 s5, $0x1;
	s2 =	sadd.s32 s19, s18  }
0x9c: {  	s6 =	simm.s32 $0x0;
	s20 =	sshll.u32 s4, $0x1;
	s4 =	sadd.s32 s21, s2  }
0x9d: {  	[timem:s6], [sflag:s22] =	dma.local [hbm:s4], s20  }
0x9e: {  	_ =	swait.ge [sflag:s22], s20  }
0x9f: {  	s3 =	ssub.s32 $0x0, s20;
	[sflag:s22] =	ssyncset.done $0x0  }
0xa0: {  	[sflag:s22] =	ssyncadd.s32 s3;
	_ =	sdelay $0x1  }
0xa1: {  	s23 =	simm.s32 $0x1B8B  }
0xa2: {  	_ =	swait.ge [sflag:s23], $0x1  }
0xa3: {  	[sflag:s23] =	ssyncset.done $0x0  }
0xa4: {  	s25 =	simm.s32 $0x1B8E;
	s24 =	sld [smem:$0x3FFE];
	[sflag:s23] =	ssyncadd.s32 $0xFFFFFFFF  }
0xa5: {  	s26 =	simm.s32 $execute0_lowered;
	[smem:$0x3FD2] =	sst s25  }
0xa6: {  	s4 =	sshll.u32 s26, $0x1;
	_ =	strace $0x80000046;
	[dreg:$0x1] =	wrdreg $0xFFFFFFFF  }
0xa7: {  	s28 =	simm.s32 $_size_execute0_lowered;
	s2 =	sadd.s32 s2, s4;
	[dreg:$0x0] =	wrdreg $0x0  }
0xa8: {  	s4 =	sshll.u32 s28, $0x1;
	[dreg:$0x2] =	wrdreg s2  }
0xa9: {  	[dreg:$0x3] =	wrdreg s4  }
0xaa: {  	[dreg:$0x4] =	wrdreg $0xC0  }
0xab: {  	_ =	task [dreg:s6], $0x5FFFF  }
0xac: {  	[dreg:$0x1] =	wrdreg $0xFFFFFFFF  }
0xad: {  	[dreg:$0x0] =	wrdreg $0x60  }
0xae: {  	[dreg:$0x2] =	wrdreg s24  }
0xaf: {  	[dreg:$0x3] =	wrdreg $0x50000  }
0xb0: {  	[dreg:$0x4] =	wrdreg $0x9  }
0xb1: {  	_ =	task.clear_ibuf [dreg:s6], $0x5FFFF;
	_ =	strace $0x90000046  }
0xb2: {  	s29 =	simm.s32 $0x9;
	_ =	strace $0x80000048  }
0xb3: {  	_ =	swait.ge [sflag:s29], $0x1  }
0xb4: {  	[sflag:s29] =	ssyncadd.s32 $0xFFFFFFFF  }
0xb5: {  	_ =	strace $0x90000048  }
0xb6: {  	_ =	sfence  }
0xb7: {  	s30 =	sld [smem:$0x0];
	_ =	sdelay $0x2  }
0xb8: {  	s31 =	sshll.u32 s1, $0xD;
	s1 =	sshrl.u32 s1, $0x2  }
0xb9: {  	s3 =	sand.u32 $0x4000, s31;
	s1 =	sadd.s32 s1, s30  }
0xba: {  	s0 =	sor.u32 s3, s0;
	s1 =	sshll.u32 s1, $0x11  }
0xbb: {  	s0 =	sor.u32 s1, s0  }
0xbc: {  	s0 =	sadd.s32 $0x8F2B, s0  }
0xbd: {  	[sflag:s0] =	ssyncadd.remote.s32 $0x1  }
0xbe: {  	_ =	sfence.sel $0xFFFF  }
0xbf: {  	[dreg:$0x0] =	wrdreg $0xFFFFFFFF;
	(pc) =	sbr.abs _section_cstart, $3  }
0xc0: {  	[dreg:$0x1] =	wrdreg $0xFFFFFFFF  }
0xc1: {  	_ =	task.clear_ibuf [dreg:s6], $0x2FFFF;
	_ =	strace $0x9FFFFFFF  }
0xc2: {  	(tm) =	ssettm $0x7FFFFFFF  }
0xc3: {  	_ =	shalt  }
tec
execute0_lowered:
.L_overlay_start_1:
0x0: {  	(tag) =	ssettag $0x1  }
0x1: {  	s7 =	rddreg [dreg:$0x0]  }
0x2: {  	s2 =	rddreg [dreg:$0x1]  }
0x3: {  	s0 =	rddreg [dreg:$0x2]  }
0x4: {  	s3 =	simm.s32 $0x0;
	s1 =	stileid.u32;
	s4 =	srdreg.scid  }
0x5: {  	s15 =	simm.s32 $0x80;
	s16 =	simm.s32 $0x1000;
	s17 =	simm.s32 $0x1  }
0x6: {  	[smem:$0x7FF] =	sst s3;
	s8 =	smul.u32 $0x14000, s1;
	s9 =	sand.u32 $0x1, s4  }
0x7: {  	s4 =	sadd.s32 $0xBA00, s7;
	s5 =	sadd.s32 $0x32C00, s7;
	s6 =	sadd.s32 $0x1A00, s7  }
0x8: {  	s13 =	smul.u32 $0x50000, s1;
	s29 =	sshll.u32 s1, $0x1;
	s31 =	sshll.u32 s1, $0x6  }
0x9: {  	_ =	strace $0x80000047;
	s10 =	smul.u32 $0x140000, s9;
	s28 =	ssub.s32 $0x2, s9  }
0xa: {  	s9 =	sor.u32 s9, s29;
	s11 =	sshrl.u32 s8, $0x3;
	s12 =	sshrl.u32 s28, $0x1  }
0xb: {  	s30 =	sshrl.u32 s13, $0x2;
	s9 =	smul.u32 $0x2800, s9;
	s8 =	sadd.s32 s8, s10  }
0xc: {  	s11 =	sadd.s32 s11, s7;
	s12 =	ssub.s32 s28, s12;
	s8 =	sshrl.u32 s8, $0x3  }
0xd: {  	s13 =	sadd.s32 s30, s2;
	s14 =	sadd.s32 s8, s7;
	s7 =	sadd.s32 $0x50C00, s11  }
0xe: {  	s8 =	sor.u32 $0x1C02, s31;
	s11 =	smax.u32 s12, $0x1;
	s12 =	sshrl.u32 s13, $0x3  }
0xf: {  	s13 =	simm.s32 $0x2;
	s10 =	sadd.s32 $0x78C00, s14;
	s14 =	simm.s32 $0x800  }
.LBB2_1:
0x10: {  	[spmem:s12], [sflag:s8] =	dma.local [hbm:s7], $0x2800  }
0x11: {  	_ =	swait.ge [sflag:s13], $0x2800  }
0x12: {  	[sflag:s13] =	ssyncset.done $0x0  }
0x13: {  	[sflag:s13] =	ssyncadd.s32 $0xFFFFD800  }
0x14: {  	s18 =	simm.s32 $0x0;
	[bflag:$0x0] =	sbarrier.arrive $0xFFFF  }
.LBB2_2:
0x15: {  	s19 =	sshll.u32 s18, $0xB  }
0x16: {  	s19 =	sadd.s32 s9, s19  }
0x17: {  	s19 =	sshrl.u32 s19, $0x3  }
0x18: {  	s21 =	simm.s32 $0x0;
	s20 =	sadd.s32 s5, s19  }
0x19: {  	[tilespmem:s21], [sflag:$0x2] =	stream.linear.gather [hbm4b:s20+s21], $0x800, $0x38;
	[tilespmem:$0x19000] =	vst v63  }
0x1a: {  	_ =	swait.ge [sflag:s13], $0x800  }
0x1b: {  	[sflag:s13] =	ssyncset.done $0x0  }
0x1c: {  	s19 =	sadd.s32 s6, s19;
	[sflag:s13] =	ssyncadd.s32 $0xFFFFF800  }
0x1d: {  	[tilespmem:s14], [sflag:$0x2] =	stream.linear.gather [hbm4b:s19+s21], $0x800, $0x38;
	[tilespmem:$0x19000] =	vst v63  }
0x1e: {  	_ =	swait.ge [sflag:s13], $0x800  }
0x1f: {  	[sflag:s13] =	ssyncset.done $0x0  }
0x20: {  	s30 =	simm.s32 $0x0;
	[sflag:s13] =	ssyncadd.s32 $0xFFFFF800  }
0x21: {  	[tilespmem:s16], [sflag:$0x1] =	stream.indirect.gather [hbm4b:s4+s15], $0x80, s30, s15, $0xb8;
	[tilespmem:$0x19000] =	vst v63  }
0x22: {  	_ =	swait.ge [sflag:s17], $0x4000  }
0x23: {  	[sflag:s17] =	ssyncset.done $0x0  }
0x24: {  	s31 =	simm.s32 $0x800;
	[sflag:s17] =	ssyncadd.s32 $0xFFFFC000  }
0x25: {  	[spmem:s2] =	stream.indirect.scatter.add.f32 [tilespmem:s16], [sflag:$0x2], $0x80, s31, s15, $0xb8;
	[tilespmem:$0x19000] =	vst v63  }
0x26: {  	_ =	swait.ge [sflag:s13], $0x4000  }
0x27: {  	s20 =	simm.s32 $0x400;
	s19 =	simm.s32 $0x200;
	[sflag:s13] =	ssyncset.done $0x0  }
.LBB2_3:
0x28: {  	s21 =	sshra.s32 s19, $0x2  }
0x29: {  	[sflag:s13] =	ssyncadd.s32 $0xFFFFC000;
	s19 =	smov.u32 s20;
	s22 =	sadd.s32 $0x200, s20  }
0x2a: {  	[tilespmem:s16], [sflag:$0x1] =	stream.indirect.gather [hbm4b:s4+s15], $0x80, s21, s15, $0xb8;
	[tilespmem:$0x19000] =	vst v63  }
0x2b: {  	p0 =	sne.s32 s20, $0x1E00;
	_ =	swait.ge [sflag:s17], $0x4000  }
.Ltmp0:
0x2c: {  	[sflag:s17] =	ssyncset.done $0x0;
	(pc) =	sbr.rel @p0 .LBB2_3-.Ltmp0, $4  }
0x2d: {  	s20 =	sadd.s32 $0x800, s21;
	[sflag:s17] =	ssyncadd.s32 $0xFFFFC000  }
0x2e: {  	[spmem:s2] =	stream.indirect.scatter.add.f32 [tilespmem:s16], [sflag:$0x2], $0x80, s20, s15, $0xb8;
	[tilespmem:$0x19000] =	vst v63  }
0x2f: {  	_ =	swait.ge [sflag:s13], $0x4000  }
0x30: {  	s20 =	smov.u32 s22;
	[sflag:s13] =	ssyncset.done $0x0  }
0x31: {  	s19 =	sshra.s32 s19, $0x2;
	[sflag:s13] =	ssyncadd.s32 $0xFFFFC000  }
0x32: {  	[tilespmem:s16], [sflag:$0x1] =	stream.indirect.gather [hbm4b:s4+s15], $0x80, s19, s15, $0xb8;
	[tilespmem:$0x19000] =	vst v63  }
0x33: {  	s18 =	sadd.s32 $0x1, s18;
	_ =	swait.ge [sflag:s17], $0x4000  }
0x34: {  	p0 =	sne.s32 s18, $0x5;
	[sflag:s17] =	ssyncset.done $0x0  }
.Ltmp1:
0x35: {  	s19 =	sadd.s32 $0x800, s19;
	[sflag:s17] =	ssyncadd.s32 $0xFFFFC000;
	(pc) =	sbr.rel @p0 .LBB2_2-.Ltmp1, $4  }
0x36: {  	[spmem:s2] =	stream.indirect.scatter.add.f32 [tilespmem:s16], [sflag:$0x2], $0x80, s19, s15, $0xb8;
	[tilespmem:$0x19000] =	vst v63  }
0x37: {  	_ =	swait.ge [sflag:s13], $0x4000  }
0x38: {  	[sflag:s13] =	ssyncset.done $0x0  }
0x39: {  	[sflag:s13] =	ssyncadd.s32 $0xFFFFC000  }
0x3a: {  	s3 =	sadd.s32 $0x1, s3  }
0x3b: {  	p0 =	sne.s32 s3, s11  }
.Ltmp2:
0x3c: {  	[bflag:$0x0] =	sbarrier.arrive $0xFFFF;
	(pc) =	sbr.rel @p0 .LBB2_1-.Ltmp2, $4  }
0x3d: {  	[hbm:s10], [sflag:s8] =	dma.local [spmem:s12], $0x2800  }
0x3e: {  	_ =	swait.ge [sflag:s13], $0x2800  }
0x3f: {  	[sflag:s13] =	ssyncset.done $0x0  }
0x40: {  	[sflag:s13] =	ssyncadd.s32 $0xFFFFD800  }
0x41: {  	_ =	sfence.sel $0x180000  }
0x42: {  	[bflag:$0x0] =	sbarrier.arrive $0xFFFF  }
0x43: {  	p0 =	sne.s32 s1, $0x0;
	_ =	strace $0x90000047  }
0x44: {  	s0 =	sadd.s32 @!p0 $0x100000, s0;
	[bflag:$0x2] =	sbarrier.arrive $0xFFFF  }
0x45: {  	[sflag:s0] =	ssyncadd.tile.s32 @!p0 $0x1;
	_ =	shalt  }
.Lfunc_end2:
_tile_overlayer_lowered:
.L_overlay_start_2:
0x46: {  	(tag) =	ssettag $0x2  }
0x47: {  	s0 =	rddreg [dreg:$0x0];
	s2 =	stileid.u32  }
0x48: {  	s1 =	rddreg [dreg:$0x1];
	p0 =	sne.s32 s2, $0x0  }
0x49: {  	s3 =	rddreg [dreg:$0x2];
	[bflag:$0x3] =	sbarrier.arrive $0xFFFF;
	s2 =	simm.s32 @!p0 $0x1C02  }
0x4a: {  	[timem:s3], [sflag:s2] =	dma.local @!p0 [hbm:s0], s1  }
0x4b: {  	s0 =	simm.s32 @!p0 $0x2  }
0x4c: {  	_ =	swait.ge @!p0 [sflag:s0], s1  }
0x4d: {  	s1 =	ssub.s32 @!p0 $0x0, s1;
	[sflag:s0] =	ssyncset.done @!p0 $0x0  }
0x4e: {  	[sflag:s0] =	ssyncadd.s32 @!p0 s1  }
0x4f: {  	[bflag:$0x3] =	sbarrier.arrive $0xFFFF  }
0x50: {  	_ =	shalt  }

</sc_bundles>
